<compile_context>
chip_gen: v7x
topology: tpu7x:2x2x1
jax: 0.10.2.dev20260603
libtpu: 0.0.44.dev20260713+nightly
codegen_flags: <defaults>
</compile_context>

<pallas_src>
import functools

import jax
import jax.numpy as jnp
from jax import lax
from jax.experimental import pallas as pl
from jax.experimental.pallas import tpu as pltpu
from jax.experimental.pallas import tpu_sc as plsc

N = 10000
D = 128
E = 320000
NC = 2
NS = 16
NW = NC * NS
EPW = E // NW
CH = 80
NCH = EPW // CH
NP = 10240
RPT = NP // NS
NWB = RPT // CH
NBUF = 4
NBI = 4

BN = 1000
GRID = N // BN


def _sc_mesh():
    return plsc.VectorSubcoreMesh(
        core_axis_name="c", subcore_axis_name="s",
        num_cores=NC, num_subcores=NS)


DW = 16


def _deg_partials(dst, ones16, zeros16):
    @functools.partial(
        pl.kernel,
        out_type=jax.ShapeDtypeStruct((NC * NP, DW), jnp.float32),
        mesh=_sc_mesh(),
        compiler_params=pltpu.CompilerParams(use_tc_tiling_on_sc=False),
        scratch_types=[
            pltpu.VMEM((NBI, CH), jnp.int32),
            pltpu.VMEM((CH, DW), jnp.float32),
            pltpu.VMEM((CH, DW), jnp.float32),
            pltpu.VMEM((CH, DW), jnp.float32),
            pltpu.VMEM_SHARED((NP, DW), jnp.float32),
            pltpu.SemaphoreType.DMA,
            pltpu.SemaphoreType.DMA,
            pltpu.SemaphoreType.DMA,
        ],
    )
    def k(dst_hbm, ones_hbm, zeros_hbm, out_hbm,
          idst, ones_v, wb0, wb1, acc, isem, ssem, wsem):
        c = lax.axis_index("c")
        s = lax.axis_index("s")
        wid = c * NS + s
        wbs = [wb0, wb1]

        def zslice(t):
            return acc.at[pl.ds(s * RPT + t * CH, CH)]

        def oslice(t):
            return out_hbm.at[pl.ds(c * NP + s * RPT + t * CH, CH)]

        def idx_issue(j):
            base = pl.multiple_of(wid * EPW + j * CH, 8)
            pltpu.async_copy(dst_hbm.at[pl.ds(base, CH)],
                             idst.at[lax.rem(j, NBI)], isem)

        def idx_wait(j):
            base = pl.multiple_of(wid * EPW + j * CH, 8)
            pltpu.make_async_copy(dst_hbm.at[pl.ds(base, CH)],
                                  idst.at[lax.rem(j, NBI)], isem).wait()

        def sc_wait():
            pltpu.make_async_copy(ones_v, acc.at[pl.ds(0, CH)], ssem).wait()

        pltpu.sync_copy(ones_hbm, ones_v)
        pltpu.sync_copy(zeros_hbm, wb0)
        pltpu.sync_copy(zeros_hbm, wb1)
        for t in range(NWB):
            pltpu.async_copy(wbs[t % 2], zslice(t), wsem)
        idx_issue(0)
        idx_issue(1)
        for t in range(NWB):
            pltpu.make_async_copy(wbs[t % 2], zslice(t), wsem).wait()
        plsc.subcore_barrier()

        def body(j, carry):
            @pl.when(j >= 2)
            def _():
                sc_wait()

            @pl.when(j + 2 < NCH)
            def _():
                idx_issue(j + 2)

            idx_wait(j)
            pltpu.async_copy(ones_v, acc.at[idst.at[lax.rem(j, NBI)]],
                             ssem, add=True)
            return carry

        lax.fori_loop(0, NCH, body, 0)
        sc_wait()
        sc_wait()
        plsc.subcore_barrier()
        for t in range(NWB):
            wb = wbs[t % 2]
            if t >= 2:
                pltpu.make_async_copy(wb, oslice(t - 2), wsem).wait()
            pltpu.sync_copy(zslice(t), wb)
            pltpu.async_copy(wb, oslice(t), wsem)
        for t in range(NWB - 2, NWB):
            pltpu.make_async_copy(wbs[t % 2], oslice(t), wsem).wait()

    return k(dst, ones16, zeros16)


def _agg_partials(g, src, dst, zeros80):
    @functools.partial(
        pl.kernel,
        out_type=jax.ShapeDtypeStruct((NC, NP, D), jnp.float32),
        mesh=_sc_mesh(),
        scratch_types=[
            pltpu.VMEM((NBI, CH), jnp.int32),
            pltpu.VMEM((NBI, CH), jnp.int32),
            pltpu.VMEM((NBUF, CH, D), jnp.float32),
            pltpu.VMEM_SHARED((NP, D), jnp.float32),
            pltpu.SemaphoreType.DMA,
            pltpu.SemaphoreType.DMA,
            pltpu.SemaphoreType.DMA,
            pltpu.SemaphoreType.DMA,
        ],
    )
    def k(g_hbm, src_hbm, dst_hbm, zeros_hbm, out_hbm,
          isrc, idst, rows, acc, isem, gsem, ssem, wsem):
        c = lax.axis_index("c")
        s = lax.axis_index("s")
        wid = c * NS + s

        def zslice(t):
            return acc.at[pl.ds(s * RPT + t * CH, CH)]

        def oslice(t):
            return out_hbm.at[c, pl.ds(s * RPT + t * CH, CH)]

        def idx_issue(j):
            base = pl.multiple_of(wid * EPW + j * CH, 8)
            jm = lax.rem(j, NBI)
            pltpu.async_copy(src_hbm.at[pl.ds(base, CH)], isrc.at[jm], isem)
            pltpu.async_copy(dst_hbm.at[pl.ds(base, CH)], idst.at[jm], isem)

        def idx_wait(j):
            base = pl.multiple_of(wid * EPW + j * CH, 8)
            jm = lax.rem(j, NBI)
            pltpu.make_async_copy(src_hbm.at[pl.ds(base, CH)], isrc.at[jm],
                                  isem).wait()
            pltpu.make_async_copy(dst_hbm.at[pl.ds(base, CH)], idst.at[jm],
                                  isem).wait()

        def g_issue(j):
            pltpu.async_copy(g_hbm.at[isrc.at[lax.rem(j, NBI)]],
                             rows.at[lax.rem(j, NBUF)], gsem)

        def g_wait(j):
            pltpu.make_async_copy(g_hbm.at[isrc.at[lax.rem(j, NBI)]],
                                  rows.at[lax.rem(j, NBUF)], gsem).wait()

        def sc_wait():
            pltpu.make_async_copy(rows.at[0], acc.at[pl.ds(0, CH)],
                                  ssem).wait()

        pltpu.sync_copy(zeros_hbm, rows.at[2])
        pltpu.sync_copy(zeros_hbm, rows.at[3])
        for t in range(NWB):
            pltpu.async_copy(rows.at[2 + t % 2], zslice(t), wsem)
        idx_issue(0)
        idx_issue(1)
        idx_wait(0)
        g_issue(0)
        for t in range(NWB):
            pltpu.make_async_copy(rows.at[2 + t % 2], zslice(t), wsem).wait()
        plsc.subcore_barrier()

        def body(j, carry):
            @pl.when(j >= 2)
            def _():
                sc_wait()

            @pl.when(j + 2 < NCH)
            def _():
                idx_issue(j + 2)

            @pl.when(j + 1 < NCH)
            def _():
                idx_wait(j + 1)
                g_issue(j + 1)

            g_wait(j)
            pltpu.async_copy(rows.at[lax.rem(j, NBUF)],
                             acc.at[idst.at[lax.rem(j, NBI)]], ssem, add=True)
            return carry

        lax.fori_loop(0, NCH, body, 0)
        sc_wait()
        sc_wait()
        plsc.subcore_barrier()
        for t in range(NWB):
            wb = rows.at[t % NBUF]
            if t >= NBUF:
                pltpu.make_async_copy(wb, oslice(t - NBUF), wsem).wait()
            pltpu.sync_copy(zslice(t), wb)
            pltpu.async_copy(wb, oslice(t), wsem)
        for t in range(NWB - NBUF, NWB):
            pltpu.make_async_copy(rows.at[t % NBUF], oslice(t), wsem).wait()

    return k(g, src, dst, zeros80)


def _tc_layer1_pre(x, W1, p):
    def body(x_ref, w_ref, p_ref, g_ref, dinv_ref):
        deg = p_ref[0, :, 0:8] + p_ref[1, :, 0:8] + 1.0
        dinv = lax.rsqrt(deg)
        dinv_ref[...] = dinv
        h = jnp.dot(x_ref[...], w_ref[...], preferred_element_type=jnp.float32)
        g_ref[...] = h * dinv[:, 0:1]

    return pl.pallas_call(
        body,
        grid=(GRID,),
        in_specs=[
            pl.BlockSpec((BN, D), lambda i: (i, 0)),
            pl.BlockSpec((D, D), lambda i: (0, 0)),
            pl.BlockSpec((2, BN, DW), lambda i: (0, i, 0)),
        ],
        out_specs=[
            pl.BlockSpec((BN, D), lambda i: (i, 0)),
            pl.BlockSpec((BN, 8), lambda i: (i, 0)),
        ],
        out_shape=[
            jax.ShapeDtypeStruct((N, D), jnp.float32),
            jax.ShapeDtypeStruct((N, 8), jnp.float32),
        ],
    )(x, W1, p)


def _tc_layer1_post(a, g1, dinv, b1r, W2):
    def body(a_ref, g1_ref, dinv_ref, b_ref, w_ref, h1a_ref, g2_ref):
        dv = dinv_ref[...][:, 0:1]
        h1 = (a_ref[0] + a_ref[1] + g1_ref[...]) * dv + b_ref[...]
        h1a = jnp.maximum(h1, 0.0)
        h1a_ref[...] = h1a
        g2_ref[...] = jnp.dot(
            h1a, w_ref[...], preferred_element_type=jnp.float32) * dv

    return pl.pallas_call(
        body,
        grid=(GRID,),
        in_specs=[
            pl.BlockSpec((2, BN, D), lambda i: (0, i, 0)),
            pl.BlockSpec((BN, D), lambda i: (i, 0)),
            pl.BlockSpec((BN, 8), lambda i: (i, 0)),
            pl.BlockSpec((1, D), lambda i: (0, 0)),
            pl.BlockSpec((D, D), lambda i: (0, 0)),
        ],
        out_specs=[
            pl.BlockSpec((BN, D), lambda i: (i, 0)),
            pl.BlockSpec((BN, D), lambda i: (i, 0)),
        ],
        out_shape=[
            jax.ShapeDtypeStruct((N, D), jnp.float32),
            jax.ShapeDtypeStruct((N, D), jnp.float32),
        ],
    )(a, g1, dinv, b1r, W2)


def _tc_layer2_post(a, g2, dinv, b2r):
    def body(a_ref, g2_ref, dinv_ref, b_ref, h2_ref):
        dv = dinv_ref[...][:, 0:1]
        h2_ref[...] = (a_ref[0] + a_ref[1] + g2_ref[...]) * dv + b_ref[...]

    return pl.pallas_call(
        body,
        grid=(GRID,),
        in_specs=[
            pl.BlockSpec((2, BN, D), lambda i: (0, i, 0)),
            pl.BlockSpec((BN, D), lambda i: (i, 0)),
            pl.BlockSpec((BN, 8), lambda i: (i, 0)),
            pl.BlockSpec((1, D), lambda i: (0, 0)),
        ],
        out_specs=pl.BlockSpec((BN, D), lambda i: (i, 0)),
        out_shape=jax.ShapeDtypeStruct((N, D), jnp.float32),
    )(a, g2, dinv, b2r)


def kernel(x, edge_index, W1, b1, W2, b2):
    src = edge_index[0]
    dst = edge_index[1]
    ones16 = jnp.ones((CH, DW), jnp.float32)
    zeros16 = jnp.zeros((CH, DW), jnp.float32)
    zeros80 = jnp.zeros((CH, D), jnp.float32)
    b1r = b1.reshape(1, D)
    b2r = b2.reshape(1, D)

    degp = _deg_partials(dst, ones16, zeros16).reshape(NC, NP, DW)
    g1, dinv = _tc_layer1_pre(x, W1, degp)
    aggp1 = _agg_partials(g1, src, dst, zeros80)
    h1a, g2 = _tc_layer1_post(aggp1, g1, dinv, b1r, W2)
    aggp2 = _agg_partials(g2, src, dst, zeros80)
    h2 = _tc_layer2_post(aggp2, g2, dinv, b2r)
    return (h1a, h2)

# --- scband reference (transcript-rebuilt; emitter-appended) ---
"""Pipeline reference for scband-gcn-63161789055511 (READ-ONLY COPY).

The authoritative reference and input builder live on the scoring server;
editing this copy changes nothing except your own understanding.
"""

import jax, jax.numpy as jnp
import numpy as np

N = 10000
E = 320000
D_IN = 128
D_H = 128
D_OUT = 128


def setup_inputs(seed: int = 0) -> dict:
    key = jax.random.key(seed)
    k1, k2, k3, k4 = jax.random.split(key, 4)
    x = jax.random.normal(k1, (N, D_IN), dtype=jnp.float32)
    edge_index = jax.random.randint(k2, (2, E), 0, N, dtype=jnp.int32)
    # Glorot-style init for GCNConv weights, zero bias (PyG default)
    W1 = jax.random.normal(k3, (D_IN, D_H), dtype=jnp.float32) * (1.0 / np.sqrt(D_IN))
    b1 = jnp.zeros((D_H,), dtype=jnp.float32)
    W2 = jax.random.normal(k4, (D_H, D_OUT), dtype=jnp.float32) * (1.0 / np.sqrt(D_H))
    b2 = jnp.zeros((D_OUT,), dtype=jnp.float32)
    return {"x": x, "edge_index": edge_index, "W1": W1, "b1": b1, "W2": W2, "b2": b2}


def reference(x, edge_index, W1, b1, W2, b2):
    n = x.shape[0]
    # GCNConv: add self-loops, symmetric normalization D^-1/2 A D^-1/2
    loop = jnp.arange(n, dtype=edge_index.dtype)
    src = jnp.concatenate([edge_index[0], loop])
    dst = jnp.concatenate([edge_index[1], loop])
    deg = jnp.zeros((n,), dtype=x.dtype).at[dst].add(1.0)
    dinv = jnp.where(deg > 0, jax.lax.rsqrt(deg), 0.0)
    norm = dinv[src] * dinv[dst]

    def conv(h, W, b):
        h = h @ W
        msg = h[src] * norm[:, None]
        out = jnp.zeros((n, W.shape[1]), dtype=h.dtype).at[dst].add(msg)
        return out + b

    h1 = conv(x, W1, b1)
    h1a = jax.nn.relu(h1)  # activation; dropout_ratio=0.0 -> identity
    h2 = conv(h1a, W2, b2)
    # forward returns (h_list[-1], h) = (post-activation hidden, final output)
    return (h1a, h2)

if __name__ == "__main__":
    import jax
    _d = setup_inputs()
    print(jax.jit(kernel)(*tuple(_d.values())))

</pallas_src>

<mosaic_0001>
#map = affine_map<(d0, d1) -> (0, 0)>
#map1 = affine_map<(d0, d1) -> (0)>
#map2 = affine_map<(d0, d1) -> (0, 0, 0)>
module attributes {stable_mosaic.version = 14 : i64} {
  func.func @k(%arg0: i32, %arg1: i32, %arg2: memref<10000x128xf32, #tpu.memory_space<hbm>>, %arg3: memref<320000xi32, #tpu.memory_space<hbm>>, %arg4: memref<320000xi32, #tpu.memory_space<hbm>>, %arg5: memref<80x128xf32, #tpu.memory_space<hbm>>, %arg6: memref<2x10240x128xf32, #tpu.memory_space<hbm>>, %arg7: memref<4x80xi32, #tpu.memory_space<vmem>>, %arg8: memref<4x80xi32, #tpu.memory_space<vmem>>, %arg9: memref<4x80x128xf32, #tpu.memory_space<vmem>>, %arg10: memref<10240x128xf32, #tpu.memory_space<vmem_shared>>, %arg11: memref<!tpu.dma_semaphore, #tpu.memory_space<semaphore_mem>>, %arg12: memref<!tpu.dma_semaphore, #tpu.memory_space<semaphore_mem>>, %arg13: memref<!tpu.dma_semaphore, #tpu.memory_space<semaphore_mem>>, %arg14: memref<!tpu.dma_semaphore, #tpu.memory_space<semaphore_mem>>) attributes {dimension_semantics = [#tpu.dimension_semantics<core_parallel>, #tpu.dimension_semantics<subcore_parallel>], iteration_bounds = array<i64: 2, 16>, scalar_prefetch = 0 : i64, scratch_operands = 8 : i64, tpu.core_type = #tpu.core_type<sc_vector_subcore>, window_params = [{transform_indices = #map}, {transform_indices = #map1}, {transform_indices = #map1}, {transform_indices = #map}, {transform_indices = #map2}]} {
    %mul3A = arith.constant 16 : i32
    %mul3A_0 = arith.muli %arg0, %mul3A : i32
    %add3A = arith.addi %mul3A_0, %arg1 : i32
    %run_scoped3A = arith.constant 2 : i32
    "tpu.region"() ({
      %run_scoped3A_738 = tpu.sem_alloc : memref<!tpu.dma_semaphore, #tpu.memory_space<semaphore_mem>>
      %dma_start3A_739 = arith.constant 0 : i32
      %dma_start3A_740 = arith.constant 0 : i32
      %dma_start3A_741 = tpu.memref_slice %arg9[%run_scoped3A, %dma_start3A_739, %dma_start3A_740] : memref<4x80x128xf32, #tpu.memory_space<vmem>> -> memref<1x80x128xf32, #tpu.memory_space<vmem>>
      %dma_start3A_742 = tpu.memref_squeeze %dma_start3A_741 : memref<1x80x128xf32, #tpu.memory_space<vmem>> -> memref<80x128xf32, #tpu.memory_space<vmem>>
      %dma_start3A_743 = arith.constant 0 : i32
      %dma_start3A_744 = arith.constant 0 : i32
      %dma_start3A_745 = tpu.memref_slice %arg9[%run_scoped3A, %dma_start3A_743, %dma_start3A_744] : memref<4x80x128xf32, #tpu.memory_space<vmem>> -> memref<1x80x128xf32, #tpu.memory_space<vmem>>
      %dma_start3A_746 = tpu.memref_squeeze %dma_start3A_745 : memref<1x80x128xf32, #tpu.memory_space<vmem>> -> memref<80x128xf32, #tpu.memory_space<vmem>>
      tpu.enqueue_dma source(%arg5 : memref<80x128xf32, #tpu.memory_space<hbm>>) target(%dma_start3A_746 : memref<80x128xf32, #tpu.memory_space<vmem>>) target_semaphore(%run_scoped3A_738 : memref<!tpu.dma_semaphore, #tpu.memory_space<semaphore_mem>>)
      %dma_wait3A_747 = arith.constant 0 : i32
      %dma_wait3A_748 = arith.constant 0 : i32
      %dma_wait3A_749 = tpu.memref_slice %arg9[%run_scoped3A, %dma_wait3A_747, %dma_wait3A_748] : memref<4x80x128xf32, #tpu.memory_space<vmem>> -> memref<1x80x128xf32, #tpu.memory_space<vmem>>
      %dma_wait3A_750 = tpu.memref_squeeze %dma_wait3A_749 : memref<1x80x128xf32, #tpu.memory_space<vmem>> -> memref<80x128xf32, #tpu.memory_space<vmem>>
      %dma_wait3A_751 = arith.constant 0 : i32
      %dma_wait3A_752 = arith.constant 0 : i32
      %dma_wait3A_753 = tpu.memref_slice %arg9[%run_scoped3A, %dma_wait3A_751, %dma_wait3A_752] : memref<4x80x128xf32, #tpu.memory_space<vmem>> -> memref<1x80x128xf32, #tpu.memory_space<vmem>>
      %dma_wait3A_754 = tpu.memref_squeeze %dma_wait3A_753 : memref<1x80x128xf32, #tpu.memory_space<vmem>> -> memref<80x128xf32, #tpu.memory_space<vmem>>
      tpu.wait_dma2 semaphore(%run_scoped3A_738 : memref<!tpu.dma_semaphore, #tpu.memory_space<semaphore_mem>>) src(%arg5 : memref<80x128xf32, #tpu.memory_space<hbm>>) dst(%dma_wait3A_754 : memref<80x128xf32, #tpu.memory_space<vmem>>)
      tpu.yield
    }) : () -> ()
    %run_scoped3A_1 = arith.constant 3 : i32
    "tpu.region"() ({
      %run_scoped3A_738 = tpu.sem_alloc : memref<!tpu.dma_semaphore, #tpu.memory_space<semaphore_mem>>
      %dma_start3A_739 = arith.constant 0 : i32
      %dma_start3A_740 = arith.constant 0 : i32
      %dma_start3A_741 = tpu.memref_slice %arg9[%run_scoped3A_1, %dma_start3A_739, %dma_start3A_740] : memref<4x80x128xf32, #tpu.memory_space<vmem>> -> memref<1x80x128xf32, #tpu.memory_space<vmem>>
      %dma_start3A_742 = tpu.memref_squeeze %dma_start3A_741 : memref<1x80x128xf32, #tpu.memory_space<vmem>> -> memref<80x128xf32, #tpu.memory_space<vmem>>
      %dma_start3A_743 = arith.constant 0 : i32
      %dma_start3A_744 = arith.constant 0 : i32
      %dma_start3A_745 = tpu.memref_slice %arg9[%run_scoped3A_1, %dma_start3A_743, %dma_start3A_744] : memref<4x80x128xf32, #tpu.memory_space<vmem>> -> memref<1x80x128xf32, #tpu.memory_space<vmem>>
      %dma_start3A_746 = tpu.memref_squeeze %dma_start3A_745 : memref<1x80x128xf32, #tpu.memory_space<vmem>> -> memref<80x128xf32, #tpu.memory_space<vmem>>
      tpu.enqueue_dma source(%arg5 : memref<80x128xf32, #tpu.memory_space<hbm>>) target(%dma_start3A_746 : memref<80x128xf32, #tpu.memory_space<vmem>>) target_semaphore(%run_scoped3A_738 : memref<!tpu.dma_semaphore, #tpu.memory_space<semaphore_mem>>)
      %dma_wait3A_747 = arith.constant 0 : i32
      %dma_wait3A_748 = arith.constant 0 : i32
      %dma_wait3A_749 = tpu.memref_slice %arg9[%run_scoped3A_1, %dma_wait3A_747, %dma_wait3A_748] : memref<4x80x128xf32, #tpu.memory_space<vmem>> -> memref<1x80x128xf32, #tpu.memory_space<vmem>>
      %dma_wait3A_750 = tpu.memref_squeeze %dma_wait3A_749 : memref<1x80x128xf32, #tpu.memory_space<vmem>> -> memref<80x128xf32, #tpu.memory_space<vmem>>
      %dma_wait3A_751 = arith.constant 0 : i32
      %dma_wait3A_752 = arith.constant 0 : i32
      %dma_wait3A_753 = tpu.memref_slice %arg9[%run_scoped3A_1, %dma_wait3A_751, %dma_wait3A_752] : memref<4x80x128xf32, #tpu.memory_space<vmem>> -> memref<1x80x128xf32, #tpu.memory_space<vmem>>
      %dma_wait3A_754 = tpu.memref_squeeze %dma_wait3A_753 : memref<1x80x128xf32, #tpu.memory_space<vmem>> -> memref<80x128xf32, #tpu.memory_space<vmem>>
      tpu.wait_dma2 semaphore(%run_scoped3A_738 : memref<!tpu.dma_semaphore, #tpu.memory_space<semaphore_mem>>) src(%arg5 : memref<80x128xf32, #tpu.memory_space<hbm>>) dst(%dma_wait3A_754 : memref<80x128xf32, #tpu.memory_space<vmem>>)
      tpu.yield
    }) : () -> ()
    %mul3A_2 = arith.constant 640 : i32
    %mul3A_3 = arith.muli %arg1, %mul3A_2 : i32
    %add3A_4 = arith.constant 0 : i32
    %add3A_5 = arith.addi %mul3A_3, %add3A_4 : i32
    %dma_start3A = arith.constant 2 : i32
    %dma_start3A_6 = arith.constant 0 : i32
    %dma_start3A_7 = arith.constant 0 : i32
    %dma_start3A_8 = tpu.memref_slice %arg9[%dma_start3A, %dma_start3A_6, %dma_start3A_7] : memref<4x80x128xf32, #tpu.memory_space<vmem>> -> memref<1x80x128xf32, #tpu.memory_space<vmem>>
    %dma_start3A_9 = tpu.memref_squeeze %dma_start3A_8 : memref<1x80x128xf32, #tpu.memory_space<vmem>> -> memref<80x128xf32, #tpu.memory_space<vmem>>
    %dma_start3A_10 = arith.constant 0 : i32
    %dma_start3A_11 = tpu.memref_slice %arg10[%add3A_5, %dma_start3A_10] : memref<10240x128xf32, #tpu.memory_space<vmem_shared>> -> memref<80x128xf32, #tpu.memory_space<vmem_shared>>
    %dma_start3A_12 = arith.constant 0 : i32
    %dma_start3A_13 = tpu.memref_slice %arg10[%add3A_5, %dma_start3A_12] : memref<10240x128xf32, #tpu.memory_space<vmem_shared>> -> memref<80x128xf32, #tpu.memory_space<vmem_shared>>
    %dma_start3A_14 = arith.constant 0 : i32
    %dma_start3A_15 = arith.constant 0 : i32
    %dma_start3A_16 = tpu.memref_slice %arg9[%dma_start3A, %dma_start3A_14, %dma_start3A_15] : memref<4x80x128xf32, #tpu.memory_space<vmem>> -> memref<1x80x128xf32, #tpu.memory_space<vmem>>
    %dma_start3A_17 = tpu.memref_squeeze %dma_start3A_16 : memref<1x80x128xf32, #tpu.memory_space<vmem>> -> memref<80x128xf32, #tpu.memory_space<vmem>>
    tpu.enqueue_dma source(%dma_start3A_17 : memref<80x128xf32, #tpu.memory_space<vmem>>) target(%dma_start3A_13 : memref<80x128xf32, #tpu.memory_space<vmem_shared>>) target_semaphore(%arg14 : memref<!tpu.dma_semaphore, #tpu.memory_space<semaphore_mem>>)
    %mul3A_18 = arith.constant 640 : i32
    %mul3A_19 = arith.muli %arg1, %mul3A_18 : i32
    %add3A_20 = arith.constant 80 : i32
    %add3A_21 = arith.addi %mul3A_19, %add3A_20 : i32
    %dma_start3A_22 = arith.constant 3 : i32
    %dma_start3A_23 = arith.constant 0 : i32
    %dma_start3A_24 = arith.constant 0 : i32
    %dma_start3A_25 = tpu.memref_slice %arg9[%dma_start3A_22, %dma_start3A_23, %dma_start3A_24] : memref<4x80x128xf32, #tpu.memory_space<vmem>> -> memref<1x80x128xf32, #tpu.memory_space<vmem>>
    %dma_start3A_26 = tpu.memref_squeeze %dma_start3A_25 : memref<1x80x128xf32, #tpu.memory_space<vmem>> -> memref<80x128xf32, #tpu.memory_space<vmem>>
    %dma_start3A_27 = arith.constant 0 : i32
    %dma_start3A_28 = tpu.memref_slice %arg10[%add3A_21, %dma_start3A_27] : memref<10240x128xf32, #tpu.memory_space<vmem_shared>> -> memref<80x128xf32, #tpu.memory_space<vmem_shared>>
    %dma_start3A_29 = arith.constant 0 : i32
    %dma_start3A_30 = tpu.memref_slice %arg10[%add3A_21, %dma_start3A_29] : memref<10240x128xf32, #tpu.memory_space<vmem_shared>> -> memref<80x128xf32, #tpu.memory_space<vmem_shared>>
    %dma_start3A_31 = arith.constant 0 : i32
    %dma_start3A_32 = arith.constant 0 : i32
    %dma_start3A_33 = tpu.memref_slice %arg9[%dma_start3A_22, %dma_start3A_31, %dma_start3A_32] : memref<4x80x128xf32, #tpu.memory_space<vmem>> -> memref<1x80x128xf32, #tpu.memory_space<vmem>>
    %dma_start3A_34 = tpu.memref_squeeze %dma_start3A_33 : memref<1x80x128xf32, #tpu.memory_space<vmem>> -> memref<80x128xf32, #tpu.memory_space<vmem>>
    tpu.enqueue_dma source(%dma_start3A_34 : memref<80x128xf32, #tpu.memory_space<vmem>>) target(%dma_start3A_30 : memref<80x128xf32, #tpu.memory_space<vmem_shared>>) target_semaphore(%arg14 : memref<!tpu.dma_semaphore, #tpu.memory_space<semaphore_mem>>)
    %mul3A_35 = arith.constant 640 : i32
    %mul3A_36 = arith.muli %arg1, %mul3A_35 : i32
    %add3A_37 = arith.constant 160 : i32
    %add3A_38 = arith.addi %mul3A_36, %add3A_37 : i32
    %dma_start3A_39 = arith.constant 2 : i32
    %dma_start3A_40 = arith.constant 0 : i32
    %dma_start3A_41 = arith.constant 0 : i32
    %dma_start3A_42 = tpu.memref_slice %arg9[%dma_start3A_39, %dma_start3A_40, %dma_start3A_41] : memref<4x80x128xf32, #tpu.memory_space<vmem>> -> memref<1x80x128xf32, #tpu.memory_space<vmem>>
    %dma_start3A_43 = tpu.memref_squeeze %dma_start3A_42 : memref<1x80x128xf32, #tpu.memory_space<vmem>> -> memref<80x128xf32, #tpu.memory_space<vmem>>
    %dma_start3A_44 = arith.constant 0 : i32
    %dma_start3A_45 = tpu.memref_slice %arg10[%add3A_38, %dma_start3A_44] : memref<10240x128xf32, #tpu.memory_space<vmem_shared>> -> memref<80x128xf32, #tpu.memory_space<vmem_shared>>
    %dma_start3A_46 = arith.constant 0 : i32
    %dma_start3A_47 = tpu.memref_slice %arg10[%add3A_38, %dma_start3A_46] : memref<10240x128xf32, #tpu.memory_space<vmem_shared>> -> memref<80x128xf32, #tpu.memory_space<vmem_shared>>
    %dma_start3A_48 = arith.constant 0 : i32
    %dma_start3A_49 = arith.constant 0 : i32
    %dma_start3A_50 = tpu.memref_slice %arg9[%dma_start3A_39, %dma_start3A_48, %dma_start3A_49] : memref<4x80x128xf32, #tpu.memory_space<vmem>> -> memref<1x80x128xf32, #tpu.memory_space<vmem>>
    %dma_start3A_51 = tpu.memref_squeeze %dma_start3A_50 : memref<1x80x128xf32, #tpu.memory_space<vmem>> -> memref<80x128xf32, #tpu.memory_space<vmem>>
    tpu.enqueue_dma source(%dma_start3A_51 : memref<80x128xf32, #tpu.memory_space<vmem>>) target(%dma_start3A_47 : memref<80x128xf32, #tpu.memory_space<vmem_shared>>) target_semaphore(%arg14 : memref<!tpu.dma_semaphore, #tpu.memory_space<semaphore_mem>>)
    %mul3A_52 = arith.constant 640 : i32
    %mul3A_53 = arith.muli %arg1, %mul3A_52 : i32
    %add3A_54 = arith.constant 240 : i32
    %add3A_55 = arith.addi %mul3A_53, %add3A_54 : i32
    %dma_start3A_56 = arith.constant 3 : i32
    %dma_start3A_57 = arith.constant 0 : i32
    %dma_start3A_58 = arith.constant 0 : i32
    %dma_start3A_59 = tpu.memref_slice %arg9[%dma_start3A_56, %dma_start3A_57, %dma_start3A_58] : memref<4x80x128xf32, #tpu.memory_space<vmem>> -> memref<1x80x128xf32, #tpu.memory_space<vmem>>
    %dma_start3A_60 = tpu.memref_squeeze %dma_start3A_59 : memref<1x80x128xf32, #tpu.memory_space<vmem>> -> memref<80x128xf32, #tpu.memory_space<vmem>>
    %dma_start3A_61 = arith.constant 0 : i32
    %dma_start3A_62 = tpu.memref_slice %arg10[%add3A_55, %dma_start3A_61] : memref<10240x128xf32, #tpu.memory_space<vmem_shared>> -> memref<80x128xf32, #tpu.memory_space<vmem_shared>>
    %dma_start3A_63 = arith.constant 0 : i32
    %dma_start3A_64 = tpu.memref_slice %arg10[%add3A_55, %dma_start3A_63] : memref<10240x128xf32, #tpu.memory_space<vmem_shared>> -> memref<80x128xf32, #tpu.memory_space<vmem_shared>>
    %dma_start3A_65 = arith.constant 0 : i32
    %dma_start3A_66 = arith.constant 0 : i32
    %dma_start3A_67 = tpu.memref_slice %arg9[%dma_start3A_56, %dma_start3A_65, %dma_start3A_66] : memref<4x80x128xf32, #tpu.memory_space<vmem>> -> memref<1x80x128xf32, #tpu.memory_space<vmem>>
    %dma_start3A_68 = tpu.memref_squeeze %dma_start3A_67 : memref<1x80x128xf32, #tpu.memory_space<vmem>> -> memref<80x128xf32, #tpu.memory_space<vmem>>
    tpu.enqueue_dma source(%dma_start3A_68 : memref<80x128xf32, #tpu.memory_space<vmem>>) target(%dma_start3A_64 : memref<80x128xf32, #tpu.memory_space<vmem_shared>>) target_semaphore(%arg14 : memref<!tpu.dma_semaphore, #tpu.memory_space<semaphore_mem>>)
    %mul3A_69 = arith.constant 640 : i32
    %mul3A_70 = arith.muli %arg1, %mul3A_69 : i32
    %add3A_71 = arith.constant 320 : i32
    %add3A_72 = arith.addi %mul3A_70, %add3A_71 : i32
    %dma_start3A_73 = arith.constant 2 : i32
    %dma_start3A_74 = arith.constant 0 : i32
    %dma_start3A_75 = arith.constant 0 : i32
    %dma_start3A_76 = tpu.memref_slice %arg9[%dma_start3A_73, %dma_start3A_74, %dma_start3A_75] : memref<4x80x128xf32, #tpu.memory_space<vmem>> -> memref<1x80x128xf32, #tpu.memory_space<vmem>>
    %dma_start3A_77 = tpu.memref_squeeze %dma_start3A_76 : memref<1x80x128xf32, #tpu.memory_space<vmem>> -> memref<80x128xf32, #tpu.memory_space<vmem>>
    %dma_start3A_78 = arith.constant 0 : i32
    %dma_start3A_79 = tpu.memref_slice %arg10[%add3A_72, %dma_start3A_78] : memref<10240x128xf32, #tpu.memory_space<vmem_shared>> -> memref<80x128xf32, #tpu.memory_space<vmem_shared>>
    %dma_start3A_80 = arith.constant 0 : i32
    %dma_start3A_81 = tpu.memref_slice %arg10[%add3A_72, %dma_start3A_80] : memref<10240x128xf32, #tpu.memory_space<vmem_shared>> -> memref<80x128xf32, #tpu.memory_space<vmem_shared>>
    %dma_start3A_82 = arith.constant 0 : i32
    %dma_start3A_83 = arith.constant 0 : i32
    %dma_start3A_84 = tpu.memref_slice %arg9[%dma_start3A_73, %dma_start3A_82, %dma_start3A_83] : memref<4x80x128xf32, #tpu.memory_space<vmem>> -> memref<1x80x128xf32, #tpu.memory_space<vmem>>
    %dma_start3A_85 = tpu.memref_squeeze %dma_start3A_84 : memref<1x80x128xf32, #tpu.memory_space<vmem>> -> memref<80x128xf32, #tpu.memory_space<vmem>>
    tpu.enqueue_dma source(%dma_start3A_85 : memref<80x128xf32, #tpu.memory_space<vmem>>) target(%dma_start3A_81 : memref<80x128xf32, #tpu.memory_space<vmem_shared>>) target_semaphore(%arg14 : memref<!tpu.dma_semaphore, #tpu.memory_space<semaphore_mem>>)
    %mul3A_86 = arith.constant 640 : i32
    %mul3A_87 = arith.muli %arg1, %mul3A_86 : i32
    %add3A_88 = arith.constant 400 : i32
    %add3A_89 = arith.addi %mul3A_87, %add3A_88 : i32
    %dma_start3A_90 = arith.constant 3 : i32
    %dma_start3A_91 = arith.constant 0 : i32
    %dma_start3A_92 = arith.constant 0 : i32
    %dma_start3A_93 = tpu.memref_slice %arg9[%dma_start3A_90, %dma_start3A_91, %dma_start3A_92] : memref<4x80x128xf32, #tpu.memory_space<vmem>> -> memref<1x80x128xf32, #tpu.memory_space<vmem>>
    %dma_start3A_94 = tpu.memref_squeeze %dma_start3A_93 : memref<1x80x128xf32, #tpu.memory_space<vmem>> -> memref<80x128xf32, #tpu.memory_space<vmem>>
    %dma_start3A_95 = arith.constant 0 : i32
    %dma_start3A_96 = tpu.memref_slice %arg10[%add3A_89, %dma_start3A_95] : memref<10240x128xf32, #tpu.memory_space<vmem_shared>> -> memref<80x128xf32, #tpu.memory_space<vmem_shared>>
    %dma_start3A_97 = arith.constant 0 : i32
    %dma_start3A_98 = tpu.memref_slice %arg10[%add3A_89, %dma_start3A_97] : memref<10240x128xf32, #tpu.memory_space<vmem_shared>> -> memref<80x128xf32, #tpu.memory_space<vmem_shared>>
    %dma_start3A_99 = arith.constant 0 : i32
    %dma_start3A_100 = arith.constant 0 : i32
    %dma_start3A_101 = tpu.memref_slice %arg9[%dma_start3A_90, %dma_start3A_99, %dma_start3A_100] : memref<4x80x128xf32, #tpu.memory_space<vmem>> -> memref<1x80x128xf32, #tpu.memory_space<vmem>>
    %dma_start3A_102 = tpu.memref_squeeze %dma_start3A_101 : memref<1x80x128xf32, #tpu.memory_space<vmem>> -> memref<80x128xf32, #tpu.memory_space<vmem>>
    tpu.enqueue_dma source(%dma_start3A_102 : memref<80x128xf32, #tpu.memory_space<vmem>>) target(%dma_start3A_98 : memref<80x128xf32, #tpu.memory_space<vmem_shared>>) target_semaphore(%arg14 : memref<!tpu.dma_semaphore, #tpu.memory_space<semaphore_mem>>)
    %mul3A_103 = arith.constant 640 : i32
    %mul3A_104 = arith.muli %arg1, %mul3A_103 : i32
    %add3A_105 = arith.constant 480 : i32
    %add3A_106 = arith.addi %mul3A_104, %add3A_105 : i32
    %dma_start3A_107 = arith.constant 2 : i32
    %dma_start3A_108 = arith.constant 0 : i32
    %dma_start3A_109 = arith.constant 0 : i32
    %dma_start3A_110 = tpu.memref_slice %arg9[%dma_start3A_107, %dma_start3A_108, %dma_start3A_109] : memref<4x80x128xf32, #tpu.memory_space<vmem>> -> memref<1x80x128xf32, #tpu.memory_space<vmem>>
    %dma_start3A_111 = tpu.memref_squeeze %dma_start3A_110 : memref<1x80x128xf32, #tpu.memory_space<vmem>> -> memref<80x128xf32, #tpu.memory_space<vmem>>
    %dma_start3A_112 = arith.constant 0 : i32
    %dma_start3A_113 = tpu.memref_slice %arg10[%add3A_106, %dma_start3A_112] : memref<10240x128xf32, #tpu.memory_space<vmem_shared>> -> memref<80x128xf32, #tpu.memory_space<vmem_shared>>
    %dma_start3A_114 = arith.constant 0 : i32
    %dma_start3A_115 = tpu.memref_slice %arg10[%add3A_106, %dma_start3A_114] : memref<10240x128xf32, #tpu.memory_space<vmem_shared>> -> memref<80x128xf32, #tpu.memory_space<vmem_shared>>
    %dma_start3A_116 = arith.constant 0 : i32
    %dma_start3A_117 = arith.constant 0 : i32
    %dma_start3A_118 = tpu.memref_slice %arg9[%dma_start3A_107, %dma_start3A_116, %dma_start3A_117] : memref<4x80x128xf32, #tpu.memory_space<vmem>> -> memref<1x80x128xf32, #tpu.memory_space<vmem>>
    %dma_start3A_119 = tpu.memref_squeeze %dma_start3A_118 : memref<1x80x128xf32, #tpu.memory_space<vmem>> -> memref<80x128xf32, #tpu.memory_space<vmem>>
    tpu.enqueue_dma source(%dma_start3A_119 : memref<80x128xf32, #tpu.memory_space<vmem>>) target(%dma_start3A_115 : memref<80x128xf32, #tpu.memory_space<vmem_shared>>) target_semaphore(%arg14 : memref<!tpu.dma_semaphore, #tpu.memory_space<semaphore_mem>>)
    %mul3A_120 = arith.constant 640 : i32
    %mul3A_121 = arith.muli %arg1, %mul3A_120 : i32
    %add3A_122 = arith.constant 560 : i32
    %add3A_123 = arith.addi %mul3A_121, %add3A_122 : i32
    %dma_start3A_124 = arith.constant 3 : i32
    %dma_start3A_125 = arith.constant 0 : i32
    %dma_start3A_126 = arith.constant 0 : i32
    %dma_start3A_127 = tpu.memref_slice %arg9[%dma_start3A_124, %dma_start3A_125, %dma_start3A_126] : memref<4x80x128xf32, #tpu.memory_space<vmem>> -> memref<1x80x128xf32, #tpu.memory_space<vmem>>
    %dma_start3A_128 = tpu.memref_squeeze %dma_start3A_127 : memref<1x80x128xf32, #tpu.memory_space<vmem>> -> memref<80x128xf32, #tpu.memory_space<vmem>>
    %dma_start3A_129 = arith.constant 0 : i32
    %dma_start3A_130 = tpu.memref_slice %arg10[%add3A_123, %dma_start3A_129] : memref<10240x128xf32, #tpu.memory_space<vmem_shared>> -> memref<80x128xf32, #tpu.memory_space<vmem_shared>>
    %dma_start3A_131 = arith.constant 0 : i32
    %dma_start3A_132 = tpu.memref_slice %arg10[%add3A_123, %dma_start3A_131] : memref<10240x128xf32, #tpu.memory_space<vmem_shared>> -> memref<80x128xf32, #tpu.memory_space<vmem_shared>>
    %dma_start3A_133 = arith.constant 0 : i32
    %dma_start3A_134 = arith.constant 0 : i32
    %dma_start3A_135 = tpu.memref_slice %arg9[%dma_start3A_124, %dma_start3A_133, %dma_start3A_134] : memref<4x80x128xf32, #tpu.memory_space<vmem>> -> memref<1x80x128xf32, #tpu.memory_space<vmem>>
    %dma_start3A_136 = tpu.memref_squeeze %dma_start3A_135 : memref<1x80x128xf32, #tpu.memory_space<vmem>> -> memref<80x128xf32, #tpu.memory_space<vmem>>
    tpu.enqueue_dma source(%dma_start3A_136 : memref<80x128xf32, #tpu.memory_space<vmem>>) target(%dma_start3A_132 : memref<80x128xf32, #tpu.memory_space<vmem_shared>>) target_semaphore(%arg14 : memref<!tpu.dma_semaphore, #tpu.memory_space<semaphore_mem>>)
    %mul3A_137 = arith.constant 10000 : i32
    %mul3A_138 = arith.muli %add3A, %mul3A_137 : i32
    %add3A_139 = arith.constant 0 : i32
    %add3A_140 = arith.addi %mul3A_138, %add3A_139 : i32
    %multiple_of3A = tpu.assume_multiple %add3A_140, 8 : i32
    %rem3A = arith.constant 0 : i32
    %rem3A_141 = arith.constant 4 : i32
    %rem3A_142 = arith.remsi %rem3A, %rem3A_141 : i32
    %dma_start3A_143 = arith.constant 0 : i32
    %dma_start3A_144 = tpu.memref_slice %arg7[%rem3A_142, %dma_start3A_143] : memref<4x80xi32, #tpu.memory_space<vmem>> -> memref<1x80xi32, #tpu.memory_space<vmem>>
    %dma_start3A_145 = tpu.memref_squeeze %dma_start3A_144 : memref<1x80xi32, #tpu.memory_space<vmem>> -> memref<80xi32, #tpu.memory_space<vmem>>
    %dma_start3A_146 = tpu.memref_slice %arg3[%multiple_of3A] : memref<320000xi32, #tpu.memory_space<hbm>> -> memref<80xi32, #tpu.memory_space<hbm>>
    %dma_start3A_147 = arith.constant 0 : i32
    %dma_start3A_148 = tpu.memref_slice %arg7[%rem3A_142, %dma_start3A_147] : memref<4x80xi32, #tpu.memory_space<vmem>> -> memref<1x80xi32, #tpu.memory_space<vmem>>
    %dma_start3A_149 = tpu.memref_squeeze %dma_start3A_148 : memref<1x80xi32, #tpu.memory_space<vmem>> -> memref<80xi32, #tpu.memory_space<vmem>>
    %dma_start3A_150 = tpu.memref_slice %arg3[%multiple_of3A] : memref<320000xi32, #tpu.memory_space<hbm>> -> memref<80xi32, #tpu.memory_space<hbm>>
    tpu.enqueue_dma source(%dma_start3A_150 : memref<80xi32, #tpu.memory_space<hbm>>) target(%dma_start3A_149 : memref<80xi32, #tpu.memory_space<vmem>>) target_semaphore(%arg11 : memref<!tpu.dma_semaphore, #tpu.memory_space<semaphore_mem>>)
    %dma_start3A_151 = arith.constant 0 : i32
    %dma_start3A_152 = tpu.memref_slice %arg8[%rem3A_142, %dma_start3A_151] : memref<4x80xi32, #tpu.memory_space<vmem>> -> memref<1x80xi32, #tpu.memory_space<vmem>>
    %dma_start3A_153 = tpu.memref_squeeze %dma_start3A_152 : memref<1x80xi32, #tpu.memory_space<vmem>> -> memref<80xi32, #tpu.memory_space<vmem>>
    %dma_start3A_154 = tpu.memref_slice %arg4[%multiple_of3A] : memref<320000xi32, #tpu.memory_space<hbm>> -> memref<80xi32, #tpu.memory_space<hbm>>
    %dma_start3A_155 = arith.constant 0 : i32
    %dma_start3A_156 = tpu.memref_slice %arg8[%rem3A_142, %dma_start3A_155] : memref<4x80xi32, #tpu.memory_space<vmem>> -> memref<1x80xi32, #tpu.memory_space<vmem>>
    %dma_start3A_157 = tpu.memref_squeeze %dma_start3A_156 : memref<1x80xi32, #tpu.memory_space<vmem>> -> memref<80xi32, #tpu.memory_space<vmem>>
    %dma_start3A_158 = tpu.memref_slice %arg4[%multiple_of3A] : memref<320000xi32, #tpu.memory_space<hbm>> -> memref<80xi32, #tpu.memory_space<hbm>>
    tpu.enqueue_dma source(%dma_start3A_158 : memref<80xi32, #tpu.memory_space<hbm>>) target(%dma_start3A_157 : memref<80xi32, #tpu.memory_space<vmem>>) target_semaphore(%arg11 : memref<!tpu.dma_semaphore, #tpu.memory_space<semaphore_mem>>)
    %mul3A_159 = arith.constant 10000 : i32
    %mul3A_160 = arith.muli %add3A, %mul3A_159 : i32
    %add3A_161 = arith.constant 80 : i32
    %add3A_162 = arith.addi %mul3A_160, %add3A_161 : i32
    %multiple_of3A_163 = tpu.assume_multiple %add3A_162, 8 : i32
    %rem3A_164 = arith.constant 1 : i32
    %rem3A_165 = arith.constant 4 : i32
    %rem3A_166 = arith.remsi %rem3A_164, %rem3A_165 : i32
    %dma_start3A_167 = arith.constant 0 : i32
    %dma_start3A_168 = tpu.memref_slice %arg7[%rem3A_166, %dma_start3A_167] : memref<4x80xi32, #tpu.memory_space<vmem>> -> memref<1x80xi32, #tpu.memory_space<vmem>>
    %dma_start3A_169 = tpu.memref_squeeze %dma_start3A_168 : memref<1x80xi32, #tpu.memory_space<vmem>> -> memref<80xi32, #tpu.memory_space<vmem>>
    %dma_start3A_170 = tpu.memref_slice %arg3[%multiple_of3A_163] : memref<320000xi32, #tpu.memory_space<hbm>> -> memref<80xi32, #tpu.memory_space<hbm>>
    %dma_start3A_171 = arith.constant 0 : i32
    %dma_start3A_172 = tpu.memref_slice %arg7[%rem3A_166, %dma_start3A_171] : memref<4x80xi32, #tpu.memory_space<vmem>> -> memref<1x80xi32, #tpu.memory_space<vmem>>
    %dma_start3A_173 = tpu.memref_squeeze %dma_start3A_172 : memref<1x80xi32, #tpu.memory_space<vmem>> -> memref<80xi32, #tpu.memory_space<vmem>>
    %dma_start3A_174 = tpu.memref_slice %arg3[%multiple_of3A_163] : memref<320000xi32, #tpu.memory_space<hbm>> -> memref<80xi32, #tpu.memory_space<hbm>>
    tpu.enqueue_dma source(%dma_start3A_174 : memref<80xi32, #tpu.memory_space<hbm>>) target(%dma_start3A_173 : memref<80xi32, #tpu.memory_space<vmem>>) target_semaphore(%arg11 : memref<!tpu.dma_semaphore, #tpu.memory_space<semaphore_mem>>)
    %dma_start3A_175 = arith.constant 0 : i32
    %dma_start3A_176 = tpu.memref_slice %arg8[%rem3A_166, %dma_start3A_175] : memref<4x80xi32, #tpu.memory_space<vmem>> -> memref<1x80xi32, #tpu.memory_space<vmem>>
    %dma_start3A_177 = tpu.memref_squeeze %dma_start3A_176 : memref<1x80xi32, #tpu.memory_space<vmem>> -> memref<80xi32, #tpu.memory_space<vmem>>
    %dma_start3A_178 = tpu.memref_slice %arg4[%multiple_of3A_163] : memref<320000xi32, #tpu.memory_space<hbm>> -> memref<80xi32, #tpu.memory_space<hbm>>
    %dma_start3A_179 = arith.constant 0 : i32
    %dma_start3A_180 = tpu.memref_slice %arg8[%rem3A_166, %dma_start3A_179] : memref<4x80xi32, #tpu.memory_space<vmem>> -> memref<1x80xi32, #tpu.memory_space<vmem>>
    %dma_start3A_181 = tpu.memref_squeeze %dma_start3A_180 : memref<1x80xi32, #tpu.memory_space<vmem>> -> memref<80xi32, #tpu.memory_space<vmem>>
    %dma_start3A_182 = tpu.memref_slice %arg4[%multiple_of3A_163] : memref<320000xi32, #tpu.memory_space<hbm>> -> memref<80xi32, #tpu.memory_space<hbm>>
    tpu.enqueue_dma source(%dma_start3A_182 : memref<80xi32, #tpu.memory_space<hbm>>) target(%dma_start3A_181 : memref<80xi32, #tpu.memory_space<vmem>>) target_semaphore(%arg11 : memref<!tpu.dma_semaphore, #tpu.memory_space<semaphore_mem>>)
    %mul3A_183 = arith.constant 10000 : i32
    %mul3A_184 = arith.muli %add3A, %mul3A_183 : i32
    %add3A_185 = arith.constant 0 : i32
    %add3A_186 = arith.addi %mul3A_184, %add3A_185 : i32
    %multiple_of3A_187 = tpu.assume_multiple %add3A_186, 8 : i32
    %rem3A_188 = arith.constant 0 : i32
    %rem3A_189 = arith.constant 4 : i32
    %rem3A_190 = arith.remsi %rem3A_188, %rem3A_189 : i32
    %dma_wait3A = arith.constant 0 : i32
    %dma_wait3A_191 = tpu.memref_slice %arg7[%rem3A_190, %dma_wait3A] : memref<4x80xi32, #tpu.memory_space<vmem>> -> memref<1x80xi32, #tpu.memory_space<vmem>>
    %dma_wait3A_192 = tpu.memref_squeeze %dma_wait3A_191 : memref<1x80xi32, #tpu.memory_space<vmem>> -> memref<80xi32, #tpu.memory_space<vmem>>
    %dma_wait3A_193 = tpu.memref_slice %arg3[%multiple_of3A_187] : memref<320000xi32, #tpu.memory_space<hbm>> -> memref<80xi32, #tpu.memory_space<hbm>>
    %dma_wait3A_194 = arith.constant 0 : i32
    %dma_wait3A_195 = tpu.memref_slice %arg7[%rem3A_190, %dma_wait3A_194] : memref<4x80xi32, #tpu.memory_space<vmem>> -> memref<1x80xi32, #tpu.memory_space<vmem>>
    %dma_wait3A_196 = tpu.memref_squeeze %dma_wait3A_195 : memref<1x80xi32, #tpu.memory_space<vmem>> -> memref<80xi32, #tpu.memory_space<vmem>>
    %dma_wait3A_197 = tpu.memref_slice %arg3[%multiple_of3A_187] : memref<320000xi32, #tpu.memory_space<hbm>> -> memref<80xi32, #tpu.memory_space<hbm>>
    tpu.wait_dma2 semaphore(%arg11 : memref<!tpu.dma_semaphore, #tpu.memory_space<semaphore_mem>>) src(%dma_wait3A_197 : memref<80xi32, #tpu.memory_space<hbm>>) dst(%dma_wait3A_196 : memref<80xi32, #tpu.memory_space<vmem>>)
    %dma_wait3A_198 = arith.constant 0 : i32
    %dma_wait3A_199 = tpu.memref_slice %arg8[%rem3A_190, %dma_wait3A_198] : memref<4x80xi32, #tpu.memory_space<vmem>> -> memref<1x80xi32, #tpu.memory_space<vmem>>
    %dma_wait3A_200 = tpu.memref_squeeze %dma_wait3A_199 : memref<1x80xi32, #tpu.memory_space<vmem>> -> memref<80xi32, #tpu.memory_space<vmem>>
    %dma_wait3A_201 = tpu.memref_slice %arg4[%multiple_of3A_187] : memref<320000xi32, #tpu.memory_space<hbm>> -> memref<80xi32, #tpu.memory_space<hbm>>
    %dma_wait3A_202 = arith.constant 0 : i32
    %dma_wait3A_203 = tpu.memref_slice %arg8[%rem3A_190, %dma_wait3A_202] : memref<4x80xi32, #tpu.memory_space<vmem>> -> memref<1x80xi32, #tpu.memory_space<vmem>>
    %dma_wait3A_204 = tpu.memref_squeeze %dma_wait3A_203 : memref<1x80xi32, #tpu.memory_space<vmem>> -> memref<80xi32, #tpu.memory_space<vmem>>
    %dma_wait3A_205 = tpu.memref_slice %arg4[%multiple_of3A_187] : memref<320000xi32, #tpu.memory_space<hbm>> -> memref<80xi32, #tpu.memory_space<hbm>>
    tpu.wait_dma2 semaphore(%arg11 : memref<!tpu.dma_semaphore, #tpu.memory_space<semaphore_mem>>) src(%dma_wait3A_205 : memref<80xi32, #tpu.memory_space<hbm>>) dst(%dma_wait3A_204 : memref<80xi32, #tpu.memory_space<vmem>>)
    %rem3A_206 = arith.constant 0 : i32
    %rem3A_207 = arith.constant 4 : i32
    %rem3A_208 = arith.remsi %rem3A_206, %rem3A_207 : i32
    %rem3A_209 = arith.constant 0 : i32
    %rem3A_210 = arith.constant 4 : i32
    %rem3A_211 = arith.remsi %rem3A_209, %rem3A_210 : i32
    %dma_start3A_212 = arith.constant 0 : i32
    %dma_start3A_213 = arith.constant 0 : i32
    %dma_start3A_214 = tpu.memref_slice %arg9[%rem3A_211, %dma_start3A_212, %dma_start3A_213] : memref<4x80x128xf32, #tpu.memory_space<vmem>> -> memref<1x80x128xf32, #tpu.memory_space<vmem>>
    %dma_start3A_215 = tpu.memref_squeeze %dma_start3A_214 : memref<1x80x128xf32, #tpu.memory_space<vmem>> -> memref<80x128xf32, #tpu.memory_space<vmem>>
    %dma_start3A_216 = arith.constant 0 : i32
    %dma_start3A_217 = tpu.memref_slice %arg7[%rem3A_208, %dma_start3A_216] : memref<4x80xi32, #tpu.memory_space<vmem>> -> memref<1x80xi32, #tpu.memory_space<vmem>>
    %dma_start3A_218 = tpu.memref_squeeze %dma_start3A_217 : memref<1x80xi32, #tpu.memory_space<vmem>> -> memref<80xi32, #tpu.memory_space<vmem>>
    %dma_start3A_219 = arith.constant 0 : i32
    %dma_start3A_220 = arith.constant 0 : i32
    %dma_start3A_221 = tpu.memref_slice %arg2[%dma_start3A_219, %dma_start3A_220] : memref<10000x128xf32, #tpu.memory_space<hbm>> -> memref<10000x128xf32, #tpu.memory_space<hbm>>
    tpu.enqueue_indirect_dma source(%dma_start3A_221 : memref<10000x128xf32, #tpu.memory_space<hbm>>) target(%dma_start3A_215 : memref<80x128xf32, #tpu.memory_space<vmem>>) offsets(%dma_start3A_218 : memref<80xi32, #tpu.memory_space<vmem>>) semaphore(%arg12 : memref<!tpu.dma_semaphore, #tpu.memory_space<semaphore_mem>>)
    %mul3A_222 = arith.constant 640 : i32
    %mul3A_223 = arith.muli %arg1, %mul3A_222 : i32
    %add3A_224 = arith.constant 0 : i32
    %add3A_225 = arith.addi %mul3A_223, %add3A_224 : i32
    %dma_wait3A_226 = arith.constant 2 : i32
    %dma_wait3A_227 = arith.constant 0 : i32
    %dma_wait3A_228 = arith.constant 0 : i32
    %dma_wait3A_229 = tpu.memref_slice %arg9[%dma_wait3A_226, %dma_wait3A_227, %dma_wait3A_228] : memref<4x80x128xf32, #tpu.memory_space<vmem>> -> memref<1x80x128xf32, #tpu.memory_space<vmem>>
    %dma_wait3A_230 = tpu.memref_squeeze %dma_wait3A_229 : memref<1x80x128xf32, #tpu.memory_space<vmem>> -> memref<80x128xf32, #tpu.memory_space<vmem>>
    %dma_wait3A_231 = arith.constant 0 : i32
    %dma_wait3A_232 = tpu.memref_slice %arg10[%add3A_225, %dma_wait3A_231] : memref<10240x128xf32, #tpu.memory_space<vmem_shared>> -> memref<80x128xf32, #tpu.memory_space<vmem_shared>>
    %dma_wait3A_233 = arith.constant 0 : i32
    %dma_wait3A_234 = tpu.memref_slice %arg10[%add3A_225, %dma_wait3A_233] : memref<10240x128xf32, #tpu.memory_space<vmem_shared>> -> memref<80x128xf32, #tpu.memory_space<vmem_shared>>
    %dma_wait3A_235 = arith.constant 0 : i32
    %dma_wait3A_236 = arith.constant 0 : i32
    %dma_wait3A_237 = tpu.memref_slice %arg9[%dma_wait3A_226, %dma_wait3A_235, %dma_wait3A_236] : memref<4x80x128xf32, #tpu.memory_space<vmem>> -> memref<1x80x128xf32, #tpu.memory_space<vmem>>
    %dma_wait3A_238 = tpu.memref_squeeze %dma_wait3A_237 : memref<1x80x128xf32, #tpu.memory_space<vmem>> -> memref<80x128xf32, #tpu.memory_space<vmem>>
    tpu.wait_dma2 semaphore(%arg14 : memref<!tpu.dma_semaphore, #tpu.memory_space<semaphore_mem>>) src(%dma_wait3A_238 : memref<80x128xf32, #tpu.memory_space<vmem>>) dst(%dma_wait3A_234 : memref<80x128xf32, #tpu.memory_space<vmem_shared>>)
    %mul3A_239 = arith.constant 640 : i32
    %mul3A_240 = arith.muli %arg1, %mul3A_239 : i32
    %add3A_241 = arith.constant 80 : i32
    %add3A_242 = arith.addi %mul3A_240, %add3A_241 : i32
    %dma_wait3A_243 = arith.constant 3 : i32
    %dma_wait3A_244 = arith.constant 0 : i32
    %dma_wait3A_245 = arith.constant 0 : i32
    %dma_wait3A_246 = tpu.memref_slice %arg9[%dma_wait3A_243, %dma_wait3A_244, %dma_wait3A_245] : memref<4x80x128xf32, #tpu.memory_space<vmem>> -> memref<1x80x128xf32, #tpu.memory_space<vmem>>
    %dma_wait3A_247 = tpu.memref_squeeze %dma_wait3A_246 : memref<1x80x128xf32, #tpu.memory_space<vmem>> -> memref<80x128xf32, #tpu.memory_space<vmem>>
    %dma_wait3A_248 = arith.constant 0 : i32
    %dma_wait3A_249 = tpu.memref_slice %arg10[%add3A_242, %dma_wait3A_248] : memref<10240x128xf32, #tpu.memory_space<vmem_shared>> -> memref<80x128xf32, #tpu.memory_space<vmem_shared>>
    %dma_wait3A_250 = arith.constant 0 : i32
    %dma_wait3A_251 = tpu.memref_slice %arg10[%add3A_242, %dma_wait3A_250] : memref<10240x128xf32, #tpu.memory_space<vmem_shared>> -> memref<80x128xf32, #tpu.memory_space<vmem_shared>>
    %dma_wait3A_252 = arith.constant 0 : i32
    %dma_wait3A_253 = arith.constant 0 : i32
    %dma_wait3A_254 = tpu.memref_slice %arg9[%dma_wait3A_243, %dma_wait3A_252, %dma_wait3A_253] : memref<4x80x128xf32, #tpu.memory_space<vmem>> -> memref<1x80x128xf32, #tpu.memory_space<vmem>>
    %dma_wait3A_255 = tpu.memref_squeeze %dma_wait3A_254 : memref<1x80x128xf32, #tpu.memory_space<vmem>> -> memref<80x128xf32, #tpu.memory_space<vmem>>
    tpu.wait_dma2 semaphore(%arg14 : memref<!tpu.dma_semaphore, #tpu.memory_space<semaphore_mem>>) src(%dma_wait3A_255 : memref<80x128xf32, #tpu.memory_space<vmem>>) dst(%dma_wait3A_251 : memref<80x128xf32, #tpu.memory_space<vmem_shared>>)
    %mul3A_256 = arith.constant 640 : i32
    %mul3A_257 = arith.muli %arg1, %mul3A_256 : i32
    %add3A_258 = arith.constant 160 : i32
    %add3A_259 = arith.addi %mul3A_257, %add3A_258 : i32
    %dma_wait3A_260 = arith.constant 2 : i32
    %dma_wait3A_261 = arith.constant 0 : i32
    %dma_wait3A_262 = arith.constant 0 : i32
    %dma_wait3A_263 = tpu.memref_slice %arg9[%dma_wait3A_260, %dma_wait3A_261, %dma_wait3A_262] : memref<4x80x128xf32, #tpu.memory_space<vmem>> -> memref<1x80x128xf32, #tpu.memory_space<vmem>>
    %dma_wait3A_264 = tpu.memref_squeeze %dma_wait3A_263 : memref<1x80x128xf32, #tpu.memory_space<vmem>> -> memref<80x128xf32, #tpu.memory_space<vmem>>
    %dma_wait3A_265 = arith.constant 0 : i32
    %dma_wait3A_266 = tpu.memref_slice %arg10[%add3A_259, %dma_wait3A_265] : memref<10240x128xf32, #tpu.memory_space<vmem_shared>> -> memref<80x128xf32, #tpu.memory_space<vmem_shared>>
    %dma_wait3A_267 = arith.constant 0 : i32
    %dma_wait3A_268 = tpu.memref_slice %arg10[%add3A_259, %dma_wait3A_267] : memref<10240x128xf32, #tpu.memory_space<vmem_shared>> -> memref<80x128xf32, #tpu.memory_space<vmem_shared>>
    %dma_wait3A_269 = arith.constant 0 : i32
    %dma_wait3A_270 = arith.constant 0 : i32
    %dma_wait3A_271 = tpu.memref_slice %arg9[%dma_wait3A_260, %dma_wait3A_269, %dma_wait3A_270] : memref<4x80x128xf32, #tpu.memory_space<vmem>> -> memref<1x80x128xf32, #tpu.memory_space<vmem>>
    %dma_wait3A_272 = tpu.memref_squeeze %dma_wait3A_271 : memref<1x80x128xf32, #tpu.memory_space<vmem>> -> memref<80x128xf32, #tpu.memory_space<vmem>>
    tpu.wait_dma2 semaphore(%arg14 : memref<!tpu.dma_semaphore, #tpu.memory_space<semaphore_mem>>) src(%dma_wait3A_272 : memref<80x128xf32, #tpu.memory_space<vmem>>) dst(%dma_wait3A_268 : memref<80x128xf32, #tpu.memory_space<vmem_shared>>)
    %mul3A_273 = arith.constant 640 : i32
    %mul3A_274 = arith.muli %arg1, %mul3A_273 : i32
    %add3A_275 = arith.constant 240 : i32
    %add3A_276 = arith.addi %mul3A_274, %add3A_275 : i32
    %dma_wait3A_277 = arith.constant 3 : i32
    %dma_wait3A_278 = arith.constant 0 : i32
    %dma_wait3A_279 = arith.constant 0 : i32
    %dma_wait3A_280 = tpu.memref_slice %arg9[%dma_wait3A_277, %dma_wait3A_278, %dma_wait3A_279] : memref<4x80x128xf32, #tpu.memory_space<vmem>> -> memref<1x80x128xf32, #tpu.memory_space<vmem>>
    %dma_wait3A_281 = tpu.memref_squeeze %dma_wait3A_280 : memref<1x80x128xf32, #tpu.memory_space<vmem>> -> memref<80x128xf32, #tpu.memory_space<vmem>>
    %dma_wait3A_282 = arith.constant 0 : i32
    %dma_wait3A_283 = tpu.memref_slice %arg10[%add3A_276, %dma_wait3A_282] : memref<10240x128xf32, #tpu.memory_space<vmem_shared>> -> memref<80x128xf32, #tpu.memory_space<vmem_shared>>
    %dma_wait3A_284 = arith.constant 0 : i32
    %dma_wait3A_285 = tpu.memref_slice %arg10[%add3A_276, %dma_wait3A_284] : memref<10240x128xf32, #tpu.memory_space<vmem_shared>> -> memref<80x128xf32, #tpu.memory_space<vmem_shared>>
    %dma_wait3A_286 = arith.constant 0 : i32
    %dma_wait3A_287 = arith.constant 0 : i32
    %dma_wait3A_288 = tpu.memref_slice %arg9[%dma_wait3A_277, %dma_wait3A_286, %dma_wait3A_287] : memref<4x80x128xf32, #tpu.memory_space<vmem>> -> memref<1x80x128xf32, #tpu.memory_space<vmem>>
    %dma_wait3A_289 = tpu.memref_squeeze %dma_wait3A_288 : memref<1x80x128xf32, #tpu.memory_space<vmem>> -> memref<80x128xf32, #tpu.memory_space<vmem>>
    tpu.wait_dma2 semaphore(%arg14 : memref<!tpu.dma_semaphore, #tpu.memory_space<semaphore_mem>>) src(%dma_wait3A_289 : memref<80x128xf32, #tpu.memory_space<vmem>>) dst(%dma_wait3A_285 : memref<80x128xf32, #tpu.memory_space<vmem_shared>>)
    %mul3A_290 = arith.constant 640 : i32
    %mul3A_291 = arith.muli %arg1, %mul3A_290 : i32
    %add3A_292 = arith.constant 320 : i32
    %add3A_293 = arith.addi %mul3A_291, %add3A_292 : i32
    %dma_wait3A_294 = arith.constant 2 : i32
    %dma_wait3A_295 = arith.constant 0 : i32
    %dma_wait3A_296 = arith.constant 0 : i32
    %dma_wait3A_297 = tpu.memref_slice %arg9[%dma_wait3A_294, %dma_wait3A_295, %dma_wait3A_296] : memref<4x80x128xf32, #tpu.memory_space<vmem>> -> memref<1x80x128xf32, #tpu.memory_space<vmem>>
    %dma_wait3A_298 = tpu.memref_squeeze %dma_wait3A_297 : memref<1x80x128xf32, #tpu.memory_space<vmem>> -> memref<80x128xf32, #tpu.memory_space<vmem>>
    %dma_wait3A_299 = arith.constant 0 : i32
    %dma_wait3A_300 = tpu.memref_slice %arg10[%add3A_293, %dma_wait3A_299] : memref<10240x128xf32, #tpu.memory_space<vmem_shared>> -> memref<80x128xf32, #tpu.memory_space<vmem_shared>>
    %dma_wait3A_301 = arith.constant 0 : i32
    %dma_wait3A_302 = tpu.memref_slice %arg10[%add3A_293, %dma_wait3A_301] : memref<10240x128xf32, #tpu.memory_space<vmem_shared>> -> memref<80x128xf32, #tpu.memory_space<vmem_shared>>
    %dma_wait3A_303 = arith.constant 0 : i32
    %dma_wait3A_304 = arith.constant 0 : i32
    %dma_wait3A_305 = tpu.memref_slice %arg9[%dma_wait3A_294, %dma_wait3A_303, %dma_wait3A_304] : memref<4x80x128xf32, #tpu.memory_space<vmem>> -> memref<1x80x128xf32, #tpu.memory_space<vmem>>
    %dma_wait3A_306 = tpu.memref_squeeze %dma_wait3A_305 : memref<1x80x128xf32, #tpu.memory_space<vmem>> -> memref<80x128xf32, #tpu.memory_space<vmem>>
    tpu.wait_dma2 semaphore(%arg14 : memref<!tpu.dma_semaphore, #tpu.memory_space<semaphore_mem>>) src(%dma_wait3A_306 : memref<80x128xf32, #tpu.memory_space<vmem>>) dst(%dma_wait3A_302 : memref<80x128xf32, #tpu.memory_space<vmem_shared>>)
    %mul3A_307 = arith.constant 640 : i32
    %mul3A_308 = arith.muli %arg1, %mul3A_307 : i32
    %add3A_309 = arith.constant 400 : i32
    %add3A_310 = arith.addi %mul3A_308, %add3A_309 : i32
    %dma_wait3A_311 = arith.constant 3 : i32
    %dma_wait3A_312 = arith.constant 0 : i32
    %dma_wait3A_313 = arith.constant 0 : i32
    %dma_wait3A_314 = tpu.memref_slice %arg9[%dma_wait3A_311, %dma_wait3A_312, %dma_wait3A_313] : memref<4x80x128xf32, #tpu.memory_space<vmem>> -> memref<1x80x128xf32, #tpu.memory_space<vmem>>
    %dma_wait3A_315 = tpu.memref_squeeze %dma_wait3A_314 : memref<1x80x128xf32, #tpu.memory_space<vmem>> -> memref<80x128xf32, #tpu.memory_space<vmem>>
    %dma_wait3A_316 = arith.constant 0 : i32
    %dma_wait3A_317 = tpu.memref_slice %arg10[%add3A_310, %dma_wait3A_316] : memref<10240x128xf32, #tpu.memory_space<vmem_shared>> -> memref<80x128xf32, #tpu.memory_space<vmem_shared>>
    %dma_wait3A_318 = arith.constant 0 : i32
    %dma_wait3A_319 = tpu.memref_slice %arg10[%add3A_310, %dma_wait3A_318] : memref<10240x128xf32, #tpu.memory_space<vmem_shared>> -> memref<80x128xf32, #tpu.memory_space<vmem_shared>>
    %dma_wait3A_320 = arith.constant 0 : i32
    %dma_wait3A_321 = arith.constant 0 : i32
    %dma_wait3A_322 = tpu.memref_slice %arg9[%dma_wait3A_311, %dma_wait3A_320, %dma_wait3A_321] : memref<4x80x128xf32, #tpu.memory_space<vmem>> -> memref<1x80x128xf32, #tpu.memory_space<vmem>>
    %dma_wait3A_323 = tpu.memref_squeeze %dma_wait3A_322 : memref<1x80x128xf32, #tpu.memory_space<vmem>> -> memref<80x128xf32, #tpu.memory_space<vmem>>
    tpu.wait_dma2 semaphore(%arg14 : memref<!tpu.dma_semaphore, #tpu.memory_space<semaphore_mem>>) src(%dma_wait3A_323 : memref<80x128xf32, #tpu.memory_space<vmem>>) dst(%dma_wait3A_319 : memref<80x128xf32, #tpu.memory_space<vmem_shared>>)
    %mul3A_324 = arith.constant 640 : i32
    %mul3A_325 = arith.muli %arg1, %mul3A_324 : i32
    %add3A_326 = arith.constant 480 : i32
    %add3A_327 = arith.addi %mul3A_325, %add3A_326 : i32
    %dma_wait3A_328 = arith.constant 2 : i32
    %dma_wait3A_329 = arith.constant 0 : i32
    %dma_wait3A_330 = arith.constant 0 : i32
    %dma_wait3A_331 = tpu.memref_slice %arg9[%dma_wait3A_328, %dma_wait3A_329, %dma_wait3A_330] : memref<4x80x128xf32, #tpu.memory_space<vmem>> -> memref<1x80x128xf32, #tpu.memory_space<vmem>>
    %dma_wait3A_332 = tpu.memref_squeeze %dma_wait3A_331 : memref<1x80x128xf32, #tpu.memory_space<vmem>> -> memref<80x128xf32, #tpu.memory_space<vmem>>
    %dma_wait3A_333 = arith.constant 0 : i32
    %dma_wait3A_334 = tpu.memref_slice %arg10[%add3A_327, %dma_wait3A_333] : memref<10240x128xf32, #tpu.memory_space<vmem_shared>> -> memref<80x128xf32, #tpu.memory_space<vmem_shared>>
    %dma_wait3A_335 = arith.constant 0 : i32
    %dma_wait3A_336 = tpu.memref_slice %arg10[%add3A_327, %dma_wait3A_335] : memref<10240x128xf32, #tpu.memory_space<vmem_shared>> -> memref<80x128xf32, #tpu.memory_space<vmem_shared>>
    %dma_wait3A_337 = arith.constant 0 : i32
    %dma_wait3A_338 = arith.constant 0 : i32
    %dma_wait3A_339 = tpu.memref_slice %arg9[%dma_wait3A_328, %dma_wait3A_337, %dma_wait3A_338] : memref<4x80x128xf32, #tpu.memory_space<vmem>> -> memref<1x80x128xf32, #tpu.memory_space<vmem>>
    %dma_wait3A_340 = tpu.memref_squeeze %dma_wait3A_339 : memref<1x80x128xf32, #tpu.memory_space<vmem>> -> memref<80x128xf32, #tpu.memory_space<vmem>>
    tpu.wait_dma2 semaphore(%arg14 : memref<!tpu.dma_semaphore, #tpu.memory_space<semaphore_mem>>) src(%dma_wait3A_340 : memref<80x128xf32, #tpu.memory_space<vmem>>) dst(%dma_wait3A_336 : memref<80x128xf32, #tpu.memory_space<vmem_shared>>)
    %mul3A_341 = arith.constant 640 : i32
    %mul3A_342 = arith.muli %arg1, %mul3A_341 : i32
    %add3A_343 = arith.constant 560 : i32
    %add3A_344 = arith.addi %mul3A_342, %add3A_343 : i32
    %dma_wait3A_345 = arith.constant 3 : i32
    %dma_wait3A_346 = arith.constant 0 : i32
    %dma_wait3A_347 = arith.constant 0 : i32
    %dma_wait3A_348 = tpu.memref_slice %arg9[%dma_wait3A_345, %dma_wait3A_346, %dma_wait3A_347] : memref<4x80x128xf32, #tpu.memory_space<vmem>> -> memref<1x80x128xf32, #tpu.memory_space<vmem>>
    %dma_wait3A_349 = tpu.memref_squeeze %dma_wait3A_348 : memref<1x80x128xf32, #tpu.memory_space<vmem>> -> memref<80x128xf32, #tpu.memory_space<vmem>>
    %dma_wait3A_350 = arith.constant 0 : i32
    %dma_wait3A_351 = tpu.memref_slice %arg10[%add3A_344, %dma_wait3A_350] : memref<10240x128xf32, #tpu.memory_space<vmem_shared>> -> memref<80x128xf32, #tpu.memory_space<vmem_shared>>
    %dma_wait3A_352 = arith.constant 0 : i32
    %dma_wait3A_353 = tpu.memref_slice %arg10[%add3A_344, %dma_wait3A_352] : memref<10240x128xf32, #tpu.memory_space<vmem_shared>> -> memref<80x128xf32, #tpu.memory_space<vmem_shared>>
    %dma_wait3A_354 = arith.constant 0 : i32
    %dma_wait3A_355 = arith.constant 0 : i32
    %dma_wait3A_356 = tpu.memref_slice %arg9[%dma_wait3A_345, %dma_wait3A_354, %dma_wait3A_355] : memref<4x80x128xf32, #tpu.memory_space<vmem>> -> memref<1x80x128xf32, #tpu.memory_space<vmem>>
    %dma_wait3A_357 = tpu.memref_squeeze %dma_wait3A_356 : memref<1x80x128xf32, #tpu.memory_space<vmem>> -> memref<80x128xf32, #tpu.memory_space<vmem>>
    tpu.wait_dma2 semaphore(%arg14 : memref<!tpu.dma_semaphore, #tpu.memory_space<semaphore_mem>>) src(%dma_wait3A_357 : memref<80x128xf32, #tpu.memory_space<vmem>>) dst(%dma_wait3A_353 : memref<80x128xf32, #tpu.memory_space<vmem_shared>>)
    %barrier3A = arith.constant 0 : index
    tpu.barrier barrier_id(%barrier3A)
    %scan3A = arith.constant 0 : i32
    %scan3A_358 = arith.constant 0 : i32
    %scan3A_359 = arith.constant 125 : i32
    %scan3A_360 = arith.addi %scan3A_358, %scan3A_359 : i32
    %scan3A_361 = arith.constant 1 : i32
    scf.for %scan3A_738 = %scan3A_358 to %scan3A_360 step %scan3A_361  : i32 {
      %ge3A = arith.constant 2 : i32
      %ge3A_739 = arith.cmpi sge, %scan3A_738, %ge3A : i32
      %convert_element_type3A = arith.extui %ge3A_739 : i1 to i32
      %cond3A = arith.constant 0 : i32
      %cond3A_740 = arith.cmpi ne, %convert_element_type3A, %cond3A : i32
      scf.if %cond3A_740 {
        %dma_wait3A_782 = arith.constant 0 : i32
        %dma_wait3A_783 = arith.constant 0 : i32
        %dma_wait3A_784 = arith.constant 0 : i32
        %dma_wait3A_785 = tpu.memref_slice %arg9[%dma_wait3A_782, %dma_wait3A_783, %dma_wait3A_784] : memref<4x80x128xf32, #tpu.memory_space<vmem>> -> memref<1x80x128xf32, #tpu.memory_space<vmem>>
        %dma_wait3A_786 = tpu.memref_squeeze %dma_wait3A_785 : memref<1x80x128xf32, #tpu.memory_space<vmem>> -> memref<80x128xf32, #tpu.memory_space<vmem>>
        %dma_wait3A_787 = arith.constant 0 : i32
        %dma_wait3A_788 = arith.constant 0 : i32
        %dma_wait3A_789 = tpu.memref_slice %arg10[%dma_wait3A_787, %dma_wait3A_788] : memref<10240x128xf32, #tpu.memory_space<vmem_shared>> -> memref<80x128xf32, #tpu.memory_space<vmem_shared>>
        %dma_wait3A_790 = arith.constant 0 : i32
        %dma_wait3A_791 = arith.constant 0 : i32
        %dma_wait3A_792 = tpu.memref_slice %arg10[%dma_wait3A_790, %dma_wait3A_791] : memref<10240x128xf32, #tpu.memory_space<vmem_shared>> -> memref<80x128xf32, #tpu.memory_space<vmem_shared>>
        %dma_wait3A_793 = arith.constant 0 : i32
        %dma_wait3A_794 = arith.constant 0 : i32
        %dma_wait3A_795 = tpu.memref_slice %arg9[%dma_wait3A_782, %dma_wait3A_793, %dma_wait3A_794] : memref<4x80x128xf32, #tpu.memory_space<vmem>> -> memref<1x80x128xf32, #tpu.memory_space<vmem>>
        %dma_wait3A_796 = tpu.memref_squeeze %dma_wait3A_795 : memref<1x80x128xf32, #tpu.memory_space<vmem>> -> memref<80x128xf32, #tpu.memory_space<vmem>>
        tpu.wait_dma2 semaphore(%arg13 : memref<!tpu.dma_semaphore, #tpu.memory_space<semaphore_mem>>) src(%dma_wait3A_796 : memref<80x128xf32, #tpu.memory_space<vmem>>) dst(%dma_wait3A_792 : memref<80x128xf32, #tpu.memory_space<vmem_shared>>)
      } else {
      }
      %add3A_741 = arith.constant 2 : i32
      %add3A_742 = arith.addi %scan3A_738, %add3A_741 : i32
      %lt3A = arith.constant 125 : i32
      %lt3A_743 = arith.cmpi slt, %add3A_742, %lt3A : i32
      %convert_element_type3A_744 = arith.extui %lt3A_743 : i1 to i32
      %cond3A_745 = arith.constant 0 : i32
      %cond3A_746 = arith.cmpi ne, %convert_element_type3A_744, %cond3A_745 : i32
      scf.if %cond3A_746 {
        %add3A_782 = arith.constant 2 : i32
        %add3A_783 = arith.addi %scan3A_738, %add3A_782 : i32
        %mul3A_784 = arith.constant 10000 : i32
        %mul3A_785 = arith.muli %add3A, %mul3A_784 : i32
        %mul3A_786 = arith.constant 80 : i32
        %mul3A_787 = arith.muli %add3A_783, %mul3A_786 : i32
        %add3A_788 = arith.addi %mul3A_785, %mul3A_787 : i32
        %multiple_of3A_789 = tpu.assume_multiple %add3A_788, 8 : i32
        %rem3A_790 = arith.constant 4 : i32
        %rem3A_791 = arith.remsi %add3A_783, %rem3A_790 : i32
        %dma_start3A_792 = arith.constant 0 : i32
        %dma_start3A_793 = tpu.memref_slice %arg7[%rem3A_791, %dma_start3A_792] : memref<4x80xi32, #tpu.memory_space<vmem>> -> memref<1x80xi32, #tpu.memory_space<vmem>>
        %dma_start3A_794 = tpu.memref_squeeze %dma_start3A_793 : memref<1x80xi32, #tpu.memory_space<vmem>> -> memref<80xi32, #tpu.memory_space<vmem>>
        %dma_start3A_795 = tpu.memref_slice %arg3[%multiple_of3A_789] : memref<320000xi32, #tpu.memory_space<hbm>> -> memref<80xi32, #tpu.memory_space<hbm>>
        %dma_start3A_796 = arith.constant 0 : i32
        %dma_start3A_797 = tpu.memref_slice %arg7[%rem3A_791, %dma_start3A_796] : memref<4x80xi32, #tpu.memory_space<vmem>> -> memref<1x80xi32, #tpu.memory_space<vmem>>
        %dma_start3A_798 = tpu.memref_squeeze %dma_start3A_797 : memref<1x80xi32, #tpu.memory_space<vmem>> -> memref<80xi32, #tpu.memory_space<vmem>>
        %dma_start3A_799 = tpu.memref_slice %arg3[%multiple_of3A_789] : memref<320000xi32, #tpu.memory_space<hbm>> -> memref<80xi32, #tpu.memory_space<hbm>>
        tpu.enqueue_dma source(%dma_start3A_799 : memref<80xi32, #tpu.memory_space<hbm>>) target(%dma_start3A_798 : memref<80xi32, #tpu.memory_space<vmem>>) target_semaphore(%arg11 : memref<!tpu.dma_semaphore, #tpu.memory_space<semaphore_mem>>)
        %dma_start3A_800 = arith.constant 0 : i32
        %dma_start3A_801 = tpu.memref_slice %arg8[%rem3A_791, %dma_start3A_800] : memref<4x80xi32, #tpu.memory_space<vmem>> -> memref<1x80xi32, #tpu.memory_space<vmem>>
        %dma_start3A_802 = tpu.memref_squeeze %dma_start3A_801 : memref<1x80xi32, #tpu.memory_space<vmem>> -> memref<80xi32, #tpu.memory_space<vmem>>
        %dma_start3A_803 = tpu.memref_slice %arg4[%multiple_of3A_789] : memref<320000xi32, #tpu.memory_space<hbm>> -> memref<80xi32, #tpu.memory_space<hbm>>
        %dma_start3A_804 = arith.constant 0 : i32
        %dma_start3A_805 = tpu.memref_slice %arg8[%rem3A_791, %dma_start3A_804] : memref<4x80xi32, #tpu.memory_space<vmem>> -> memref<1x80xi32, #tpu.memory_space<vmem>>
        %dma_start3A_806 = tpu.memref_squeeze %dma_start3A_805 : memref<1x80xi32, #tpu.memory_space<vmem>> -> memref<80xi32, #tpu.memory_space<vmem>>
        %dma_start3A_807 = tpu.memref_slice %arg4[%multiple_of3A_789] : memref<320000xi32, #tpu.memory_space<hbm>> -> memref<80xi32, #tpu.memory_space<hbm>>
        tpu.enqueue_dma source(%dma_start3A_807 : memref<80xi32, #tpu.memory_space<hbm>>) target(%dma_start3A_806 : memref<80xi32, #tpu.memory_space<vmem>>) target_semaphore(%arg11 : memref<!tpu.dma_semaphore, #tpu.memory_space<semaphore_mem>>)
      } else {
      }
      %add3A_747 = arith.constant 1 : i32
      %add3A_748 = arith.addi %scan3A_738, %add3A_747 : i32
      %lt3A_749 = arith.constant 125 : i32
      %lt3A_750 = arith.cmpi slt, %add3A_748, %lt3A_749 : i32
      %convert_element_type3A_751 = arith.extui %lt3A_750 : i1 to i32
      %cond3A_752 = arith.constant 0 : i32
      %cond3A_753 = arith.cmpi ne, %convert_element_type3A_751, %cond3A_752 : i32
      scf.if %cond3A_753 {
        %add3A_782 = arith.constant 1 : i32
        %add3A_783 = arith.addi %scan3A_738, %add3A_782 : i32
        %mul3A_784 = arith.constant 10000 : i32
        %mul3A_785 = arith.muli %add3A, %mul3A_784 : i32
        %mul3A_786 = arith.constant 80 : i32
        %mul3A_787 = arith.muli %add3A_783, %mul3A_786 : i32
        %add3A_788 = arith.addi %mul3A_785, %mul3A_787 : i32
        %multiple_of3A_789 = tpu.assume_multiple %add3A_788, 8 : i32
        %rem3A_790 = arith.constant 4 : i32
        %rem3A_791 = arith.remsi %add3A_783, %rem3A_790 : i32
        %dma_wait3A_792 = arith.constant 0 : i32
        %dma_wait3A_793 = tpu.memref_slice %arg7[%rem3A_791, %dma_wait3A_792] : memref<4x80xi32, #tpu.memory_space<vmem>> -> memref<1x80xi32, #tpu.memory_space<vmem>>
        %dma_wait3A_794 = tpu.memref_squeeze %dma_wait3A_793 : memref<1x80xi32, #tpu.memory_space<vmem>> -> memref<80xi32, #tpu.memory_space<vmem>>
        %dma_wait3A_795 = tpu.memref_slice %arg3[%multiple_of3A_789] : memref<320000xi32, #tpu.memory_space<hbm>> -> memref<80xi32, #tpu.memory_space<hbm>>
        %dma_wait3A_796 = arith.constant 0 : i32
        %dma_wait3A_797 = tpu.memref_slice %arg7[%rem3A_791, %dma_wait3A_796] : memref<4x80xi32, #tpu.memory_space<vmem>> -> memref<1x80xi32, #tpu.memory_space<vmem>>
        %dma_wait3A_798 = tpu.memref_squeeze %dma_wait3A_797 : memref<1x80xi32, #tpu.memory_space<vmem>> -> memref<80xi32, #tpu.memory_space<vmem>>
        %dma_wait3A_799 = tpu.memref_slice %arg3[%multiple_of3A_789] : memref<320000xi32, #tpu.memory_space<hbm>> -> memref<80xi32, #tpu.memory_space<hbm>>
        tpu.wait_dma2 semaphore(%arg11 : memref<!tpu.dma_semaphore, #tpu.memory_space<semaphore_mem>>) src(%dma_wait3A_799 : memref<80xi32, #tpu.memory_space<hbm>>) dst(%dma_wait3A_798 : memref<80xi32, #tpu.memory_space<vmem>>)
        %dma_wait3A_800 = arith.constant 0 : i32
        %dma_wait3A_801 = tpu.memref_slice %arg8[%rem3A_791, %dma_wait3A_800] : memref<4x80xi32, #tpu.memory_space<vmem>> -> memref<1x80xi32, #tpu.memory_space<vmem>>
        %dma_wait3A_802 = tpu.memref_squeeze %dma_wait3A_801 : memref<1x80xi32, #tpu.memory_space<vmem>> -> memref<80xi32, #tpu.memory_space<vmem>>
        %dma_wait3A_803 = tpu.memref_slice %arg4[%multiple_of3A_789] : memref<320000xi32, #tpu.memory_space<hbm>> -> memref<80xi32, #tpu.memory_space<hbm>>
        %dma_wait3A_804 = arith.constant 0 : i32
        %dma_wait3A_805 = tpu.memref_slice %arg8[%rem3A_791, %dma_wait3A_804] : memref<4x80xi32, #tpu.memory_space<vmem>> -> memref<1x80xi32, #tpu.memory_space<vmem>>
        %dma_wait3A_806 = tpu.memref_squeeze %dma_wait3A_805 : memref<1x80xi32, #tpu.memory_space<vmem>> -> memref<80xi32, #tpu.memory_space<vmem>>
        %dma_wait3A_807 = tpu.memref_slice %arg4[%multiple_of3A_789] : memref<320000xi32, #tpu.memory_space<hbm>> -> memref<80xi32, #tpu.memory_space<hbm>>
        tpu.wait_dma2 semaphore(%arg11 : memref<!tpu.dma_semaphore, #tpu.memory_space<semaphore_mem>>) src(%dma_wait3A_807 : memref<80xi32, #tpu.memory_space<hbm>>) dst(%dma_wait3A_806 : memref<80xi32, #tpu.memory_space<vmem>>)
        %add3A_808 = arith.constant 1 : i32
        %add3A_809 = arith.addi %scan3A_738, %add3A_808 : i32
        %rem3A_810 = arith.constant 4 : i32
        %rem3A_811 = arith.remsi %add3A_809, %rem3A_810 : i32
        %rem3A_812 = arith.constant 4 : i32
        %rem3A_813 = arith.remsi %add3A_809, %rem3A_812 : i32
        %dma_start3A_814 = arith.constant 0 : i32
        %dma_start3A_815 = arith.constant 0 : i32
        %dma_start3A_816 = tpu.memref_slice %arg9[%rem3A_813, %dma_start3A_814, %dma_start3A_815] : memref<4x80x128xf32, #tpu.memory_space<vmem>> -> memref<1x80x128xf32, #tpu.memory_space<vmem>>
        %dma_start3A_817 = tpu.memref_squeeze %dma_start3A_816 : memref<1x80x128xf32, #tpu.memory_space<vmem>> -> memref<80x128xf32, #tpu.memory_space<vmem>>
        %dma_start3A_818 = arith.constant 0 : i32
        %dma_start3A_819 = tpu.memref_slice %arg7[%rem3A_811, %dma_start3A_818] : memref<4x80xi32, #tpu.memory_space<vmem>> -> memref<1x80xi32, #tpu.memory_space<vmem>>
        %dma_start3A_820 = tpu.memref_squeeze %dma_start3A_819 : memref<1x80xi32, #tpu.memory_space<vmem>> -> memref<80xi32, #tpu.memory_space<vmem>>
        %dma_start3A_821 = arith.constant 0 : i32
        %dma_start3A_822 = arith.constant 0 : i32
        %dma_start3A_823 = tpu.memref_slice %arg2[%dma_start3A_821, %dma_start3A_822] : memref<10000x128xf32, #tpu.memory_space<hbm>> -> memref<10000x128xf32, #tpu.memory_space<hbm>>
        tpu.enqueue_indirect_dma source(%dma_start3A_823 : memref<10000x128xf32, #tpu.memory_space<hbm>>) target(%dma_start3A_817 : memref<80x128xf32, #tpu.memory_space<vmem>>) offsets(%dma_start3A_820 : memref<80xi32, #tpu.memory_space<vmem>>) semaphore(%arg12 : memref<!tpu.dma_semaphore, #tpu.memory_space<semaphore_mem>>)
      } else {
      }
      %rem3A_754 = arith.constant 4 : i32
      %rem3A_755 = arith.remsi %scan3A_738, %rem3A_754 : i32
      %rem3A_756 = arith.constant 4 : i32
      %rem3A_757 = arith.remsi %scan3A_738, %rem3A_756 : i32
      %dma_wait3A_758 = arith.constant 0 : i32
      %dma_wait3A_759 = arith.constant 0 : i32
      %dma_wait3A_760 = tpu.memref_slice %arg9[%rem3A_757, %dma_wait3A_758, %dma_wait3A_759] : memref<4x80x128xf32, #tpu.memory_space<vmem>> -> memref<1x80x128xf32, #tpu.memory_space<vmem>>
      %dma_wait3A_761 = tpu.memref_squeeze %dma_wait3A_760 : memref<1x80x128xf32, #tpu.memory_space<vmem>> -> memref<80x128xf32, #tpu.memory_space<vmem>>
      %dma_wait3A_762 = arith.constant 0 : i32
      %dma_wait3A_763 = tpu.memref_slice %arg7[%rem3A_755, %dma_wait3A_762] : memref<4x80xi32, #tpu.memory_space<vmem>> -> memref<1x80xi32, #tpu.memory_space<vmem>>
      %dma_wait3A_764 = tpu.memref_squeeze %dma_wait3A_763 : memref<1x80xi32, #tpu.memory_space<vmem>> -> memref<80xi32, #tpu.memory_space<vmem>>
      %dma_wait3A_765 = arith.constant 0 : i32
      %dma_wait3A_766 = arith.constant 0 : i32
      %dma_wait3A_767 = tpu.memref_slice %arg2[%dma_wait3A_765, %dma_wait3A_766] : memref<10000x128xf32, #tpu.memory_space<hbm>> -> memref<10000x128xf32, #tpu.memory_space<hbm>>
      tpu.wait_indirect_dma semaphore(%arg12 : memref<!tpu.dma_semaphore, #tpu.memory_space<semaphore_mem>>) src(%dma_wait3A_767 : memref<10000x128xf32, #tpu.memory_space<hbm>>) dst(%dma_wait3A_761 : memref<80x128xf32, #tpu.memory_space<vmem>>)
      %rem3A_768 = arith.constant 4 : i32
      %rem3A_769 = arith.remsi %scan3A_738, %rem3A_768 : i32
      %rem3A_770 = arith.constant 4 : i32
      %rem3A_771 = arith.remsi %scan3A_738, %rem3A_770 : i32
      %dma_start3A_772 = arith.constant 0 : i32
      %dma_start3A_773 = arith.constant 0 : i32
      %dma_start3A_774 = tpu.memref_slice %arg9[%rem3A_769, %dma_start3A_772, %dma_start3A_773] : memref<4x80x128xf32, #tpu.memory_space<vmem>> -> memref<1x80x128xf32, #tpu.memory_space<vmem>>
      %dma_start3A_775 = tpu.memref_squeeze %dma_start3A_774 : memref<1x80x128xf32, #tpu.memory_space<vmem>> -> memref<80x128xf32, #tpu.memory_space<vmem>>
      %dma_start3A_776 = arith.constant 0 : i32
      %dma_start3A_777 = tpu.memref_slice %arg8[%rem3A_771, %dma_start3A_776] : memref<4x80xi32, #tpu.memory_space<vmem>> -> memref<1x80xi32, #tpu.memory_space<vmem>>
      %dma_start3A_778 = tpu.memref_squeeze %dma_start3A_777 : memref<1x80xi32, #tpu.memory_space<vmem>> -> memref<80xi32, #tpu.memory_space<vmem>>
      %dma_start3A_779 = arith.constant 0 : i32
      %dma_start3A_780 = arith.constant 0 : i32
      %dma_start3A_781 = tpu.memref_slice %arg10[%dma_start3A_779, %dma_start3A_780] : memref<10240x128xf32, #tpu.memory_space<vmem_shared>> -> memref<10240x128xf32, #tpu.memory_space<vmem_shared>>
      tpu.enqueue_indirect_dma source(%dma_start3A_775 : memref<80x128xf32, #tpu.memory_space<vmem>>) target(%dma_start3A_781 : memref<10240x128xf32, #tpu.memory_space<vmem_shared>>) offsets(%dma_start3A_778 : memref<80xi32, #tpu.memory_space<vmem>>) semaphore(%arg13 : memref<!tpu.dma_semaphore, #tpu.memory_space<semaphore_mem>>) {add = true}
    }
    %scan3A_362 = arith.constant 125 : i32
    %dma_wait3A_363 = arith.constant 0 : i32
    %dma_wait3A_364 = arith.constant 0 : i32
    %dma_wait3A_365 = arith.constant 0 : i32
    %dma_wait3A_366 = tpu.memref_slice %arg9[%dma_wait3A_363, %dma_wait3A_364, %dma_wait3A_365] : memref<4x80x128xf32, #tpu.memory_space<vmem>> -> memref<1x80x128xf32, #tpu.memory_space<vmem>>
    %dma_wait3A_367 = tpu.memref_squeeze %dma_wait3A_366 : memref<1x80x128xf32, #tpu.memory_space<vmem>> -> memref<80x128xf32, #tpu.memory_space<vmem>>
    %dma_wait3A_368 = arith.constant 0 : i32
    %dma_wait3A_369 = arith.constant 0 : i32
    %dma_wait3A_370 = tpu.memref_slice %arg10[%dma_wait3A_368, %dma_wait3A_369] : memref<10240x128xf32, #tpu.memory_space<vmem_shared>> -> memref<80x128xf32, #tpu.memory_space<vmem_shared>>
    %dma_wait3A_371 = arith.constant 0 : i32
    %dma_wait3A_372 = arith.constant 0 : i32
    %dma_wait3A_373 = tpu.memref_slice %arg10[%dma_wait3A_371, %dma_wait3A_372] : memref<10240x128xf32, #tpu.memory_space<vmem_shared>> -> memref<80x128xf32, #tpu.memory_space<vmem_shared>>
    %dma_wait3A_374 = arith.constant 0 : i32
    %dma_wait3A_375 = arith.constant 0 : i32
    %dma_wait3A_376 = tpu.memref_slice %arg9[%dma_wait3A_363, %dma_wait3A_374, %dma_wait3A_375] : memref<4x80x128xf32, #tpu.memory_space<vmem>> -> memref<1x80x128xf32, #tpu.memory_space<vmem>>
    %dma_wait3A_377 = tpu.memref_squeeze %dma_wait3A_376 : memref<1x80x128xf32, #tpu.memory_space<vmem>> -> memref<80x128xf32, #tpu.memory_space<vmem>>
    tpu.wait_dma2 semaphore(%arg13 : memref<!tpu.dma_semaphore, #tpu.memory_space<semaphore_mem>>) src(%dma_wait3A_377 : memref<80x128xf32, #tpu.memory_space<vmem>>) dst(%dma_wait3A_373 : memref<80x128xf32, #tpu.memory_space<vmem_shared>>)
    %dma_wait3A_378 = arith.constant 0 : i32
    %dma_wait3A_379 = arith.constant 0 : i32
    %dma_wait3A_380 = arith.constant 0 : i32
    %dma_wait3A_381 = tpu.memref_slice %arg9[%dma_wait3A_378, %dma_wait3A_379, %dma_wait3A_380] : memref<4x80x128xf32, #tpu.memory_space<vmem>> -> memref<1x80x128xf32, #tpu.memory_space<vmem>>
    %dma_wait3A_382 = tpu.memref_squeeze %dma_wait3A_381 : memref<1x80x128xf32, #tpu.memory_space<vmem>> -> memref<80x128xf32, #tpu.memory_space<vmem>>
    %dma_wait3A_383 = arith.constant 0 : i32
    %dma_wait3A_384 = arith.constant 0 : i32
    %dma_wait3A_385 = tpu.memref_slice %arg10[%dma_wait3A_383, %dma_wait3A_384] : memref<10240x128xf32, #tpu.memory_space<vmem_shared>> -> memref<80x128xf32, #tpu.memory_space<vmem_shared>>
    %dma_wait3A_386 = arith.constant 0 : i32
    %dma_wait3A_387 = arith.constant 0 : i32
    %dma_wait3A_388 = tpu.memref_slice %arg10[%dma_wait3A_386, %dma_wait3A_387] : memref<10240x128xf32, #tpu.memory_space<vmem_shared>> -> memref<80x128xf32, #tpu.memory_space<vmem_shared>>
    %dma_wait3A_389 = arith.constant 0 : i32
    %dma_wait3A_390 = arith.constant 0 : i32
    %dma_wait3A_391 = tpu.memref_slice %arg9[%dma_wait3A_378, %dma_wait3A_389, %dma_wait3A_390] : memref<4x80x128xf32, #tpu.memory_space<vmem>> -> memref<1x80x128xf32, #tpu.memory_space<vmem>>
    %dma_wait3A_392 = tpu.memref_squeeze %dma_wait3A_391 : memref<1x80x128xf32, #tpu.memory_space<vmem>> -> memref<80x128xf32, #tpu.memory_space<vmem>>
    tpu.wait_dma2 semaphore(%arg13 : memref<!tpu.dma_semaphore, #tpu.memory_space<semaphore_mem>>) src(%dma_wait3A_392 : memref<80x128xf32, #tpu.memory_space<vmem>>) dst(%dma_wait3A_388 : memref<80x128xf32, #tpu.memory_space<vmem_shared>>)
    %barrier3A_393 = arith.constant 0 : index
    tpu.barrier barrier_id(%barrier3A_393)
    %mul3A_394 = arith.constant 640 : i32
    %mul3A_395 = arith.muli %arg1, %mul3A_394 : i32
    %add3A_396 = arith.constant 0 : i32
    %add3A_397 = arith.addi %mul3A_395, %add3A_396 : i32
    %run_scoped3A_398 = arith.constant 0 : i32
    "tpu.region"() ({
      %run_scoped3A_738 = tpu.sem_alloc : memref<!tpu.dma_semaphore, #tpu.memory_space<semaphore_mem>>
      %dma_start3A_739 = arith.constant 0 : i32
      %dma_start3A_740 = arith.constant 0 : i32
      %dma_start3A_741 = tpu.memref_slice %arg9[%run_scoped3A_398, %dma_start3A_739, %dma_start3A_740] : memref<4x80x128xf32, #tpu.memory_space<vmem>> -> memref<1x80x128xf32, #tpu.memory_space<vmem>>
      %dma_start3A_742 = tpu.memref_squeeze %dma_start3A_741 : memref<1x80x128xf32, #tpu.memory_space<vmem>> -> memref<80x128xf32, #tpu.memory_space<vmem>>
      %dma_start3A_743 = arith.constant 0 : i32
      %dma_start3A_744 = tpu.memref_slice %arg10[%add3A_397, %dma_start3A_743] : memref<10240x128xf32, #tpu.memory_space<vmem_shared>> -> memref<80x128xf32, #tpu.memory_space<vmem_shared>>
      %dma_start3A_745 = arith.constant 0 : i32
      %dma_start3A_746 = arith.constant 0 : i32
      %dma_start3A_747 = tpu.memref_slice %arg9[%run_scoped3A_398, %dma_start3A_745, %dma_start3A_746] : memref<4x80x128xf32, #tpu.memory_space<vmem>> -> memref<1x80x128xf32, #tpu.memory_space<vmem>>
      %dma_start3A_748 = tpu.memref_squeeze %dma_start3A_747 : memref<1x80x128xf32, #tpu.memory_space<vmem>> -> memref<80x128xf32, #tpu.memory_space<vmem>>
      %dma_start3A_749 = arith.constant 0 : i32
      %dma_start3A_750 = tpu.memref_slice %arg10[%add3A_397, %dma_start3A_749] : memref<10240x128xf32, #tpu.memory_space<vmem_shared>> -> memref<80x128xf32, #tpu.memory_space<vmem_shared>>
      tpu.enqueue_dma source(%dma_start3A_750 : memref<80x128xf32, #tpu.memory_space<vmem_shared>>) target(%dma_start3A_748 : memref<80x128xf32, #tpu.memory_space<vmem>>) target_semaphore(%run_scoped3A_738 : memref<!tpu.dma_semaphore, #tpu.memory_space<semaphore_mem>>)
      %dma_wait3A_751 = arith.constant 0 : i32
      %dma_wait3A_752 = arith.constant 0 : i32
      %dma_wait3A_753 = tpu.memref_slice %arg9[%run_scoped3A_398, %dma_wait3A_751, %dma_wait3A_752] : memref<4x80x128xf32, #tpu.memory_space<vmem>> -> memref<1x80x128xf32, #tpu.memory_space<vmem>>
      %dma_wait3A_754 = tpu.memref_squeeze %dma_wait3A_753 : memref<1x80x128xf32, #tpu.memory_space<vmem>> -> memref<80x128xf32, #tpu.memory_space<vmem>>
      %dma_wait3A_755 = arith.constant 0 : i32
      %dma_wait3A_756 = tpu.memref_slice %arg10[%add3A_397, %dma_wait3A_755] : memref<10240x128xf32, #tpu.memory_space<vmem_shared>> -> memref<80x128xf32, #tpu.memory_space<vmem_shared>>
      %dma_wait3A_757 = arith.constant 0 : i32
      %dma_wait3A_758 = arith.constant 0 : i32
      %dma_wait3A_759 = tpu.memref_slice %arg9[%run_scoped3A_398, %dma_wait3A_757, %dma_wait3A_758] : memref<4x80x128xf32, #tpu.memory_space<vmem>> -> memref<1x80x128xf32, #tpu.memory_space<vmem>>
      %dma_wait3A_760 = tpu.memref_squeeze %dma_wait3A_759 : memref<1x80x128xf32, #tpu.memory_space<vmem>> -> memref<80x128xf32, #tpu.memory_space<vmem>>
      %dma_wait3A_761 = arith.constant 0 : i32
      %dma_wait3A_762 = tpu.memref_slice %arg10[%add3A_397, %dma_wait3A_761] : memref<10240x128xf32, #tpu.memory_space<vmem_shared>> -> memref<80x128xf32, #tpu.memory_space<vmem_shared>>
      tpu.wait_dma2 semaphore(%run_scoped3A_738 : memref<!tpu.dma_semaphore, #tpu.memory_space<semaphore_mem>>) src(%dma_wait3A_762 : memref<80x128xf32, #tpu.memory_space<vmem_shared>>) dst(%dma_wait3A_760 : memref<80x128xf32, #tpu.memory_space<vmem>>)
      tpu.yield
    }) : () -> ()
    %mul3A_399 = arith.constant 640 : i32
    %mul3A_400 = arith.muli %arg1, %mul3A_399 : i32
    %add3A_401 = arith.constant 0 : i32
    %add3A_402 = arith.addi %mul3A_400, %add3A_401 : i32
    %dma_start3A_403 = arith.constant 0 : i32
    %dma_start3A_404 = arith.constant 0 : i32
    %dma_start3A_405 = arith.constant 0 : i32
    %dma_start3A_406 = tpu.memref_slice %arg9[%dma_start3A_403, %dma_start3A_404, %dma_start3A_405] : memref<4x80x128xf32, #tpu.memory_space<vmem>> -> memref<1x80x128xf32, #tpu.memory_space<vmem>>
    %dma_start3A_407 = tpu.memref_squeeze %dma_start3A_406 : memref<1x80x128xf32, #tpu.memory_space<vmem>> -> memref<80x128xf32, #tpu.memory_space<vmem>>
    %dma_start3A_408 = arith.constant 0 : i32
    %dma_start3A_409 = tpu.memref_slice %arg6[%arg0, %add3A_402, %dma_start3A_408] : memref<2x10240x128xf32, #tpu.memory_space<hbm>> -> memref<1x80x128xf32, #tpu.memory_space<hbm>>
    %dma_start3A_410 = tpu.memref_squeeze %dma_start3A_409 : memref<1x80x128xf32, #tpu.memory_space<hbm>> -> memref<80x128xf32, #tpu.memory_space<hbm>>
    %dma_start3A_411 = arith.constant 0 : i32
    %dma_start3A_412 = tpu.memref_slice %arg6[%arg0, %add3A_402, %dma_start3A_411] : memref<2x10240x128xf32, #tpu.memory_space<hbm>> -> memref<1x80x128xf32, #tpu.memory_space<hbm>>
    %dma_start3A_413 = tpu.memref_squeeze %dma_start3A_412 : memref<1x80x128xf32, #tpu.memory_space<hbm>> -> memref<80x128xf32, #tpu.memory_space<hbm>>
    %dma_start3A_414 = arith.constant 0 : i32
    %dma_start3A_415 = arith.constant 0 : i32
    %dma_start3A_416 = tpu.memref_slice %arg9[%dma_start3A_403, %dma_start3A_414, %dma_start3A_415] : memref<4x80x128xf32, #tpu.memory_space<vmem>> -> memref<1x80x128xf32, #tpu.memory_space<vmem>>
    %dma_start3A_417 = tpu.memref_squeeze %dma_start3A_416 : memref<1x80x128xf32, #tpu.memory_space<vmem>> -> memref<80x128xf32, #tpu.memory_space<vmem>>
    tpu.enqueue_dma source(%dma_start3A_417 : memref<80x128xf32, #tpu.memory_space<vmem>>) target(%dma_start3A_413 : memref<80x128xf32, #tpu.memory_space<hbm>>) target_semaphore(%arg14 : memref<!tpu.dma_semaphore, #tpu.memory_space<semaphore_mem>>)
    %mul3A_418 = arith.constant 640 : i32
    %mul3A_419 = arith.muli %arg1, %mul3A_418 : i32
    %add3A_420 = arith.constant 80 : i32
    %add3A_421 = arith.addi %mul3A_419, %add3A_420 : i32
    %run_scoped3A_422 = arith.constant 1 : i32
    "tpu.region"() ({
      %run_scoped3A_738 = tpu.sem_alloc : memref<!tpu.dma_semaphore, #tpu.memory_space<semaphore_mem>>
      %dma_start3A_739 = arith.constant 0 : i32
      %dma_start3A_740 = arith.constant 0 : i32
      %dma_start3A_741 = tpu.memref_slice %arg9[%run_scoped3A_422, %dma_start3A_739, %dma_start3A_740] : memref<4x80x128xf32, #tpu.memory_space<vmem>> -> memref<1x80x128xf32, #tpu.memory_space<vmem>>
      %dma_start3A_742 = tpu.memref_squeeze %dma_start3A_741 : memref<1x80x128xf32, #tpu.memory_space<vmem>> -> memref<80x128xf32, #tpu.memory_space<vmem>>
      %dma_start3A_743 = arith.constant 0 : i32
      %dma_start3A_744 = tpu.memref_slice %arg10[%add3A_421, %dma_start3A_743] : memref<10240x128xf32, #tpu.memory_space<vmem_shared>> -> memref<80x128xf32, #tpu.memory_space<vmem_shared>>
      %dma_start3A_745 = arith.constant 0 : i32
      %dma_start3A_746 = arith.constant 0 : i32
      %dma_start3A_747 = tpu.memref_slice %arg9[%run_scoped3A_422, %dma_start3A_745, %dma_start3A_746] : memref<4x80x128xf32, #tpu.memory_space<vmem>> -> memref<1x80x128xf32, #tpu.memory_space<vmem>>
      %dma_start3A_748 = tpu.memref_squeeze %dma_start3A_747 : memref<1x80x128xf32, #tpu.memory_space<vmem>> -> memref<80x128xf32, #tpu.memory_space<vmem>>
      %dma_start3A_749 = arith.constant 0 : i32
      %dma_start3A_750 = tpu.memref_slice %arg10[%add3A_421, %dma_start3A_749] : memref<10240x128xf32, #tpu.memory_space<vmem_shared>> -> memref<80x128xf32, #tpu.memory_space<vmem_shared>>
      tpu.enqueue_dma source(%dma_start3A_750 : memref<80x128xf32, #tpu.memory_space<vmem_shared>>) target(%dma_start3A_748 : memref<80x128xf32, #tpu.memory_space<vmem>>) target_semaphore(%run_scoped3A_738 : memref<!tpu.dma_semaphore, #tpu.memory_space<semaphore_mem>>)
      %dma_wait3A_751 = arith.constant 0 : i32
      %dma_wait3A_752 = arith.constant 0 : i32
      %dma_wait3A_753 = tpu.memref_slice %arg9[%run_scoped3A_422, %dma_wait3A_751, %dma_wait3A_752] : memref<4x80x128xf32, #tpu.memory_space<vmem>> -> memref<1x80x128xf32, #tpu.memory_space<vmem>>
      %dma_wait3A_754 = tpu.memref_squeeze %dma_wait3A_753 : memref<1x80x128xf32, #tpu.memory_space<vmem>> -> memref<80x128xf32, #tpu.memory_space<vmem>>
      %dma_wait3A_755 = arith.constant 0 : i32
      %dma_wait3A_756 = tpu.memref_slice %arg10[%add3A_421, %dma_wait3A_755] : memref<10240x128xf32, #tpu.memory_space<vmem_shared>> -> memref<80x128xf32, #tpu.memory_space<vmem_shared>>
      %dma_wait3A_757 = arith.constant 0 : i32
      %dma_wait3A_758 = arith.constant 0 : i32
      %dma_wait3A_759 = tpu.memref_slice %arg9[%run_scoped3A_422, %dma_wait3A_757, %dma_wait3A_758] : memref<4x80x128xf32, #tpu.memory_space<vmem>> -> memref<1x80x128xf32, #tpu.memory_space<vmem>>
      %dma_wait3A_760 = tpu.memref_squeeze %dma_wait3A_759 : memref<1x80x128xf32, #tpu.memory_space<vmem>> -> memref<80x128xf32, #tpu.memory_space<vmem>>
      %dma_wait3A_761 = arith.constant 0 : i32
      %dma_wait3A_762 = tpu.memref_slice %arg10[%add3A_421, %dma_wait3A_761] : memref<10240x128xf32, #tpu.memory_space<vmem_shared>> -> memref<80x128xf32, #tpu.memory_space<vmem_shared>>
      tpu.wait_dma2 semaphore(%run_scoped3A_738 : memref<!tpu.dma_semaphore, #tpu.memory_space<semaphore_mem>>) src(%dma_wait3A_762 : memref<80x128xf32, #tpu.memory_space<vmem_shared>>) dst(%dma_wait3A_760 : memref<80x128xf32, #tpu.memory_space<vmem>>)
      tpu.yield
    }) : () -> ()
    %mul3A_423 = arith.constant 640 : i32
    %mul3A_424 = arith.muli %arg1, %mul3A_423 : i32
    %add3A_425 = arith.constant 80 : i32
    %add3A_426 = arith.addi %mul3A_424, %add3A_425 : i32
    %dma_start3A_427 = arith.constant 1 : i32
    %dma_start3A_428 = arith.constant 0 : i32
    %dma_start3A_429 = arith.constant 0 : i32
    %dma_start3A_430 = tpu.memref_slice %arg9[%dma_start3A_427, %dma_start3A_428, %dma_start3A_429] : memref<4x80x128xf32, #tpu.memory_space<vmem>> -> memref<1x80x128xf32, #tpu.memory_space<vmem>>
    %dma_start3A_431 = tpu.memref_squeeze %dma_start3A_430 : memref<1x80x128xf32, #tpu.memory_space<vmem>> -> memref<80x128xf32, #tpu.memory_space<vmem>>
    %dma_start3A_432 = arith.constant 0 : i32
    %dma_start3A_433 = tpu.memref_slice %arg6[%arg0, %add3A_426, %dma_start3A_432] : memref<2x10240x128xf32, #tpu.memory_space<hbm>> -> memref<1x80x128xf32, #tpu.memory_space<hbm>>
    %dma_start3A_434 = tpu.memref_squeeze %dma_start3A_433 : memref<1x80x128xf32, #tpu.memory_space<hbm>> -> memref<80x128xf32, #tpu.memory_space<hbm>>
    %dma_start3A_435 = arith.constant 0 : i32
    %dma_start3A_436 = tpu.memref_slice %arg6[%arg0, %add3A_426, %dma_start3A_435] : memref<2x10240x128xf32, #tpu.memory_space<hbm>> -> memref<1x80x128xf32, #tpu.memory_space<hbm>>
    %dma_start3A_437 = tpu.memref_squeeze %dma_start3A_436 : memref<1x80x128xf32, #tpu.memory_space<hbm>> -> memref<80x128xf32, #tpu.memory_space<hbm>>
    %dma_start3A_438 = arith.constant 0 : i32
    %dma_start3A_439 = arith.constant 0 : i32
    %dma_start3A_440 = tpu.memref_slice %arg9[%dma_start3A_427, %dma_start3A_438, %dma_start3A_439] : memref<4x80x128xf32, #tpu.memory_space<vmem>> -> memref<1x80x128xf32, #tpu.memory_space<vmem>>
    %dma_start3A_441 = tpu.memref_squeeze %dma_start3A_440 : memref<1x80x128xf32, #tpu.memory_space<vmem>> -> memref<80x128xf32, #tpu.memory_space<vmem>>
    tpu.enqueue_dma source(%dma_start3A_441 : memref<80x128xf32, #tpu.memory_space<vmem>>) target(%dma_start3A_437 : memref<80x128xf32, #tpu.memory_space<hbm>>) target_semaphore(%arg14 : memref<!tpu.dma_semaphore, #tpu.memory_space<semaphore_mem>>)
    %mul3A_442 = arith.constant 640 : i32
    %mul3A_443 = arith.muli %arg1, %mul3A_442 : i32
    %add3A_444 = arith.constant 160 : i32
    %add3A_445 = arith.addi %mul3A_443, %add3A_444 : i32
    %run_scoped3A_446 = arith.constant 2 : i32
    "tpu.region"() ({
      %run_scoped3A_738 = tpu.sem_alloc : memref<!tpu.dma_semaphore, #tpu.memory_space<semaphore_mem>>
      %dma_start3A_739 = arith.constant 0 : i32
      %dma_start3A_740 = arith.constant 0 : i32
      %dma_start3A_741 = tpu.memref_slice %arg9[%run_scoped3A_446, %dma_start3A_739, %dma_start3A_740] : memref<4x80x128xf32, #tpu.memory_space<vmem>> -> memref<1x80x128xf32, #tpu.memory_space<vmem>>
      %dma_start3A_742 = tpu.memref_squeeze %dma_start3A_741 : memref<1x80x128xf32, #tpu.memory_space<vmem>> -> memref<80x128xf32, #tpu.memory_space<vmem>>
      %dma_start3A_743 = arith.constant 0 : i32
      %dma_start3A_744 = tpu.memref_slice %arg10[%add3A_445, %dma_start3A_743] : memref<10240x128xf32, #tpu.memory_space<vmem_shared>> -> memref<80x128xf32, #tpu.memory_space<vmem_shared>>
      %dma_start3A_745 = arith.constant 0 : i32
      %dma_start3A_746 = arith.constant 0 : i32
      %dma_start3A_747 = tpu.memref_slice %arg9[%run_scoped3A_446, %dma_start3A_745, %dma_start3A_746] : memref<4x80x128xf32, #tpu.memory_space<vmem>> -> memref<1x80x128xf32, #tpu.memory_space<vmem>>
      %dma_start3A_748 = tpu.memref_squeeze %dma_start3A_747 : memref<1x80x128xf32, #tpu.memory_space<vmem>> -> memref<80x128xf32, #tpu.memory_space<vmem>>
      %dma_start3A_749 = arith.constant 0 : i32
      %dma_start3A_750 = tpu.memref_slice %arg10[%add3A_445, %dma_start3A_749] : memref<10240x128xf32, #tpu.memory_space<vmem_shared>> -> memref<80x128xf32, #tpu.memory_space<vmem_shared>>
      tpu.enqueue_dma source(%dma_start3A_750 : memref<80x128xf32, #tpu.memory_space<vmem_shared>>) target(%dma_start3A_748 : memref<80x128xf32, #tpu.memory_space<vmem>>) target_semaphore(%run_scoped3A_738 : memref<!tpu.dma_semaphore, #tpu.memory_space<semaphore_mem>>)
      %dma_wait3A_751 = arith.constant 0 : i32
      %dma_wait3A_752 = arith.constant 0 : i32
      %dma_wait3A_753 = tpu.memref_slice %arg9[%run_scoped3A_446, %dma_wait3A_751, %dma_wait3A_752] : memref<4x80x128xf32, #tpu.memory_space<vmem>> -> memref<1x80x128xf32, #tpu.memory_space<vmem>>
      %dma_wait3A_754 = tpu.memref_squeeze %dma_wait3A_753 : memref<1x80x128xf32, #tpu.memory_space<vmem>> -> memref<80x128xf32, #tpu.memory_space<vmem>>
      %dma_wait3A_755 = arith.constant 0 : i32
      %dma_wait3A_756 = tpu.memref_slice %arg10[%add3A_445, %dma_wait3A_755] : memref<10240x128xf32, #tpu.memory_space<vmem_shared>> -> memref<80x128xf32, #tpu.memory_space<vmem_shared>>
      %dma_wait3A_757 = arith.constant 0 : i32
      %dma_wait3A_758 = arith.constant 0 : i32
      %dma_wait3A_759 = tpu.memref_slice %arg9[%run_scoped3A_446, %dma_wait3A_757, %dma_wait3A_758] : memref<4x80x128xf32, #tpu.memory_space<vmem>> -> memref<1x80x128xf32, #tpu.memory_space<vmem>>
      %dma_wait3A_760 = tpu.memref_squeeze %dma_wait3A_759 : memref<1x80x128xf32, #tpu.memory_space<vmem>> -> memref<80x128xf32, #tpu.memory_space<vmem>>
      %dma_wait3A_761 = arith.constant 0 : i32
      %dma_wait3A_762 = tpu.memref_slice %arg10[%add3A_445, %dma_wait3A_761] : memref<10240x128xf32, #tpu.memory_space<vmem_shared>> -> memref<80x128xf32, #tpu.memory_space<vmem_shared>>
      tpu.wait_dma2 semaphore(%run_scoped3A_738 : memref<!tpu.dma_semaphore, #tpu.memory_space<semaphore_mem>>) src(%dma_wait3A_762 : memref<80x128xf32, #tpu.memory_space<vmem_shared>>) dst(%dma_wait3A_760 : memref<80x128xf32, #tpu.memory_space<vmem>>)
      tpu.yield
    }) : () -> ()
    %mul3A_447 = arith.constant 640 : i32
    %mul3A_448 = arith.muli %arg1, %mul3A_447 : i32
    %add3A_449 = arith.constant 160 : i32
    %add3A_450 = arith.addi %mul3A_448, %add3A_449 : i32
    %dma_start3A_451 = arith.constant 2 : i32
    %dma_start3A_452 = arith.constant 0 : i32
    %dma_start3A_453 = arith.constant 0 : i32
    %dma_start3A_454 = tpu.memref_slice %arg9[%dma_start3A_451, %dma_start3A_452, %dma_start3A_453] : memref<4x80x128xf32, #tpu.memory_space<vmem>> -> memref<1x80x128xf32, #tpu.memory_space<vmem>>
    %dma_start3A_455 = tpu.memref_squeeze %dma_start3A_454 : memref<1x80x128xf32, #tpu.memory_space<vmem>> -> memref<80x128xf32, #tpu.memory_space<vmem>>
    %dma_start3A_456 = arith.constant 0 : i32
    %dma_start3A_457 = tpu.memref_slice %arg6[%arg0, %add3A_450, %dma_start3A_456] : memref<2x10240x128xf32, #tpu.memory_space<hbm>> -> memref<1x80x128xf32, #tpu.memory_space<hbm>>
    %dma_start3A_458 = tpu.memref_squeeze %dma_start3A_457 : memref<1x80x128xf32, #tpu.memory_space<hbm>> -> memref<80x128xf32, #tpu.memory_space<hbm>>
    %dma_start3A_459 = arith.constant 0 : i32
    %dma_start3A_460 = tpu.memref_slice %arg6[%arg0, %add3A_450, %dma_start3A_459] : memref<2x10240x128xf32, #tpu.memory_space<hbm>> -> memref<1x80x128xf32, #tpu.memory_space<hbm>>
    %dma_start3A_461 = tpu.memref_squeeze %dma_start3A_460 : memref<1x80x128xf32, #tpu.memory_space<hbm>> -> memref<80x128xf32, #tpu.memory_space<hbm>>
    %dma_start3A_462 = arith.constant 0 : i32
    %dma_start3A_463 = arith.constant 0 : i32
    %dma_start3A_464 = tpu.memref_slice %arg9[%dma_start3A_451, %dma_start3A_462, %dma_start3A_463] : memref<4x80x128xf32, #tpu.memory_space<vmem>> -> memref<1x80x128xf32, #tpu.memory_space<vmem>>
    %dma_start3A_465 = tpu.memref_squeeze %dma_start3A_464 : memref<1x80x128xf32, #tpu.memory_space<vmem>> -> memref<80x128xf32, #tpu.memory_space<vmem>>
    tpu.enqueue_dma source(%dma_start3A_465 : memref<80x128xf32, #tpu.memory_space<vmem>>) target(%dma_start3A_461 : memref<80x128xf32, #tpu.memory_space<hbm>>) target_semaphore(%arg14 : memref<!tpu.dma_semaphore, #tpu.memory_space<semaphore_mem>>)
    %mul3A_466 = arith.constant 640 : i32
    %mul3A_467 = arith.muli %arg1, %mul3A_466 : i32
    %add3A_468 = arith.constant 240 : i32
    %add3A_469 = arith.addi %mul3A_467, %add3A_468 : i32
    %run_scoped3A_470 = arith.constant 3 : i32
    "tpu.region"() ({
      %run_scoped3A_738 = tpu.sem_alloc : memref<!tpu.dma_semaphore, #tpu.memory_space<semaphore_mem>>
      %dma_start3A_739 = arith.constant 0 : i32
      %dma_start3A_740 = arith.constant 0 : i32
      %dma_start3A_741 = tpu.memref_slice %arg9[%run_scoped3A_470, %dma_start3A_739, %dma_start3A_740] : memref<4x80x128xf32, #tpu.memory_space<vmem>> -> memref<1x80x128xf32, #tpu.memory_space<vmem>>
      %dma_start3A_742 = tpu.memref_squeeze %dma_start3A_741 : memref<1x80x128xf32, #tpu.memory_space<vmem>> -> memref<80x128xf32, #tpu.memory_space<vmem>>
      %dma_start3A_743 = arith.constant 0 : i32
      %dma_start3A_744 = tpu.memref_slice %arg10[%add3A_469, %dma_start3A_743] : memref<10240x128xf32, #tpu.memory_space<vmem_shared>> -> memref<80x128xf32, #tpu.memory_space<vmem_shared>>
      %dma_start3A_745 = arith.constant 0 : i32
      %dma_start3A_746 = arith.constant 0 : i32
      %dma_start3A_747 = tpu.memref_slice %arg9[%run_scoped3A_470, %dma_start3A_745, %dma_start3A_746] : memref<4x80x128xf32, #tpu.memory_space<vmem>> -> memref<1x80x128xf32, #tpu.memory_space<vmem>>
      %dma_start3A_748 = tpu.memref_squeeze %dma_start3A_747 : memref<1x80x128xf32, #tpu.memory_space<vmem>> -> memref<80x128xf32, #tpu.memory_space<vmem>>
      %dma_start3A_749 = arith.constant 0 : i32
      %dma_start3A_750 = tpu.memref_slice %arg10[%add3A_469, %dma_start3A_749] : memref<10240x128xf32, #tpu.memory_space<vmem_shared>> -> memref<80x128xf32, #tpu.memory_space<vmem_shared>>
      tpu.enqueue_dma source(%dma_start3A_750 : memref<80x128xf32, #tpu.memory_space<vmem_shared>>) target(%dma_start3A_748 : memref<80x128xf32, #tpu.memory_space<vmem>>) target_semaphore(%run_scoped3A_738 : memref<!tpu.dma_semaphore, #tpu.memory_space<semaphore_mem>>)
      %dma_wait3A_751 = arith.constant 0 : i32
      %dma_wait3A_752 = arith.constant 0 : i32
      %dma_wait3A_753 = tpu.memref_slice %arg9[%run_scoped3A_470, %dma_wait3A_751, %dma_wait3A_752] : memref<4x80x128xf32, #tpu.memory_space<vmem>> -> memref<1x80x128xf32, #tpu.memory_space<vmem>>
      %dma_wait3A_754 = tpu.memref_squeeze %dma_wait3A_753 : memref<1x80x128xf32, #tpu.memory_space<vmem>> -> memref<80x128xf32, #tpu.memory_space<vmem>>
      %dma_wait3A_755 = arith.constant 0 : i32
      %dma_wait3A_756 = tpu.memref_slice %arg10[%add3A_469, %dma_wait3A_755] : memref<10240x128xf32, #tpu.memory_space<vmem_shared>> -> memref<80x128xf32, #tpu.memory_space<vmem_shared>>
      %dma_wait3A_757 = arith.constant 0 : i32
      %dma_wait3A_758 = arith.constant 0 : i32
      %dma_wait3A_759 = tpu.memref_slice %arg9[%run_scoped3A_470, %dma_wait3A_757, %dma_wait3A_758] : memref<4x80x128xf32, #tpu.memory_space<vmem>> -> memref<1x80x128xf32, #tpu.memory_space<vmem>>
      %dma_wait3A_760 = tpu.memref_squeeze %dma_wait3A_759 : memref<1x80x128xf32, #tpu.memory_space<vmem>> -> memref<80x128xf32, #tpu.memory_space<vmem>>
      %dma_wait3A_761 = arith.constant 0 : i32
      %dma_wait3A_762 = tpu.memref_slice %arg10[%add3A_469, %dma_wait3A_761] : memref<10240x128xf32, #tpu.memory_space<vmem_shared>> -> memref<80x128xf32, #tpu.memory_space<vmem_shared>>
      tpu.wait_dma2 semaphore(%run_scoped3A_738 : memref<!tpu.dma_semaphore, #tpu.memory_space<semaphore_mem>>) src(%dma_wait3A_762 : memref<80x128xf32, #tpu.memory_space<vmem_shared>>) dst(%dma_wait3A_760 : memref<80x128xf32, #tpu.memory_space<vmem>>)
      tpu.yield
    }) : () -> ()
    %mul3A_471 = arith.constant 640 : i32
    %mul3A_472 = arith.muli %arg1, %mul3A_471 : i32
    %add3A_473 = arith.constant 240 : i32
    %add3A_474 = arith.addi %mul3A_472, %add3A_473 : i32
    %dma_start3A_475 = arith.constant 3 : i32
    %dma_start3A_476 = arith.constant 0 : i32
    %dma_start3A_477 = arith.constant 0 : i32
    %dma_start3A_478 = tpu.memref_slice %arg9[%dma_start3A_475, %dma_start3A_476, %dma_start3A_477] : memref<4x80x128xf32, #tpu.memory_space<vmem>> -> memref<1x80x128xf32, #tpu.memory_space<vmem>>
    %dma_start3A_479 = tpu.memref_squeeze %dma_start3A_478 : memref<1x80x128xf32, #tpu.memory_space<vmem>> -> memref<80x128xf32, #tpu.memory_space<vmem>>
    %dma_start3A_480 = arith.constant 0 : i32
    %dma_start3A_481 = tpu.memref_slice %arg6[%arg0, %add3A_474, %dma_start3A_480] : memref<2x10240x128xf32, #tpu.memory_space<hbm>> -> memref<1x80x128xf32, #tpu.memory_space<hbm>>
    %dma_start3A_482 = tpu.memref_squeeze %dma_start3A_481 : memref<1x80x128xf32, #tpu.memory_space<hbm>> -> memref<80x128xf32, #tpu.memory_space<hbm>>
    %dma_start3A_483 = arith.constant 0 : i32
    %dma_start3A_484 = tpu.memref_slice %arg6[%arg0, %add3A_474, %dma_start3A_483] : memref<2x10240x128xf32, #tpu.memory_space<hbm>> -> memref<1x80x128xf32, #tpu.memory_space<hbm>>
    %dma_start3A_485 = tpu.memref_squeeze %dma_start3A_484 : memref<1x80x128xf32, #tpu.memory_space<hbm>> -> memref<80x128xf32, #tpu.memory_space<hbm>>
    %dma_start3A_486 = arith.constant 0 : i32
    %dma_start3A_487 = arith.constant 0 : i32
    %dma_start3A_488 = tpu.memref_slice %arg9[%dma_start3A_475, %dma_start3A_486, %dma_start3A_487] : memref<4x80x128xf32, #tpu.memory_space<vmem>> -> memref<1x80x128xf32, #tpu.memory_space<vmem>>
    %dma_start3A_489 = tpu.memref_squeeze %dma_start3A_488 : memref<1x80x128xf32, #tpu.memory_space<vmem>> -> memref<80x128xf32, #tpu.memory_space<vmem>>
    tpu.enqueue_dma source(%dma_start3A_489 : memref<80x128xf32, #tpu.memory_space<vmem>>) target(%dma_start3A_485 : memref<80x128xf32, #tpu.memory_space<hbm>>) target_semaphore(%arg14 : memref<!tpu.dma_semaphore, #tpu.memory_space<semaphore_mem>>)
    %mul3A_490 = arith.constant 640 : i32
    %mul3A_491 = arith.muli %arg1, %mul3A_490 : i32
    %add3A_492 = arith.constant 0 : i32
    %add3A_493 = arith.addi %mul3A_491, %add3A_492 : i32
    %dma_wait3A_494 = arith.constant 0 : i32
    %dma_wait3A_495 = arith.constant 0 : i32
    %dma_wait3A_496 = arith.constant 0 : i32
    %dma_wait3A_497 = tpu.memref_slice %arg9[%dma_wait3A_494, %dma_wait3A_495, %dma_wait3A_496] : memref<4x80x128xf32, #tpu.memory_space<vmem>> -> memref<1x80x128xf32, #tpu.memory_space<vmem>>
    %dma_wait3A_498 = tpu.memref_squeeze %dma_wait3A_497 : memref<1x80x128xf32, #tpu.memory_space<vmem>> -> memref<80x128xf32, #tpu.memory_space<vmem>>
    %dma_wait3A_499 = arith.constant 0 : i32
    %dma_wait3A_500 = tpu.memref_slice %arg6[%arg0, %add3A_493, %dma_wait3A_499] : memref<2x10240x128xf32, #tpu.memory_space<hbm>> -> memref<1x80x128xf32, #tpu.memory_space<hbm>>
    %dma_wait3A_501 = tpu.memref_squeeze %dma_wait3A_500 : memref<1x80x128xf32, #tpu.memory_space<hbm>> -> memref<80x128xf32, #tpu.memory_space<hbm>>
    %dma_wait3A_502 = arith.constant 0 : i32
    %dma_wait3A_503 = tpu.memref_slice %arg6[%arg0, %add3A_493, %dma_wait3A_502] : memref<2x10240x128xf32, #tpu.memory_space<hbm>> -> memref<1x80x128xf32, #tpu.memory_space<hbm>>
    %dma_wait3A_504 = tpu.memref_squeeze %dma_wait3A_503 : memref<1x80x128xf32, #tpu.memory_space<hbm>> -> memref<80x128xf32, #tpu.memory_space<hbm>>
    %dma_wait3A_505 = arith.constant 0 : i32
    %dma_wait3A_506 = arith.constant 0 : i32
    %dma_wait3A_507 = tpu.memref_slice %arg9[%dma_wait3A_494, %dma_wait3A_505, %dma_wait3A_506] : memref<4x80x128xf32, #tpu.memory_space<vmem>> -> memref<1x80x128xf32, #tpu.memory_space<vmem>>
    %dma_wait3A_508 = tpu.memref_squeeze %dma_wait3A_507 : memref<1x80x128xf32, #tpu.memory_space<vmem>> -> memref<80x128xf32, #tpu.memory_space<vmem>>
    tpu.wait_dma2 semaphore(%arg14 : memref<!tpu.dma_semaphore, #tpu.memory_space<semaphore_mem>>) src(%dma_wait3A_508 : memref<80x128xf32, #tpu.memory_space<vmem>>) dst(%dma_wait3A_504 : memref<80x128xf32, #tpu.memory_space<hbm>>)
    %mul3A_509 = arith.constant 640 : i32
    %mul3A_510 = arith.muli %arg1, %mul3A_509 : i32
    %add3A_511 = arith.constant 320 : i32
    %add3A_512 = arith.addi %mul3A_510, %add3A_511 : i32
    %run_scoped3A_513 = arith.constant 0 : i32
    "tpu.region"() ({
      %run_scoped3A_738 = tpu.sem_alloc : memref<!tpu.dma_semaphore, #tpu.memory_space<semaphore_mem>>
      %dma_start3A_739 = arith.constant 0 : i32
      %dma_start3A_740 = arith.constant 0 : i32
      %dma_start3A_741 = tpu.memref_slice %arg9[%run_scoped3A_513, %dma_start3A_739, %dma_start3A_740] : memref<4x80x128xf32, #tpu.memory_space<vmem>> -> memref<1x80x128xf32, #tpu.memory_space<vmem>>
      %dma_start3A_742 = tpu.memref_squeeze %dma_start3A_741 : memref<1x80x128xf32, #tpu.memory_space<vmem>> -> memref<80x128xf32, #tpu.memory_space<vmem>>
      %dma_start3A_743 = arith.constant 0 : i32
      %dma_start3A_744 = tpu.memref_slice %arg10[%add3A_512, %dma_start3A_743] : memref<10240x128xf32, #tpu.memory_space<vmem_shared>> -> memref<80x128xf32, #tpu.memory_space<vmem_shared>>
      %dma_start3A_745 = arith.constant 0 : i32
      %dma_start3A_746 = arith.constant 0 : i32
      %dma_start3A_747 = tpu.memref_slice %arg9[%run_scoped3A_513, %dma_start3A_745, %dma_start3A_746] : memref<4x80x128xf32, #tpu.memory_space<vmem>> -> memref<1x80x128xf32, #tpu.memory_space<vmem>>
      %dma_start3A_748 = tpu.memref_squeeze %dma_start3A_747 : memref<1x80x128xf32, #tpu.memory_space<vmem>> -> memref<80x128xf32, #tpu.memory_space<vmem>>
      %dma_start3A_749 = arith.constant 0 : i32
      %dma_start3A_750 = tpu.memref_slice %arg10[%add3A_512, %dma_start3A_749] : memref<10240x128xf32, #tpu.memory_space<vmem_shared>> -> memref<80x128xf32, #tpu.memory_space<vmem_shared>>
      tpu.enqueue_dma source(%dma_start3A_750 : memref<80x128xf32, #tpu.memory_space<vmem_shared>>) target(%dma_start3A_748 : memref<80x128xf32, #tpu.memory_space<vmem>>) target_semaphore(%run_scoped3A_738 : memref<!tpu.dma_semaphore, #tpu.memory_space<semaphore_mem>>)
      %dma_wait3A_751 = arith.constant 0 : i32
      %dma_wait3A_752 = arith.constant 0 : i32
      %dma_wait3A_753 = tpu.memref_slice %arg9[%run_scoped3A_513, %dma_wait3A_751, %dma_wait3A_752] : memref<4x80x128xf32, #tpu.memory_space<vmem>> -> memref<1x80x128xf32, #tpu.memory_space<vmem>>
      %dma_wait3A_754 = tpu.memref_squeeze %dma_wait3A_753 : memref<1x80x128xf32, #tpu.memory_space<vmem>> -> memref<80x128xf32, #tpu.memory_space<vmem>>
      %dma_wait3A_755 = arith.constant 0 : i32
      %dma_wait3A_756 = tpu.memref_slice %arg10[%add3A_512, %dma_wait3A_755] : memref<10240x128xf32, #tpu.memory_space<vmem_shared>> -> memref<80x128xf32, #tpu.memory_space<vmem_shared>>
      %dma_wait3A_757 = arith.constant 0 : i32
      %dma_wait3A_758 = arith.constant 0 : i32
      %dma_wait3A_759 = tpu.memref_slice %arg9[%run_scoped3A_513, %dma_wait3A_757, %dma_wait3A_758] : memref<4x80x128xf32, #tpu.memory_space<vmem>> -> memref<1x80x128xf32, #tpu.memory_space<vmem>>
      %dma_wait3A_760 = tpu.memref_squeeze %dma_wait3A_759 : memref<1x80x128xf32, #tpu.memory_space<vmem>> -> memref<80x128xf32, #tpu.memory_space<vmem>>
      %dma_wait3A_761 = arith.constant 0 : i32
      %dma_wait3A_762 = tpu.memref_slice %arg10[%add3A_512, %dma_wait3A_761] : memref<10240x128xf32, #tpu.memory_space<vmem_shared>> -> memref<80x128xf32, #tpu.memory_space<vmem_shared>>
      tpu.wait_dma2 semaphore(%run_scoped3A_738 : memref<!tpu.dma_semaphore, #tpu.memory_space<semaphore_mem>>) src(%dma_wait3A_762 : memref<80x128xf32, #tpu.memory_space<vmem_shared>>) dst(%dma_wait3A_760 : memref<80x128xf32, #tpu.memory_space<vmem>>)
      tpu.yield
    }) : () -> ()
    %mul3A_514 = arith.constant 640 : i32
    %mul3A_515 = arith.muli %arg1, %mul3A_514 : i32
    %add3A_516 = arith.constant 320 : i32
    %add3A_517 = arith.addi %mul3A_515, %add3A_516 : i32
    %dma_start3A_518 = arith.constant 0 : i32
    %dma_start3A_519 = arith.constant 0 : i32
    %dma_start3A_520 = arith.constant 0 : i32
    %dma_start3A_521 = tpu.memref_slice %arg9[%dma_start3A_518, %dma_start3A_519, %dma_start3A_520] : memref<4x80x128xf32, #tpu.memory_space<vmem>> -> memref<1x80x128xf32, #tpu.memory_space<vmem>>
    %dma_start3A_522 = tpu.memref_squeeze %dma_start3A_521 : memref<1x80x128xf32, #tpu.memory_space<vmem>> -> memref<80x128xf32, #tpu.memory_space<vmem>>
    %dma_start3A_523 = arith.constant 0 : i32
    %dma_start3A_524 = tpu.memref_slice %arg6[%arg0, %add3A_517, %dma_start3A_523] : memref<2x10240x128xf32, #tpu.memory_space<hbm>> -> memref<1x80x128xf32, #tpu.memory_space<hbm>>
    %dma_start3A_525 = tpu.memref_squeeze %dma_start3A_524 : memref<1x80x128xf32, #tpu.memory_space<hbm>> -> memref<80x128xf32, #tpu.memory_space<hbm>>
    %dma_start3A_526 = arith.constant 0 : i32
    %dma_start3A_527 = tpu.memref_slice %arg6[%arg0, %add3A_517, %dma_start3A_526] : memref<2x10240x128xf32, #tpu.memory_space<hbm>> -> memref<1x80x128xf32, #tpu.memory_space<hbm>>
    %dma_start3A_528 = tpu.memref_squeeze %dma_start3A_527 : memref<1x80x128xf32, #tpu.memory_space<hbm>> -> memref<80x128xf32, #tpu.memory_space<hbm>>
    %dma_start3A_529 = arith.constant 0 : i32
    %dma_start3A_530 = arith.constant 0 : i32
    %dma_start3A_531 = tpu.memref_slice %arg9[%dma_start3A_518, %dma_start3A_529, %dma_start3A_530] : memref<4x80x128xf32, #tpu.memory_space<vmem>> -> memref<1x80x128xf32, #tpu.memory_space<vmem>>
    %dma_start3A_532 = tpu.memref_squeeze %dma_start3A_531 : memref<1x80x128xf32, #tpu.memory_space<vmem>> -> memref<80x128xf32, #tpu.memory_space<vmem>>
    tpu.enqueue_dma source(%dma_start3A_532 : memref<80x128xf32, #tpu.memory_space<vmem>>) target(%dma_start3A_528 : memref<80x128xf32, #tpu.memory_space<hbm>>) target_semaphore(%arg14 : memref<!tpu.dma_semaphore, #tpu.memory_space<semaphore_mem>>)
    %mul3A_533 = arith.constant 640 : i32
    %mul3A_534 = arith.muli %arg1, %mul3A_533 : i32
    %add3A_535 = arith.constant 80 : i32
    %add3A_536 = arith.addi %mul3A_534, %add3A_535 : i32
    %dma_wait3A_537 = arith.constant 1 : i32
    %dma_wait3A_538 = arith.constant 0 : i32
    %dma_wait3A_539 = arith.constant 0 : i32
    %dma_wait3A_540 = tpu.memref_slice %arg9[%dma_wait3A_537, %dma_wait3A_538, %dma_wait3A_539] : memref<4x80x128xf32, #tpu.memory_space<vmem>> -> memref<1x80x128xf32, #tpu.memory_space<vmem>>
    %dma_wait3A_541 = tpu.memref_squeeze %dma_wait3A_540 : memref<1x80x128xf32, #tpu.memory_space<vmem>> -> memref<80x128xf32, #tpu.memory_space<vmem>>
    %dma_wait3A_542 = arith.constant 0 : i32
    %dma_wait3A_543 = tpu.memref_slice %arg6[%arg0, %add3A_536, %dma_wait3A_542] : memref<2x10240x128xf32, #tpu.memory_space<hbm>> -> memref<1x80x128xf32, #tpu.memory_space<hbm>>
    %dma_wait3A_544 = tpu.memref_squeeze %dma_wait3A_543 : memref<1x80x128xf32, #tpu.memory_space<hbm>> -> memref<80x128xf32, #tpu.memory_space<hbm>>
    %dma_wait3A_545 = arith.constant 0 : i32
    %dma_wait3A_546 = tpu.memref_slice %arg6[%arg0, %add3A_536, %dma_wait3A_545] : memref<2x10240x128xf32, #tpu.memory_space<hbm>> -> memref<1x80x128xf32, #tpu.memory_space<hbm>>
    %dma_wait3A_547 = tpu.memref_squeeze %dma_wait3A_546 : memref<1x80x128xf32, #tpu.memory_space<hbm>> -> memref<80x128xf32, #tpu.memory_space<hbm>>
    %dma_wait3A_548 = arith.constant 0 : i32
    %dma_wait3A_549 = arith.constant 0 : i32
    %dma_wait3A_550 = tpu.memref_slice %arg9[%dma_wait3A_537, %dma_wait3A_548, %dma_wait3A_549] : memref<4x80x128xf32, #tpu.memory_space<vmem>> -> memref<1x80x128xf32, #tpu.memory_space<vmem>>
    %dma_wait3A_551 = tpu.memref_squeeze %dma_wait3A_550 : memref<1x80x128xf32, #tpu.memory_space<vmem>> -> memref<80x128xf32, #tpu.memory_space<vmem>>
    tpu.wait_dma2 semaphore(%arg14 : memref<!tpu.dma_semaphore, #tpu.memory_space<semaphore_mem>>) src(%dma_wait3A_551 : memref<80x128xf32, #tpu.memory_space<vmem>>) dst(%dma_wait3A_547 : memref<80x128xf32, #tpu.memory_space<hbm>>)
    %mul3A_552 = arith.constant 640 : i32
    %mul3A_553 = arith.muli %arg1, %mul3A_552 : i32
    %add3A_554 = arith.constant 400 : i32
    %add3A_555 = arith.addi %mul3A_553, %add3A_554 : i32
    %run_scoped3A_556 = arith.constant 1 : i32
    "tpu.region"() ({
      %run_scoped3A_738 = tpu.sem_alloc : memref<!tpu.dma_semaphore, #tpu.memory_space<semaphore_mem>>
      %dma_start3A_739 = arith.constant 0 : i32
      %dma_start3A_740 = arith.constant 0 : i32
      %dma_start3A_741 = tpu.memref_slice %arg9[%run_scoped3A_556, %dma_start3A_739, %dma_start3A_740] : memref<4x80x128xf32, #tpu.memory_space<vmem>> -> memref<1x80x128xf32, #tpu.memory_space<vmem>>
      %dma_start3A_742 = tpu.memref_squeeze %dma_start3A_741 : memref<1x80x128xf32, #tpu.memory_space<vmem>> -> memref<80x128xf32, #tpu.memory_space<vmem>>
      %dma_start3A_743 = arith.constant 0 : i32
      %dma_start3A_744 = tpu.memref_slice %arg10[%add3A_555, %dma_start3A_743] : memref<10240x128xf32, #tpu.memory_space<vmem_shared>> -> memref<80x128xf32, #tpu.memory_space<vmem_shared>>
      %dma_start3A_745 = arith.constant 0 : i32
      %dma_start3A_746 = arith.constant 0 : i32
      %dma_start3A_747 = tpu.memref_slice %arg9[%run_scoped3A_556, %dma_start3A_745, %dma_start3A_746] : memref<4x80x128xf32, #tpu.memory_space<vmem>> -> memref<1x80x128xf32, #tpu.memory_space<vmem>>
      %dma_start3A_748 = tpu.memref_squeeze %dma_start3A_747 : memref<1x80x128xf32, #tpu.memory_space<vmem>> -> memref<80x128xf32, #tpu.memory_space<vmem>>
      %dma_start3A_749 = arith.constant 0 : i32
      %dma_start3A_750 = tpu.memref_slice %arg10[%add3A_555, %dma_start3A_749] : memref<10240x128xf32, #tpu.memory_space<vmem_shared>> -> memref<80x128xf32, #tpu.memory_space<vmem_shared>>
      tpu.enqueue_dma source(%dma_start3A_750 : memref<80x128xf32, #tpu.memory_space<vmem_shared>>) target(%dma_start3A_748 : memref<80x128xf32, #tpu.memory_space<vmem>>) target_semaphore(%run_scoped3A_738 : memref<!tpu.dma_semaphore, #tpu.memory_space<semaphore_mem>>)
      %dma_wait3A_751 = arith.constant 0 : i32
      %dma_wait3A_752 = arith.constant 0 : i32
      %dma_wait3A_753 = tpu.memref_slice %arg9[%run_scoped3A_556, %dma_wait3A_751, %dma_wait3A_752] : memref<4x80x128xf32, #tpu.memory_space<vmem>> -> memref<1x80x128xf32, #tpu.memory_space<vmem>>
      %dma_wait3A_754 = tpu.memref_squeeze %dma_wait3A_753 : memref<1x80x128xf32, #tpu.memory_space<vmem>> -> memref<80x128xf32, #tpu.memory_space<vmem>>
      %dma_wait3A_755 = arith.constant 0 : i32
      %dma_wait3A_756 = tpu.memref_slice %arg10[%add3A_555, %dma_wait3A_755] : memref<10240x128xf32, #tpu.memory_space<vmem_shared>> -> memref<80x128xf32, #tpu.memory_space<vmem_shared>>
      %dma_wait3A_757 = arith.constant 0 : i32
      %dma_wait3A_758 = arith.constant 0 : i32
      %dma_wait3A_759 = tpu.memref_slice %arg9[%run_scoped3A_556, %dma_wait3A_757, %dma_wait3A_758] : memref<4x80x128xf32, #tpu.memory_space<vmem>> -> memref<1x80x128xf32, #tpu.memory_space<vmem>>
      %dma_wait3A_760 = tpu.memref_squeeze %dma_wait3A_759 : memref<1x80x128xf32, #tpu.memory_space<vmem>> -> memref<80x128xf32, #tpu.memory_space<vmem>>
      %dma_wait3A_761 = arith.constant 0 : i32
      %dma_wait3A_762 = tpu.memref_slice %arg10[%add3A_555, %dma_wait3A_761] : memref<10240x128xf32, #tpu.memory_space<vmem_shared>> -> memref<80x128xf32, #tpu.memory_space<vmem_shared>>
      tpu.wait_dma2 semaphore(%run_scoped3A_738 : memref<!tpu.dma_semaphore, #tpu.memory_space<semaphore_mem>>) src(%dma_wait3A_762 : memref<80x128xf32, #tpu.memory_space<vmem_shared>>) dst(%dma_wait3A_760 : memref<80x128xf32, #tpu.memory_space<vmem>>)
      tpu.yield
    }) : () -> ()
    %mul3A_557 = arith.constant 640 : i32
    %mul3A_558 = arith.muli %arg1, %mul3A_557 : i32
    %add3A_559 = arith.constant 400 : i32
    %add3A_560 = arith.addi %mul3A_558, %add3A_559 : i32
    %dma_start3A_561 = arith.constant 1 : i32
    %dma_start3A_562 = arith.constant 0 : i32
    %dma_start3A_563 = arith.constant 0 : i32
    %dma_start3A_564 = tpu.memref_slice %arg9[%dma_start3A_561, %dma_start3A_562, %dma_start3A_563] : memref<4x80x128xf32, #tpu.memory_space<vmem>> -> memref<1x80x128xf32, #tpu.memory_space<vmem>>
    %dma_start3A_565 = tpu.memref_squeeze %dma_start3A_564 : memref<1x80x128xf32, #tpu.memory_space<vmem>> -> memref<80x128xf32, #tpu.memory_space<vmem>>
    %dma_start3A_566 = arith.constant 0 : i32
    %dma_start3A_567 = tpu.memref_slice %arg6[%arg0, %add3A_560, %dma_start3A_566] : memref<2x10240x128xf32, #tpu.memory_space<hbm>> -> memref<1x80x128xf32, #tpu.memory_space<hbm>>
    %dma_start3A_568 = tpu.memref_squeeze %dma_start3A_567 : memref<1x80x128xf32, #tpu.memory_space<hbm>> -> memref<80x128xf32, #tpu.memory_space<hbm>>
    %dma_start3A_569 = arith.constant 0 : i32
    %dma_start3A_570 = tpu.memref_slice %arg6[%arg0, %add3A_560, %dma_start3A_569] : memref<2x10240x128xf32, #tpu.memory_space<hbm>> -> memref<1x80x128xf32, #tpu.memory_space<hbm>>
    %dma_start3A_571 = tpu.memref_squeeze %dma_start3A_570 : memref<1x80x128xf32, #tpu.memory_space<hbm>> -> memref<80x128xf32, #tpu.memory_space<hbm>>
    %dma_start3A_572 = arith.constant 0 : i32
    %dma_start3A_573 = arith.constant 0 : i32
    %dma_start3A_574 = tpu.memref_slice %arg9[%dma_start3A_561, %dma_start3A_572, %dma_start3A_573] : memref<4x80x128xf32, #tpu.memory_space<vmem>> -> memref<1x80x128xf32, #tpu.memory_space<vmem>>
    %dma_start3A_575 = tpu.memref_squeeze %dma_start3A_574 : memref<1x80x128xf32, #tpu.memory_space<vmem>> -> memref<80x128xf32, #tpu.memory_space<vmem>>
    tpu.enqueue_dma source(%dma_start3A_575 : memref<80x128xf32, #tpu.memory_space<vmem>>) target(%dma_start3A_571 : memref<80x128xf32, #tpu.memory_space<hbm>>) target_semaphore(%arg14 : memref<!tpu.dma_semaphore, #tpu.memory_space<semaphore_mem>>)
    %mul3A_576 = arith.constant 640 : i32
    %mul3A_577 = arith.muli %arg1, %mul3A_576 : i32
    %add3A_578 = arith.constant 160 : i32
    %add3A_579 = arith.addi %mul3A_577, %add3A_578 : i32
    %dma_wait3A_580 = arith.constant 2 : i32
    %dma_wait3A_581 = arith.constant 0 : i32
    %dma_wait3A_582 = arith.constant 0 : i32
    %dma_wait3A_583 = tpu.memref_slice %arg9[%dma_wait3A_580, %dma_wait3A_581, %dma_wait3A_582] : memref<4x80x128xf32, #tpu.memory_space<vmem>> -> memref<1x80x128xf32, #tpu.memory_space<vmem>>
    %dma_wait3A_584 = tpu.memref_squeeze %dma_wait3A_583 : memref<1x80x128xf32, #tpu.memory_space<vmem>> -> memref<80x128xf32, #tpu.memory_space<vmem>>
    %dma_wait3A_585 = arith.constant 0 : i32
    %dma_wait3A_586 = tpu.memref_slice %arg6[%arg0, %add3A_579, %dma_wait3A_585] : memref<2x10240x128xf32, #tpu.memory_space<hbm>> -> memref<1x80x128xf32, #tpu.memory_space<hbm>>
    %dma_wait3A_587 = tpu.memref_squeeze %dma_wait3A_586 : memref<1x80x128xf32, #tpu.memory_space<hbm>> -> memref<80x128xf32, #tpu.memory_space<hbm>>
    %dma_wait3A_588 = arith.constant 0 : i32
    %dma_wait3A_589 = tpu.memref_slice %arg6[%arg0, %add3A_579, %dma_wait3A_588] : memref<2x10240x128xf32, #tpu.memory_space<hbm>> -> memref<1x80x128xf32, #tpu.memory_space<hbm>>
    %dma_wait3A_590 = tpu.memref_squeeze %dma_wait3A_589 : memref<1x80x128xf32, #tpu.memory_space<hbm>> -> memref<80x128xf32, #tpu.memory_space<hbm>>
    %dma_wait3A_591 = arith.constant 0 : i32
    %dma_wait3A_592 = arith.constant 0 : i32
    %dma_wait3A_593 = tpu.memref_slice %arg9[%dma_wait3A_580, %dma_wait3A_591, %dma_wait3A_592] : memref<4x80x128xf32, #tpu.memory_space<vmem>> -> memref<1x80x128xf32, #tpu.memory_space<vmem>>
    %dma_wait3A_594 = tpu.memref_squeeze %dma_wait3A_593 : memref<1x80x128xf32, #tpu.memory_space<vmem>> -> memref<80x128xf32, #tpu.memory_space<vmem>>
    tpu.wait_dma2 semaphore(%arg14 : memref<!tpu.dma_semaphore, #tpu.memory_space<semaphore_mem>>) src(%dma_wait3A_594 : memref<80x128xf32, #tpu.memory_space<vmem>>) dst(%dma_wait3A_590 : memref<80x128xf32, #tpu.memory_space<hbm>>)
    %mul3A_595 = arith.constant 640 : i32
    %mul3A_596 = arith.muli %arg1, %mul3A_595 : i32
    %add3A_597 = arith.constant 480 : i32
    %add3A_598 = arith.addi %mul3A_596, %add3A_597 : i32
    %run_scoped3A_599 = arith.constant 2 : i32
    "tpu.region"() ({
      %run_scoped3A_738 = tpu.sem_alloc : memref<!tpu.dma_semaphore, #tpu.memory_space<semaphore_mem>>
      %dma_start3A_739 = arith.constant 0 : i32
      %dma_start3A_740 = arith.constant 0 : i32
      %dma_start3A_741 = tpu.memref_slice %arg9[%run_scoped3A_599, %dma_start3A_739, %dma_start3A_740] : memref<4x80x128xf32, #tpu.memory_space<vmem>> -> memref<1x80x128xf32, #tpu.memory_space<vmem>>
      %dma_start3A_742 = tpu.memref_squeeze %dma_start3A_741 : memref<1x80x128xf32, #tpu.memory_space<vmem>> -> memref<80x128xf32, #tpu.memory_space<vmem>>
      %dma_start3A_743 = arith.constant 0 : i32
      %dma_start3A_744 = tpu.memref_slice %arg10[%add3A_598, %dma_start3A_743] : memref<10240x128xf32, #tpu.memory_space<vmem_shared>> -> memref<80x128xf32, #tpu.memory_space<vmem_shared>>
      %dma_start3A_745 = arith.constant 0 : i32
      %dma_start3A_746 = arith.constant 0 : i32
      %dma_start3A_747 = tpu.memref_slice %arg9[%run_scoped3A_599, %dma_start3A_745, %dma_start3A_746] : memref<4x80x128xf32, #tpu.memory_space<vmem>> -> memref<1x80x128xf32, #tpu.memory_space<vmem>>
      %dma_start3A_748 = tpu.memref_squeeze %dma_start3A_747 : memref<1x80x128xf32, #tpu.memory_space<vmem>> -> memref<80x128xf32, #tpu.memory_space<vmem>>
      %dma_start3A_749 = arith.constant 0 : i32
      %dma_start3A_750 = tpu.memref_slice %arg10[%add3A_598, %dma_start3A_749] : memref<10240x128xf32, #tpu.memory_space<vmem_shared>> -> memref<80x128xf32, #tpu.memory_space<vmem_shared>>
      tpu.enqueue_dma source(%dma_start3A_750 : memref<80x128xf32, #tpu.memory_space<vmem_shared>>) target(%dma_start3A_748 : memref<80x128xf32, #tpu.memory_space<vmem>>) target_semaphore(%run_scoped3A_738 : memref<!tpu.dma_semaphore, #tpu.memory_space<semaphore_mem>>)
      %dma_wait3A_751 = arith.constant 0 : i32
      %dma_wait3A_752 = arith.constant 0 : i32
      %dma_wait3A_753 = tpu.memref_slice %arg9[%run_scoped3A_599, %dma_wait3A_751, %dma_wait3A_752] : memref<4x80x128xf32, #tpu.memory_space<vmem>> -> memref<1x80x128xf32, #tpu.memory_space<vmem>>
      %dma_wait3A_754 = tpu.memref_squeeze %dma_wait3A_753 : memref<1x80x128xf32, #tpu.memory_space<vmem>> -> memref<80x128xf32, #tpu.memory_space<vmem>>
      %dma_wait3A_755 = arith.constant 0 : i32
      %dma_wait3A_756 = tpu.memref_slice %arg10[%add3A_598, %dma_wait3A_755] : memref<10240x128xf32, #tpu.memory_space<vmem_shared>> -> memref<80x128xf32, #tpu.memory_space<vmem_shared>>
      %dma_wait3A_757 = arith.constant 0 : i32
      %dma_wait3A_758 = arith.constant 0 : i32
      %dma_wait3A_759 = tpu.memref_slice %arg9[%run_scoped3A_599, %dma_wait3A_757, %dma_wait3A_758] : memref<4x80x128xf32, #tpu.memory_space<vmem>> -> memref<1x80x128xf32, #tpu.memory_space<vmem>>
      %dma_wait3A_760 = tpu.memref_squeeze %dma_wait3A_759 : memref<1x80x128xf32, #tpu.memory_space<vmem>> -> memref<80x128xf32, #tpu.memory_space<vmem>>
      %dma_wait3A_761 = arith.constant 0 : i32
      %dma_wait3A_762 = tpu.memref_slice %arg10[%add3A_598, %dma_wait3A_761] : memref<10240x128xf32, #tpu.memory_space<vmem_shared>> -> memref<80x128xf32, #tpu.memory_space<vmem_shared>>
      tpu.wait_dma2 semaphore(%run_scoped3A_738 : memref<!tpu.dma_semaphore, #tpu.memory_space<semaphore_mem>>) src(%dma_wait3A_762 : memref<80x128xf32, #tpu.memory_space<vmem_shared>>) dst(%dma_wait3A_760 : memref<80x128xf32, #tpu.memory_space<vmem>>)
      tpu.yield
    }) : () -> ()
    %mul3A_600 = arith.constant 640 : i32
    %mul3A_601 = arith.muli %arg1, %mul3A_600 : i32
    %add3A_602 = arith.constant 480 : i32
    %add3A_603 = arith.addi %mul3A_601, %add3A_602 : i32
    %dma_start3A_604 = arith.constant 2 : i32
    %dma_start3A_605 = arith.constant 0 : i32
    %dma_start3A_606 = arith.constant 0 : i32
    %dma_start3A_607 = tpu.memref_slice %arg9[%dma_start3A_604, %dma_start3A_605, %dma_start3A_606] : memref<4x80x128xf32, #tpu.memory_space<vmem>> -> memref<1x80x128xf32, #tpu.memory_space<vmem>>
    %dma_start3A_608 = tpu.memref_squeeze %dma_start3A_607 : memref<1x80x128xf32, #tpu.memory_space<vmem>> -> memref<80x128xf32, #tpu.memory_space<vmem>>
    %dma_start3A_609 = arith.constant 0 : i32
    %dma_start3A_610 = tpu.memref_slice %arg6[%arg0, %add3A_603, %dma_start3A_609] : memref<2x10240x128xf32, #tpu.memory_space<hbm>> -> memref<1x80x128xf32, #tpu.memory_space<hbm>>
    %dma_start3A_611 = tpu.memref_squeeze %dma_start3A_610 : memref<1x80x128xf32, #tpu.memory_space<hbm>> -> memref<80x128xf32, #tpu.memory_space<hbm>>
    %dma_start3A_612 = arith.constant 0 : i32
    %dma_start3A_613 = tpu.memref_slice %arg6[%arg0, %add3A_603, %dma_start3A_612] : memref<2x10240x128xf32, #tpu.memory_space<hbm>> -> memref<1x80x128xf32, #tpu.memory_space<hbm>>
    %dma_start3A_614 = tpu.memref_squeeze %dma_start3A_613 : memref<1x80x128xf32, #tpu.memory_space<hbm>> -> memref<80x128xf32, #tpu.memory_space<hbm>>
    %dma_start3A_615 = arith.constant 0 : i32
    %dma_start3A_616 = arith.constant 0 : i32
    %dma_start3A_617 = tpu.memref_slice %arg9[%dma_start3A_604, %dma_start3A_615, %dma_start3A_616] : memref<4x80x128xf32, #tpu.memory_space<vmem>> -> memref<1x80x128xf32, #tpu.memory_space<vmem>>
    %dma_start3A_618 = tpu.memref_squeeze %dma_start3A_617 : memref<1x80x128xf32, #tpu.memory_space<vmem>> -> memref<80x128xf32, #tpu.memory_space<vmem>>
    tpu.enqueue_dma source(%dma_start3A_618 : memref<80x128xf32, #tpu.memory_space<vmem>>) target(%dma_start3A_614 : memref<80x128xf32, #tpu.memory_space<hbm>>) target_semaphore(%arg14 : memref<!tpu.dma_semaphore, #tpu.memory_space<semaphore_mem>>)
    %mul3A_619 = arith.constant 640 : i32
    %mul3A_620 = arith.muli %arg1, %mul3A_619 : i32
    %add3A_621 = arith.constant 240 : i32
    %add3A_622 = arith.addi %mul3A_620, %add3A_621 : i32
    %dma_wait3A_623 = arith.constant 3 : i32
    %dma_wait3A_624 = arith.constant 0 : i32
    %dma_wait3A_625 = arith.constant 0 : i32
    %dma_wait3A_626 = tpu.memref_slice %arg9[%dma_wait3A_623, %dma_wait3A_624, %dma_wait3A_625] : memref<4x80x128xf32, #tpu.memory_space<vmem>> -> memref<1x80x128xf32, #tpu.memory_space<vmem>>
    %dma_wait3A_627 = tpu.memref_squeeze %dma_wait3A_626 : memref<1x80x128xf32, #tpu.memory_space<vmem>> -> memref<80x128xf32, #tpu.memory_space<vmem>>
    %dma_wait3A_628 = arith.constant 0 : i32
    %dma_wait3A_629 = tpu.memref_slice %arg6[%arg0, %add3A_622, %dma_wait3A_628] : memref<2x10240x128xf32, #tpu.memory_space<hbm>> -> memref<1x80x128xf32, #tpu.memory_space<hbm>>
    %dma_wait3A_630 = tpu.memref_squeeze %dma_wait3A_629 : memref<1x80x128xf32, #tpu.memory_space<hbm>> -> memref<80x128xf32, #tpu.memory_space<hbm>>
    %dma_wait3A_631 = arith.constant 0 : i32
    %dma_wait3A_632 = tpu.memref_slice %arg6[%arg0, %add3A_622, %dma_wait3A_631] : memref<2x10240x128xf32, #tpu.memory_space<hbm>> -> memref<1x80x128xf32, #tpu.memory_space<hbm>>
    %dma_wait3A_633 = tpu.memref_squeeze %dma_wait3A_632 : memref<1x80x128xf32, #tpu.memory_space<hbm>> -> memref<80x128xf32, #tpu.memory_space<hbm>>
    %dma_wait3A_634 = arith.constant 0 : i32
    %dma_wait3A_635 = arith.constant 0 : i32
    %dma_wait3A_636 = tpu.memref_slice %arg9[%dma_wait3A_623, %dma_wait3A_634, %dma_wait3A_635] : memref<4x80x128xf32, #tpu.memory_space<vmem>> -> memref<1x80x128xf32, #tpu.memory_space<vmem>>
    %dma_wait3A_637 = tpu.memref_squeeze %dma_wait3A_636 : memref<1x80x128xf32, #tpu.memory_space<vmem>> -> memref<80x128xf32, #tpu.memory_space<vmem>>
    tpu.wait_dma2 semaphore(%arg14 : memref<!tpu.dma_semaphore, #tpu.memory_space<semaphore_mem>>) src(%dma_wait3A_637 : memref<80x128xf32, #tpu.memory_space<vmem>>) dst(%dma_wait3A_633 : memref<80x128xf32, #tpu.memory_space<hbm>>)
    %mul3A_638 = arith.constant 640 : i32
    %mul3A_639 = arith.muli %arg1, %mul3A_638 : i32
    %add3A_640 = arith.constant 560 : i32
    %add3A_641 = arith.addi %mul3A_639, %add3A_640 : i32
    %run_scoped3A_642 = arith.constant 3 : i32
    "tpu.region"() ({
      %run_scoped3A_738 = tpu.sem_alloc : memref<!tpu.dma_semaphore, #tpu.memory_space<semaphore_mem>>
      %dma_start3A_739 = arith.constant 0 : i32
      %dma_start3A_740 = arith.constant 0 : i32
      %dma_start3A_741 = tpu.memref_slice %arg9[%run_scoped3A_642, %dma_start3A_739, %dma_start3A_740] : memref<4x80x128xf32, #tpu.memory_space<vmem>> -> memref<1x80x128xf32, #tpu.memory_space<vmem>>
      %dma_start3A_742 = tpu.memref_squeeze %dma_start3A_741 : memref<1x80x128xf32, #tpu.memory_space<vmem>> -> memref<80x128xf32, #tpu.memory_space<vmem>>
      %dma_start3A_743 = arith.constant 0 : i32
      %dma_start3A_744 = tpu.memref_slice %arg10[%add3A_641, %dma_start3A_743] : memref<10240x128xf32, #tpu.memory_space<vmem_shared>> -> memref<80x128xf32, #tpu.memory_space<vmem_shared>>
      %dma_start3A_745 = arith.constant 0 : i32
      %dma_start3A_746 = arith.constant 0 : i32
      %dma_start3A_747 = tpu.memref_slice %arg9[%run_scoped3A_642, %dma_start3A_745, %dma_start3A_746] : memref<4x80x128xf32, #tpu.memory_space<vmem>> -> memref<1x80x128xf32, #tpu.memory_space<vmem>>
      %dma_start3A_748 = tpu.memref_squeeze %dma_start3A_747 : memref<1x80x128xf32, #tpu.memory_space<vmem>> -> memref<80x128xf32, #tpu.memory_space<vmem>>
      %dma_start3A_749 = arith.constant 0 : i32
      %dma_start3A_750 = tpu.memref_slice %arg10[%add3A_641, %dma_start3A_749] : memref<10240x128xf32, #tpu.memory_space<vmem_shared>> -> memref<80x128xf32, #tpu.memory_space<vmem_shared>>
      tpu.enqueue_dma source(%dma_start3A_750 : memref<80x128xf32, #tpu.memory_space<vmem_shared>>) target(%dma_start3A_748 : memref<80x128xf32, #tpu.memory_space<vmem>>) target_semaphore(%run_scoped3A_738 : memref<!tpu.dma_semaphore, #tpu.memory_space<semaphore_mem>>)
      %dma_wait3A_751 = arith.constant 0 : i32
      %dma_wait3A_752 = arith.constant 0 : i32
      %dma_wait3A_753 = tpu.memref_slice %arg9[%run_scoped3A_642, %dma_wait3A_751, %dma_wait3A_752] : memref<4x80x128xf32, #tpu.memory_space<vmem>> -> memref<1x80x128xf32, #tpu.memory_space<vmem>>
      %dma_wait3A_754 = tpu.memref_squeeze %dma_wait3A_753 : memref<1x80x128xf32, #tpu.memory_space<vmem>> -> memref<80x128xf32, #tpu.memory_space<vmem>>
      %dma_wait3A_755 = arith.constant 0 : i32
      %dma_wait3A_756 = tpu.memref_slice %arg10[%add3A_641, %dma_wait3A_755] : memref<10240x128xf32, #tpu.memory_space<vmem_shared>> -> memref<80x128xf32, #tpu.memory_space<vmem_shared>>
      %dma_wait3A_757 = arith.constant 0 : i32
      %dma_wait3A_758 = arith.constant 0 : i32
      %dma_wait3A_759 = tpu.memref_slice %arg9[%run_scoped3A_642, %dma_wait3A_757, %dma_wait3A_758] : memref<4x80x128xf32, #tpu.memory_space<vmem>> -> memref<1x80x128xf32, #tpu.memory_space<vmem>>
      %dma_wait3A_760 = tpu.memref_squeeze %dma_wait3A_759 : memref<1x80x128xf32, #tpu.memory_space<vmem>> -> memref<80x128xf32, #tpu.memory_space<vmem>>
      %dma_wait3A_761 = arith.constant 0 : i32
      %dma_wait3A_762 = tpu.memref_slice %arg10[%add3A_641, %dma_wait3A_761] : memref<10240x128xf32, #tpu.memory_space<vmem_shared>> -> memref<80x128xf32, #tpu.memory_space<vmem_shared>>
      tpu.wait_dma2 semaphore(%run_scoped3A_738 : memref<!tpu.dma_semaphore, #tpu.memory_space<semaphore_mem>>) src(%dma_wait3A_762 : memref<80x128xf32, #tpu.memory_space<vmem_shared>>) dst(%dma_wait3A_760 : memref<80x128xf32, #tpu.memory_space<vmem>>)
      tpu.yield
    }) : () -> ()
    %mul3A_643 = arith.constant 640 : i32
    %mul3A_644 = arith.muli %arg1, %mul3A_643 : i32
    %add3A_645 = arith.constant 560 : i32
    %add3A_646 = arith.addi %mul3A_644, %add3A_645 : i32
    %dma_start3A_647 = arith.constant 3 : i32
    %dma_start3A_648 = arith.constant 0 : i32
    %dma_start3A_649 = arith.constant 0 : i32
    %dma_start3A_650 = tpu.memref_slice %arg9[%dma_start3A_647, %dma_start3A_648, %dma_start3A_649] : memref<4x80x128xf32, #tpu.memory_space<vmem>> -> memref<1x80x128xf32, #tpu.memory_space<vmem>>
    %dma_start3A_651 = tpu.memref_squeeze %dma_start3A_650 : memref<1x80x128xf32, #tpu.memory_space<vmem>> -> memref<80x128xf32, #tpu.memory_space<vmem>>
    %dma_start3A_652 = arith.constant 0 : i32
    %dma_start3A_653 = tpu.memref_slice %arg6[%arg0, %add3A_646, %dma_start3A_652] : memref<2x10240x128xf32, #tpu.memory_space<hbm>> -> memref<1x80x128xf32, #tpu.memory_space<hbm>>
    %dma_start3A_654 = tpu.memref_squeeze %dma_start3A_653 : memref<1x80x128xf32, #tpu.memory_space<hbm>> -> memref<80x128xf32, #tpu.memory_space<hbm>>
    %dma_start3A_655 = arith.constant 0 : i32
    %dma_start3A_656 = tpu.memref_slice %arg6[%arg0, %add3A_646, %dma_start3A_655] : memref<2x10240x128xf32, #tpu.memory_space<hbm>> -> memref<1x80x128xf32, #tpu.memory_space<hbm>>
    %dma_start3A_657 = tpu.memref_squeeze %dma_start3A_656 : memref<1x80x128xf32, #tpu.memory_space<hbm>> -> memref<80x128xf32, #tpu.memory_space<hbm>>
    %dma_start3A_658 = arith.constant 0 : i32
    %dma_start3A_659 = arith.constant 0 : i32
    %dma_start3A_660 = tpu.memref_slice %arg9[%dma_start3A_647, %dma_start3A_658, %dma_start3A_659] : memref<4x80x128xf32, #tpu.memory_space<vmem>> -> memref<1x80x128xf32, #tpu.memory_space<vmem>>
    %dma_start3A_661 = tpu.memref_squeeze %dma_start3A_660 : memref<1x80x128xf32, #tpu.memory_space<vmem>> -> memref<80x128xf32, #tpu.memory_space<vmem>>
    tpu.enqueue_dma source(%dma_start3A_661 : memref<80x128xf32, #tpu.memory_space<vmem>>) target(%dma_start3A_657 : memref<80x128xf32, #tpu.memory_space<hbm>>) target_semaphore(%arg14 : memref<!tpu.dma_semaphore, #tpu.memory_space<semaphore_mem>>)
    %mul3A_662 = arith.constant 640 : i32
    %mul3A_663 = arith.muli %arg1, %mul3A_662 : i32
    %add3A_664 = arith.constant 320 : i32
    %add3A_665 = arith.addi %mul3A_663, %add3A_664 : i32
    %dma_wait3A_666 = arith.constant 0 : i32
    %dma_wait3A_667 = arith.constant 0 : i32
    %dma_wait3A_668 = arith.constant 0 : i32
    %dma_wait3A_669 = tpu.memref_slice %arg9[%dma_wait3A_666, %dma_wait3A_667, %dma_wait3A_668] : memref<4x80x128xf32, #tpu.memory_space<vmem>> -> memref<1x80x128xf32, #tpu.memory_space<vmem>>
    %dma_wait3A_670 = tpu.memref_squeeze %dma_wait3A_669 : memref<1x80x128xf32, #tpu.memory_space<vmem>> -> memref<80x128xf32, #tpu.memory_space<vmem>>
    %dma_wait3A_671 = arith.constant 0 : i32
    %dma_wait3A_672 = tpu.memref_slice %arg6[%arg0, %add3A_665, %dma_wait3A_671] : memref<2x10240x128xf32, #tpu.memory_space<hbm>> -> memref<1x80x128xf32, #tpu.memory_space<hbm>>
    %dma_wait3A_673 = tpu.memref_squeeze %dma_wait3A_672 : memref<1x80x128xf32, #tpu.memory_space<hbm>> -> memref<80x128xf32, #tpu.memory_space<hbm>>
    %dma_wait3A_674 = arith.constant 0 : i32
    %dma_wait3A_675 = tpu.memref_slice %arg6[%arg0, %add3A_665, %dma_wait3A_674] : memref<2x10240x128xf32, #tpu.memory_space<hbm>> -> memref<1x80x128xf32, #tpu.memory_space<hbm>>
    %dma_wait3A_676 = tpu.memref_squeeze %dma_wait3A_675 : memref<1x80x128xf32, #tpu.memory_space<hbm>> -> memref<80x128xf32, #tpu.memory_space<hbm>>
    %dma_wait3A_677 = arith.constant 0 : i32
    %dma_wait3A_678 = arith.constant 0 : i32
    %dma_wait3A_679 = tpu.memref_slice %arg9[%dma_wait3A_666, %dma_wait3A_677, %dma_wait3A_678] : memref<4x80x128xf32, #tpu.memory_space<vmem>> -> memref<1x80x128xf32, #tpu.memory_space<vmem>>
    %dma_wait3A_680 = tpu.memref_squeeze %dma_wait3A_679 : memref<1x80x128xf32, #tpu.memory_space<vmem>> -> memref<80x128xf32, #tpu.memory_space<vmem>>
    tpu.wait_dma2 semaphore(%arg14 : memref<!tpu.dma_semaphore, #tpu.memory_space<semaphore_mem>>) src(%dma_wait3A_680 : memref<80x128xf32, #tpu.memory_space<vmem>>) dst(%dma_wait3A_676 : memref<80x128xf32, #tpu.memory_space<hbm>>)
    %mul3A_681 = arith.constant 640 : i32
    %mul3A_682 = arith.muli %arg1, %mul3A_681 : i32
    %add3A_683 = arith.constant 400 : i32
    %add3A_684 = arith.addi %mul3A_682, %add3A_683 : i32
    %dma_wait3A_685 = arith.constant 1 : i32
    %dma_wait3A_686 = arith.constant 0 : i32
    %dma_wait3A_687 = arith.constant 0 : i32
    %dma_wait3A_688 = tpu.memref_slice %arg9[%dma_wait3A_685, %dma_wait3A_686, %dma_wait3A_687] : memref<4x80x128xf32, #tpu.memory_space<vmem>> -> memref<1x80x128xf32, #tpu.memory_space<vmem>>
    %dma_wait3A_689 = tpu.memref_squeeze %dma_wait3A_688 : memref<1x80x128xf32, #tpu.memory_space<vmem>> -> memref<80x128xf32, #tpu.memory_space<vmem>>
    %dma_wait3A_690 = arith.constant 0 : i32
    %dma_wait3A_691 = tpu.memref_slice %arg6[%arg0, %add3A_684, %dma_wait3A_690] : memref<2x10240x128xf32, #tpu.memory_space<hbm>> -> memref<1x80x128xf32, #tpu.memory_space<hbm>>
    %dma_wait3A_692 = tpu.memref_squeeze %dma_wait3A_691 : memref<1x80x128xf32, #tpu.memory_space<hbm>> -> memref<80x128xf32, #tpu.memory_space<hbm>>
    %dma_wait3A_693 = arith.constant 0 : i32
    %dma_wait3A_694 = tpu.memref_slice %arg6[%arg0, %add3A_684, %dma_wait3A_693] : memref<2x10240x128xf32, #tpu.memory_space<hbm>> -> memref<1x80x128xf32, #tpu.memory_space<hbm>>
    %dma_wait3A_695 = tpu.memref_squeeze %dma_wait3A_694 : memref<1x80x128xf32, #tpu.memory_space<hbm>> -> memref<80x128xf32, #tpu.memory_space<hbm>>
    %dma_wait3A_696 = arith.constant 0 : i32
    %dma_wait3A_697 = arith.constant 0 : i32
    %dma_wait3A_698 = tpu.memref_slice %arg9[%dma_wait3A_685, %dma_wait3A_696, %dma_wait3A_697] : memref<4x80x128xf32, #tpu.memory_space<vmem>> -> memref<1x80x128xf32, #tpu.memory_space<vmem>>
    %dma_wait3A_699 = tpu.memref_squeeze %dma_wait3A_698 : memref<1x80x128xf32, #tpu.memory_space<vmem>> -> memref<80x128xf32, #tpu.memory_space<vmem>>
    tpu.wait_dma2 semaphore(%arg14 : memref<!tpu.dma_semaphore, #tpu.memory_space<semaphore_mem>>) src(%dma_wait3A_699 : memref<80x128xf32, #tpu.memory_space<vmem>>) dst(%dma_wait3A_695 : memref<80x128xf32, #tpu.memory_space<hbm>>)
    %mul3A_700 = arith.constant 640 : i32
    %mul3A_701 = arith.muli %arg1, %mul3A_700 : i32
    %add3A_702 = arith.constant 480 : i32
    %add3A_703 = arith.addi %mul3A_701, %add3A_702 : i32
    %dma_wait3A_704 = arith.constant 2 : i32
    %dma_wait3A_705 = arith.constant 0 : i32
    %dma_wait3A_706 = arith.constant 0 : i32
    %dma_wait3A_707 = tpu.memref_slice %arg9[%dma_wait3A_704, %dma_wait3A_705, %dma_wait3A_706] : memref<4x80x128xf32, #tpu.memory_space<vmem>> -> memref<1x80x128xf32, #tpu.memory_space<vmem>>
    %dma_wait3A_708 = tpu.memref_squeeze %dma_wait3A_707 : memref<1x80x128xf32, #tpu.memory_space<vmem>> -> memref<80x128xf32, #tpu.memory_space<vmem>>
    %dma_wait3A_709 = arith.constant 0 : i32
    %dma_wait3A_710 = tpu.memref_slice %arg6[%arg0, %add3A_703, %dma_wait3A_709] : memref<2x10240x128xf32, #tpu.memory_space<hbm>> -> memref<1x80x128xf32, #tpu.memory_space<hbm>>
    %dma_wait3A_711 = tpu.memref_squeeze %dma_wait3A_710 : memref<1x80x128xf32, #tpu.memory_space<hbm>> -> memref<80x128xf32, #tpu.memory_space<hbm>>
    %dma_wait3A_712 = arith.constant 0 : i32
    %dma_wait3A_713 = tpu.memref_slice %arg6[%arg0, %add3A_703, %dma_wait3A_712] : memref<2x10240x128xf32, #tpu.memory_space<hbm>> -> memref<1x80x128xf32, #tpu.memory_space<hbm>>
    %dma_wait3A_714 = tpu.memref_squeeze %dma_wait3A_713 : memref<1x80x128xf32, #tpu.memory_space<hbm>> -> memref<80x128xf32, #tpu.memory_space<hbm>>
    %dma_wait3A_715 = arith.constant 0 : i32
    %dma_wait3A_716 = arith.constant 0 : i32
    %dma_wait3A_717 = tpu.memref_slice %arg9[%dma_wait3A_704, %dma_wait3A_715, %dma_wait3A_716] : memref<4x80x128xf32, #tpu.memory_space<vmem>> -> memref<1x80x128xf32, #tpu.memory_space<vmem>>
    %dma_wait3A_718 = tpu.memref_squeeze %dma_wait3A_717 : memref<1x80x128xf32, #tpu.memory_space<vmem>> -> memref<80x128xf32, #tpu.memory_space<vmem>>
    tpu.wait_dma2 semaphore(%arg14 : memref<!tpu.dma_semaphore, #tpu.memory_space<semaphore_mem>>) src(%dma_wait3A_718 : memref<80x128xf32, #tpu.memory_space<vmem>>) dst(%dma_wait3A_714 : memref<80x128xf32, #tpu.memory_space<hbm>>)
    %mul3A_719 = arith.constant 640 : i32
    %mul3A_720 = arith.muli %arg1, %mul3A_719 : i32
    %add3A_721 = arith.constant 560 : i32
    %add3A_722 = arith.addi %mul3A_720, %add3A_721 : i32
    %dma_wait3A_723 = arith.constant 3 : i32
    %dma_wait3A_724 = arith.constant 0 : i32
    %dma_wait3A_725 = arith.constant 0 : i32
    %dma_wait3A_726 = tpu.memref_slice %arg9[%dma_wait3A_723, %dma_wait3A_724, %dma_wait3A_725] : memref<4x80x128xf32, #tpu.memory_space<vmem>> -> memref<1x80x128xf32, #tpu.memory_space<vmem>>
    %dma_wait3A_727 = tpu.memref_squeeze %dma_wait3A_726 : memref<1x80x128xf32, #tpu.memory_space<vmem>> -> memref<80x128xf32, #tpu.memory_space<vmem>>
    %dma_wait3A_728 = arith.constant 0 : i32
    %dma_wait3A_729 = tpu.memref_slice %arg6[%arg0, %add3A_722, %dma_wait3A_728] : memref<2x10240x128xf32, #tpu.memory_space<hbm>> -> memref<1x80x128xf32, #tpu.memory_space<hbm>>
    %dma_wait3A_730 = tpu.memref_squeeze %dma_wait3A_729 : memref<1x80x128xf32, #tpu.memory_space<hbm>> -> memref<80x128xf32, #tpu.memory_space<hbm>>
    %dma_wait3A_731 = arith.constant 0 : i32
    %dma_wait3A_732 = tpu.memref_slice %arg6[%arg0, %add3A_722, %dma_wait3A_731] : memref<2x10240x128xf32, #tpu.memory_space<hbm>> -> memref<1x80x128xf32, #tpu.memory_space<hbm>>
    %dma_wait3A_733 = tpu.memref_squeeze %dma_wait3A_732 : memref<1x80x128xf32, #tpu.memory_space<hbm>> -> memref<80x128xf32, #tpu.memory_space<hbm>>
    %dma_wait3A_734 = arith.constant 0 : i32
    %dma_wait3A_735 = arith.constant 0 : i32
    %dma_wait3A_736 = tpu.memref_slice %arg9[%dma_wait3A_723, %dma_wait3A_734, %dma_wait3A_735] : memref<4x80x128xf32, #tpu.memory_space<vmem>> -> memref<1x80x128xf32, #tpu.memory_space<vmem>>
    %dma_wait3A_737 = tpu.memref_squeeze %dma_wait3A_736 : memref<1x80x128xf32, #tpu.memory_space<vmem>> -> memref<80x128xf32, #tpu.memory_space<vmem>>
    tpu.wait_dma2 semaphore(%arg14 : memref<!tpu.dma_semaphore, #tpu.memory_space<semaphore_mem>>) src(%dma_wait3A_737 : memref<80x128xf32, #tpu.memory_space<vmem>>) dst(%dma_wait3A_733 : memref<80x128xf32, #tpu.memory_space<hbm>>)
    return
  }
}

#map = affine_map<(d0, d1) -> (0, 0)>
#map1 = affine_map<(d0, d1) -> (0)>
#map2 = affine_map<(d0, d1) -> (0, 0, 0)>
module attributes {stable_mosaic.version = 14 : i64} {
  func.func @k(%arg0: i32, %arg1: i32, %arg2: memref<10000x128xf32, #tpu.memory_space<hbm>>, %arg3: memref<320000xi32, #tpu.memory_space<hbm>>, %arg4: memref<320000xi32, #tpu.memory_space<hbm>>, %arg5: memref<80x128xf32, #tpu.memory_space<hbm>>, %arg6: memref<2x10240x128xf32, #tpu.memory_space<hbm>>, %arg7: memref<4x80xi32, #tpu.memory_space<vmem>>, %arg8: memref<4x80xi32, #tpu.memory_space<vmem>>, %arg9: memref<4x80x128xf32, #tpu.memory_space<vmem>>, %arg10: memref<10240x128xf32, #tpu.memory_space<vmem_shared>>, %arg11: memref<!tpu.dma_semaphore, #tpu.memory_space<semaphore_mem>>, %arg12: memref<!tpu.dma_semaphore, #tpu.memory_space<semaphore_mem>>, %arg13: memref<!tpu.dma_semaphore, #tpu.memory_space<semaphore_mem>>, %arg14: memref<!tpu.dma_semaphore, #tpu.memory_space<semaphore_mem>>) attributes {dimension_semantics = [#tpu.dimension_semantics<core_parallel>, #tpu.dimension_semantics<subcore_parallel>], iteration_bounds = array<i64: 2, 16>, scalar_prefetch = 0 : i64, scratch_operands = 8 : i64, tpu.core_type = #tpu.core_type<sc_vector_subcore>, window_params = [{transform_indices = #map}, {transform_indices = #map1}, {transform_indices = #map1}, {transform_indices = #map}, {transform_indices = #map2}]} {
    %mul3A = arith.constant 16 : i32
    %mul3A_0 = arith.muli %arg0, %mul3A : i32
    %add3A = arith.addi %mul3A_0, %arg1 : i32
    %run_scoped3A = arith.constant 2 : i32
    "tpu.region"() ({
      %run_scoped3A_738 = tpu.sem_alloc : memref<!tpu.dma_semaphore, #tpu.memory_space<semaphore_mem>>
      %dma_start3A_739 = arith.constant 0 : i32
      %dma_start3A_740 = arith.constant 0 : i32
      %dma_start3A_741 = tpu.memref_slice %arg9[%run_scoped3A, %dma_start3A_739, %dma_start3A_740] : memref<4x80x128xf32, #tpu.memory_space<vmem>> -> memref<1x80x128xf32, #tpu.memory_space<vmem>>
      %dma_start3A_742 = tpu.memref_squeeze %dma_start3A_741 : memref<1x80x128xf32, #tpu.memory_space<vmem>> -> memref<80x128xf32, #tpu.memory_space<vmem>>
      %dma_start3A_743 = arith.constant 0 : i32
      %dma_start3A_744 = arith.constant 0 : i32
      %dma_start3A_745 = tpu.memref_slice %arg9[%run_scoped3A, %dma_start3A_743, %dma_start3A_744] : memref<4x80x128xf32, #tpu.memory_space<vmem>> -> memref<1x80x128xf32, #tpu.memory_space<vmem>>
      %dma_start3A_746 = tpu.memref_squeeze %dma_start3A_745 : memref<1x80x128xf32, #tpu.memory_space<vmem>> -> memref<80x128xf32, #tpu.memory_space<vmem>>
      tpu.enqueue_dma source(%arg5 : memref<80x128xf32, #tpu.memory_space<hbm>>) target(%dma_start3A_746 : memref<80x128xf32, #tpu.memory_space<vmem>>) target_semaphore(%run_scoped3A_738 : memref<!tpu.dma_semaphore, #tpu.memory_space<semaphore_mem>>)
      %dma_wait3A_747 = arith.constant 0 : i32
      %dma_wait3A_748 = arith.constant 0 : i32
      %dma_wait3A_749 = tpu.memref_slice %arg9[%run_scoped3A, %dma_wait3A_747, %dma_wait3A_748] : memref<4x80x128xf32, #tpu.memory_space<vmem>> -> memref<1x80x128xf32, #tpu.memory_space<vmem>>
      %dma_wait3A_750 = tpu.memref_squeeze %dma_wait3A_749 : memref<1x80x128xf32, #tpu.memory_space<vmem>> -> memref<80x128xf32, #tpu.memory_space<vmem>>
      %dma_wait3A_751 = arith.constant 0 : i32
      %dma_wait3A_752 = arith.constant 0 : i32
      %dma_wait3A_753 = tpu.memref_slice %arg9[%run_scoped3A, %dma_wait3A_751, %dma_wait3A_752] : memref<4x80x128xf32, #tpu.memory_space<vmem>> -> memref<1x80x128xf32, #tpu.memory_space<vmem>>
      %dma_wait3A_754 = tpu.memref_squeeze %dma_wait3A_753 : memref<1x80x128xf32, #tpu.memory_space<vmem>> -> memref<80x128xf32, #tpu.memory_space<vmem>>
      tpu.wait_dma2 semaphore(%run_scoped3A_738 : memref<!tpu.dma_semaphore, #tpu.memory_space<semaphore_mem>>) src(%arg5 : memref<80x128xf32, #tpu.memory_space<hbm>>) dst(%dma_wait3A_754 : memref<80x128xf32, #tpu.memory_space<vmem>>)
      tpu.yield
    }) : () -> ()
    %run_scoped3A_1 = arith.constant 3 : i32
    "tpu.region"() ({
      %run_scoped3A_738 = tpu.sem_alloc : memref<!tpu.dma_semaphore, #tpu.memory_space<semaphore_mem>>
      %dma_start3A_739 = arith.constant 0 : i32
      %dma_start3A_740 = arith.constant 0 : i32
      %dma_start3A_741 = tpu.memref_slice %arg9[%run_scoped3A_1, %dma_start3A_739, %dma_start3A_740] : memref<4x80x128xf32, #tpu.memory_space<vmem>> -> memref<1x80x128xf32, #tpu.memory_space<vmem>>
      %dma_start3A_742 = tpu.memref_squeeze %dma_start3A_741 : memref<1x80x128xf32, #tpu.memory_space<vmem>> -> memref<80x128xf32, #tpu.memory_space<vmem>>
      %dma_start3A_743 = arith.constant 0 : i32
      %dma_start3A_744 = arith.constant 0 : i32
      %dma_start3A_745 = tpu.memref_slice %arg9[%run_scoped3A_1, %dma_start3A_743, %dma_start3A_744] : memref<4x80x128xf32, #tpu.memory_space<vmem>> -> memref<1x80x128xf32, #tpu.memory_space<vmem>>
      %dma_start3A_746 = tpu.memref_squeeze %dma_start3A_745 : memref<1x80x128xf32, #tpu.memory_space<vmem>> -> memref<80x128xf32, #tpu.memory_space<vmem>>
      tpu.enqueue_dma source(%arg5 : memref<80x128xf32, #tpu.memory_space<hbm>>) target(%dma_start3A_746 : memref<80x128xf32, #tpu.memory_space<vmem>>) target_semaphore(%run_scoped3A_738 : memref<!tpu.dma_semaphore, #tpu.memory_space<semaphore_mem>>)
      %dma_wait3A_747 = arith.constant 0 : i32
      %dma_wait3A_748 = arith.constant 0 : i32
      %dma_wait3A_749 = tpu.memref_slice %arg9[%run_scoped3A_1, %dma_wait3A_747, %dma_wait3A_748] : memref<4x80x128xf32, #tpu.memory_space<vmem>> -> memref<1x80x128xf32, #tpu.memory_space<vmem>>
      %dma_wait3A_750 = tpu.memref_squeeze %dma_wait3A_749 : memref<1x80x128xf32, #tpu.memory_space<vmem>> -> memref<80x128xf32, #tpu.memory_space<vmem>>
      %dma_wait3A_751 = arith.constant 0 : i32
      %dma_wait3A_752 = arith.constant 0 : i32
      %dma_wait3A_753 = tpu.memref_slice %arg9[%run_scoped3A_1, %dma_wait3A_751, %dma_wait3A_752] : memref<4x80x128xf32, #tpu.memory_space<vmem>> -> memref<1x80x128xf32, #tpu.memory_space<vmem>>
      %dma_wait3A_754 = tpu.memref_squeeze %dma_wait3A_753 : memref<1x80x128xf32, #tpu.memory_space<vmem>> -> memref<80x128xf32, #tpu.memory_space<vmem>>
      tpu.wait_dma2 semaphore(%run_scoped3A_738 : memref<!tpu.dma_semaphore, #tpu.memory_space<semaphore_mem>>) src(%arg5 : memref<80x128xf32, #tpu.memory_space<hbm>>) dst(%dma_wait3A_754 : memref<80x128xf32, #tpu.memory_space<vmem>>)
      tpu.yield
    }) : () -> ()
    %mul3A_2 = arith.constant 640 : i32
    %mul3A_3 = arith.muli %arg1, %mul3A_2 : i32
    %add3A_4 = arith.constant 0 : i32
    %add3A_5 = arith.addi %mul3A_3, %add3A_4 : i32
    %dma_start3A = arith.constant 2 : i32
    %dma_start3A_6 = arith.constant 0 : i32
    %dma_start3A_7 = arith.constant 0 : i32
    %dma_start3A_8 = tpu.memref_slice %arg9[%dma_start3A, %dma_start3A_6, %dma_start3A_7] : memref<4x80x128xf32, #tpu.memory_space<vmem>> -> memref<1x80x128xf32, #tpu.memory_space<vmem>>
    %dma_start3A_9 = tpu.memref_squeeze %dma_start3A_8 : memref<1x80x128xf32, #tpu.memory_space<vmem>> -> memref<80x128xf32, #tpu.memory_space<vmem>>
    %dma_start3A_10 = arith.constant 0 : i32
    %dma_start3A_11 = tpu.memref_slice %arg10[%add3A_5, %dma_start3A_10] : memref<10240x128xf32, #tpu.memory_space<vmem_shared>> -> memref<80x128xf32, #tpu.memory_space<vmem_shared>>
    %dma_start3A_12 = arith.constant 0 : i32
    %dma_start3A_13 = tpu.memref_slice %arg10[%add3A_5, %dma_start3A_12] : memref<10240x128xf32, #tpu.memory_space<vmem_shared>> -> memref<80x128xf32, #tpu.memory_space<vmem_shared>>
    %dma_start3A_14 = arith.constant 0 : i32
    %dma_start3A_15 = arith.constant 0 : i32
    %dma_start3A_16 = tpu.memref_slice %arg9[%dma_start3A, %dma_start3A_14, %dma_start3A_15] : memref<4x80x128xf32, #tpu.memory_space<vmem>> -> memref<1x80x128xf32, #tpu.memory_space<vmem>>
    %dma_start3A_17 = tpu.memref_squeeze %dma_start3A_16 : memref<1x80x128xf32, #tpu.memory_space<vmem>> -> memref<80x128xf32, #tpu.memory_space<vmem>>
    tpu.enqueue_dma source(%dma_start3A_17 : memref<80x128xf32, #tpu.memory_space<vmem>>) target(%dma_start3A_13 : memref<80x128xf32, #tpu.memory_space<vmem_shared>>) target_semaphore(%arg14 : memref<!tpu.dma_semaphore, #tpu.memory_space<semaphore_mem>>)
    %mul3A_18 = arith.constant 640 : i32
    %mul3A_19 = arith.muli %arg1, %mul3A_18 : i32
    %add3A_20 = arith.constant 80 : i32
    %add3A_21 = arith.addi %mul3A_19, %add3A_20 : i32
    %dma_start3A_22 = arith.constant 3 : i32
    %dma_start3A_23 = arith.constant 0 : i32
    %dma_start3A_24 = arith.constant 0 : i32
    %dma_start3A_25 = tpu.memref_slice %arg9[%dma_start3A_22, %dma_start3A_23, %dma_start3A_24] : memref<4x80x128xf32, #tpu.memory_space<vmem>> -> memref<1x80x128xf32, #tpu.memory_space<vmem>>
    %dma_start3A_26 = tpu.memref_squeeze %dma_start3A_25 : memref<1x80x128xf32, #tpu.memory_space<vmem>> -> memref<80x128xf32, #tpu.memory_space<vmem>>
    %dma_start3A_27 = arith.constant 0 : i32
    %dma_start3A_28 = tpu.memref_slice %arg10[%add3A_21, %dma_start3A_27] : memref<10240x128xf32, #tpu.memory_space<vmem_shared>> -> memref<80x128xf32, #tpu.memory_space<vmem_shared>>
    %dma_start3A_29 = arith.constant 0 : i32
    %dma_start3A_30 = tpu.memref_slice %arg10[%add3A_21, %dma_start3A_29] : memref<10240x128xf32, #tpu.memory_space<vmem_shared>> -> memref<80x128xf32, #tpu.memory_space<vmem_shared>>
    %dma_start3A_31 = arith.constant 0 : i32
    %dma_start3A_32 = arith.constant 0 : i32
    %dma_start3A_33 = tpu.memref_slice %arg9[%dma_start3A_22, %dma_start3A_31, %dma_start3A_32] : memref<4x80x128xf32, #tpu.memory_space<vmem>> -> memref<1x80x128xf32, #tpu.memory_space<vmem>>
    %dma_start3A_34 = tpu.memref_squeeze %dma_start3A_33 : memref<1x80x128xf32, #tpu.memory_space<vmem>> -> memref<80x128xf32, #tpu.memory_space<vmem>>
    tpu.enqueue_dma source(%dma_start3A_34 : memref<80x128xf32, #tpu.memory_space<vmem>>) target(%dma_start3A_30 : memref<80x128xf32, #tpu.memory_space<vmem_shared>>) target_semaphore(%arg14 : memref<!tpu.dma_semaphore, #tpu.memory_space<semaphore_mem>>)
    %mul3A_35 = arith.constant 640 : i32
    %mul3A_36 = arith.muli %arg1, %mul3A_35 : i32
    %add3A_37 = arith.constant 160 : i32
    %add3A_38 = arith.addi %mul3A_36, %add3A_37 : i32
    %dma_start3A_39 = arith.constant 2 : i32
    %dma_start3A_40 = arith.constant 0 : i32
    %dma_start3A_41 = arith.constant 0 : i32
    %dma_start3A_42 = tpu.memref_slice %arg9[%dma_start3A_39, %dma_start3A_40, %dma_start3A_41] : memref<4x80x128xf32, #tpu.memory_space<vmem>> -> memref<1x80x128xf32, #tpu.memory_space<vmem>>
    %dma_start3A_43 = tpu.memref_squeeze %dma_start3A_42 : memref<1x80x128xf32, #tpu.memory_space<vmem>> -> memref<80x128xf32, #tpu.memory_space<vmem>>
    %dma_start3A_44 = arith.constant 0 : i32
    %dma_start3A_45 = tpu.memref_slice %arg10[%add3A_38, %dma_start3A_44] : memref<10240x128xf32, #tpu.memory_space<vmem_shared>> -> memref<80x128xf32, #tpu.memory_space<vmem_shared>>
    %dma_start3A_46 = arith.constant 0 : i32
    %dma_start3A_47 = tpu.memref_slice %arg10[%add3A_38, %dma_start3A_46] : memref<10240x128xf32, #tpu.memory_space<vmem_shared>> -> memref<80x128xf32, #tpu.memory_space<vmem_shared>>
    %dma_start3A_48 = arith.constant 0 : i32
    %dma_start3A_49 = arith.constant 0 : i32
    %dma_start3A_50 = tpu.memref_slice %arg9[%dma_start3A_39, %dma_start3A_48, %dma_start3A_49] : memref<4x80x128xf32, #tpu.memory_space<vmem>> -> memref<1x80x128xf32, #tpu.memory_space<vmem>>
    %dma_start3A_51 = tpu.memref_squeeze %dma_start3A_50 : memref<1x80x128xf32, #tpu.memory_space<vmem>> -> memref<80x128xf32, #tpu.memory_space<vmem>>
    tpu.enqueue_dma source(%dma_start3A_51 : memref<80x128xf32, #tpu.memory_space<vmem>>) target(%dma_start3A_47 : memref<80x128xf32, #tpu.memory_space<vmem_shared>>) target_semaphore(%arg14 : memref<!tpu.dma_semaphore, #tpu.memory_space<semaphore_mem>>)
    %mul3A_52 = arith.constant 640 : i32
    %mul3A_53 = arith.muli %arg1, %mul3A_52 : i32
    %add3A_54 = arith.constant 240 : i32
    %add3A_55 = arith.addi %mul3A_53, %add3A_54 : i32
    %dma_start3A_56 = arith.constant 3 : i32
    %dma_start3A_57 = arith.constant 0 : i32
    %dma_start3A_58 = arith.constant 0 : i32
    %dma_start3A_59 = tpu.memref_slice %arg9[%dma_start3A_56, %dma_start3A_57, %dma_start3A_58] : memref<4x80x128xf32, #tpu.memory_space<vmem>> -> memref<1x80x128xf32, #tpu.memory_space<vmem>>
    %dma_start3A_60 = tpu.memref_squeeze %dma_start3A_59 : memref<1x80x128xf32, #tpu.memory_space<vmem>> -> memref<80x128xf32, #tpu.memory_space<vmem>>
    %dma_start3A_61 = arith.constant 0 : i32
    %dma_start3A_62 = tpu.memref_slice %arg10[%add3A_55, %dma_start3A_61] : memref<10240x128xf32, #tpu.memory_space<vmem_shared>> -> memref<80x128xf32, #tpu.memory_space<vmem_shared>>
    %dma_start3A_63 = arith.constant 0 : i32
    %dma_start3A_64 = tpu.memref_slice %arg10[%add3A_55, %dma_start3A_63] : memref<10240x128xf32, #tpu.memory_space<vmem_shared>> -> memref<80x128xf32, #tpu.memory_space<vmem_shared>>
    %dma_start3A_65 = arith.constant 0 : i32
    %dma_start3A_66 = arith.constant 0 : i32
    %dma_start3A_67 = tpu.memref_slice %arg9[%dma_start3A_56, %dma_start3A_65, %dma_start3A_66] : memref<4x80x128xf32, #tpu.memory_space<vmem>> -> memref<1x80x128xf32, #tpu.memory_space<vmem>>
    %dma_start3A_68 = tpu.memref_squeeze %dma_start3A_67 : memref<1x80x128xf32, #tpu.memory_space<vmem>> -> memref<80x128xf32, #tpu.memory_space<vmem>>
    tpu.enqueue_dma source(%dma_start3A_68 : memref<80x128xf32, #tpu.memory_space<vmem>>) target(%dma_start3A_64 : memref<80x128xf32, #tpu.memory_space<vmem_shared>>) target_semaphore(%arg14 : memref<!tpu.dma_semaphore, #tpu.memory_space<semaphore_mem>>)
    %mul3A_69 = arith.constant 640 : i32
    %mul3A_70 = arith.muli %arg1, %mul3A_69 : i32
    %add3A_71 = arith.constant 320 : i32
    %add3A_72 = arith.addi %mul3A_70, %add3A_71 : i32
    %dma_start3A_73 = arith.constant 2 : i32
    %dma_start3A_74 = arith.constant 0 : i32
    %dma_start3A_75 = arith.constant 0 : i32
    %dma_start3A_76 = tpu.memref_slice %arg9[%dma_start3A_73, %dma_start3A_74, %dma_start3A_75] : memref<4x80x128xf32, #tpu.memory_space<vmem>> -> memref<1x80x128xf32, #tpu.memory_space<vmem>>
    %dma_start3A_77 = tpu.memref_squeeze %dma_start3A_76 : memref<1x80x128xf32, #tpu.memory_space<vmem>> -> memref<80x128xf32, #tpu.memory_space<vmem>>
    %dma_start3A_78 = arith.constant 0 : i32
    %dma_start3A_79 = tpu.memref_slice %arg10[%add3A_72, %dma_start3A_78] : memref<10240x128xf32, #tpu.memory_space<vmem_shared>> -> memref<80x128xf32, #tpu.memory_space<vmem_shared>>
    %dma_start3A_80 = arith.constant 0 : i32
    %dma_start3A_81 = tpu.memref_slice %arg10[%add3A_72, %dma_start3A_80] : memref<10240x128xf32, #tpu.memory_space<vmem_shared>> -> memref<80x128xf32, #tpu.memory_space<vmem_shared>>
    %dma_start3A_82 = arith.constant 0 : i32
    %dma_start3A_83 = arith.constant 0 : i32
    %dma_start3A_84 = tpu.memref_slice %arg9[%dma_start3A_73, %dma_start3A_82, %dma_start3A_83] : memref<4x80x128xf32, #tpu.memory_space<vmem>> -> memref<1x80x128xf32, #tpu.memory_space<vmem>>
    %dma_start3A_85 = tpu.memref_squeeze %dma_start3A_84 : memref<1x80x128xf32, #tpu.memory_space<vmem>> -> memref<80x128xf32, #tpu.memory_space<vmem>>
    tpu.enqueue_dma source(%dma_start3A_85 : memref<80x128xf32, #tpu.memory_space<vmem>>) target(%dma_start3A_81 : memref<80x128xf32, #tpu.memory_space<vmem_shared>>) target_semaphore(%arg14 : memref<!tpu.dma_semaphore, #tpu.memory_space<semaphore_mem>>)
    %mul3A_86 = arith.constant 640 : i32
    %mul3A_87 = arith.muli %arg1, %mul3A_86 : i32
    %add3A_88 = arith.constant 400 : i32
    %add3A_89 = arith.addi %mul3A_87, %add3A_88 : i32
    %dma_start3A_90 = arith.constant 3 : i32
    %dma_start3A_91 = arith.constant 0 : i32
    %dma_start3A_92 = arith.constant 0 : i32
    %dma_start3A_93 = tpu.memref_slice %arg9[%dma_start3A_90, %dma_start3A_91, %dma_start3A_92] : memref<4x80x128xf32, #tpu.memory_space<vmem>> -> memref<1x80x128xf32, #tpu.memory_space<vmem>>
    %dma_start3A_94 = tpu.memref_squeeze %dma_start3A_93 : memref<1x80x128xf32, #tpu.memory_space<vmem>> -> memref<80x128xf32, #tpu.memory_space<vmem>>
    %dma_start3A_95 = arith.constant 0 : i32
    %dma_start3A_96 = tpu.memref_slice %arg10[%add3A_89, %dma_start3A_95] : memref<10240x128xf32, #tpu.memory_space<vmem_shared>> -> memref<80x128xf32, #tpu.memory_space<vmem_shared>>
    %dma_start3A_97 = arith.constant 0 : i32
    %dma_start3A_98 = tpu.memref_slice %arg10[%add3A_89, %dma_start3A_97] : memref<10240x128xf32, #tpu.memory_space<vmem_shared>> -> memref<80x128xf32, #tpu.memory_space<vmem_shared>>
    %dma_start3A_99 = arith.constant 0 : i32
    %dma_start3A_100 = arith.constant 0 : i32
    %dma_start3A_101 = tpu.memref_slice %arg9[%dma_start3A_90, %dma_start3A_99, %dma_start3A_100] : memref<4x80x128xf32, #tpu.memory_space<vmem>> -> memref<1x80x128xf32, #tpu.memory_space<vmem>>
    %dma_start3A_102 = tpu.memref_squeeze %dma_start3A_101 : memref<1x80x128xf32, #tpu.memory_space<vmem>> -> memref<80x128xf32, #tpu.memory_space<vmem>>
    tpu.enqueue_dma source(%dma_start3A_102 : memref<80x128xf32, #tpu.memory_space<vmem>>) target(%dma_start3A_98 : memref<80x128xf32, #tpu.memory_space<vmem_shared>>) target_semaphore(%arg14 : memref<!tpu.dma_semaphore, #tpu.memory_space<semaphore_mem>>)
    %mul3A_103 = arith.constant 640 : i32
    %mul3A_104 = arith.muli %arg1, %mul3A_103 : i32
    %add3A_105 = arith.constant 480 : i32
    %add3A_106 = arith.addi %mul3A_104, %add3A_105 : i32
    %dma_start3A_107 = arith.constant 2 : i32
    %dma_start3A_108 = arith.constant 0 : i32
    %dma_start3A_109 = arith.constant 0 : i32
    %dma_start3A_110 = tpu.memref_slice %arg9[%dma_start3A_107, %dma_start3A_108, %dma_start3A_109] : memref<4x80x128xf32, #tpu.memory_space<vmem>> -> memref<1x80x128xf32, #tpu.memory_space<vmem>>
    %dma_start3A_111 = tpu.memref_squeeze %dma_start3A_110 : memref<1x80x128xf32, #tpu.memory_space<vmem>> -> memref<80x128xf32, #tpu.memory_space<vmem>>
    %dma_start3A_112 = arith.constant 0 : i32
    %dma_start3A_113 = tpu.memref_slice %arg10[%add3A_106, %dma_start3A_112] : memref<10240x128xf32, #tpu.memory_space<vmem_shared>> -> memref<80x128xf32, #tpu.memory_space<vmem_shared>>
    %dma_start3A_114 = arith.constant 0 : i32
    %dma_start3A_115 = tpu.memref_slice %arg10[%add3A_106, %dma_start3A_114] : memref<10240x128xf32, #tpu.memory_space<vmem_shared>> -> memref<80x128xf32, #tpu.memory_space<vmem_shared>>
    %dma_start3A_116 = arith.constant 0 : i32
    %dma_start3A_117 = arith.constant 0 : i32
    %dma_start3A_118 = tpu.memref_slice %arg9[%dma_start3A_107, %dma_start3A_116, %dma_start3A_117] : memref<4x80x128xf32, #tpu.memory_space<vmem>> -> memref<1x80x128xf32, #tpu.memory_space<vmem>>
    %dma_start3A_119 = tpu.memref_squeeze %dma_start3A_118 : memref<1x80x128xf32, #tpu.memory_space<vmem>> -> memref<80x128xf32, #tpu.memory_space<vmem>>
    tpu.enqueue_dma source(%dma_start3A_119 : memref<80x128xf32, #tpu.memory_space<vmem>>) target(%dma_start3A_115 : memref<80x128xf32, #tpu.memory_space<vmem_shared>>) target_semaphore(%arg14 : memref<!tpu.dma_semaphore, #tpu.memory_space<semaphore_mem>>)
    %mul3A_120 = arith.constant 640 : i32
    %mul3A_121 = arith.muli %arg1, %mul3A_120 : i32
    %add3A_122 = arith.constant 560 : i32
    %add3A_123 = arith.addi %mul3A_121, %add3A_122 : i32
    %dma_start3A_124 = arith.constant 3 : i32
    %dma_start3A_125 = arith.constant 0 : i32
    %dma_start3A_126 = arith.constant 0 : i32
    %dma_start3A_127 = tpu.memref_slice %arg9[%dma_start3A_124, %dma_start3A_125, %dma_start3A_126] : memref<4x80x128xf32, #tpu.memory_space<vmem>> -> memref<1x80x128xf32, #tpu.memory_space<vmem>>
    %dma_start3A_128 = tpu.memref_squeeze %dma_start3A_127 : memref<1x80x128xf32, #tpu.memory_space<vmem>> -> memref<80x128xf32, #tpu.memory_space<vmem>>
    %dma_start3A_129 = arith.constant 0 : i32
    %dma_start3A_130 = tpu.memref_slice %arg10[%add3A_123, %dma_start3A_129] : memref<10240x128xf32, #tpu.memory_space<vmem_shared>> -> memref<80x128xf32, #tpu.memory_space<vmem_shared>>
    %dma_start3A_131 = arith.constant 0 : i32
    %dma_start3A_132 = tpu.memref_slice %arg10[%add3A_123, %dma_start3A_131] : memref<10240x128xf32, #tpu.memory_space<vmem_shared>> -> memref<80x128xf32, #tpu.memory_space<vmem_shared>>
    %dma_start3A_133 = arith.constant 0 : i32
    %dma_start3A_134 = arith.constant 0 : i32
    %dma_start3A_135 = tpu.memref_slice %arg9[%dma_start3A_124, %dma_start3A_133, %dma_start3A_134] : memref<4x80x128xf32, #tpu.memory_space<vmem>> -> memref<1x80x128xf32, #tpu.memory_space<vmem>>
    %dma_start3A_136 = tpu.memref_squeeze %dma_start3A_135 : memref<1x80x128xf32, #tpu.memory_space<vmem>> -> memref<80x128xf32, #tpu.memory_space<vmem>>
    tpu.enqueue_dma source(%dma_start3A_136 : memref<80x128xf32, #tpu.memory_space<vmem>>) target(%dma_start3A_132 : memref<80x128xf32, #tpu.memory_space<vmem_shared>>) target_semaphore(%arg14 : memref<!tpu.dma_semaphore, #tpu.memory_space<semaphore_mem>>)
    %mul3A_137 = arith.constant 10000 : i32
    %mul3A_138 = arith.muli %add3A, %mul3A_137 : i32
    %add3A_139 = arith.constant 0 : i32
    %add3A_140 = arith.addi %mul3A_138, %add3A_139 : i32
    %multiple_of3A = tpu.assume_multiple %add3A_140, 8 : i32
    %rem3A = arith.constant 0 : i32
    %rem3A_141 = arith.constant 4 : i32
    %rem3A_142 = arith.remsi %rem3A, %rem3A_141 : i32
    %dma_start3A_143 = arith.constant 0 : i32
    %dma_start3A_144 = tpu.memref_slice %arg7[%rem3A_142, %dma_start3A_143] : memref<4x80xi32, #tpu.memory_space<vmem>> -> memref<1x80xi32, #tpu.memory_space<vmem>>
    %dma_start3A_145 = tpu.memref_squeeze %dma_start3A_144 : memref<1x80xi32, #tpu.memory_space<vmem>> -> memref<80xi32, #tpu.memory_space<vmem>>
    %dma_start3A_146 = tpu.memref_slice %arg3[%multiple_of3A] : memref<320000xi32, #tpu.memory_space<hbm>> -> memref<80xi32, #tpu.memory_space<hbm>>
    %dma_start3A_147 = arith.constant 0 : i32
    %dma_start3A_148 = tpu.memref_slice %arg7[%rem3A_142, %dma_start3A_147] : memref<4x80xi32, #tpu.memory_space<vmem>> -> memref<1x80xi32, #tpu.memory_space<vmem>>
    %dma_start3A_149 = tpu.memref_squeeze %dma_start3A_148 : memref<1x80xi32, #tpu.memory_space<vmem>> -> memref<80xi32, #tpu.memory_space<vmem>>
    %dma_start3A_150 = tpu.memref_slice %arg3[%multiple_of3A] : memref<320000xi32, #tpu.memory_space<hbm>> -> memref<80xi32, #tpu.memory_space<hbm>>
    tpu.enqueue_dma source(%dma_start3A_150 : memref<80xi32, #tpu.memory_space<hbm>>) target(%dma_start3A_149 : memref<80xi32, #tpu.memory_space<vmem>>) target_semaphore(%arg11 : memref<!tpu.dma_semaphore, #tpu.memory_space<semaphore_mem>>)
    %dma_start3A_151 = arith.constant 0 : i32
    %dma_start3A_152 = tpu.memref_slice %arg8[%rem3A_142, %dma_start3A_151] : memref<4x80xi32, #tpu.memory_space<vmem>> -> memref<1x80xi32, #tpu.memory_space<vmem>>
    %dma_start3A_153 = tpu.memref_squeeze %dma_start3A_152 : memref<1x80xi32, #tpu.memory_space<vmem>> -> memref<80xi32, #tpu.memory_space<vmem>>
    %dma_start3A_154 = tpu.memref_slice %arg4[%multiple_of3A] : memref<320000xi32, #tpu.memory_space<hbm>> -> memref<80xi32, #tpu.memory_space<hbm>>
    %dma_start3A_155 = arith.constant 0 : i32
    %dma_start3A_156 = tpu.memref_slice %arg8[%rem3A_142, %dma_start3A_155] : memref<4x80xi32, #tpu.memory_space<vmem>> -> memref<1x80xi32, #tpu.memory_space<vmem>>
    %dma_start3A_157 = tpu.memref_squeeze %dma_start3A_156 : memref<1x80xi32, #tpu.memory_space<vmem>> -> memref<80xi32, #tpu.memory_space<vmem>>
    %dma_start3A_158 = tpu.memref_slice %arg4[%multiple_of3A] : memref<320000xi32, #tpu.memory_space<hbm>> -> memref<80xi32, #tpu.memory_space<hbm>>
    tpu.enqueue_dma source(%dma_start3A_158 : memref<80xi32, #tpu.memory_space<hbm>>) target(%dma_start3A_157 : memref<80xi32, #tpu.memory_space<vmem>>) target_semaphore(%arg11 : memref<!tpu.dma_semaphore, #tpu.memory_space<semaphore_mem>>)
    %mul3A_159 = arith.constant 10000 : i32
    %mul3A_160 = arith.muli %add3A, %mul3A_159 : i32
    %add3A_161 = arith.constant 80 : i32
    %add3A_162 = arith.addi %mul3A_160, %add3A_161 : i32
    %multiple_of3A_163 = tpu.assume_multiple %add3A_162, 8 : i32
    %rem3A_164 = arith.constant 1 : i32
    %rem3A_165 = arith.constant 4 : i32
    %rem3A_166 = arith.remsi %rem3A_164, %rem3A_165 : i32
    %dma_start3A_167 = arith.constant 0 : i32
    %dma_start3A_168 = tpu.memref_slice %arg7[%rem3A_166, %dma_start3A_167] : memref<4x80xi32, #tpu.memory_space<vmem>> -> memref<1x80xi32, #tpu.memory_space<vmem>>
    %dma_start3A_169 = tpu.memref_squeeze %dma_start3A_168 : memref<1x80xi32, #tpu.memory_space<vmem>> -> memref<80xi32, #tpu.memory_space<vmem>>
    %dma_start3A_170 = tpu.memref_slice %arg3[%multiple_of3A_163] : memref<320000xi32, #tpu.memory_space<hbm>> -> memref<80xi32, #tpu.memory_space<hbm>>
    %dma_start3A_171 = arith.constant 0 : i32
    %dma_start3A_172 = tpu.memref_slice %arg7[%rem3A_166, %dma_start3A_171] : memref<4x80xi32, #tpu.memory_space<vmem>> -> memref<1x80xi32, #tpu.memory_space<vmem>>
    %dma_start3A_173 = tpu.memref_squeeze %dma_start3A_172 : memref<1x80xi32, #tpu.memory_space<vmem>> -> memref<80xi32, #tpu.memory_space<vmem>>
    %dma_start3A_174 = tpu.memref_slice %arg3[%multiple_of3A_163] : memref<320000xi32, #tpu.memory_space<hbm>> -> memref<80xi32, #tpu.memory_space<hbm>>
    tpu.enqueue_dma source(%dma_start3A_174 : memref<80xi32, #tpu.memory_space<hbm>>) target(%dma_start3A_173 : memref<80xi32, #tpu.memory_space<vmem>>) target_semaphore(%arg11 : memref<!tpu.dma_semaphore, #tpu.memory_space<semaphore_mem>>)
    %dma_start3A_175 = arith.constant 0 : i32
    %dma_start3A_176 = tpu.memref_slice %arg8[%rem3A_166, %dma_start3A_175] : memref<4x80xi32, #tpu.memory_space<vmem>> -> memref<1x80xi32, #tpu.memory_space<vmem>>
    %dma_start3A_177 = tpu.memref_squeeze %dma_start3A_176 : memref<1x80xi32, #tpu.memory_space<vmem>> -> memref<80xi32, #tpu.memory_space<vmem>>
    %dma_start3A_178 = tpu.memref_slice %arg4[%multiple_of3A_163] : memref<320000xi32, #tpu.memory_space<hbm>> -> memref<80xi32, #tpu.memory_space<hbm>>
    %dma_start3A_179 = arith.constant 0 : i32
    %dma_start3A_180 = tpu.memref_slice %arg8[%rem3A_166, %dma_start3A_179] : memref<4x80xi32, #tpu.memory_space<vmem>> -> memref<1x80xi32, #tpu.memory_space<vmem>>
    %dma_start3A_181 = tpu.memref_squeeze %dma_start3A_180 : memref<1x80xi32, #tpu.memory_space<vmem>> -> memref<80xi32, #tpu.memory_space<vmem>>
    %dma_start3A_182 = tpu.memref_slice %arg4[%multiple_of3A_163] : memref<320000xi32, #tpu.memory_space<hbm>> -> memref<80xi32, #tpu.memory_space<hbm>>
    tpu.enqueue_dma source(%dma_start3A_182 : memref<80xi32, #tpu.memory_space<hbm>>) target(%dma_start3A_181 : memref<80xi32, #tpu.memory_space<vmem>>) target_semaphore(%arg11 : memref<!tpu.dma_semaphore, #tpu.memory_space<semaphore_mem>>)
    %mul3A_183 = arith.constant 10000 : i32
    %mul3A_184 = arith.muli %add3A, %mul3A_183 : i32
    %add3A_185 = arith.constant 0 : i32
    %add3A_186 = arith.addi %mul3A_184, %add3A_185 : i32
    %multiple_of3A_187 = tpu.assume_multiple %add3A_186, 8 : i32
    %rem3A_188 = arith.constant 0 : i32
    %rem3A_189 = arith.constant 4 : i32
    %rem3A_190 = arith.remsi %rem3A_188, %rem3A_189 : i32
    %dma_wait3A = arith.constant 0 : i32
    %dma_wait3A_191 = tpu.memref_slice %arg7[%rem3A_190, %dma_wait3A] : memref<4x80xi32, #tpu.memory_space<vmem>> -> memref<1x80xi32, #tpu.memory_space<vmem>>
    %dma_wait3A_192 = tpu.memref_squeeze %dma_wait3A_191 : memref<1x80xi32, #tpu.memory_space<vmem>> -> memref<80xi32, #tpu.memory_space<vmem>>
    %dma_wait3A_193 = tpu.memref_slice %arg3[%multiple_of3A_187] : memref<320000xi32, #tpu.memory_space<hbm>> -> memref<80xi32, #tpu.memory_space<hbm>>
    %dma_wait3A_194 = arith.constant 0 : i32
    %dma_wait3A_195 = tpu.memref_slice %arg7[%rem3A_190, %dma_wait3A_194] : memref<4x80xi32, #tpu.memory_space<vmem>> -> memref<1x80xi32, #tpu.memory_space<vmem>>
    %dma_wait3A_196 = tpu.memref_squeeze %dma_wait3A_195 : memref<1x80xi32, #tpu.memory_space<vmem>> -> memref<80xi32, #tpu.memory_space<vmem>>
    %dma_wait3A_197 = tpu.memref_slice %arg3[%multiple_of3A_187] : memref<320000xi32, #tpu.memory_space<hbm>> -> memref<80xi32, #tpu.memory_space<hbm>>
    tpu.wait_dma2 semaphore(%arg11 : memref<!tpu.dma_semaphore, #tpu.memory_space<semaphore_mem>>) src(%dma_wait3A_197 : memref<80xi32, #tpu.memory_space<hbm>>) dst(%dma_wait3A_196 : memref<80xi32, #tpu.memory_space<vmem>>)
    %dma_wait3A_198 = arith.constant 0 : i32
    %dma_wait3A_199 = tpu.memref_slice %arg8[%rem3A_190, %dma_wait3A_198] : memref<4x80xi32, #tpu.memory_space<vmem>> -> memref<1x80xi32, #tpu.memory_space<vmem>>
    %dma_wait3A_200 = tpu.memref_squeeze %dma_wait3A_199 : memref<1x80xi32, #tpu.memory_space<vmem>> -> memref<80xi32, #tpu.memory_space<vmem>>
    %dma_wait3A_201 = tpu.memref_slice %arg4[%multiple_of3A_187] : memref<320000xi32, #tpu.memory_space<hbm>> -> memref<80xi32, #tpu.memory_space<hbm>>
    %dma_wait3A_202 = arith.constant 0 : i32
    %dma_wait3A_203 = tpu.memref_slice %arg8[%rem3A_190, %dma_wait3A_202] : memref<4x80xi32, #tpu.memory_space<vmem>> -> memref<1x80xi32, #tpu.memory_space<vmem>>
    %dma_wait3A_204 = tpu.memref_squeeze %dma_wait3A_203 : memref<1x80xi32, #tpu.memory_space<vmem>> -> memref<80xi32, #tpu.memory_space<vmem>>
    %dma_wait3A_205 = tpu.memref_slice %arg4[%multiple_of3A_187] : memref<320000xi32, #tpu.memory_space<hbm>> -> memref<80xi32, #tpu.memory_space<hbm>>
    tpu.wait_dma2 semaphore(%arg11 : memref<!tpu.dma_semaphore, #tpu.memory_space<semaphore_mem>>) src(%dma_wait3A_205 : memref<80xi32, #tpu.memory_space<hbm>>) dst(%dma_wait3A_204 : memref<80xi32, #tpu.memory_space<vmem>>)
    %rem3A_206 = arith.constant 0 : i32
    %rem3A_207 = arith.constant 4 : i32
    %rem3A_208 = arith.remsi %rem3A_206, %rem3A_207 : i32
    %rem3A_209 = arith.constant 0 : i32
    %rem3A_210 = arith.constant 4 : i32
    %rem3A_211 = arith.remsi %rem3A_209, %rem3A_210 : i32
    %dma_start3A_212 = arith.constant 0 : i32
    %dma_start3A_213 = arith.constant 0 : i32
    %dma_start3A_214 = tpu.memref_slice %arg9[%rem3A_211, %dma_start3A_212, %dma_start3A_213] : memref<4x80x128xf32, #tpu.memory_space<vmem>> -> memref<1x80x128xf32, #tpu.memory_space<vmem>>
    %dma_start3A_215 = tpu.memref_squeeze %dma_start3A_214 : memref<1x80x128xf32, #tpu.memory_space<vmem>> -> memref<80x128xf32, #tpu.memory_space<vmem>>
    %dma_start3A_216 = arith.constant 0 : i32
    %dma_start3A_217 = tpu.memref_slice %arg7[%rem3A_208, %dma_start3A_216] : memref<4x80xi32, #tpu.memory_space<vmem>> -> memref<1x80xi32, #tpu.memory_space<vmem>>
    %dma_start3A_218 = tpu.memref_squeeze %dma_start3A_217 : memref<1x80xi32, #tpu.memory_space<vmem>> -> memref<80xi32, #tpu.memory_space<vmem>>
    %dma_start3A_219 = arith.constant 0 : i32
    %dma_start3A_220 = arith.constant 0 : i32
    %dma_start3A_221 = tpu.memref_slice %arg2[%dma_start3A_219, %dma_start3A_220] : memref<10000x128xf32, #tpu.memory_space<hbm>> -> memref<10000x128xf32, #tpu.memory_space<hbm>>
    tpu.enqueue_indirect_dma source(%dma_start3A_221 : memref<10000x128xf32, #tpu.memory_space<hbm>>) target(%dma_start3A_215 : memref<80x128xf32, #tpu.memory_space<vmem>>) offsets(%dma_start3A_218 : memref<80xi32, #tpu.memory_space<vmem>>) semaphore(%arg12 : memref<!tpu.dma_semaphore, #tpu.memory_space<semaphore_mem>>)
    %mul3A_222 = arith.constant 640 : i32
    %mul3A_223 = arith.muli %arg1, %mul3A_222 : i32
    %add3A_224 = arith.constant 0 : i32
    %add3A_225 = arith.addi %mul3A_223, %add3A_224 : i32
    %dma_wait3A_226 = arith.constant 2 : i32
    %dma_wait3A_227 = arith.constant 0 : i32
    %dma_wait3A_228 = arith.constant 0 : i32
    %dma_wait3A_229 = tpu.memref_slice %arg9[%dma_wait3A_226, %dma_wait3A_227, %dma_wait3A_228] : memref<4x80x128xf32, #tpu.memory_space<vmem>> -> memref<1x80x128xf32, #tpu.memory_space<vmem>>
    %dma_wait3A_230 = tpu.memref_squeeze %dma_wait3A_229 : memref<1x80x128xf32, #tpu.memory_space<vmem>> -> memref<80x128xf32, #tpu.memory_space<vmem>>
    %dma_wait3A_231 = arith.constant 0 : i32
    %dma_wait3A_232 = tpu.memref_slice %arg10[%add3A_225, %dma_wait3A_231] : memref<10240x128xf32, #tpu.memory_space<vmem_shared>> -> memref<80x128xf32, #tpu.memory_space<vmem_shared>>
    %dma_wait3A_233 = arith.constant 0 : i32
    %dma_wait3A_234 = tpu.memref_slice %arg10[%add3A_225, %dma_wait3A_233] : memref<10240x128xf32, #tpu.memory_space<vmem_shared>> -> memref<80x128xf32, #tpu.memory_space<vmem_shared>>
    %dma_wait3A_235 = arith.constant 0 : i32
    %dma_wait3A_236 = arith.constant 0 : i32
    %dma_wait3A_237 = tpu.memref_slice %arg9[%dma_wait3A_226, %dma_wait3A_235, %dma_wait3A_236] : memref<4x80x128xf32, #tpu.memory_space<vmem>> -> memref<1x80x128xf32, #tpu.memory_space<vmem>>
    %dma_wait3A_238 = tpu.memref_squeeze %dma_wait3A_237 : memref<1x80x128xf32, #tpu.memory_space<vmem>> -> memref<80x128xf32, #tpu.memory_space<vmem>>
    tpu.wait_dma2 semaphore(%arg14 : memref<!tpu.dma_semaphore, #tpu.memory_space<semaphore_mem>>) src(%dma_wait3A_238 : memref<80x128xf32, #tpu.memory_space<vmem>>) dst(%dma_wait3A_234 : memref<80x128xf32, #tpu.memory_space<vmem_shared>>)
    %mul3A_239 = arith.constant 640 : i32
    %mul3A_240 = arith.muli %arg1, %mul3A_239 : i32
    %add3A_241 = arith.constant 80 : i32
    %add3A_242 = arith.addi %mul3A_240, %add3A_241 : i32
    %dma_wait3A_243 = arith.constant 3 : i32
    %dma_wait3A_244 = arith.constant 0 : i32
    %dma_wait3A_245 = arith.constant 0 : i32
    %dma_wait3A_246 = tpu.memref_slice %arg9[%dma_wait3A_243, %dma_wait3A_244, %dma_wait3A_245] : memref<4x80x128xf32, #tpu.memory_space<vmem>> -> memref<1x80x128xf32, #tpu.memory_space<vmem>>
    %dma_wait3A_247 = tpu.memref_squeeze %dma_wait3A_246 : memref<1x80x128xf32, #tpu.memory_space<vmem>> -> memref<80x128xf32, #tpu.memory_space<vmem>>
    %dma_wait3A_248 = arith.constant 0 : i32
    %dma_wait3A_249 = tpu.memref_slice %arg10[%add3A_242, %dma_wait3A_248] : memref<10240x128xf32, #tpu.memory_space<vmem_shared>> -> memref<80x128xf32, #tpu.memory_space<vmem_shared>>
    %dma_wait3A_250 = arith.constant 0 : i32
    %dma_wait3A_251 = tpu.memref_slice %arg10[%add3A_242, %dma_wait3A_250] : memref<10240x128xf32, #tpu.memory_space<vmem_shared>> -> memref<80x128xf32, #tpu.memory_space<vmem_shared>>
    %dma_wait3A_252 = arith.constant 0 : i32
    %dma_wait3A_253 = arith.constant 0 : i32
    %dma_wait3A_254 = tpu.memref_slice %arg9[%dma_wait3A_243, %dma_wait3A_252, %dma_wait3A_253] : memref<4x80x128xf32, #tpu.memory_space<vmem>> -> memref<1x80x128xf32, #tpu.memory_space<vmem>>
    %dma_wait3A_255 = tpu.memref_squeeze %dma_wait3A_254 : memref<1x80x128xf32, #tpu.memory_space<vmem>> -> memref<80x128xf32, #tpu.memory_space<vmem>>
    tpu.wait_dma2 semaphore(%arg14 : memref<!tpu.dma_semaphore, #tpu.memory_space<semaphore_mem>>) src(%dma_wait3A_255 : memref<80x128xf32, #tpu.memory_space<vmem>>) dst(%dma_wait3A_251 : memref<80x128xf32, #tpu.memory_space<vmem_shared>>)
    %mul3A_256 = arith.constant 640 : i32
    %mul3A_257 = arith.muli %arg1, %mul3A_256 : i32
    %add3A_258 = arith.constant 160 : i32
    %add3A_259 = arith.addi %mul3A_257, %add3A_258 : i32
    %dma_wait3A_260 = arith.constant 2 : i32
    %dma_wait3A_261 = arith.constant 0 : i32
    %dma_wait3A_262 = arith.constant 0 : i32
    %dma_wait3A_263 = tpu.memref_slice %arg9[%dma_wait3A_260, %dma_wait3A_261, %dma_wait3A_262] : memref<4x80x128xf32, #tpu.memory_space<vmem>> -> memref<1x80x128xf32, #tpu.memory_space<vmem>>
    %dma_wait3A_264 = tpu.memref_squeeze %dma_wait3A_263 : memref<1x80x128xf32, #tpu.memory_space<vmem>> -> memref<80x128xf32, #tpu.memory_space<vmem>>
    %dma_wait3A_265 = arith.constant 0 : i32
    %dma_wait3A_266 = tpu.memref_slice %arg10[%add3A_259, %dma_wait3A_265] : memref<10240x128xf32, #tpu.memory_space<vmem_shared>> -> memref<80x128xf32, #tpu.memory_space<vmem_shared>>
    %dma_wait3A_267 = arith.constant 0 : i32
    %dma_wait3A_268 = tpu.memref_slice %arg10[%add3A_259, %dma_wait3A_267] : memref<10240x128xf32, #tpu.memory_space<vmem_shared>> -> memref<80x128xf32, #tpu.memory_space<vmem_shared>>
    %dma_wait3A_269 = arith.constant 0 : i32
    %dma_wait3A_270 = arith.constant 0 : i32
    %dma_wait3A_271 = tpu.memref_slice %arg9[%dma_wait3A_260, %dma_wait3A_269, %dma_wait3A_270] : memref<4x80x128xf32, #tpu.memory_space<vmem>> -> memref<1x80x128xf32, #tpu.memory_space<vmem>>
    %dma_wait3A_272 = tpu.memref_squeeze %dma_wait3A_271 : memref<1x80x128xf32, #tpu.memory_space<vmem>> -> memref<80x128xf32, #tpu.memory_space<vmem>>
    tpu.wait_dma2 semaphore(%arg14 : memref<!tpu.dma_semaphore, #tpu.memory_space<semaphore_mem>>) src(%dma_wait3A_272 : memref<80x128xf32, #tpu.memory_space<vmem>>) dst(%dma_wait3A_268 : memref<80x128xf32, #tpu.memory_space<vmem_shared>>)
    %mul3A_273 = arith.constant 640 : i32
    %mul3A_274 = arith.muli %arg1, %mul3A_273 : i32
    %add3A_275 = arith.constant 240 : i32
    %add3A_276 = arith.addi %mul3A_274, %add3A_275 : i32
    %dma_wait3A_277 = arith.constant 3 : i32
    %dma_wait3A_278 = arith.constant 0 : i32
    %dma_wait3A_279 = arith.constant 0 : i32
    %dma_wait3A_280 = tpu.memref_slice %arg9[%dma_wait3A_277, %dma_wait3A_278, %dma_wait3A_279] : memref<4x80x128xf32, #tpu.memory_space<vmem>> -> memref<1x80x128xf32, #tpu.memory_space<vmem>>
    %dma_wait3A_281 = tpu.memref_squeeze %dma_wait3A_280 : memref<1x80x128xf32, #tpu.memory_space<vmem>> -> memref<80x128xf32, #tpu.memory_space<vmem>>
    %dma_wait3A_282 = arith.constant 0 : i32
    %dma_wait3A_283 = tpu.memref_slice %arg10[%add3A_276, %dma_wait3A_282] : memref<10240x128xf32, #tpu.memory_space<vmem_shared>> -> memref<80x128xf32, #tpu.memory_space<vmem_shared>>
    %dma_wait3A_284 = arith.constant 0 : i32
    %dma_wait3A_285 = tpu.memref_slice %arg10[%add3A_276, %dma_wait3A_284] : memref<10240x128xf32, #tpu.memory_space<vmem_shared>> -> memref<80x128xf32, #tpu.memory_space<vmem_shared>>
    %dma_wait3A_286 = arith.constant 0 : i32
    %dma_wait3A_287 = arith.constant 0 : i32
    %dma_wait3A_288 = tpu.memref_slice %arg9[%dma_wait3A_277, %dma_wait3A_286, %dma_wait3A_287] : memref<4x80x128xf32, #tpu.memory_space<vmem>> -> memref<1x80x128xf32, #tpu.memory_space<vmem>>
    %dma_wait3A_289 = tpu.memref_squeeze %dma_wait3A_288 : memref<1x80x128xf32, #tpu.memory_space<vmem>> -> memref<80x128xf32, #tpu.memory_space<vmem>>
    tpu.wait_dma2 semaphore(%arg14 : memref<!tpu.dma_semaphore, #tpu.memory_space<semaphore_mem>>) src(%dma_wait3A_289 : memref<80x128xf32, #tpu.memory_space<vmem>>) dst(%dma_wait3A_285 : memref<80x128xf32, #tpu.memory_space<vmem_shared>>)
    %mul3A_290 = arith.constant 640 : i32
    %mul3A_291 = arith.muli %arg1, %mul3A_290 : i32
    %add3A_292 = arith.constant 320 : i32
    %add3A_293 = arith.addi %mul3A_291, %add3A_292 : i32
    %dma_wait3A_294 = arith.constant 2 : i32
    %dma_wait3A_295 = arith.constant 0 : i32
    %dma_wait3A_296 = arith.constant 0 : i32
    %dma_wait3A_297 = tpu.memref_slice %arg9[%dma_wait3A_294, %dma_wait3A_295, %dma_wait3A_296] : memref<4x80x128xf32, #tpu.memory_space<vmem>> -> memref<1x80x128xf32, #tpu.memory_space<vmem>>
    %dma_wait3A_298 = tpu.memref_squeeze %dma_wait3A_297 : memref<1x80x128xf32, #tpu.memory_space<vmem>> -> memref<80x128xf32, #tpu.memory_space<vmem>>
    %dma_wait3A_299 = arith.constant 0 : i32
    %dma_wait3A_300 = tpu.memref_slice %arg10[%add3A_293, %dma_wait3A_299] : memref<10240x128xf32, #tpu.memory_space<vmem_shared>> -> memref<80x128xf32, #tpu.memory_space<vmem_shared>>
    %dma_wait3A_301 = arith.constant 0 : i32
    %dma_wait3A_302 = tpu.memref_slice %arg10[%add3A_293, %dma_wait3A_301] : memref<10240x128xf32, #tpu.memory_space<vmem_shared>> -> memref<80x128xf32, #tpu.memory_space<vmem_shared>>
    %dma_wait3A_303 = arith.constant 0 : i32
    %dma_wait3A_304 = arith.constant 0 : i32
    %dma_wait3A_305 = tpu.memref_slice %arg9[%dma_wait3A_294, %dma_wait3A_303, %dma_wait3A_304] : memref<4x80x128xf32, #tpu.memory_space<vmem>> -> memref<1x80x128xf32, #tpu.memory_space<vmem>>
    %dma_wait3A_306 = tpu.memref_squeeze %dma_wait3A_305 : memref<1x80x128xf32, #tpu.memory_space<vmem>> -> memref<80x128xf32, #tpu.memory_space<vmem>>
    tpu.wait_dma2 semaphore(%arg14 : memref<!tpu.dma_semaphore, #tpu.memory_space<semaphore_mem>>) src(%dma_wait3A_306 : memref<80x128xf32, #tpu.memory_space<vmem>>) dst(%dma_wait3A_302 : memref<80x128xf32, #tpu.memory_space<vmem_shared>>)
    %mul3A_307 = arith.constant 640 : i32
    %mul3A_308 = arith.muli %arg1, %mul3A_307 : i32
    %add3A_309 = arith.constant 400 : i32
    %add3A_310 = arith.addi %mul3A_308, %add3A_309 : i32
    %dma_wait3A_311 = arith.constant 3 : i32
    %dma_wait3A_312 = arith.constant 0 : i32
    %dma_wait3A_313 = arith.constant 0 : i32
    %dma_wait3A_314 = tpu.memref_slice %arg9[%dma_wait3A_311, %dma_wait3A_312, %dma_wait3A_313] : memref<4x80x128xf32, #tpu.memory_space<vmem>> -> memref<1x80x128xf32, #tpu.memory_space<vmem>>
    %dma_wait3A_315 = tpu.memref_squeeze %dma_wait3A_314 : memref<1x80x128xf32, #tpu.memory_space<vmem>> -> memref<80x128xf32, #tpu.memory_space<vmem>>
    %dma_wait3A_316 = arith.constant 0 : i32
    %dma_wait3A_317 = tpu.memref_slice %arg10[%add3A_310, %dma_wait3A_316] : memref<10240x128xf32, #tpu.memory_space<vmem_shared>> -> memref<80x128xf32, #tpu.memory_space<vmem_shared>>
    %dma_wait3A_318 = arith.constant 0 : i32
    %dma_wait3A_319 = tpu.memref_slice %arg10[%add3A_310, %dma_wait3A_318] : memref<10240x128xf32, #tpu.memory_space<vmem_shared>> -> memref<80x128xf32, #tpu.memory_space<vmem_shared>>
    %dma_wait3A_320 = arith.constant 0 : i32
    %dma_wait3A_321 = arith.constant 0 : i32
    %dma_wait3A_322 = tpu.memref_slice %arg9[%dma_wait3A_311, %dma_wait3A_320, %dma_wait3A_321] : memref<4x80x128xf32, #tpu.memory_space<vmem>> -> memref<1x80x128xf32, #tpu.memory_space<vmem>>
    %dma_wait3A_323 = tpu.memref_squeeze %dma_wait3A_322 : memref<1x80x128xf32, #tpu.memory_space<vmem>> -> memref<80x128xf32, #tpu.memory_space<vmem>>
    tpu.wait_dma2 semaphore(%arg14 : memref<!tpu.dma_semaphore, #tpu.memory_space<semaphore_mem>>) src(%dma_wait3A_323 : memref<80x128xf32, #tpu.memory_space<vmem>>) dst(%dma_wait3A_319 : memref<80x128xf32, #tpu.memory_space<vmem_shared>>)
    %mul3A_324 = arith.constant 640 : i32
    %mul3A_325 = arith.muli %arg1, %mul3A_324 : i32
    %add3A_326 = arith.constant 480 : i32
    %add3A_327 = arith.addi %mul3A_325, %add3A_326 : i32
    %dma_wait3A_328 = arith.constant 2 : i32
    %dma_wait3A_329 = arith.constant 0 : i32
    %dma_wait3A_330 = arith.constant 0 : i32
    %dma_wait3A_331 = tpu.memref_slice %arg9[%dma_wait3A_328, %dma_wait3A_329, %dma_wait3A_330] : memref<4x80x128xf32, #tpu.memory_space<vmem>> -> memref<1x80x128xf32, #tpu.memory_space<vmem>>
    %dma_wait3A_332 = tpu.memref_squeeze %dma_wait3A_331 : memref<1x80x128xf32, #tpu.memory_space<vmem>> -> memref<80x128xf32, #tpu.memory_space<vmem>>
    %dma_wait3A_333 = arith.constant 0 : i32
    %dma_wait3A_334 = tpu.memref_slice %arg10[%add3A_327, %dma_wait3A_333] : memref<10240x128xf32, #tpu.memory_space<vmem_shared>> -> memref<80x128xf32, #tpu.memory_space<vmem_shared>>
    %dma_wait3A_335 = arith.constant 0 : i32
    %dma_wait3A_336 = tpu.memref_slice %arg10[%add3A_327, %dma_wait3A_335] : memref<10240x128xf32, #tpu.memory_space<vmem_shared>> -> memref<80x128xf32, #tpu.memory_space<vmem_shared>>
    %dma_wait3A_337 = arith.constant 0 : i32
    %dma_wait3A_338 = arith.constant 0 : i32
    %dma_wait3A_339 = tpu.memref_slice %arg9[%dma_wait3A_328, %dma_wait3A_337, %dma_wait3A_338] : memref<4x80x128xf32, #tpu.memory_space<vmem>> -> memref<1x80x128xf32, #tpu.memory_space<vmem>>
    %dma_wait3A_340 = tpu.memref_squeeze %dma_wait3A_339 : memref<1x80x128xf32, #tpu.memory_space<vmem>> -> memref<80x128xf32, #tpu.memory_space<vmem>>
    tpu.wait_dma2 semaphore(%arg14 : memref<!tpu.dma_semaphore, #tpu.memory_space<semaphore_mem>>) src(%dma_wait3A_340 : memref<80x128xf32, #tpu.memory_space<vmem>>) dst(%dma_wait3A_336 : memref<80x128xf32, #tpu.memory_space<vmem_shared>>)
    %mul3A_341 = arith.constant 640 : i32
    %mul3A_342 = arith.muli %arg1, %mul3A_341 : i32
    %add3A_343 = arith.constant 560 : i32
    %add3A_344 = arith.addi %mul3A_342, %add3A_343 : i32
    %dma_wait3A_345 = arith.constant 3 : i32
    %dma_wait3A_346 = arith.constant 0 : i32
    %dma_wait3A_347 = arith.constant 0 : i32
    %dma_wait3A_348 = tpu.memref_slice %arg9[%dma_wait3A_345, %dma_wait3A_346, %dma_wait3A_347] : memref<4x80x128xf32, #tpu.memory_space<vmem>> -> memref<1x80x128xf32, #tpu.memory_space<vmem>>
    %dma_wait3A_349 = tpu.memref_squeeze %dma_wait3A_348 : memref<1x80x128xf32, #tpu.memory_space<vmem>> -> memref<80x128xf32, #tpu.memory_space<vmem>>
    %dma_wait3A_350 = arith.constant 0 : i32
    %dma_wait3A_351 = tpu.memref_slice %arg10[%add3A_344, %dma_wait3A_350] : memref<10240x128xf32, #tpu.memory_space<vmem_shared>> -> memref<80x128xf32, #tpu.memory_space<vmem_shared>>
    %dma_wait3A_352 = arith.constant 0 : i32
    %dma_wait3A_353 = tpu.memref_slice %arg10[%add3A_344, %dma_wait3A_352] : memref<10240x128xf32, #tpu.memory_space<vmem_shared>> -> memref<80x128xf32, #tpu.memory_space<vmem_shared>>
    %dma_wait3A_354 = arith.constant 0 : i32
    %dma_wait3A_355 = arith.constant 0 : i32
    %dma_wait3A_356 = tpu.memref_slice %arg9[%dma_wait3A_345, %dma_wait3A_354, %dma_wait3A_355] : memref<4x80x128xf32, #tpu.memory_space<vmem>> -> memref<1x80x128xf32, #tpu.memory_space<vmem>>
    %dma_wait3A_357 = tpu.memref_squeeze %dma_wait3A_356 : memref<1x80x128xf32, #tpu.memory_space<vmem>> -> memref<80x128xf32, #tpu.memory_space<vmem>>
    tpu.wait_dma2 semaphore(%arg14 : memref<!tpu.dma_semaphore, #tpu.memory_space<semaphore_mem>>) src(%dma_wait3A_357 : memref<80x128xf32, #tpu.memory_space<vmem>>) dst(%dma_wait3A_353 : memref<80x128xf32, #tpu.memory_space<vmem_shared>>)
    %barrier3A = arith.constant 0 : index
    tpu.barrier barrier_id(%barrier3A)
    %scan3A = arith.constant 0 : i32
    %scan3A_358 = arith.constant 0 : i32
    %scan3A_359 = arith.constant 125 : i32
    %scan3A_360 = arith.addi %scan3A_358, %scan3A_359 : i32
    %scan3A_361 = arith.constant 1 : i32
    scf.for %scan3A_738 = %scan3A_358 to %scan3A_360 step %scan3A_361  : i32 {
      %ge3A = arith.constant 2 : i32
      %ge3A_739 = arith.cmpi sge, %scan3A_738, %ge3A : i32
      %convert_element_type3A = arith.extui %ge3A_739 : i1 to i32
      %cond3A = arith.constant 0 : i32
      %cond3A_740 = arith.cmpi ne, %convert_element_type3A, %cond3A : i32
      scf.if %cond3A_740 {
        %dma_wait3A_782 = arith.constant 0 : i32
        %dma_wait3A_783 = arith.constant 0 : i32
        %dma_wait3A_784 = arith.constant 0 : i32
        %dma_wait3A_785 = tpu.memref_slice %arg9[%dma_wait3A_782, %dma_wait3A_783, %dma_wait3A_784] : memref<4x80x128xf32, #tpu.memory_space<vmem>> -> memref<1x80x128xf32, #tpu.memory_space<vmem>>
        %dma_wait3A_786 = tpu.memref_squeeze %dma_wait3A_785 : memref<1x80x128xf32, #tpu.memory_space<vmem>> -> memref<80x128xf32, #tpu.memory_space<vmem>>
        %dma_wait3A_787 = arith.constant 0 : i32
        %dma_wait3A_788 = arith.constant 0 : i32
        %dma_wait3A_789 = tpu.memref_slice %arg10[%dma_wait3A_787, %dma_wait3A_788] : memref<10240x128xf32, #tpu.memory_space<vmem_shared>> -> memref<80x128xf32, #tpu.memory_space<vmem_shared>>
        %dma_wait3A_790 = arith.constant 0 : i32
        %dma_wait3A_791 = arith.constant 0 : i32
        %dma_wait3A_792 = tpu.memref_slice %arg10[%dma_wait3A_790, %dma_wait3A_791] : memref<10240x128xf32, #tpu.memory_space<vmem_shared>> -> memref<80x128xf32, #tpu.memory_space<vmem_shared>>
        %dma_wait3A_793 = arith.constant 0 : i32
        %dma_wait3A_794 = arith.constant 0 : i32
        %dma_wait3A_795 = tpu.memref_slice %arg9[%dma_wait3A_782, %dma_wait3A_793, %dma_wait3A_794] : memref<4x80x128xf32, #tpu.memory_space<vmem>> -> memref<1x80x128xf32, #tpu.memory_space<vmem>>
        %dma_wait3A_796 = tpu.memref_squeeze %dma_wait3A_795 : memref<1x80x128xf32, #tpu.memory_space<vmem>> -> memref<80x128xf32, #tpu.memory_space<vmem>>
        tpu.wait_dma2 semaphore(%arg13 : memref<!tpu.dma_semaphore, #tpu.memory_space<semaphore_mem>>) src(%dma_wait3A_796 : memref<80x128xf32, #tpu.memory_space<vmem>>) dst(%dma_wait3A_792 : memref<80x128xf32, #tpu.memory_space<vmem_shared>>)
      } else {
      }
      %add3A_741 = arith.constant 2 : i32
      %add3A_742 = arith.addi %scan3A_738, %add3A_741 : i32
      %lt3A = arith.constant 125 : i32
      %lt3A_743 = arith.cmpi slt, %add3A_742, %lt3A : i32
      %convert_element_type3A_744 = arith.extui %lt3A_743 : i1 to i32
      %cond3A_745 = arith.constant 0 : i32
      %cond3A_746 = arith.cmpi ne, %convert_element_type3A_744, %cond3A_745 : i32
      scf.if %cond3A_746 {
        %add3A_782 = arith.constant 2 : i32
        %add3A_783 = arith.addi %scan3A_738, %add3A_782 : i32
        %mul3A_784 = arith.constant 10000 : i32
        %mul3A_785 = arith.muli %add3A, %mul3A_784 : i32
        %mul3A_786 = arith.constant 80 : i32
        %mul3A_787 = arith.muli %add3A_783, %mul3A_786 : i32
        %add3A_788 = arith.addi %mul3A_785, %mul3A_787 : i32
        %multiple_of3A_789 = tpu.assume_multiple %add3A_788, 8 : i32
        %rem3A_790 = arith.constant 4 : i32
        %rem3A_791 = arith.remsi %add3A_783, %rem3A_790 : i32
        %dma_start3A_792 = arith.constant 0 : i32
        %dma_start3A_793 = tpu.memref_slice %arg7[%rem3A_791, %dma_start3A_792] : memref<4x80xi32, #tpu.memory_space<vmem>> -> memref<1x80xi32, #tpu.memory_space<vmem>>
        %dma_start3A_794 = tpu.memref_squeeze %dma_start3A_793 : memref<1x80xi32, #tpu.memory_space<vmem>> -> memref<80xi32, #tpu.memory_space<vmem>>
        %dma_start3A_795 = tpu.memref_slice %arg3[%multiple_of3A_789] : memref<320000xi32, #tpu.memory_space<hbm>> -> memref<80xi32, #tpu.memory_space<hbm>>
        %dma_start3A_796 = arith.constant 0 : i32
        %dma_start3A_797 = tpu.memref_slice %arg7[%rem3A_791, %dma_start3A_796] : memref<4x80xi32, #tpu.memory_space<vmem>> -> memref<1x80xi32, #tpu.memory_space<vmem>>
        %dma_start3A_798 = tpu.memref_squeeze %dma_start3A_797 : memref<1x80xi32, #tpu.memory_space<vmem>> -> memref<80xi32, #tpu.memory_space<vmem>>
        %dma_start3A_799 = tpu.memref_slice %arg3[%multiple_of3A_789] : memref<320000xi32, #tpu.memory_space<hbm>> -> memref<80xi32, #tpu.memory_space<hbm>>
        tpu.enqueue_dma source(%dma_start3A_799 : memref<80xi32, #tpu.memory_space<hbm>>) target(%dma_start3A_798 : memref<80xi32, #tpu.memory_space<vmem>>) target_semaphore(%arg11 : memref<!tpu.dma_semaphore, #tpu.memory_space<semaphore_mem>>)
        %dma_start3A_800 = arith.constant 0 : i32
        %dma_start3A_801 = tpu.memref_slice %arg8[%rem3A_791, %dma_start3A_800] : memref<4x80xi32, #tpu.memory_space<vmem>> -> memref<1x80xi32, #tpu.memory_space<vmem>>
        %dma_start3A_802 = tpu.memref_squeeze %dma_start3A_801 : memref<1x80xi32, #tpu.memory_space<vmem>> -> memref<80xi32, #tpu.memory_space<vmem>>
        %dma_start3A_803 = tpu.memref_slice %arg4[%multiple_of3A_789] : memref<320000xi32, #tpu.memory_space<hbm>> -> memref<80xi32, #tpu.memory_space<hbm>>
        %dma_start3A_804 = arith.constant 0 : i32
        %dma_start3A_805 = tpu.memref_slice %arg8[%rem3A_791, %dma_start3A_804] : memref<4x80xi32, #tpu.memory_space<vmem>> -> memref<1x80xi32, #tpu.memory_space<vmem>>
        %dma_start3A_806 = tpu.memref_squeeze %dma_start3A_805 : memref<1x80xi32, #tpu.memory_space<vmem>> -> memref<80xi32, #tpu.memory_space<vmem>>
        %dma_start3A_807 = tpu.memref_slice %arg4[%multiple_of3A_789] : memref<320000xi32, #tpu.memory_space<hbm>> -> memref<80xi32, #tpu.memory_space<hbm>>
        tpu.enqueue_dma source(%dma_start3A_807 : memref<80xi32, #tpu.memory_space<hbm>>) target(%dma_start3A_806 : memref<80xi32, #tpu.memory_space<vmem>>) target_semaphore(%arg11 : memref<!tpu.dma_semaphore, #tpu.memory_space<semaphore_mem>>)
      } else {
      }
      %add3A_747 = arith.constant 1 : i32
      %add3A_748 = arith.addi %scan3A_738, %add3A_747 : i32
      %lt3A_749 = arith.constant 125 : i32
      %lt3A_750 = arith.cmpi slt, %add3A_748, %lt3A_749 : i32
      %convert_element_type3A_751 = arith.extui %lt3A_750 : i1 to i32
      %cond3A_752 = arith.constant 0 : i32
      %cond3A_753 = arith.cmpi ne, %convert_element_type3A_751, %cond3A_752 : i32
      scf.if %cond3A_753 {
        %add3A_782 = arith.constant 1 : i32
        %add3A_783 = arith.addi %scan3A_738, %add3A_782 : i32
        %mul3A_784 = arith.constant 10000 : i32
        %mul3A_785 = arith.muli %add3A, %mul3A_784 : i32
        %mul3A_786 = arith.constant 80 : i32
        %mul3A_787 = arith.muli %add3A_783, %mul3A_786 : i32
        %add3A_788 = arith.addi %mul3A_785, %mul3A_787 : i32
        %multiple_of3A_789 = tpu.assume_multiple %add3A_788, 8 : i32
        %rem3A_790 = arith.constant 4 : i32
        %rem3A_791 = arith.remsi %add3A_783, %rem3A_790 : i32
        %dma_wait3A_792 = arith.constant 0 : i32
        %dma_wait3A_793 = tpu.memref_slice %arg7[%rem3A_791, %dma_wait3A_792] : memref<4x80xi32, #tpu.memory_space<vmem>> -> memref<1x80xi32, #tpu.memory_space<vmem>>
        %dma_wait3A_794 = tpu.memref_squeeze %dma_wait3A_793 : memref<1x80xi32, #tpu.memory_space<vmem>> -> memref<80xi32, #tpu.memory_space<vmem>>
        %dma_wait3A_795 = tpu.memref_slice %arg3[%multiple_of3A_789] : memref<320000xi32, #tpu.memory_space<hbm>> -> memref<80xi32, #tpu.memory_space<hbm>>
        %dma_wait3A_796 = arith.constant 0 : i32
        %dma_wait3A_797 = tpu.memref_slice %arg7[%rem3A_791, %dma_wait3A_796] : memref<4x80xi32, #tpu.memory_space<vmem>> -> memref<1x80xi32, #tpu.memory_space<vmem>>
        %dma_wait3A_798 = tpu.memref_squeeze %dma_wait3A_797 : memref<1x80xi32, #tpu.memory_space<vmem>> -> memref<80xi32, #tpu.memory_space<vmem>>
        %dma_wait3A_799 = tpu.memref_slice %arg3[%multiple_of3A_789] : memref<320000xi32, #tpu.memory_space<hbm>> -> memref<80xi32, #tpu.memory_space<hbm>>
        tpu.wait_dma2 semaphore(%arg11 : memref<!tpu.dma_semaphore, #tpu.memory_space<semaphore_mem>>) src(%dma_wait3A_799 : memref<80xi32, #tpu.memory_space<hbm>>) dst(%dma_wait3A_798 : memref<80xi32, #tpu.memory_space<vmem>>)
        %dma_wait3A_800 = arith.constant 0 : i32
        %dma_wait3A_801 = tpu.memref_slice %arg8[%rem3A_791, %dma_wait3A_800] : memref<4x80xi32, #tpu.memory_space<vmem>> -> memref<1x80xi32, #tpu.memory_space<vmem>>
        %dma_wait3A_802 = tpu.memref_squeeze %dma_wait3A_801 : memref<1x80xi32, #tpu.memory_space<vmem>> -> memref<80xi32, #tpu.memory_space<vmem>>
        %dma_wait3A_803 = tpu.memref_slice %arg4[%multiple_of3A_789] : memref<320000xi32, #tpu.memory_space<hbm>> -> memref<80xi32, #tpu.memory_space<hbm>>
        %dma_wait3A_804 = arith.constant 0 : i32
        %dma_wait3A_805 = tpu.memref_slice %arg8[%rem3A_791, %dma_wait3A_804] : memref<4x80xi32, #tpu.memory_space<vmem>> -> memref<1x80xi32, #tpu.memory_space<vmem>>
        %dma_wait3A_806 = tpu.memref_squeeze %dma_wait3A_805 : memref<1x80xi32, #tpu.memory_space<vmem>> -> memref<80xi32, #tpu.memory_space<vmem>>
        %dma_wait3A_807 = tpu.memref_slice %arg4[%multiple_of3A_789] : memref<320000xi32, #tpu.memory_space<hbm>> -> memref<80xi32, #tpu.memory_space<hbm>>
        tpu.wait_dma2 semaphore(%arg11 : memref<!tpu.dma_semaphore, #tpu.memory_space<semaphore_mem>>) src(%dma_wait3A_807 : memref<80xi32, #tpu.memory_space<hbm>>) dst(%dma_wait3A_806 : memref<80xi32, #tpu.memory_space<vmem>>)
        %add3A_808 = arith.constant 1 : i32
        %add3A_809 = arith.addi %scan3A_738, %add3A_808 : i32
        %rem3A_810 = arith.constant 4 : i32
        %rem3A_811 = arith.remsi %add3A_809, %rem3A_810 : i32
        %rem3A_812 = arith.constant 4 : i32
        %rem3A_813 = arith.remsi %add3A_809, %rem3A_812 : i32
        %dma_start3A_814 = arith.constant 0 : i32
        %dma_start3A_815 = arith.constant 0 : i32
        %dma_start3A_816 = tpu.memref_slice %arg9[%rem3A_813, %dma_start3A_814, %dma_start3A_815] : memref<4x80x128xf32, #tpu.memory_space<vmem>> -> memref<1x80x128xf32, #tpu.memory_space<vmem>>
        %dma_start3A_817 = tpu.memref_squeeze %dma_start3A_816 : memref<1x80x128xf32, #tpu.memory_space<vmem>> -> memref<80x128xf32, #tpu.memory_space<vmem>>
        %dma_start3A_818 = arith.constant 0 : i32
        %dma_start3A_819 = tpu.memref_slice %arg7[%rem3A_811, %dma_start3A_818] : memref<4x80xi32, #tpu.memory_space<vmem>> -> memref<1x80xi32, #tpu.memory_space<vmem>>
        %dma_start3A_820 = tpu.memref_squeeze %dma_start3A_819 : memref<1x80xi32, #tpu.memory_space<vmem>> -> memref<80xi32, #tpu.memory_space<vmem>>
        %dma_start3A_821 = arith.constant 0 : i32
        %dma_start3A_822 = arith.constant 0 : i32
        %dma_start3A_823 = tpu.memref_slice %arg2[%dma_start3A_821, %dma_start3A_822] : memref<10000x128xf32, #tpu.memory_space<hbm>> -> memref<10000x128xf32, #tpu.memory_space<hbm>>
        tpu.enqueue_indirect_dma source(%dma_start3A_823 : memref<10000x128xf32, #tpu.memory_space<hbm>>) target(%dma_start3A_817 : memref<80x128xf32, #tpu.memory_space<vmem>>) offsets(%dma_start3A_820 : memref<80xi32, #tpu.memory_space<vmem>>) semaphore(%arg12 : memref<!tpu.dma_semaphore, #tpu.memory_space<semaphore_mem>>)
      } else {
      }
      %rem3A_754 = arith.constant 4 : i32
      %rem3A_755 = arith.remsi %scan3A_738, %rem3A_754 : i32
      %rem3A_756 = arith.constant 4 : i32
      %rem3A_757 = arith.remsi %scan3A_738, %rem3A_756 : i32
      %dma_wait3A_758 = arith.constant 0 : i32
      %dma_wait3A_759 = arith.constant 0 : i32
      %dma_wait3A_760 = tpu.memref_slice %arg9[%rem3A_757, %dma_wait3A_758, %dma_wait3A_759] : memref<4x80x128xf32, #tpu.memory_space<vmem>> -> memref<1x80x128xf32, #tpu.memory_space<vmem>>
      %dma_wait3A_761 = tpu.memref_squeeze %dma_wait3A_760 : memref<1x80x128xf32, #tpu.memory_space<vmem>> -> memref<80x128xf32, #tpu.memory_space<vmem>>
      %dma_wait3A_762 = arith.constant 0 : i32
      %dma_wait3A_763 = tpu.memref_slice %arg7[%rem3A_755, %dma_wait3A_762] : memref<4x80xi32, #tpu.memory_space<vmem>> -> memref<1x80xi32, #tpu.memory_space<vmem>>
      %dma_wait3A_764 = tpu.memref_squeeze %dma_wait3A_763 : memref<1x80xi32, #tpu.memory_space<vmem>> -> memref<80xi32, #tpu.memory_space<vmem>>
      %dma_wait3A_765 = arith.constant 0 : i32
      %dma_wait3A_766 = arith.constant 0 : i32
      %dma_wait3A_767 = tpu.memref_slice %arg2[%dma_wait3A_765, %dma_wait3A_766] : memref<10000x128xf32, #tpu.memory_space<hbm>> -> memref<10000x128xf32, #tpu.memory_space<hbm>>
      tpu.wait_indirect_dma semaphore(%arg12 : memref<!tpu.dma_semaphore, #tpu.memory_space<semaphore_mem>>) src(%dma_wait3A_767 : memref<10000x128xf32, #tpu.memory_space<hbm>>) dst(%dma_wait3A_761 : memref<80x128xf32, #tpu.memory_space<vmem>>)
      %rem3A_768 = arith.constant 4 : i32
      %rem3A_769 = arith.remsi %scan3A_738, %rem3A_768 : i32
      %rem3A_770 = arith.constant 4 : i32
      %rem3A_771 = arith.remsi %scan3A_738, %rem3A_770 : i32
      %dma_start3A_772 = arith.constant 0 : i32
      %dma_start3A_773 = arith.constant 0 : i32
      %dma_start3A_774 = tpu.memref_slice %arg9[%rem3A_769, %dma_start3A_772, %dma_start3A_773] : memref<4x80x128xf32, #tpu.memory_space<vmem>> -> memref<1x80x128xf32, #tpu.memory_space<vmem>>
      %dma_start3A_775 = tpu.memref_squeeze %dma_start3A_774 : memref<1x80x128xf32, #tpu.memory_space<vmem>> -> memref<80x128xf32, #tpu.memory_space<vmem>>
      %dma_start3A_776 = arith.constant 0 : i32
      %dma_start3A_777 = tpu.memref_slice %arg8[%rem3A_771, %dma_start3A_776] : memref<4x80xi32, #tpu.memory_space<vmem>> -> memref<1x80xi32, #tpu.memory_space<vmem>>
      %dma_start3A_778 = tpu.memref_squeeze %dma_start3A_777 : memref<1x80xi32, #tpu.memory_space<vmem>> -> memref<80xi32, #tpu.memory_space<vmem>>
      %dma_start3A_779 = arith.constant 0 : i32
      %dma_start3A_780 = arith.constant 0 : i32
      %dma_start3A_781 = tpu.memref_slice %arg10[%dma_start3A_779, %dma_start3A_780] : memref<10240x128xf32, #tpu.memory_space<vmem_shared>> -> memref<10240x128xf32, #tpu.memory_space<vmem_shared>>
      tpu.enqueue_indirect_dma source(%dma_start3A_775 : memref<80x128xf32, #tpu.memory_space<vmem>>) target(%dma_start3A_781 : memref<10240x128xf32, #tpu.memory_space<vmem_shared>>) offsets(%dma_start3A_778 : memref<80xi32, #tpu.memory_space<vmem>>) semaphore(%arg13 : memref<!tpu.dma_semaphore, #tpu.memory_space<semaphore_mem>>) {add = true}
    }
    %scan3A_362 = arith.constant 125 : i32
    %dma_wait3A_363 = arith.constant 0 : i32
    %dma_wait3A_364 = arith.constant 0 : i32
    %dma_wait3A_365 = arith.constant 0 : i32
    %dma_wait3A_366 = tpu.memref_slice %arg9[%dma_wait3A_363, %dma_wait3A_364, %dma_wait3A_365] : memref<4x80x128xf32, #tpu.memory_space<vmem>> -> memref<1x80x128xf32, #tpu.memory_space<vmem>>
    %dma_wait3A_367 = tpu.memref_squeeze %dma_wait3A_366 : memref<1x80x128xf32, #tpu.memory_space<vmem>> -> memref<80x128xf32, #tpu.memory_space<vmem>>
    %dma_wait3A_368 = arith.constant 0 : i32
    %dma_wait3A_369 = arith.constant 0 : i32
    %dma_wait3A_370 = tpu.memref_slice %arg10[%dma_wait3A_368, %dma_wait3A_369] : memref<10240x128xf32, #tpu.memory_space<vmem_shared>> -> memref<80x128xf32, #tpu.memory_space<vmem_shared>>
    %dma_wait3A_371 = arith.constant 0 : i32
    %dma_wait3A_372 = arith.constant 0 : i32
    %dma_wait3A_373 = tpu.memref_slice %arg10[%dma_wait3A_371, %dma_wait3A_372] : memref<10240x128xf32, #tpu.memory_space<vmem_shared>> -> memref<80x128xf32, #tpu.memory_space<vmem_shared>>
    %dma_wait3A_374 = arith.constant 0 : i32
    %dma_wait3A_375 = arith.constant 0 : i32
    %dma_wait3A_376 = tpu.memref_slice %arg9[%dma_wait3A_363, %dma_wait3A_374, %dma_wait3A_375] : memref<4x80x128xf32, #tpu.memory_space<vmem>> -> memref<1x80x128xf32, #tpu.memory_space<vmem>>
    %dma_wait3A_377 = tpu.memref_squeeze %dma_wait3A_376 : memref<1x80x128xf32, #tpu.memory_space<vmem>> -> memref<80x128xf32, #tpu.memory_space<vmem>>
    tpu.wait_dma2 semaphore(%arg13 : memref<!tpu.dma_semaphore, #tpu.memory_space<semaphore_mem>>) src(%dma_wait3A_377 : memref<80x128xf32, #tpu.memory_space<vmem>>) dst(%dma_wait3A_373 : memref<80x128xf32, #tpu.memory_space<vmem_shared>>)
    %dma_wait3A_378 = arith.constant 0 : i32
    %dma_wait3A_379 = arith.constant 0 : i32
    %dma_wait3A_380 = arith.constant 0 : i32
    %dma_wait3A_381 = tpu.memref_slice %arg9[%dma_wait3A_378, %dma_wait3A_379, %dma_wait3A_380] : memref<4x80x128xf32, #tpu.memory_space<vmem>> -> memref<1x80x128xf32, #tpu.memory_space<vmem>>
    %dma_wait3A_382 = tpu.memref_squeeze %dma_wait3A_381 : memref<1x80x128xf32, #tpu.memory_space<vmem>> -> memref<80x128xf32, #tpu.memory_space<vmem>>
    %dma_wait3A_383 = arith.constant 0 : i32
    %dma_wait3A_384 = arith.constant 0 : i32
    %dma_wait3A_385 = tpu.memref_slice %arg10[%dma_wait3A_383, %dma_wait3A_384] : memref<10240x128xf32, #tpu.memory_space<vmem_shared>> -> memref<80x128xf32, #tpu.memory_space<vmem_shared>>
    %dma_wait3A_386 = arith.constant 0 : i32
    %dma_wait3A_387 = arith.constant 0 : i32
    %dma_wait3A_388 = tpu.memref_slice %arg10[%dma_wait3A_386, %dma_wait3A_387] : memref<10240x128xf32, #tpu.memory_space<vmem_shared>> -> memref<80x128xf32, #tpu.memory_space<vmem_shared>>
    %dma_wait3A_389 = arith.constant 0 : i32
    %dma_wait3A_390 = arith.constant 0 : i32
    %dma_wait3A_391 = tpu.memref_slice %arg9[%dma_wait3A_378, %dma_wait3A_389, %dma_wait3A_390] : memref<4x80x128xf32, #tpu.memory_space<vmem>> -> memref<1x80x128xf32, #tpu.memory_space<vmem>>
    %dma_wait3A_392 = tpu.memref_squeeze %dma_wait3A_391 : memref<1x80x128xf32, #tpu.memory_space<vmem>> -> memref<80x128xf32, #tpu.memory_space<vmem>>
    tpu.wait_dma2 semaphore(%arg13 : memref<!tpu.dma_semaphore, #tpu.memory_space<semaphore_mem>>) src(%dma_wait3A_392 : memref<80x128xf32, #tpu.memory_space<vmem>>) dst(%dma_wait3A_388 : memref<80x128xf32, #tpu.memory_space<vmem_shared>>)
    %barrier3A_393 = arith.constant 0 : index
    tpu.barrier barrier_id(%barrier3A_393)
    %mul3A_394 = arith.constant 640 : i32
    %mul3A_395 = arith.muli %arg1, %mul3A_394 : i32
    %add3A_396 = arith.constant 0 : i32
    %add3A_397 = arith.addi %mul3A_395, %add3A_396 : i32
    %run_scoped3A_398 = arith.constant 0 : i32
    "tpu.region"() ({
      %run_scoped3A_738 = tpu.sem_alloc : memref<!tpu.dma_semaphore, #tpu.memory_space<semaphore_mem>>
      %dma_start3A_739 = arith.constant 0 : i32
      %dma_start3A_740 = arith.constant 0 : i32
      %dma_start3A_741 = tpu.memref_slice %arg9[%run_scoped3A_398, %dma_start3A_739, %dma_start3A_740] : memref<4x80x128xf32, #tpu.memory_space<vmem>> -> memref<1x80x128xf32, #tpu.memory_space<vmem>>
      %dma_start3A_742 = tpu.memref_squeeze %dma_start3A_741 : memref<1x80x128xf32, #tpu.memory_space<vmem>> -> memref<80x128xf32, #tpu.memory_space<vmem>>
      %dma_start3A_743 = arith.constant 0 : i32
      %dma_start3A_744 = tpu.memref_slice %arg10[%add3A_397, %dma_start3A_743] : memref<10240x128xf32, #tpu.memory_space<vmem_shared>> -> memref<80x128xf32, #tpu.memory_space<vmem_shared>>
      %dma_start3A_745 = arith.constant 0 : i32
      %dma_start3A_746 = arith.constant 0 : i32
      %dma_start3A_747 = tpu.memref_slice %arg9[%run_scoped3A_398, %dma_start3A_745, %dma_start3A_746] : memref<4x80x128xf32, #tpu.memory_space<vmem>> -> memref<1x80x128xf32, #tpu.memory_space<vmem>>
      %dma_start3A_748 = tpu.memref_squeeze %dma_start3A_747 : memref<1x80x128xf32, #tpu.memory_space<vmem>> -> memref<80x128xf32, #tpu.memory_space<vmem>>
      %dma_start3A_749 = arith.constant 0 : i32
      %dma_start3A_750 = tpu.memref_slice %arg10[%add3A_397, %dma_start3A_749] : memref<10240x128xf32, #tpu.memory_space<vmem_shared>> -> memref<80x128xf32, #tpu.memory_space<vmem_shared>>
      tpu.enqueue_dma source(%dma_start3A_750 : memref<80x128xf32, #tpu.memory_space<vmem_shared>>) target(%dma_start3A_748 : memref<80x128xf32, #tpu.memory_space<vmem>>) target_semaphore(%run_scoped3A_738 : memref<!tpu.dma_semaphore, #tpu.memory_space<semaphore_mem>>)
      %dma_wait3A_751 = arith.constant 0 : i32
      %dma_wait3A_752 = arith.constant 0 : i32
      %dma_wait3A_753 = tpu.memref_slice %arg9[%run_scoped3A_398, %dma_wait3A_751, %dma_wait3A_752] : memref<4x80x128xf32, #tpu.memory_space<vmem>> -> memref<1x80x128xf32, #tpu.memory_space<vmem>>
      %dma_wait3A_754 = tpu.memref_squeeze %dma_wait3A_753 : memref<1x80x128xf32, #tpu.memory_space<vmem>> -> memref<80x128xf32, #tpu.memory_space<vmem>>
      %dma_wait3A_755 = arith.constant 0 : i32
      %dma_wait3A_756 = tpu.memref_slice %arg10[%add3A_397, %dma_wait3A_755] : memref<10240x128xf32, #tpu.memory_space<vmem_shared>> -> memref<80x128xf32, #tpu.memory_space<vmem_shared>>
      %dma_wait3A_757 = arith.constant 0 : i32
      %dma_wait3A_758 = arith.constant 0 : i32
      %dma_wait3A_759 = tpu.memref_slice %arg9[%run_scoped3A_398, %dma_wait3A_757, %dma_wait3A_758] : memref<4x80x128xf32, #tpu.memory_space<vmem>> -> memref<1x80x128xf32, #tpu.memory_space<vmem>>
      %dma_wait3A_760 = tpu.memref_squeeze %dma_wait3A_759 : memref<1x80x128xf32, #tpu.memory_space<vmem>> -> memref<80x128xf32, #tpu.memory_space<vmem>>
      %dma_wait3A_761 = arith.constant 0 : i32
      %dma_wait3A_762 = tpu.memref_slice %arg10[%add3A_397, %dma_wait3A_761] : memref<10240x128xf32, #tpu.memory_space<vmem_shared>> -> memref<80x128xf32, #tpu.memory_space<vmem_shared>>
      tpu.wait_dma2 semaphore(%run_scoped3A_738 : memref<!tpu.dma_semaphore, #tpu.memory_space<semaphore_mem>>) src(%dma_wait3A_762 : memref<80x128xf32, #tpu.memory_space<vmem_shared>>) dst(%dma_wait3A_760 : memref<80x128xf32, #tpu.memory_space<vmem>>)
      tpu.yield
    }) : () -> ()
    %mul3A_399 = arith.constant 640 : i32
    %mul3A_400 = arith.muli %arg1, %mul3A_399 : i32
    %add3A_401 = arith.constant 0 : i32
    %add3A_402 = arith.addi %mul3A_400, %add3A_401 : i32
    %dma_start3A_403 = arith.constant 0 : i32
    %dma_start3A_404 = arith.constant 0 : i32
    %dma_start3A_405 = arith.constant 0 : i32
    %dma_start3A_406 = tpu.memref_slice %arg9[%dma_start3A_403, %dma_start3A_404, %dma_start3A_405] : memref<4x80x128xf32, #tpu.memory_space<vmem>> -> memref<1x80x128xf32, #tpu.memory_space<vmem>>
    %dma_start3A_407 = tpu.memref_squeeze %dma_start3A_406 : memref<1x80x128xf32, #tpu.memory_space<vmem>> -> memref<80x128xf32, #tpu.memory_space<vmem>>
    %dma_start3A_408 = arith.constant 0 : i32
    %dma_start3A_409 = tpu.memref_slice %arg6[%arg0, %add3A_402, %dma_start3A_408] : memref<2x10240x128xf32, #tpu.memory_space<hbm>> -> memref<1x80x128xf32, #tpu.memory_space<hbm>>
    %dma_start3A_410 = tpu.memref_squeeze %dma_start3A_409 : memref<1x80x128xf32, #tpu.memory_space<hbm>> -> memref<80x128xf32, #tpu.memory_space<hbm>>
    %dma_start3A_411 = arith.constant 0 : i32
    %dma_start3A_412 = tpu.memref_slice %arg6[%arg0, %add3A_402, %dma_start3A_411] : memref<2x10240x128xf32, #tpu.memory_space<hbm>> -> memref<1x80x128xf32, #tpu.memory_space<hbm>>
    %dma_start3A_413 = tpu.memref_squeeze %dma_start3A_412 : memref<1x80x128xf32, #tpu.memory_space<hbm>> -> memref<80x128xf32, #tpu.memory_space<hbm>>
    %dma_start3A_414 = arith.constant 0 : i32
    %dma_start3A_415 = arith.constant 0 : i32
    %dma_start3A_416 = tpu.memref_slice %arg9[%dma_start3A_403, %dma_start3A_414, %dma_start3A_415] : memref<4x80x128xf32, #tpu.memory_space<vmem>> -> memref<1x80x128xf32, #tpu.memory_space<vmem>>
    %dma_start3A_417 = tpu.memref_squeeze %dma_start3A_416 : memref<1x80x128xf32, #tpu.memory_space<vmem>> -> memref<80x128xf32, #tpu.memory_space<vmem>>
    tpu.enqueue_dma source(%dma_start3A_417 : memref<80x128xf32, #tpu.memory_space<vmem>>) target(%dma_start3A_413 : memref<80x128xf32, #tpu.memory_space<hbm>>) target_semaphore(%arg14 : memref<!tpu.dma_semaphore, #tpu.memory_space<semaphore_mem>>)
    %mul3A_418 = arith.constant 640 : i32
    %mul3A_419 = arith.muli %arg1, %mul3A_418 : i32
    %add3A_420 = arith.constant 80 : i32
    %add3A_421 = arith.addi %mul3A_419, %add3A_420 : i32
    %run_scoped3A_422 = arith.constant 1 : i32
    "tpu.region"() ({
      %run_scoped3A_738 = tpu.sem_alloc : memref<!tpu.dma_semaphore, #tpu.memory_space<semaphore_mem>>
      %dma_start3A_739 = arith.constant 0 : i32
      %dma_start3A_740 = arith.constant 0 : i32
      %dma_start3A_741 = tpu.memref_slice %arg9[%run_scoped3A_422, %dma_start3A_739, %dma_start3A_740] : memref<4x80x128xf32, #tpu.memory_space<vmem>> -> memref<1x80x128xf32, #tpu.memory_space<vmem>>
      %dma_start3A_742 = tpu.memref_squeeze %dma_start3A_741 : memref<1x80x128xf32, #tpu.memory_space<vmem>> -> memref<80x128xf32, #tpu.memory_space<vmem>>
      %dma_start3A_743 = arith.constant 0 : i32
      %dma_start3A_744 = tpu.memref_slice %arg10[%add3A_421, %dma_start3A_743] : memref<10240x128xf32, #tpu.memory_space<vmem_shared>> -> memref<80x128xf32, #tpu.memory_space<vmem_shared>>
      %dma_start3A_745 = arith.constant 0 : i32
      %dma_start3A_746 = arith.constant 0 : i32
      %dma_start3A_747 = tpu.memref_slice %arg9[%run_scoped3A_422, %dma_start3A_745, %dma_start3A_746] : memref<4x80x128xf32, #tpu.memory_space<vmem>> -> memref<1x80x128xf32, #tpu.memory_space<vmem>>
      %dma_start3A_748 = tpu.memref_squeeze %dma_start3A_747 : memref<1x80x128xf32, #tpu.memory_space<vmem>> -> memref<80x128xf32, #tpu.memory_space<vmem>>
      %dma_start3A_749 = arith.constant 0 : i32
      %dma_start3A_750 = tpu.memref_slice %arg10[%add3A_421, %dma_start3A_749] : memref<10240x128xf32, #tpu.memory_space<vmem_shared>> -> memref<80x128xf32, #tpu.memory_space<vmem_shared>>
      tpu.enqueue_dma source(%dma_start3A_750 : memref<80x128xf32, #tpu.memory_space<vmem_shared>>) target(%dma_start3A_748 : memref<80x128xf32, #tpu.memory_space<vmem>>) target_semaphore(%run_scoped3A_738 : memref<!tpu.dma_semaphore, #tpu.memory_space<semaphore_mem>>)
      %dma_wait3A_751 = arith.constant 0 : i32
      %dma_wait3A_752 = arith.constant 0 : i32
      %dma_wait3A_753 = tpu.memref_slice %arg9[%run_scoped3A_422, %dma_wait3A_751, %dma_wait3A_752] : memref<4x80x128xf32, #tpu.memory_space<vmem>> -> memref<1x80x128xf32, #tpu.memory_space<vmem>>
      %dma_wait3A_754 = tpu.memref_squeeze %dma_wait3A_753 : memref<1x80x128xf32, #tpu.memory_space<vmem>> -> memref<80x128xf32, #tpu.memory_space<vmem>>
      %dma_wait3A_755 = arith.constant 0 : i32
      %dma_wait3A_756 = tpu.memref_slice %arg10[%add3A_421, %dma_wait3A_755] : memref<10240x128xf32, #tpu.memory_space<vmem_shared>> -> memref<80x128xf32, #tpu.memory_space<vmem_shared>>
      %dma_wait3A_757 = arith.constant 0 : i32
      %dma_wait3A_758 = arith.constant 0 : i32
      %dma_wait3A_759 = tpu.memref_slice %arg9[%run_scoped3A_422, %dma_wait3A_757, %dma_wait3A_758] : memref<4x80x128xf32, #tpu.memory_space<vmem>> -> memref<1x80x128xf32, #tpu.memory_space<vmem>>
      %dma_wait3A_760 = tpu.memref_squeeze %dma_wait3A_759 : memref<1x80x128xf32, #tpu.memory_space<vmem>> -> memref<80x128xf32, #tpu.memory_space<vmem>>
      %dma_wait3A_761 = arith.constant 0 : i32
      %dma_wait3A_762 = tpu.memref_slice %arg10[%add3A_421, %dma_wait3A_761] : memref<10240x128xf32, #tpu.memory_space<vmem_shared>> -> memref<80x128xf32, #tpu.memory_space<vmem_shared>>
      tpu.wait_dma2 semaphore(%run_scoped3A_738 : memref<!tpu.dma_semaphore, #tpu.memory_space<semaphore_mem>>) src(%dma_wait3A_762 : memref<80x128xf32, #tpu.memory_space<vmem_shared>>) dst(%dma_wait3A_760 : memref<80x128xf32, #tpu.memory_space<vmem>>)
      tpu.yield
    }) : () -> ()
    %mul3A_423 = arith.constant 640 : i32
    %mul3A_424 = arith.muli %arg1, %mul3A_423 : i32
    %add3A_425 = arith.constant 80 : i32
    %add3A_426 = arith.addi %mul3A_424, %add3A_425 : i32
    %dma_start3A_427 = arith.constant 1 : i32
    %dma_start3A_428 = arith.constant 0 : i32
    %dma_start3A_429 = arith.constant 0 : i32
    %dma_start3A_430 = tpu.memref_slice %arg9[%dma_start3A_427, %dma_start3A_428, %dma_start3A_429] : memref<4x80x128xf32, #tpu.memory_space<vmem>> -> memref<1x80x128xf32, #tpu.memory_space<vmem>>
    %dma_start3A_431 = tpu.memref_squeeze %dma_start3A_430 : memref<1x80x128xf32, #tpu.memory_space<vmem>> -> memref<80x128xf32, #tpu.memory_space<vmem>>
    %dma_start3A_432 = arith.constant 0 : i32
    %dma_start3A_433 = tpu.memref_slice %arg6[%arg0, %add3A_426, %dma_start3A_432] : memref<2x10240x128xf32, #tpu.memory_space<hbm>> -> memref<1x80x128xf32, #tpu.memory_space<hbm>>
    %dma_start3A_434 = tpu.memref_squeeze %dma_start3A_433 : memref<1x80x128xf32, #tpu.memory_space<hbm>> -> memref<80x128xf32, #tpu.memory_space<hbm>>
    %dma_start3A_435 = arith.constant 0 : i32
    %dma_start3A_436 = tpu.memref_slice %arg6[%arg0, %add3A_426, %dma_start3A_435] : memref<2x10240x128xf32, #tpu.memory_space<hbm>> -> memref<1x80x128xf32, #tpu.memory_space<hbm>>
    %dma_start3A_437 = tpu.memref_squeeze %dma_start3A_436 : memref<1x80x128xf32, #tpu.memory_space<hbm>> -> memref<80x128xf32, #tpu.memory_space<hbm>>
    %dma_start3A_438 = arith.constant 0 : i32
    %dma_start3A_439 = arith.constant 0 : i32
    %dma_start3A_440 = tpu.memref_slice %arg9[%dma_start3A_427, %dma_start3A_438, %dma_start3A_439] : memref<4x80x128xf32, #tpu.memory_space<vmem>> -> memref<1x80x128xf32, #tpu.memory_space<vmem>>
    %dma_start3A_441 = tpu.memref_squeeze %dma_start3A_440 : memref<1x80x128xf32, #tpu.memory_space<vmem>> -> memref<80x128xf32, #tpu.memory_space<vmem>>
    tpu.enqueue_dma source(%dma_start3A_441 : memref<80x128xf32, #tpu.memory_space<vmem>>) target(%dma_start3A_437 : memref<80x128xf32, #tpu.memory_space<hbm>>) target_semaphore(%arg14 : memref<!tpu.dma_semaphore, #tpu.memory_space<semaphore_mem>>)
    %mul3A_442 = arith.constant 640 : i32
    %mul3A_443 = arith.muli %arg1, %mul3A_442 : i32
    %add3A_444 = arith.constant 160 : i32
    %add3A_445 = arith.addi %mul3A_443, %add3A_444 : i32
    %run_scoped3A_446 = arith.constant 2 : i32
    "tpu.region"() ({
      %run_scoped3A_738 = tpu.sem_alloc : memref<!tpu.dma_semaphore, #tpu.memory_space<semaphore_mem>>
      %dma_start3A_739 = arith.constant 0 : i32
      %dma_start3A_740 = arith.constant 0 : i32
      %dma_start3A_741 = tpu.memref_slice %arg9[%run_scoped3A_446, %dma_start3A_739, %dma_start3A_740] : memref<4x80x128xf32, #tpu.memory_space<vmem>> -> memref<1x80x128xf32, #tpu.memory_space<vmem>>
      %dma_start3A_742 = tpu.memref_squeeze %dma_start3A_741 : memref<1x80x128xf32, #tpu.memory_space<vmem>> -> memref<80x128xf32, #tpu.memory_space<vmem>>
      %dma_start3A_743 = arith.constant 0 : i32
      %dma_start3A_744 = tpu.memref_slice %arg10[%add3A_445, %dma_start3A_743] : memref<10240x128xf32, #tpu.memory_space<vmem_shared>> -> memref<80x128xf32, #tpu.memory_space<vmem_shared>>
      %dma_start3A_745 = arith.constant 0 : i32
      %dma_start3A_746 = arith.constant 0 : i32
      %dma_start3A_747 = tpu.memref_slice %arg9[%run_scoped3A_446, %dma_start3A_745, %dma_start3A_746] : memref<4x80x128xf32, #tpu.memory_space<vmem>> -> memref<1x80x128xf32, #tpu.memory_space<vmem>>
      %dma_start3A_748 = tpu.memref_squeeze %dma_start3A_747 : memref<1x80x128xf32, #tpu.memory_space<vmem>> -> memref<80x128xf32, #tpu.memory_space<vmem>>
      %dma_start3A_749 = arith.constant 0 : i32
      %dma_start3A_750 = tpu.memref_slice %arg10[%add3A_445, %dma_start3A_749] : memref<10240x128xf32, #tpu.memory_space<vmem_shared>> -> memref<80x128xf32, #tpu.memory_space<vmem_shared>>
      tpu.enqueue_dma source(%dma_start3A_750 : memref<80x128xf32, #tpu.memory_space<vmem_shared>>) target(%dma_start3A_748 : memref<80x128xf32, #tpu.memory_space<vmem>>) target_semaphore(%run_scoped3A_738 : memref<!tpu.dma_semaphore, #tpu.memory_space<semaphore_mem>>)
      %dma_wait3A_751 = arith.constant 0 : i32
      %dma_wait3A_752 = arith.constant 0 : i32
      %dma_wait3A_753 = tpu.memref_slice %arg9[%run_scoped3A_446, %dma_wait3A_751, %dma_wait3A_752] : memref<4x80x128xf32, #tpu.memory_space<vmem>> -> memref<1x80x128xf32, #tpu.memory_space<vmem>>
      %dma_wait3A_754 = tpu.memref_squeeze %dma_wait3A_753 : memref<1x80x128xf32, #tpu.memory_space<vmem>> -> memref<80x128xf32, #tpu.memory_space<vmem>>
      %dma_wait3A_755 = arith.constant 0 : i32
      %dma_wait3A_756 = tpu.memref_slice %arg10[%add3A_445, %dma_wait3A_755] : memref<10240x128xf32, #tpu.memory_space<vmem_shared>> -> memref<80x128xf32, #tpu.memory_space<vmem_shared>>
      %dma_wait3A_757 = arith.constant 0 : i32
      %dma_wait3A_758 = arith.constant 0 : i32
      %dma_wait3A_759 = tpu.memref_slice %arg9[%run_scoped3A_446, %dma_wait3A_757, %dma_wait3A_758] : memref<4x80x128xf32, #tpu.memory_space<vmem>> -> memref<1x80x128xf32, #tpu.memory_space<vmem>>
      %dma_wait3A_760 = tpu.memref_squeeze %dma_wait3A_759 : memref<1x80x128xf32, #tpu.memory_space<vmem>> -> memref<80x128xf32, #tpu.memory_space<vmem>>
      %dma_wait3A_761 = arith.constant 0 : i32
      %dma_wait3A_762 = tpu.memref_slice %arg10[%add3A_445, %dma_wait3A_761] : memref<10240x128xf32, #tpu.memory_space<vmem_shared>> -> memref<80x128xf32, #tpu.memory_space<vmem_shared>>
      tpu.wait_dma2 semaphore(%run_scoped3A_738 : memref<!tpu.dma_semaphore, #tpu.memory_space<semaphore_mem>>) src(%dma_wait3A_762 : memref<80x128xf32, #tpu.memory_space<vmem_shared>>) dst(%dma_wait3A_760 : memref<80x128xf32, #tpu.memory_space<vmem>>)
      tpu.yield
    }) : () -> ()
    %mul3A_447 = arith.constant 640 : i32
    %mul3A_448 = arith.muli %arg1, %mul3A_447 : i32
    %add3A_449 = arith.constant 160 : i32
    %add3A_450 = arith.addi %mul3A_448, %add3A_449 : i32
    %dma_start3A_451 = arith.constant 2 : i32
    %dma_start3A_452 = arith.constant 0 : i32
    %dma_start3A_453 = arith.constant 0 : i32
    %dma_start3A_454 = tpu.memref_slice %arg9[%dma_start3A_451, %dma_start3A_452, %dma_start3A_453] : memref<4x80x128xf32, #tpu.memory_space<vmem>> -> memref<1x80x128xf32, #tpu.memory_space<vmem>>
    %dma_start3A_455 = tpu.memref_squeeze %dma_start3A_454 : memref<1x80x128xf32, #tpu.memory_space<vmem>> -> memref<80x128xf32, #tpu.memory_space<vmem>>
    %dma_start3A_456 = arith.constant 0 : i32
    %dma_start3A_457 = tpu.memref_slice %arg6[%arg0, %add3A_450, %dma_start3A_456] : memref<2x10240x128xf32, #tpu.memory_space<hbm>> -> memref<1x80x128xf32, #tpu.memory_space<hbm>>
    %dma_start3A_458 = tpu.memref_squeeze %dma_start3A_457 : memref<1x80x128xf32, #tpu.memory_space<hbm>> -> memref<80x128xf32, #tpu.memory_space<hbm>>
    %dma_start3A_459 = arith.constant 0 : i32
    %dma_start3A_460 = tpu.memref_slice %arg6[%arg0, %add3A_450, %dma_start3A_459] : memref<2x10240x128xf32, #tpu.memory_space<hbm>> -> memref<1x80x128xf32, #tpu.memory_space<hbm>>
    %dma_start3A_461 = tpu.memref_squeeze %dma_start3A_460 : memref<1x80x128xf32, #tpu.memory_space<hbm>> -> memref<80x128xf32, #tpu.memory_space<hbm>>
    %dma_start3A_462 = arith.constant 0 : i32
    %dma_start3A_463 = arith.constant 0 : i32
    %dma_start3A_464 = tpu.memref_slice %arg9[%dma_start3A_451, %dma_start3A_462, %dma_start3A_463] : memref<4x80x128xf32, #tpu.memory_space<vmem>> -> memref<1x80x128xf32, #tpu.memory_space<vmem>>
    %dma_start3A_465 = tpu.memref_squeeze %dma_start3A_464 : memref<1x80x128xf32, #tpu.memory_space<vmem>> -> memref<80x128xf32, #tpu.memory_space<vmem>>
    tpu.enqueue_dma source(%dma_start3A_465 : memref<80x128xf32, #tpu.memory_space<vmem>>) target(%dma_start3A_461 : memref<80x128xf32, #tpu.memory_space<hbm>>) target_semaphore(%arg14 : memref<!tpu.dma_semaphore, #tpu.memory_space<semaphore_mem>>)
    %mul3A_466 = arith.constant 640 : i32
    %mul3A_467 = arith.muli %arg1, %mul3A_466 : i32
    %add3A_468 = arith.constant 240 : i32
    %add3A_469 = arith.addi %mul3A_467, %add3A_468 : i32
    %run_scoped3A_470 = arith.constant 3 : i32
    "tpu.region"() ({
      %run_scoped3A_738 = tpu.sem_alloc : memref<!tpu.dma_semaphore, #tpu.memory_space<semaphore_mem>>
      %dma_start3A_739 = arith.constant 0 : i32
      %dma_start3A_740 = arith.constant 0 : i32
      %dma_start3A_741 = tpu.memref_slice %arg9[%run_scoped3A_470, %dma_start3A_739, %dma_start3A_740] : memref<4x80x128xf32, #tpu.memory_space<vmem>> -> memref<1x80x128xf32, #tpu.memory_space<vmem>>
      %dma_start3A_742 = tpu.memref_squeeze %dma_start3A_741 : memref<1x80x128xf32, #tpu.memory_space<vmem>> -> memref<80x128xf32, #tpu.memory_space<vmem>>
      %dma_start3A_743 = arith.constant 0 : i32
      %dma_start3A_744 = tpu.memref_slice %arg10[%add3A_469, %dma_start3A_743] : memref<10240x128xf32, #tpu.memory_space<vmem_shared>> -> memref<80x128xf32, #tpu.memory_space<vmem_shared>>
      %dma_start3A_745 = arith.constant 0 : i32
      %dma_start3A_746 = arith.constant 0 : i32
      %dma_start3A_747 = tpu.memref_slice %arg9[%run_scoped3A_470, %dma_start3A_745, %dma_start3A_746] : memref<4x80x128xf32, #tpu.memory_space<vmem>> -> memref<1x80x128xf32, #tpu.memory_space<vmem>>
      %dma_start3A_748 = tpu.memref_squeeze %dma_start3A_747 : memref<1x80x128xf32, #tpu.memory_space<vmem>> -> memref<80x128xf32, #tpu.memory_space<vmem>>
      %dma_start3A_749 = arith.constant 0 : i32
      %dma_start3A_750 = tpu.memref_slice %arg10[%add3A_469, %dma_start3A_749] : memref<10240x128xf32, #tpu.memory_space<vmem_shared>> -> memref<80x128xf32, #tpu.memory_space<vmem_shared>>
      tpu.enqueue_dma source(%dma_start3A_750 : memref<80x128xf32, #tpu.memory_space<vmem_shared>>) target(%dma_start3A_748 : memref<80x128xf32, #tpu.memory_space<vmem>>) target_semaphore(%run_scoped3A_738 : memref<!tpu.dma_semaphore, #tpu.memory_space<semaphore_mem>>)
      %dma_wait3A_751 = arith.constant 0 : i32
      %dma_wait3A_752 = arith.constant 0 : i32
      %dma_wait3A_753 = tpu.memref_slice %arg9[%run_scoped3A_470, %dma_wait3A_751, %dma_wait3A_752] : memref<4x80x128xf32, #tpu.memory_space<vmem>> -> memref<1x80x128xf32, #tpu.memory_space<vmem>>
      %dma_wait3A_754 = tpu.memref_squeeze %dma_wait3A_753 : memref<1x80x128xf32, #tpu.memory_space<vmem>> -> memref<80x128xf32, #tpu.memory_space<vmem>>
      %dma_wait3A_755 = arith.constant 0 : i32
      %dma_wait3A_756 = tpu.memref_slice %arg10[%add3A_469, %dma_wait3A_755] : memref<10240x128xf32, #tpu.memory_space<vmem_shared>> -> memref<80x128xf32, #tpu.memory_space<vmem_shared>>
      %dma_wait3A_757 = arith.constant 0 : i32
      %dma_wait3A_758 = arith.constant 0 : i32
      %dma_wait3A_759 = tpu.memref_slice %arg9[%run_scoped3A_470, %dma_wait3A_757, %dma_wait3A_758] : memref<4x80x128xf32, #tpu.memory_space<vmem>> -> memref<1x80x128xf32, #tpu.memory_space<vmem>>
      %dma_wait3A_760 = tpu.memref_squeeze %dma_wait3A_759 : memref<1x80x128xf32, #tpu.memory_space<vmem>> -> memref<80x128xf32, #tpu.memory_space<vmem>>
      %dma_wait3A_761 = arith.constant 0 : i32
      %dma_wait3A_762 = tpu.memref_slice %arg10[%add3A_469, %dma_wait3A_761] : memref<10240x128xf32, #tpu.memory_space<vmem_shared>> -> memref<80x128xf32, #tpu.memory_space<vmem_shared>>
      tpu.wait_dma2 semaphore(%run_scoped3A_738 : memref<!tpu.dma_semaphore, #tpu.memory_space<semaphore_mem>>) src(%dma_wait3A_762 : memref<80x128xf32, #tpu.memory_space<vmem_shared>>) dst(%dma_wait3A_760 : memref<80x128xf32, #tpu.memory_space<vmem>>)
      tpu.yield
    }) : () -> ()
    %mul3A_471 = arith.constant 640 : i32
    %mul3A_472 = arith.muli %arg1, %mul3A_471 : i32
    %add3A_473 = arith.constant 240 : i32
    %add3A_474 = arith.addi %mul3A_472, %add3A_473 : i32
    %dma_start3A_475 = arith.constant 3 : i32
    %dma_start3A_476 = arith.constant 0 : i32
    %dma_start3A_477 = arith.constant 0 : i32
    %dma_start3A_478 = tpu.memref_slice %arg9[%dma_start3A_475, %dma_start3A_476, %dma_start3A_477] : memref<4x80x128xf32, #tpu.memory_space<vmem>> -> memref<1x80x128xf32, #tpu.memory_space<vmem>>
    %dma_start3A_479 = tpu.memref_squeeze %dma_start3A_478 : memref<1x80x128xf32, #tpu.memory_space<vmem>> -> memref<80x128xf32, #tpu.memory_space<vmem>>
    %dma_start3A_480 = arith.constant 0 : i32
    %dma_start3A_481 = tpu.memref_slice %arg6[%arg0, %add3A_474, %dma_start3A_480] : memref<2x10240x128xf32, #tpu.memory_space<hbm>> -> memref<1x80x128xf32, #tpu.memory_space<hbm>>
    %dma_start3A_482 = tpu.memref_squeeze %dma_start3A_481 : memref<1x80x128xf32, #tpu.memory_space<hbm>> -> memref<80x128xf32, #tpu.memory_space<hbm>>
    %dma_start3A_483 = arith.constant 0 : i32
    %dma_start3A_484 = tpu.memref_slice %arg6[%arg0, %add3A_474, %dma_start3A_483] : memref<2x10240x128xf32, #tpu.memory_space<hbm>> -> memref<1x80x128xf32, #tpu.memory_space<hbm>>
    %dma_start3A_485 = tpu.memref_squeeze %dma_start3A_484 : memref<1x80x128xf32, #tpu.memory_space<hbm>> -> memref<80x128xf32, #tpu.memory_space<hbm>>
    %dma_start3A_486 = arith.constant 0 : i32
    %dma_start3A_487 = arith.constant 0 : i32
    %dma_start3A_488 = tpu.memref_slice %arg9[%dma_start3A_475, %dma_start3A_486, %dma_start3A_487] : memref<4x80x128xf32, #tpu.memory_space<vmem>> -> memref<1x80x128xf32, #tpu.memory_space<vmem>>
    %dma_start3A_489 = tpu.memref_squeeze %dma_start3A_488 : memref<1x80x128xf32, #tpu.memory_space<vmem>> -> memref<80x128xf32, #tpu.memory_space<vmem>>
    tpu.enqueue_dma source(%dma_start3A_489 : memref<80x128xf32, #tpu.memory_space<vmem>>) target(%dma_start3A_485 : memref<80x128xf32, #tpu.memory_space<hbm>>) target_semaphore(%arg14 : memref<!tpu.dma_semaphore, #tpu.memory_space<semaphore_mem>>)
    %mul3A_490 = arith.constant 640 : i32
    %mul3A_491 = arith.muli %arg1, %mul3A_490 : i32
    %add3A_492 = arith.constant 0 : i32
    %add3A_493 = arith.addi %mul3A_491, %add3A_492 : i32
    %dma_wait3A_494 = arith.constant 0 : i32
    %dma_wait3A_495 = arith.constant 0 : i32
    %dma_wait3A_496 = arith.constant 0 : i32
    %dma_wait3A_497 = tpu.memref_slice %arg9[%dma_wait3A_494, %dma_wait3A_495, %dma_wait3A_496] : memref<4x80x128xf32, #tpu.memory_space<vmem>> -> memref<1x80x128xf32, #tpu.memory_space<vmem>>
    %dma_wait3A_498 = tpu.memref_squeeze %dma_wait3A_497 : memref<1x80x128xf32, #tpu.memory_space<vmem>> -> memref<80x128xf32, #tpu.memory_space<vmem>>
    %dma_wait3A_499 = arith.constant 0 : i32
    %dma_wait3A_500 = tpu.memref_slice %arg6[%arg0, %add3A_493, %dma_wait3A_499] : memref<2x10240x128xf32, #tpu.memory_space<hbm>> -> memref<1x80x128xf32, #tpu.memory_space<hbm>>
    %dma_wait3A_501 = tpu.memref_squeeze %dma_wait3A_500 : memref<1x80x128xf32, #tpu.memory_space<hbm>> -> memref<80x128xf32, #tpu.memory_space<hbm>>
    %dma_wait3A_502 = arith.constant 0 : i32
    %dma_wait3A_503 = tpu.memref_slice %arg6[%arg0, %add3A_493, %dma_wait3A_502] : memref<2x10240x128xf32, #tpu.memory_space<hbm>> -> memref<1x80x128xf32, #tpu.memory_space<hbm>>
    %dma_wait3A_504 = tpu.memref_squeeze %dma_wait3A_503 : memref<1x80x128xf32, #tpu.memory_space<hbm>> -> memref<80x128xf32, #tpu.memory_space<hbm>>
    %dma_wait3A_505 = arith.constant 0 : i32
    %dma_wait3A_506 = arith.constant 0 : i32
    %dma_wait3A_507 = tpu.memref_slice %arg9[%dma_wait3A_494, %dma_wait3A_505, %dma_wait3A_506] : memref<4x80x128xf32, #tpu.memory_space<vmem>> -> memref<1x80x128xf32, #tpu.memory_space<vmem>>
    %dma_wait3A_508 = tpu.memref_squeeze %dma_wait3A_507 : memref<1x80x128xf32, #tpu.memory_space<vmem>> -> memref<80x128xf32, #tpu.memory_space<vmem>>
    tpu.wait_dma2 semaphore(%arg14 : memref<!tpu.dma_semaphore, #tpu.memory_space<semaphore_mem>>) src(%dma_wait3A_508 : memref<80x128xf32, #tpu.memory_space<vmem>>) dst(%dma_wait3A_504 : memref<80x128xf32, #tpu.memory_space<hbm>>)
    %mul3A_509 = arith.constant 640 : i32
    %mul3A_510 = arith.muli %arg1, %mul3A_509 : i32
    %add3A_511 = arith.constant 320 : i32
    %add3A_512 = arith.addi %mul3A_510, %add3A_511 : i32
    %run_scoped3A_513 = arith.constant 0 : i32
    "tpu.region"() ({
      %run_scoped3A_738 = tpu.sem_alloc : memref<!tpu.dma_semaphore, #tpu.memory_space<semaphore_mem>>
      %dma_start3A_739 = arith.constant 0 : i32
      %dma_start3A_740 = arith.constant 0 : i32
      %dma_start3A_741 = tpu.memref_slice %arg9[%run_scoped3A_513, %dma_start3A_739, %dma_start3A_740] : memref<4x80x128xf32, #tpu.memory_space<vmem>> -> memref<1x80x128xf32, #tpu.memory_space<vmem>>
      %dma_start3A_742 = tpu.memref_squeeze %dma_start3A_741 : memref<1x80x128xf32, #tpu.memory_space<vmem>> -> memref<80x128xf32, #tpu.memory_space<vmem>>
      %dma_start3A_743 = arith.constant 0 : i32
      %dma_start3A_744 = tpu.memref_slice %arg10[%add3A_512, %dma_start3A_743] : memref<10240x128xf32, #tpu.memory_space<vmem_shared>> -> memref<80x128xf32, #tpu.memory_space<vmem_shared>>
      %dma_start3A_745 = arith.constant 0 : i32
      %dma_start3A_746 = arith.constant 0 : i32
      %dma_start3A_747 = tpu.memref_slice %arg9[%run_scoped3A_513, %dma_start3A_745, %dma_start3A_746] : memref<4x80x128xf32, #tpu.memory_space<vmem>> -> memref<1x80x128xf32, #tpu.memory_space<vmem>>
      %dma_start3A_748 = tpu.memref_squeeze %dma_start3A_747 : memref<1x80x128xf32, #tpu.memory_space<vmem>> -> memref<80x128xf32, #tpu.memory_space<vmem>>
      %dma_start3A_749 = arith.constant 0 : i32
      %dma_start3A_750 = tpu.memref_slice %arg10[%add3A_512, %dma_start3A_749] : memref<10240x128xf32, #tpu.memory_space<vmem_shared>> -> memref<80x128xf32, #tpu.memory_space<vmem_shared>>
      tpu.enqueue_dma source(%dma_start3A_750 : memref<80x128xf32, #tpu.memory_space<vmem_shared>>) target(%dma_start3A_748 : memref<80x128xf32, #tpu.memory_space<vmem>>) target_semaphore(%run_scoped3A_738 : memref<!tpu.dma_semaphore, #tpu.memory_space<semaphore_mem>>)
      %dma_wait3A_751 = arith.constant 0 : i32
      %dma_wait3A_752 = arith.constant 0 : i32
      %dma_wait3A_753 = tpu.memref_slice %arg9[%run_scoped3A_513, %dma_wait3A_751, %dma_wait3A_752] : memref<4x80x128xf32, #tpu.memory_space<vmem>> -> memref<1x80x128xf32, #tpu.memory_space<vmem>>
      %dma_wait3A_754 = tpu.memref_squeeze %dma_wait3A_753 : memref<1x80x128xf32, #tpu.memory_space<vmem>> -> memref<80x128xf32, #tpu.memory_space<vmem>>
      %dma_wait3A_755 = arith.constant 0 : i32
      %dma_wait3A_756 = tpu.memref_slice %arg10[%add3A_512, %dma_wait3A_755] : memref<10240x128xf32, #tpu.memory_space<vmem_shared>> -> memref<80x128xf32, #tpu.memory_space<vmem_shared>>
      %dma_wait3A_757 = arith.constant 0 : i32
      %dma_wait3A_758 = arith.constant 0 : i32
      %dma_wait3A_759 = tpu.memref_slice %arg9[%run_scoped3A_513, %dma_wait3A_757, %dma_wait3A_758] : memref<4x80x128xf32, #tpu.memory_space<vmem>> -> memref<1x80x128xf32, #tpu.memory_space<vmem>>
      %dma_wait3A_760 = tpu.memref_squeeze %dma_wait3A_759 : memref<1x80x128xf32, #tpu.memory_space<vmem>> -> memref<80x128xf32, #tpu.memory_space<vmem>>
      %dma_wait3A_761 = arith.constant 0 : i32
      %dma_wait3A_762 = tpu.memref_slice %arg10[%add3A_512, %dma_wait3A_761] : memref<10240x128xf32, #tpu.memory_space<vmem_shared>> -> memref<80x128xf32, #tpu.memory_space<vmem_shared>>
      tpu.wait_dma2 semaphore(%run_scoped3A_738 : memref<!tpu.dma_semaphore, #tpu.memory_space<semaphore_mem>>) src(%dma_wait3A_762 : memref<80x128xf32, #tpu.memory_space<vmem_shared>>) dst(%dma_wait3A_760 : memref<80x128xf32, #tpu.memory_space<vmem>>)
      tpu.yield
    }) : () -> ()
    %mul3A_514 = arith.constant 640 : i32
    %mul3A_515 = arith.muli %arg1, %mul3A_514 : i32
    %add3A_516 = arith.constant 320 : i32
    %add3A_517 = arith.addi %mul3A_515, %add3A_516 : i32
    %dma_start3A_518 = arith.constant 0 : i32
    %dma_start3A_519 = arith.constant 0 : i32
    %dma_start3A_520 = arith.constant 0 : i32
    %dma_start3A_521 = tpu.memref_slice %arg9[%dma_start3A_518, %dma_start3A_519, %dma_start3A_520] : memref<4x80x128xf32, #tpu.memory_space<vmem>> -> memref<1x80x128xf32, #tpu.memory_space<vmem>>
    %dma_start3A_522 = tpu.memref_squeeze %dma_start3A_521 : memref<1x80x128xf32, #tpu.memory_space<vmem>> -> memref<80x128xf32, #tpu.memory_space<vmem>>
    %dma_start3A_523 = arith.constant 0 : i32
    %dma_start3A_524 = tpu.memref_slice %arg6[%arg0, %add3A_517, %dma_start3A_523] : memref<2x10240x128xf32, #tpu.memory_space<hbm>> -> memref<1x80x128xf32, #tpu.memory_space<hbm>>
    %dma_start3A_525 = tpu.memref_squeeze %dma_start3A_524 : memref<1x80x128xf32, #tpu.memory_space<hbm>> -> memref<80x128xf32, #tpu.memory_space<hbm>>
    %dma_start3A_526 = arith.constant 0 : i32
    %dma_start3A_527 = tpu.memref_slice %arg6[%arg0, %add3A_517, %dma_start3A_526] : memref<2x10240x128xf32, #tpu.memory_space<hbm>> -> memref<1x80x128xf32, #tpu.memory_space<hbm>>
    %dma_start3A_528 = tpu.memref_squeeze %dma_start3A_527 : memref<1x80x128xf32, #tpu.memory_space<hbm>> -> memref<80x128xf32, #tpu.memory_space<hbm>>
    %dma_start3A_529 = arith.constant 0 : i32
    %dma_start3A_530 = arith.constant 0 : i32
    %dma_start3A_531 = tpu.memref_slice %arg9[%dma_start3A_518, %dma_start3A_529, %dma_start3A_530] : memref<4x80x128xf32, #tpu.memory_space<vmem>> -> memref<1x80x128xf32, #tpu.memory_space<vmem>>
    %dma_start3A_532 = tpu.memref_squeeze %dma_start3A_531 : memref<1x80x128xf32, #tpu.memory_space<vmem>> -> memref<80x128xf32, #tpu.memory_space<vmem>>
    tpu.enqueue_dma source(%dma_start3A_532 : memref<80x128xf32, #tpu.memory_space<vmem>>) target(%dma_start3A_528 : memref<80x128xf32, #tpu.memory_space<hbm>>) target_semaphore(%arg14 : memref<!tpu.dma_semaphore, #tpu.memory_space<semaphore_mem>>)
    %mul3A_533 = arith.constant 640 : i32
    %mul3A_534 = arith.muli %arg1, %mul3A_533 : i32
    %add3A_535 = arith.constant 80 : i32
    %add3A_536 = arith.addi %mul3A_534, %add3A_535 : i32
    %dma_wait3A_537 = arith.constant 1 : i32
    %dma_wait3A_538 = arith.constant 0 : i32
    %dma_wait3A_539 = arith.constant 0 : i32
    %dma_wait3A_540 = tpu.memref_slice %arg9[%dma_wait3A_537, %dma_wait3A_538, %dma_wait3A_539] : memref<4x80x128xf32, #tpu.memory_space<vmem>> -> memref<1x80x128xf32, #tpu.memory_space<vmem>>
    %dma_wait3A_541 = tpu.memref_squeeze %dma_wait3A_540 : memref<1x80x128xf32, #tpu.memory_space<vmem>> -> memref<80x128xf32, #tpu.memory_space<vmem>>
    %dma_wait3A_542 = arith.constant 0 : i32
    %dma_wait3A_543 = tpu.memref_slice %arg6[%arg0, %add3A_536, %dma_wait3A_542] : memref<2x10240x128xf32, #tpu.memory_space<hbm>> -> memref<1x80x128xf32, #tpu.memory_space<hbm>>
    %dma_wait3A_544 = tpu.memref_squeeze %dma_wait3A_543 : memref<1x80x128xf32, #tpu.memory_space<hbm>> -> memref<80x128xf32, #tpu.memory_space<hbm>>
    %dma_wait3A_545 = arith.constant 0 : i32
    %dma_wait3A_546 = tpu.memref_slice %arg6[%arg0, %add3A_536, %dma_wait3A_545] : memref<2x10240x128xf32, #tpu.memory_space<hbm>> -> memref<1x80x128xf32, #tpu.memory_space<hbm>>
    %dma_wait3A_547 = tpu.memref_squeeze %dma_wait3A_546 : memref<1x80x128xf32, #tpu.memory_space<hbm>> -> memref<80x128xf32, #tpu.memory_space<hbm>>
    %dma_wait3A_548 = arith.constant 0 : i32
    %dma_wait3A_549 = arith.constant 0 : i32
    %dma_wait3A_550 = tpu.memref_slice %arg9[%dma_wait3A_537, %dma_wait3A_548, %dma_wait3A_549] : memref<4x80x128xf32, #tpu.memory_space<vmem>> -> memref<1x80x128xf32, #tpu.memory_space<vmem>>
    %dma_wait3A_551 = tpu.memref_squeeze %dma_wait3A_550 : memref<1x80x128xf32, #tpu.memory_space<vmem>> -> memref<80x128xf32, #tpu.memory_space<vmem>>
    tpu.wait_dma2 semaphore(%arg14 : memref<!tpu.dma_semaphore, #tpu.memory_space<semaphore_mem>>) src(%dma_wait3A_551 : memref<80x128xf32, #tpu.memory_space<vmem>>) dst(%dma_wait3A_547 : memref<80x128xf32, #tpu.memory_space<hbm>>)
    %mul3A_552 = arith.constant 640 : i32
    %mul3A_553 = arith.muli %arg1, %mul3A_552 : i32
    %add3A_554 = arith.constant 400 : i32
    %add3A_555 = arith.addi %mul3A_553, %add3A_554 : i32
    %run_scoped3A_556 = arith.constant 1 : i32
    "tpu.region"() ({
      %run_scoped3A_738 = tpu.sem_alloc : memref<!tpu.dma_semaphore, #tpu.memory_space<semaphore_mem>>
      %dma_start3A_739 = arith.constant 0 : i32
      %dma_start3A_740 = arith.constant 0 : i32
      %dma_start3A_741 = tpu.memref_slice %arg9[%run_scoped3A_556, %dma_start3A_739, %dma_start3A_740] : memref<4x80x128xf32, #tpu.memory_space<vmem>> -> memref<1x80x128xf32, #tpu.memory_space<vmem>>
      %dma_start3A_742 = tpu.memref_squeeze %dma_start3A_741 : memref<1x80x128xf32, #tpu.memory_space<vmem>> -> memref<80x128xf32, #tpu.memory_space<vmem>>
      %dma_start3A_743 = arith.constant 0 : i32
      %dma_start3A_744 = tpu.memref_slice %arg10[%add3A_555, %dma_start3A_743] : memref<10240x128xf32, #tpu.memory_space<vmem_shared>> -> memref<80x128xf32, #tpu.memory_space<vmem_shared>>
      %dma_start3A_745 = arith.constant 0 : i32
      %dma_start3A_746 = arith.constant 0 : i32
      %dma_start3A_747 = tpu.memref_slice %arg9[%run_scoped3A_556, %dma_start3A_745, %dma_start3A_746] : memref<4x80x128xf32, #tpu.memory_space<vmem>> -> memref<1x80x128xf32, #tpu.memory_space<vmem>>
      %dma_start3A_748 = tpu.memref_squeeze %dma_start3A_747 : memref<1x80x128xf32, #tpu.memory_space<vmem>> -> memref<80x128xf32, #tpu.memory_space<vmem>>
      %dma_start3A_749 = arith.constant 0 : i32
      %dma_start3A_750 = tpu.memref_slice %arg10[%add3A_555, %dma_start3A_749] : memref<10240x128xf32, #tpu.memory_space<vmem_shared>> -> memref<80x128xf32, #tpu.memory_space<vmem_shared>>
      tpu.enqueue_dma source(%dma_start3A_750 : memref<80x128xf32, #tpu.memory_space<vmem_shared>>) target(%dma_start3A_748 : memref<80x128xf32, #tpu.memory_space<vmem>>) target_semaphore(%run_scoped3A_738 : memref<!tpu.dma_semaphore, #tpu.memory_space<semaphore_mem>>)
      %dma_wait3A_751 = arith.constant 0 : i32
      %dma_wait3A_752 = arith.constant 0 : i32
      %dma_wait3A_753 = tpu.memref_slice %arg9[%run_scoped3A_556, %dma_wait3A_751, %dma_wait3A_752] : memref<4x80x128xf32, #tpu.memory_space<vmem>> -> memref<1x80x128xf32, #tpu.memory_space<vmem>>
      %dma_wait3A_754 = tpu.memref_squeeze %dma_wait3A_753 : memref<1x80x128xf32, #tpu.memory_space<vmem>> -> memref<80x128xf32, #tpu.memory_space<vmem>>
      %dma_wait3A_755 = arith.constant 0 : i32
      %dma_wait3A_756 = tpu.memref_slice %arg10[%add3A_555, %dma_wait3A_755] : memref<10240x128xf32, #tpu.memory_space<vmem_shared>> -> memref<80x128xf32, #tpu.memory_space<vmem_shared>>
      %dma_wait3A_757 = arith.constant 0 : i32
      %dma_wait3A_758 = arith.constant 0 : i32
      %dma_wait3A_759 = tpu.memref_slice %arg9[%run_scoped3A_556, %dma_wait3A_757, %dma_wait3A_758] : memref<4x80x128xf32, #tpu.memory_space<vmem>> -> memref<1x80x128xf32, #tpu.memory_space<vmem>>
      %dma_wait3A_760 = tpu.memref_squeeze %dma_wait3A_759 : memref<1x80x128xf32, #tpu.memory_space<vmem>> -> memref<80x128xf32, #tpu.memory_space<vmem>>
      %dma_wait3A_761 = arith.constant 0 : i32
      %dma_wait3A_762 = tpu.memref_slice %arg10[%add3A_555, %dma_wait3A_761] : memref<10240x128xf32, #tpu.memory_space<vmem_shared>> -> memref<80x128xf32, #tpu.memory_space<vmem_shared>>
      tpu.wait_dma2 semaphore(%run_scoped3A_738 : memref<!tpu.dma_semaphore, #tpu.memory_space<semaphore_mem>>) src(%dma_wait3A_762 : memref<80x128xf32, #tpu.memory_space<vmem_shared>>) dst(%dma_wait3A_760 : memref<80x128xf32, #tpu.memory_space<vmem>>)
      tpu.yield
    }) : () -> ()
    %mul3A_557 = arith.constant 640 : i32
    %mul3A_558 = arith.muli %arg1, %mul3A_557 : i32
    %add3A_559 = arith.constant 400 : i32
    %add3A_560 = arith.addi %mul3A_558, %add3A_559 : i32
    %dma_start3A_561 = arith.constant 1 : i32
    %dma_start3A_562 = arith.constant 0 : i32
    %dma_start3A_563 = arith.constant 0 : i32
    %dma_start3A_564 = tpu.memref_slice %arg9[%dma_start3A_561, %dma_start3A_562, %dma_start3A_563] : memref<4x80x128xf32, #tpu.memory_space<vmem>> -> memref<1x80x128xf32, #tpu.memory_space<vmem>>
    %dma_start3A_565 = tpu.memref_squeeze %dma_start3A_564 : memref<1x80x128xf32, #tpu.memory_space<vmem>> -> memref<80x128xf32, #tpu.memory_space<vmem>>
    %dma_start3A_566 = arith.constant 0 : i32
    %dma_start3A_567 = tpu.memref_slice %arg6[%arg0, %add3A_560, %dma_start3A_566] : memref<2x10240x128xf32, #tpu.memory_space<hbm>> -> memref<1x80x128xf32, #tpu.memory_space<hbm>>
    %dma_start3A_568 = tpu.memref_squeeze %dma_start3A_567 : memref<1x80x128xf32, #tpu.memory_space<hbm>> -> memref<80x128xf32, #tpu.memory_space<hbm>>
    %dma_start3A_569 = arith.constant 0 : i32
    %dma_start3A_570 = tpu.memref_slice %arg6[%arg0, %add3A_560, %dma_start3A_569] : memref<2x10240x128xf32, #tpu.memory_space<hbm>> -> memref<1x80x128xf32, #tpu.memory_space<hbm>>
    %dma_start3A_571 = tpu.memref_squeeze %dma_start3A_570 : memref<1x80x128xf32, #tpu.memory_space<hbm>> -> memref<80x128xf32, #tpu.memory_space<hbm>>
    %dma_start3A_572 = arith.constant 0 : i32
    %dma_start3A_573 = arith.constant 0 : i32
    %dma_start3A_574 = tpu.memref_slice %arg9[%dma_start3A_561, %dma_start3A_572, %dma_start3A_573] : memref<4x80x128xf32, #tpu.memory_space<vmem>> -> memref<1x80x128xf32, #tpu.memory_space<vmem>>
    %dma_start3A_575 = tpu.memref_squeeze %dma_start3A_574 : memref<1x80x128xf32, #tpu.memory_space<vmem>> -> memref<80x128xf32, #tpu.memory_space<vmem>>
    tpu.enqueue_dma source(%dma_start3A_575 : memref<80x128xf32, #tpu.memory_space<vmem>>) target(%dma_start3A_571 : memref<80x128xf32, #tpu.memory_space<hbm>>) target_semaphore(%arg14 : memref<!tpu.dma_semaphore, #tpu.memory_space<semaphore_mem>>)
    %mul3A_576 = arith.constant 640 : i32
    %mul3A_577 = arith.muli %arg1, %mul3A_576 : i32
    %add3A_578 = arith.constant 160 : i32
    %add3A_579 = arith.addi %mul3A_577, %add3A_578 : i32
    %dma_wait3A_580 = arith.constant 2 : i32
    %dma_wait3A_581 = arith.constant 0 : i32
    %dma_wait3A_582 = arith.constant 0 : i32
    %dma_wait3A_583 = tpu.memref_slice %arg9[%dma_wait3A_580, %dma_wait3A_581, %dma_wait3A_582] : memref<4x80x128xf32, #tpu.memory_space<vmem>> -> memref<1x80x128xf32, #tpu.memory_space<vmem>>
    %dma_wait3A_584 = tpu.memref_squeeze %dma_wait3A_583 : memref<1x80x128xf32, #tpu.memory_space<vmem>> -> memref<80x128xf32, #tpu.memory_space<vmem>>
    %dma_wait3A_585 = arith.constant 0 : i32
    %dma_wait3A_586 = tpu.memref_slice %arg6[%arg0, %add3A_579, %dma_wait3A_585] : memref<2x10240x128xf32, #tpu.memory_space<hbm>> -> memref<1x80x128xf32, #tpu.memory_space<hbm>>
    %dma_wait3A_587 = tpu.memref_squeeze %dma_wait3A_586 : memref<1x80x128xf32, #tpu.memory_space<hbm>> -> memref<80x128xf32, #tpu.memory_space<hbm>>
    %dma_wait3A_588 = arith.constant 0 : i32
    %dma_wait3A_589 = tpu.memref_slice %arg6[%arg0, %add3A_579, %dma_wait3A_588] : memref<2x10240x128xf32, #tpu.memory_space<hbm>> -> memref<1x80x128xf32, #tpu.memory_space<hbm>>
    %dma_wait3A_590 = tpu.memref_squeeze %dma_wait3A_589 : memref<1x80x128xf32, #tpu.memory_space<hbm>> -> memref<80x128xf32, #tpu.memory_space<hbm>>
    %dma_wait3A_591 = arith.constant 0 : i32
    %dma_wait3A_592 = arith.constant 0 : i32
    %dma_wait3A_593 = tpu.memref_slice %arg9[%dma_wait3A_580, %dma_wait3A_591, %dma_wait3A_592] : memref<4x80x128xf32, #tpu.memory_space<vmem>> -> memref<1x80x128xf32, #tpu.memory_space<vmem>>
    %dma_wait3A_594 = tpu.memref_squeeze %dma_wait3A_593 : memref<1x80x128xf32, #tpu.memory_space<vmem>> -> memref<80x128xf32, #tpu.memory_space<vmem>>
    tpu.wait_dma2 semaphore(%arg14 : memref<!tpu.dma_semaphore, #tpu.memory_space<semaphore_mem>>) src(%dma_wait3A_594 : memref<80x128xf32, #tpu.memory_space<vmem>>) dst(%dma_wait3A_590 : memref<80x128xf32, #tpu.memory_space<hbm>>)
    %mul3A_595 = arith.constant 640 : i32
    %mul3A_596 = arith.muli %arg1, %mul3A_595 : i32
    %add3A_597 = arith.constant 480 : i32
    %add3A_598 = arith.addi %mul3A_596, %add3A_597 : i32
    %run_scoped3A_599 = arith.constant 2 : i32
    "tpu.region"() ({
      %run_scoped3A_738 = tpu.sem_alloc : memref<!tpu.dma_semaphore, #tpu.memory_space<semaphore_mem>>
      %dma_start3A_739 = arith.constant 0 : i32
      %dma_start3A_740 = arith.constant 0 : i32
      %dma_start3A_741 = tpu.memref_slice %arg9[%run_scoped3A_599, %dma_start3A_739, %dma_start3A_740] : memref<4x80x128xf32, #tpu.memory_space<vmem>> -> memref<1x80x128xf32, #tpu.memory_space<vmem>>
      %dma_start3A_742 = tpu.memref_squeeze %dma_start3A_741 : memref<1x80x128xf32, #tpu.memory_space<vmem>> -> memref<80x128xf32, #tpu.memory_space<vmem>>
      %dma_start3A_743 = arith.constant 0 : i32
      %dma_start3A_744 = tpu.memref_slice %arg10[%add3A_598, %dma_start3A_743] : memref<10240x128xf32, #tpu.memory_space<vmem_shared>> -> memref<80x128xf32, #tpu.memory_space<vmem_shared>>
      %dma_start3A_745 = arith.constant 0 : i32
      %dma_start3A_746 = arith.constant 0 : i32
      %dma_start3A_747 = tpu.memref_slice %arg9[%run_scoped3A_599, %dma_start3A_745, %dma_start3A_746] : memref<4x80x128xf32, #tpu.memory_space<vmem>> -> memref<1x80x128xf32, #tpu.memory_space<vmem>>
      %dma_start3A_748 = tpu.memref_squeeze %dma_start3A_747 : memref<1x80x128xf32, #tpu.memory_space<vmem>> -> memref<80x128xf32, #tpu.memory_space<vmem>>
      %dma_start3A_749 = arith.constant 0 : i32
      %dma_start3A_750 = tpu.memref_slice %arg10[%add3A_598, %dma_start3A_749] : memref<10240x128xf32, #tpu.memory_space<vmem_shared>> -> memref<80x128xf32, #tpu.memory_space<vmem_shared>>
      tpu.enqueue_dma source(%dma_start3A_750 : memref<80x128xf32, #tpu.memory_space<vmem_shared>>) target(%dma_start3A_748 : memref<80x128xf32, #tpu.memory_space<vmem>>) target_semaphore(%run_scoped3A_738 : memref<!tpu.dma_semaphore, #tpu.memory_space<semaphore_mem>>)
      %dma_wait3A_751 = arith.constant 0 : i32
      %dma_wait3A_752 = arith.constant 0 : i32
      %dma_wait3A_753 = tpu.memref_slice %arg9[%run_scoped3A_599, %dma_wait3A_751, %dma_wait3A_752] : memref<4x80x128xf32, #tpu.memory_space<vmem>> -> memref<1x80x128xf32, #tpu.memory_space<vmem>>
      %dma_wait3A_754 = tpu.memref_squeeze %dma_wait3A_753 : memref<1x80x128xf32, #tpu.memory_space<vmem>> -> memref<80x128xf32, #tpu.memory_space<vmem>>
      %dma_wait3A_755 = arith.constant 0 : i32
      %dma_wait3A_756 = tpu.memref_slice %arg10[%add3A_598, %dma_wait3A_755] : memref<10240x128xf32, #tpu.memory_space<vmem_shared>> -> memref<80x128xf32, #tpu.memory_space<vmem_shared>>
      %dma_wait3A_757 = arith.constant 0 : i32
      %dma_wait3A_758 = arith.constant 0 : i32
      %dma_wait3A_759 = tpu.memref_slice %arg9[%run_scoped3A_599, %dma_wait3A_757, %dma_wait3A_758] : memref<4x80x128xf32, #tpu.memory_space<vmem>> -> memref<1x80x128xf32, #tpu.memory_space<vmem>>
      %dma_wait3A_760 = tpu.memref_squeeze %dma_wait3A_759 : memref<1x80x128xf32, #tpu.memory_space<vmem>> -> memref<80x128xf32, #tpu.memory_space<vmem>>
      %dma_wait3A_761 = arith.constant 0 : i32
      %dma_wait3A_762 = tpu.memref_slice %arg10[%add3A_598, %dma_wait3A_761] : memref<10240x128xf32, #tpu.memory_space<vmem_shared>> -> memref<80x128xf32, #tpu.memory_space<vmem_shared>>
      tpu.wait_dma2 semaphore(%run_scoped3A_738 : memref<!tpu.dma_semaphore, #tpu.memory_space<semaphore_mem>>) src(%dma_wait3A_762 : memref<80x128xf32, #tpu.memory_space<vmem_shared>>) dst(%dma_wait3A_760 : memref<80x128xf32, #tpu.memory_space<vmem>>)
      tpu.yield
    }) : () -> ()
    %mul3A_600 = arith.constant 640 : i32
    %mul3A_601 = arith.muli %arg1, %mul3A_600 : i32
    %add3A_602 = arith.constant 480 : i32
    %add3A_603 = arith.addi %mul3A_601, %add3A_602 : i32
    %dma_start3A_604 = arith.constant 2 : i32
    %dma_start3A_605 = arith.constant 0 : i32
    %dma_start3A_606 = arith.constant 0 : i32
    %dma_start3A_607 = tpu.memref_slice %arg9[%dma_start3A_604, %dma_start3A_605, %dma_start3A_606] : memref<4x80x128xf32, #tpu.memory_space<vmem>> -> memref<1x80x128xf32, #tpu.memory_space<vmem>>
    %dma_start3A_608 = tpu.memref_squeeze %dma_start3A_607 : memref<1x80x128xf32, #tpu.memory_space<vmem>> -> memref<80x128xf32, #tpu.memory_space<vmem>>
    %dma_start3A_609 = arith.constant 0 : i32
    %dma_start3A_610 = tpu.memref_slice %arg6[%arg0, %add3A_603, %dma_start3A_609] : memref<2x10240x128xf32, #tpu.memory_space<hbm>> -> memref<1x80x128xf32, #tpu.memory_space<hbm>>
    %dma_start3A_611 = tpu.memref_squeeze %dma_start3A_610 : memref<1x80x128xf32, #tpu.memory_space<hbm>> -> memref<80x128xf32, #tpu.memory_space<hbm>>
    %dma_start3A_612 = arith.constant 0 : i32
    %dma_start3A_613 = tpu.memref_slice %arg6[%arg0, %add3A_603, %dma_start3A_612] : memref<2x10240x128xf32, #tpu.memory_space<hbm>> -> memref<1x80x128xf32, #tpu.memory_space<hbm>>
    %dma_start3A_614 = tpu.memref_squeeze %dma_start3A_613 : memref<1x80x128xf32, #tpu.memory_space<hbm>> -> memref<80x128xf32, #tpu.memory_space<hbm>>
    %dma_start3A_615 = arith.constant 0 : i32
    %dma_start3A_616 = arith.constant 0 : i32
    %dma_start3A_617 = tpu.memref_slice %arg9[%dma_start3A_604, %dma_start3A_615, %dma_start3A_616] : memref<4x80x128xf32, #tpu.memory_space<vmem>> -> memref<1x80x128xf32, #tpu.memory_space<vmem>>
    %dma_start3A_618 = tpu.memref_squeeze %dma_start3A_617 : memref<1x80x128xf32, #tpu.memory_space<vmem>> -> memref<80x128xf32, #tpu.memory_space<vmem>>
    tpu.enqueue_dma source(%dma_start3A_618 : memref<80x128xf32, #tpu.memory_space<vmem>>) target(%dma_start3A_614 : memref<80x128xf32, #tpu.memory_space<hbm>>) target_semaphore(%arg14 : memref<!tpu.dma_semaphore, #tpu.memory_space<semaphore_mem>>)
    %mul3A_619 = arith.constant 640 : i32
    %mul3A_620 = arith.muli %arg1, %mul3A_619 : i32
    %add3A_621 = arith.constant 240 : i32
    %add3A_622 = arith.addi %mul3A_620, %add3A_621 : i32
    %dma_wait3A_623 = arith.constant 3 : i32
    %dma_wait3A_624 = arith.constant 0 : i32
    %dma_wait3A_625 = arith.constant 0 : i32
    %dma_wait3A_626 = tpu.memref_slice %arg9[%dma_wait3A_623, %dma_wait3A_624, %dma_wait3A_625] : memref<4x80x128xf32, #tpu.memory_space<vmem>> -> memref<1x80x128xf32, #tpu.memory_space<vmem>>
    %dma_wait3A_627 = tpu.memref_squeeze %dma_wait3A_626 : memref<1x80x128xf32, #tpu.memory_space<vmem>> -> memref<80x128xf32, #tpu.memory_space<vmem>>
    %dma_wait3A_628 = arith.constant 0 : i32
    %dma_wait3A_629 = tpu.memref_slice %arg6[%arg0, %add3A_622, %dma_wait3A_628] : memref<2x10240x128xf32, #tpu.memory_space<hbm>> -> memref<1x80x128xf32, #tpu.memory_space<hbm>>
    %dma_wait3A_630 = tpu.memref_squeeze %dma_wait3A_629 : memref<1x80x128xf32, #tpu.memory_space<hbm>> -> memref<80x128xf32, #tpu.memory_space<hbm>>
    %dma_wait3A_631 = arith.constant 0 : i32
    %dma_wait3A_632 = tpu.memref_slice %arg6[%arg0, %add3A_622, %dma_wait3A_631] : memref<2x10240x128xf32, #tpu.memory_space<hbm>> -> memref<1x80x128xf32, #tpu.memory_space<hbm>>
    %dma_wait3A_633 = tpu.memref_squeeze %dma_wait3A_632 : memref<1x80x128xf32, #tpu.memory_space<hbm>> -> memref<80x128xf32, #tpu.memory_space<hbm>>
    %dma_wait3A_634 = arith.constant 0 : i32
    %dma_wait3A_635 = arith.constant 0 : i32
    %dma_wait3A_636 = tpu.memref_slice %arg9[%dma_wait3A_623, %dma_wait3A_634, %dma_wait3A_635] : memref<4x80x128xf32, #tpu.memory_space<vmem>> -> memref<1x80x128xf32, #tpu.memory_space<vmem>>
    %dma_wait3A_637 = tpu.memref_squeeze %dma_wait3A_636 : memref<1x80x128xf32, #tpu.memory_space<vmem>> -> memref<80x128xf32, #tpu.memory_space<vmem>>
    tpu.wait_dma2 semaphore(%arg14 : memref<!tpu.dma_semaphore, #tpu.memory_space<semaphore_mem>>) src(%dma_wait3A_637 : memref<80x128xf32, #tpu.memory_space<vmem>>) dst(%dma_wait3A_633 : memref<80x128xf32, #tpu.memory_space<hbm>>)
    %mul3A_638 = arith.constant 640 : i32
    %mul3A_639 = arith.muli %arg1, %mul3A_638 : i32
    %add3A_640 = arith.constant 560 : i32
    %add3A_641 = arith.addi %mul3A_639, %add3A_640 : i32
    %run_scoped3A_642 = arith.constant 3 : i32
    "tpu.region"() ({
      %run_scoped3A_738 = tpu.sem_alloc : memref<!tpu.dma_semaphore, #tpu.memory_space<semaphore_mem>>
      %dma_start3A_739 = arith.constant 0 : i32
      %dma_start3A_740 = arith.constant 0 : i32
      %dma_start3A_741 = tpu.memref_slice %arg9[%run_scoped3A_642, %dma_start3A_739, %dma_start3A_740] : memref<4x80x128xf32, #tpu.memory_space<vmem>> -> memref<1x80x128xf32, #tpu.memory_space<vmem>>
      %dma_start3A_742 = tpu.memref_squeeze %dma_start3A_741 : memref<1x80x128xf32, #tpu.memory_space<vmem>> -> memref<80x128xf32, #tpu.memory_space<vmem>>
      %dma_start3A_743 = arith.constant 0 : i32
      %dma_start3A_744 = tpu.memref_slice %arg10[%add3A_641, %dma_start3A_743] : memref<10240x128xf32, #tpu.memory_space<vmem_shared>> -> memref<80x128xf32, #tpu.memory_space<vmem_shared>>
      %dma_start3A_745 = arith.constant 0 : i32
      %dma_start3A_746 = arith.constant 0 : i32
      %dma_start3A_747 = tpu.memref_slice %arg9[%run_scoped3A_642, %dma_start3A_745, %dma_start3A_746] : memref<4x80x128xf32, #tpu.memory_space<vmem>> -> memref<1x80x128xf32, #tpu.memory_space<vmem>>
      %dma_start3A_748 = tpu.memref_squeeze %dma_start3A_747 : memref<1x80x128xf32, #tpu.memory_space<vmem>> -> memref<80x128xf32, #tpu.memory_space<vmem>>
      %dma_start3A_749 = arith.constant 0 : i32
      %dma_start3A_750 = tpu.memref_slice %arg10[%add3A_641, %dma_start3A_749] : memref<10240x128xf32, #tpu.memory_space<vmem_shared>> -> memref<80x128xf32, #tpu.memory_space<vmem_shared>>
      tpu.enqueue_dma source(%dma_start3A_750 : memref<80x128xf32, #tpu.memory_space<vmem_shared>>) target(%dma_start3A_748 : memref<80x128xf32, #tpu.memory_space<vmem>>) target_semaphore(%run_scoped3A_738 : memref<!tpu.dma_semaphore, #tpu.memory_space<semaphore_mem>>)
      %dma_wait3A_751 = arith.constant 0 : i32
      %dma_wait3A_752 = arith.constant 0 : i32
      %dma_wait3A_753 = tpu.memref_slice %arg9[%run_scoped3A_642, %dma_wait3A_751, %dma_wait3A_752] : memref<4x80x128xf32, #tpu.memory_space<vmem>> -> memref<1x80x128xf32, #tpu.memory_space<vmem>>
      %dma_wait3A_754 = tpu.memref_squeeze %dma_wait3A_753 : memref<1x80x128xf32, #tpu.memory_space<vmem>> -> memref<80x128xf32, #tpu.memory_space<vmem>>
      %dma_wait3A_755 = arith.constant 0 : i32
      %dma_wait3A_756 = tpu.memref_slice %arg10[%add3A_641, %dma_wait3A_755] : memref<10240x128xf32, #tpu.memory_space<vmem_shared>> -> memref<80x128xf32, #tpu.memory_space<vmem_shared>>
      %dma_wait3A_757 = arith.constant 0 : i32
      %dma_wait3A_758 = arith.constant 0 : i32
      %dma_wait3A_759 = tpu.memref_slice %arg9[%run_scoped3A_642, %dma_wait3A_757, %dma_wait3A_758] : memref<4x80x128xf32, #tpu.memory_space<vmem>> -> memref<1x80x128xf32, #tpu.memory_space<vmem>>
      %dma_wait3A_760 = tpu.memref_squeeze %dma_wait3A_759 : memref<1x80x128xf32, #tpu.memory_space<vmem>> -> memref<80x128xf32, #tpu.memory_space<vmem>>
      %dma_wait3A_761 = arith.constant 0 : i32
      %dma_wait3A_762 = tpu.memref_slice %arg10[%add3A_641, %dma_wait3A_761] : memref<10240x128xf32, #tpu.memory_space<vmem_shared>> -> memref<80x128xf32, #tpu.memory_space<vmem_shared>>
      tpu.wait_dma2 semaphore(%run_scoped3A_738 : memref<!tpu.dma_semaphore, #tpu.memory_space<semaphore_mem>>) src(%dma_wait3A_762 : memref<80x128xf32, #tpu.memory_space<vmem_shared>>) dst(%dma_wait3A_760 : memref<80x128xf32, #tpu.memory_space<vmem>>)
      tpu.yield
    }) : () -> ()
    %mul3A_643 = arith.constant 640 : i32
    %mul3A_644 = arith.muli %arg1, %mul3A_643 : i32
    %add3A_645 = arith.constant 560 : i32
    %add3A_646 = arith.addi %mul3A_644, %add3A_645 : i32
    %dma_start3A_647 = arith.constant 3 : i32
    %dma_start3A_648 = arith.constant 0 : i32
    %dma_start3A_649 = arith.constant 0 : i32
    %dma_start3A_650 = tpu.memref_slice %arg9[%dma_start3A_647, %dma_start3A_648, %dma_start3A_649] : memref<4x80x128xf32, #tpu.memory_space<vmem>> -> memref<1x80x128xf32, #tpu.memory_space<vmem>>
    %dma_start3A_651 = tpu.memref_squeeze %dma_start3A_650 : memref<1x80x128xf32, #tpu.memory_space<vmem>> -> memref<80x128xf32, #tpu.memory_space<vmem>>
    %dma_start3A_652 = arith.constant 0 : i32
    %dma_start3A_653 = tpu.memref_slice %arg6[%arg0, %add3A_646, %dma_start3A_652] : memref<2x10240x128xf32, #tpu.memory_space<hbm>> -> memref<1x80x128xf32, #tpu.memory_space<hbm>>
    %dma_start3A_654 = tpu.memref_squeeze %dma_start3A_653 : memref<1x80x128xf32, #tpu.memory_space<hbm>> -> memref<80x128xf32, #tpu.memory_space<hbm>>
    %dma_start3A_655 = arith.constant 0 : i32
    %dma_start3A_656 = tpu.memref_slice %arg6[%arg0, %add3A_646, %dma_start3A_655] : memref<2x10240x128xf32, #tpu.memory_space<hbm>> -> memref<1x80x128xf32, #tpu.memory_space<hbm>>
    %dma_start3A_657 = tpu.memref_squeeze %dma_start3A_656 : memref<1x80x128xf32, #tpu.memory_space<hbm>> -> memref<80x128xf32, #tpu.memory_space<hbm>>
    %dma_start3A_658 = arith.constant 0 : i32
    %dma_start3A_659 = arith.constant 0 : i32
    %dma_start3A_660 = tpu.memref_slice %arg9[%dma_start3A_647, %dma_start3A_658, %dma_start3A_659] : memref<4x80x128xf32, #tpu.memory_space<vmem>> -> memref<1x80x128xf32, #tpu.memory_space<vmem>>
    %dma_start3A_661 = tpu.memref_squeeze %dma_start3A_660 : memref<1x80x128xf32, #tpu.memory_space<vmem>> -> memref<80x128xf32, #tpu.memory_space<vmem>>
    tpu.enqueue_dma source(%dma_start3A_661 : memref<80x128xf32, #tpu.memory_space<vmem>>) target(%dma_start3A_657 : memref<80x128xf32, #tpu.memory_space<hbm>>) target_semaphore(%arg14 : memref<!tpu.dma_semaphore, #tpu.memory_space<semaphore_mem>>)
    %mul3A_662 = arith.constant 640 : i32
    %mul3A_663 = arith.muli %arg1, %mul3A_662 : i32
    %add3A_664 = arith.constant 320 : i32
    %add3A_665 = arith.addi %mul3A_663, %add3A_664 : i32
    %dma_wait3A_666 = arith.constant 0 : i32
    %dma_wait3A_667 = arith.constant 0 : i32
    %dma_wait3A_668 = arith.constant 0 : i32
    %dma_wait3A_669 = tpu.memref_slice %arg9[%dma_wait3A_666, %dma_wait3A_667, %dma_wait3A_668] : memref<4x80x128xf32, #tpu.memory_space<vmem>> -> memref<1x80x128xf32, #tpu.memory_space<vmem>>
    %dma_wait3A_670 = tpu.memref_squeeze %dma_wait3A_669 : memref<1x80x128xf32, #tpu.memory_space<vmem>> -> memref<80x128xf32, #tpu.memory_space<vmem>>
    %dma_wait3A_671 = arith.constant 0 : i32
    %dma_wait3A_672 = tpu.memref_slice %arg6[%arg0, %add3A_665, %dma_wait3A_671] : memref<2x10240x128xf32, #tpu.memory_space<hbm>> -> memref<1x80x128xf32, #tpu.memory_space<hbm>>
    %dma_wait3A_673 = tpu.memref_squeeze %dma_wait3A_672 : memref<1x80x128xf32, #tpu.memory_space<hbm>> -> memref<80x128xf32, #tpu.memory_space<hbm>>
    %dma_wait3A_674 = arith.constant 0 : i32
    %dma_wait3A_675 = tpu.memref_slice %arg6[%arg0, %add3A_665, %dma_wait3A_674] : memref<2x10240x128xf32, #tpu.memory_space<hbm>> -> memref<1x80x128xf32, #tpu.memory_space<hbm>>
    %dma_wait3A_676 = tpu.memref_squeeze %dma_wait3A_675 : memref<1x80x128xf32, #tpu.memory_space<hbm>> -> memref<80x128xf32, #tpu.memory_space<hbm>>
    %dma_wait3A_677 = arith.constant 0 : i32
    %dma_wait3A_678 = arith.constant 0 : i32
    %dma_wait3A_679 = tpu.memref_slice %arg9[%dma_wait3A_666, %dma_wait3A_677, %dma_wait3A_678] : memref<4x80x128xf32, #tpu.memory_space<vmem>> -> memref<1x80x128xf32, #tpu.memory_space<vmem>>
    %dma_wait3A_680 = tpu.memref_squeeze %dma_wait3A_679 : memref<1x80x128xf32, #tpu.memory_space<vmem>> -> memref<80x128xf32, #tpu.memory_space<vmem>>
    tpu.wait_dma2 semaphore(%arg14 : memref<!tpu.dma_semaphore, #tpu.memory_space<semaphore_mem>>) src(%dma_wait3A_680 : memref<80x128xf32, #tpu.memory_space<vmem>>) dst(%dma_wait3A_676 : memref<80x128xf32, #tpu.memory_space<hbm>>)
    %mul3A_681 = arith.constant 640 : i32
    %mul3A_682 = arith.muli %arg1, %mul3A_681 : i32
    %add3A_683 = arith.constant 400 : i32
    %add3A_684 = arith.addi %mul3A_682, %add3A_683 : i32
    %dma_wait3A_685 = arith.constant 1 : i32
    %dma_wait3A_686 = arith.constant 0 : i32
    %dma_wait3A_687 = arith.constant 0 : i32
    %dma_wait3A_688 = tpu.memref_slice %arg9[%dma_wait3A_685, %dma_wait3A_686, %dma_wait3A_687] : memref<4x80x128xf32, #tpu.memory_space<vmem>> -> memref<1x80x128xf32, #tpu.memory_space<vmem>>
    %dma_wait3A_689 = tpu.memref_squeeze %dma_wait3A_688 : memref<1x80x128xf32, #tpu.memory_space<vmem>> -> memref<80x128xf32, #tpu.memory_space<vmem>>
    %dma_wait3A_690 = arith.constant 0 : i32
    %dma_wait3A_691 = tpu.memref_slice %arg6[%arg0, %add3A_684, %dma_wait3A_690] : memref<2x10240x128xf32, #tpu.memory_space<hbm>> -> memref<1x80x128xf32, #tpu.memory_space<hbm>>
    %dma_wait3A_692 = tpu.memref_squeeze %dma_wait3A_691 : memref<1x80x128xf32, #tpu.memory_space<hbm>> -> memref<80x128xf32, #tpu.memory_space<hbm>>
    %dma_wait3A_693 = arith.constant 0 : i32
    %dma_wait3A_694 = tpu.memref_slice %arg6[%arg0, %add3A_684, %dma_wait3A_693] : memref<2x10240x128xf32, #tpu.memory_space<hbm>> -> memref<1x80x128xf32, #tpu.memory_space<hbm>>
    %dma_wait3A_695 = tpu.memref_squeeze %dma_wait3A_694 : memref<1x80x128xf32, #tpu.memory_space<hbm>> -> memref<80x128xf32, #tpu.memory_space<hbm>>
    %dma_wait3A_696 = arith.constant 0 : i32
    %dma_wait3A_697 = arith.constant 0 : i32
    %dma_wait3A_698 = tpu.memref_slice %arg9[%dma_wait3A_685, %dma_wait3A_696, %dma_wait3A_697] : memref<4x80x128xf32, #tpu.memory_space<vmem>> -> memref<1x80x128xf32, #tpu.memory_space<vmem>>
    %dma_wait3A_699 = tpu.memref_squeeze %dma_wait3A_698 : memref<1x80x128xf32, #tpu.memory_space<vmem>> -> memref<80x128xf32, #tpu.memory_space<vmem>>
    tpu.wait_dma2 semaphore(%arg14 : memref<!tpu.dma_semaphore, #tpu.memory_space<semaphore_mem>>) src(%dma_wait3A_699 : memref<80x128xf32, #tpu.memory_space<vmem>>) dst(%dma_wait3A_695 : memref<80x128xf32, #tpu.memory_space<hbm>>)
    %mul3A_700 = arith.constant 640 : i32
    %mul3A_701 = arith.muli %arg1, %mul3A_700 : i32
    %add3A_702 = arith.constant 480 : i32
    %add3A_703 = arith.addi %mul3A_701, %add3A_702 : i32
    %dma_wait3A_704 = arith.constant 2 : i32
    %dma_wait3A_705 = arith.constant 0 : i32
    %dma_wait3A_706 = arith.constant 0 : i32
    %dma_wait3A_707 = tpu.memref_slice %arg9[%dma_wait3A_704, %dma_wait3A_705, %dma_wait3A_706] : memref<4x80x128xf32, #tpu.memory_space<vmem>> -> memref<1x80x128xf32, #tpu.memory_space<vmem>>
    %dma_wait3A_708 = tpu.memref_squeeze %dma_wait3A_707 : memref<1x80x128xf32, #tpu.memory_space<vmem>> -> memref<80x128xf32, #tpu.memory_space<vmem>>
    %dma_wait3A_709 = arith.constant 0 : i32
    %dma_wait3A_710 = tpu.memref_slice %arg6[%arg0, %add3A_703, %dma_wait3A_709] : memref<2x10240x128xf32, #tpu.memory_space<hbm>> -> memref<1x80x128xf32, #tpu.memory_space<hbm>>
    %dma_wait3A_711 = tpu.memref_squeeze %dma_wait3A_710 : memref<1x80x128xf32, #tpu.memory_space<hbm>> -> memref<80x128xf32, #tpu.memory_space<hbm>>
    %dma_wait3A_712 = arith.constant 0 : i32
    %dma_wait3A_713 = tpu.memref_slice %arg6[%arg0, %add3A_703, %dma_wait3A_712] : memref<2x10240x128xf32, #tpu.memory_space<hbm>> -> memref<1x80x128xf32, #tpu.memory_space<hbm>>
    %dma_wait3A_714 = tpu.memref_squeeze %dma_wait3A_713 : memref<1x80x128xf32, #tpu.memory_space<hbm>> -> memref<80x128xf32, #tpu.memory_space<hbm>>
    %dma_wait3A_715 = arith.constant 0 : i32
    %dma_wait3A_716 = arith.constant 0 : i32
    %dma_wait3A_717 = tpu.memref_slice %arg9[%dma_wait3A_704, %dma_wait3A_715, %dma_wait3A_716] : memref<4x80x128xf32, #tpu.memory_space<vmem>> -> memref<1x80x128xf32, #tpu.memory_space<vmem>>
    %dma_wait3A_718 = tpu.memref_squeeze %dma_wait3A_717 : memref<1x80x128xf32, #tpu.memory_space<vmem>> -> memref<80x128xf32, #tpu.memory_space<vmem>>
    tpu.wait_dma2 semaphore(%arg14 : memref<!tpu.dma_semaphore, #tpu.memory_space<semaphore_mem>>) src(%dma_wait3A_718 : memref<80x128xf32, #tpu.memory_space<vmem>>) dst(%dma_wait3A_714 : memref<80x128xf32, #tpu.memory_space<hbm>>)
    %mul3A_719 = arith.constant 640 : i32
    %mul3A_720 = arith.muli %arg1, %mul3A_719 : i32
    %add3A_721 = arith.constant 560 : i32
    %add3A_722 = arith.addi %mul3A_720, %add3A_721 : i32
    %dma_wait3A_723 = arith.constant 3 : i32
    %dma_wait3A_724 = arith.constant 0 : i32
    %dma_wait3A_725 = arith.constant 0 : i32
    %dma_wait3A_726 = tpu.memref_slice %arg9[%dma_wait3A_723, %dma_wait3A_724, %dma_wait3A_725] : memref<4x80x128xf32, #tpu.memory_space<vmem>> -> memref<1x80x128xf32, #tpu.memory_space<vmem>>
    %dma_wait3A_727 = tpu.memref_squeeze %dma_wait3A_726 : memref<1x80x128xf32, #tpu.memory_space<vmem>> -> memref<80x128xf32, #tpu.memory_space<vmem>>
    %dma_wait3A_728 = arith.constant 0 : i32
    %dma_wait3A_729 = tpu.memref_slice %arg6[%arg0, %add3A_722, %dma_wait3A_728] : memref<2x10240x128xf32, #tpu.memory_space<hbm>> -> memref<1x80x128xf32, #tpu.memory_space<hbm>>
    %dma_wait3A_730 = tpu.memref_squeeze %dma_wait3A_729 : memref<1x80x128xf32, #tpu.memory_space<hbm>> -> memref<80x128xf32, #tpu.memory_space<hbm>>
    %dma_wait3A_731 = arith.constant 0 : i32
    %dma_wait3A_732 = tpu.memref_slice %arg6[%arg0, %add3A_722, %dma_wait3A_731] : memref<2x10240x128xf32, #tpu.memory_space<hbm>> -> memref<1x80x128xf32, #tpu.memory_space<hbm>>
    %dma_wait3A_733 = tpu.memref_squeeze %dma_wait3A_732 : memref<1x80x128xf32, #tpu.memory_space<hbm>> -> memref<80x128xf32, #tpu.memory_space<hbm>>
    %dma_wait3A_734 = arith.constant 0 : i32
    %dma_wait3A_735 = arith.constant 0 : i32
    %dma_wait3A_736 = tpu.memref_slice %arg9[%dma_wait3A_723, %dma_wait3A_734, %dma_wait3A_735] : memref<4x80x128xf32, #tpu.memory_space<vmem>> -> memref<1x80x128xf32, #tpu.memory_space<vmem>>
    %dma_wait3A_737 = tpu.memref_squeeze %dma_wait3A_736 : memref<1x80x128xf32, #tpu.memory_space<vmem>> -> memref<80x128xf32, #tpu.memory_space<vmem>>
    tpu.wait_dma2 semaphore(%arg14 : memref<!tpu.dma_semaphore, #tpu.memory_space<semaphore_mem>>) src(%dma_wait3A_737 : memref<80x128xf32, #tpu.memory_space<vmem>>) dst(%dma_wait3A_733 : memref<80x128xf32, #tpu.memory_space<hbm>>)
    return
  }
}

#map = affine_map<(d0, d1) -> (0)>
#map1 = affine_map<(d0, d1) -> (0, 0)>
module attributes {stable_mosaic.version = 14 : i64} {
  func.func @k(%arg0: i32, %arg1: i32, %arg2: memref<320000xi32, #tpu.memory_space<hbm>>, %arg3: memref<80x16xf32, #tpu.memory_space<hbm>>, %arg4: memref<80x16xf32, #tpu.memory_space<hbm>>, %arg5: memref<20480x16xf32, #tpu.memory_space<hbm>>, %arg6: memref<4x80xi32, #tpu.memory_space<vmem>>, %arg7: memref<80x16xf32, #tpu.memory_space<vmem>>, %arg8: memref<80x16xf32, #tpu.memory_space<vmem>>, %arg9: memref<80x16xf32, #tpu.memory_space<vmem>>, %arg10: memref<10240x16xf32, #tpu.memory_space<vmem_shared>>, %arg11: memref<!tpu.dma_semaphore, #tpu.memory_space<semaphore_mem>>, %arg12: memref<!tpu.dma_semaphore, #tpu.memory_space<semaphore_mem>>, %arg13: memref<!tpu.dma_semaphore, #tpu.memory_space<semaphore_mem>>) attributes {dimension_semantics = [#tpu.dimension_semantics<core_parallel>, #tpu.dimension_semantics<subcore_parallel>], iteration_bounds = array<i64: 2, 16>, scalar_prefetch = 0 : i64, scratch_operands = 8 : i64, tpu.core_type = #tpu.core_type<sc_vector_subcore>, window_params = [{transform_indices = #map}, {transform_indices = #map1}, {transform_indices = #map1}, {transform_indices = #map1}]} {
    %mul3A = arith.constant 16 : i32
    %mul3A_0 = arith.muli %arg0, %mul3A : i32
    %add3A = arith.addi %mul3A_0, %arg1 : i32
    "tpu.region"() ({
      %run_scoped3A = tpu.sem_alloc : memref<!tpu.dma_semaphore, #tpu.memory_space<semaphore_mem>>
      tpu.enqueue_dma source(%arg3 : memref<80x16xf32, #tpu.memory_space<hbm>>) target(%arg7 : memref<80x16xf32, #tpu.memory_space<vmem>>) target_semaphore(%run_scoped3A : memref<!tpu.dma_semaphore, #tpu.memory_space<semaphore_mem>>)
      tpu.wait_dma2 semaphore(%run_scoped3A : memref<!tpu.dma_semaphore, #tpu.memory_space<semaphore_mem>>) src(%arg3 : memref<80x16xf32, #tpu.memory_space<hbm>>) dst(%arg7 : memref<80x16xf32, #tpu.memory_space<vmem>>)
      tpu.yield
    }) : () -> ()
    "tpu.region"() ({
      %run_scoped3A = tpu.sem_alloc : memref<!tpu.dma_semaphore, #tpu.memory_space<semaphore_mem>>
      tpu.enqueue_dma source(%arg4 : memref<80x16xf32, #tpu.memory_space<hbm>>) target(%arg8 : memref<80x16xf32, #tpu.memory_space<vmem>>) target_semaphore(%run_scoped3A : memref<!tpu.dma_semaphore, #tpu.memory_space<semaphore_mem>>)
      tpu.wait_dma2 semaphore(%run_scoped3A : memref<!tpu.dma_semaphore, #tpu.memory_space<semaphore_mem>>) src(%arg4 : memref<80x16xf32, #tpu.memory_space<hbm>>) dst(%arg8 : memref<80x16xf32, #tpu.memory_space<vmem>>)
      tpu.yield
    }) : () -> ()
    "tpu.region"() ({
      %run_scoped3A = tpu.sem_alloc : memref<!tpu.dma_semaphore, #tpu.memory_space<semaphore_mem>>
      tpu.enqueue_dma source(%arg4 : memref<80x16xf32, #tpu.memory_space<hbm>>) target(%arg9 : memref<80x16xf32, #tpu.memory_space<vmem>>) target_semaphore(%run_scoped3A : memref<!tpu.dma_semaphore, #tpu.memory_space<semaphore_mem>>)
      tpu.wait_dma2 semaphore(%run_scoped3A : memref<!tpu.dma_semaphore, #tpu.memory_space<semaphore_mem>>) src(%arg4 : memref<80x16xf32, #tpu.memory_space<hbm>>) dst(%arg9 : memref<80x16xf32, #tpu.memory_space<vmem>>)
      tpu.yield
    }) : () -> ()
    %mul3A_1 = arith.constant 640 : i32
    %mul3A_2 = arith.muli %arg1, %mul3A_1 : i32
    %add3A_3 = arith.constant 0 : i32
    %add3A_4 = arith.addi %mul3A_2, %add3A_3 : i32
    %dma_start3A = arith.constant 0 : i32
    %dma_start3A_5 = tpu.memref_slice %arg10[%add3A_4, %dma_start3A] : memref<10240x16xf32, #tpu.memory_space<vmem_shared>> -> memref<80x16xf32, #tpu.memory_space<vmem_shared>>
    %dma_start3A_6 = arith.constant 0 : i32
    %dma_start3A_7 = tpu.memref_slice %arg10[%add3A_4, %dma_start3A_6] : memref<10240x16xf32, #tpu.memory_space<vmem_shared>> -> memref<80x16xf32, #tpu.memory_space<vmem_shared>>
    tpu.enqueue_dma source(%arg8 : memref<80x16xf32, #tpu.memory_space<vmem>>) target(%dma_start3A_7 : memref<80x16xf32, #tpu.memory_space<vmem_shared>>) target_semaphore(%arg13 : memref<!tpu.dma_semaphore, #tpu.memory_space<semaphore_mem>>)
    %mul3A_8 = arith.constant 640 : i32
    %mul3A_9 = arith.muli %arg1, %mul3A_8 : i32
    %add3A_10 = arith.constant 80 : i32
    %add3A_11 = arith.addi %mul3A_9, %add3A_10 : i32
    %dma_start3A_12 = arith.constant 0 : i32
    %dma_start3A_13 = tpu.memref_slice %arg10[%add3A_11, %dma_start3A_12] : memref<10240x16xf32, #tpu.memory_space<vmem_shared>> -> memref<80x16xf32, #tpu.memory_space<vmem_shared>>
    %dma_start3A_14 = arith.constant 0 : i32
    %dma_start3A_15 = tpu.memref_slice %arg10[%add3A_11, %dma_start3A_14] : memref<10240x16xf32, #tpu.memory_space<vmem_shared>> -> memref<80x16xf32, #tpu.memory_space<vmem_shared>>
    tpu.enqueue_dma source(%arg9 : memref<80x16xf32, #tpu.memory_space<vmem>>) target(%dma_start3A_15 : memref<80x16xf32, #tpu.memory_space<vmem_shared>>) target_semaphore(%arg13 : memref<!tpu.dma_semaphore, #tpu.memory_space<semaphore_mem>>)
    %mul3A_16 = arith.constant 640 : i32
    %mul3A_17 = arith.muli %arg1, %mul3A_16 : i32
    %add3A_18 = arith.constant 160 : i32
    %add3A_19 = arith.addi %mul3A_17, %add3A_18 : i32
    %dma_start3A_20 = arith.constant 0 : i32
    %dma_start3A_21 = tpu.memref_slice %arg10[%add3A_19, %dma_start3A_20] : memref<10240x16xf32, #tpu.memory_space<vmem_shared>> -> memref<80x16xf32, #tpu.memory_space<vmem_shared>>
    %dma_start3A_22 = arith.constant 0 : i32
    %dma_start3A_23 = tpu.memref_slice %arg10[%add3A_19, %dma_start3A_22] : memref<10240x16xf32, #tpu.memory_space<vmem_shared>> -> memref<80x16xf32, #tpu.memory_space<vmem_shared>>
    tpu.enqueue_dma source(%arg8 : memref<80x16xf32, #tpu.memory_space<vmem>>) target(%dma_start3A_23 : memref<80x16xf32, #tpu.memory_space<vmem_shared>>) target_semaphore(%arg13 : memref<!tpu.dma_semaphore, #tpu.memory_space<semaphore_mem>>)
    %mul3A_24 = arith.constant 640 : i32
    %mul3A_25 = arith.muli %arg1, %mul3A_24 : i32
    %add3A_26 = arith.constant 240 : i32
    %add3A_27 = arith.addi %mul3A_25, %add3A_26 : i32
    %dma_start3A_28 = arith.constant 0 : i32
    %dma_start3A_29 = tpu.memref_slice %arg10[%add3A_27, %dma_start3A_28] : memref<10240x16xf32, #tpu.memory_space<vmem_shared>> -> memref<80x16xf32, #tpu.memory_space<vmem_shared>>
    %dma_start3A_30 = arith.constant 0 : i32
    %dma_start3A_31 = tpu.memref_slice %arg10[%add3A_27, %dma_start3A_30] : memref<10240x16xf32, #tpu.memory_space<vmem_shared>> -> memref<80x16xf32, #tpu.memory_space<vmem_shared>>
    tpu.enqueue_dma source(%arg9 : memref<80x16xf32, #tpu.memory_space<vmem>>) target(%dma_start3A_31 : memref<80x16xf32, #tpu.memory_space<vmem_shared>>) target_semaphore(%arg13 : memref<!tpu.dma_semaphore, #tpu.memory_space<semaphore_mem>>)
    %mul3A_32 = arith.constant 640 : i32
    %mul3A_33 = arith.muli %arg1, %mul3A_32 : i32
    %add3A_34 = arith.constant 320 : i32
    %add3A_35 = arith.addi %mul3A_33, %add3A_34 : i32
    %dma_start3A_36 = arith.constant 0 : i32
    %dma_start3A_37 = tpu.memref_slice %arg10[%add3A_35, %dma_start3A_36] : memref<10240x16xf32, #tpu.memory_space<vmem_shared>> -> memref<80x16xf32, #tpu.memory_space<vmem_shared>>
    %dma_start3A_38 = arith.constant 0 : i32
    %dma_start3A_39 = tpu.memref_slice %arg10[%add3A_35, %dma_start3A_38] : memref<10240x16xf32, #tpu.memory_space<vmem_shared>> -> memref<80x16xf32, #tpu.memory_space<vmem_shared>>
    tpu.enqueue_dma source(%arg8 : memref<80x16xf32, #tpu.memory_space<vmem>>) target(%dma_start3A_39 : memref<80x16xf32, #tpu.memory_space<vmem_shared>>) target_semaphore(%arg13 : memref<!tpu.dma_semaphore, #tpu.memory_space<semaphore_mem>>)
    %mul3A_40 = arith.constant 640 : i32
    %mul3A_41 = arith.muli %arg1, %mul3A_40 : i32
    %add3A_42 = arith.constant 400 : i32
    %add3A_43 = arith.addi %mul3A_41, %add3A_42 : i32
    %dma_start3A_44 = arith.constant 0 : i32
    %dma_start3A_45 = tpu.memref_slice %arg10[%add3A_43, %dma_start3A_44] : memref<10240x16xf32, #tpu.memory_space<vmem_shared>> -> memref<80x16xf32, #tpu.memory_space<vmem_shared>>
    %dma_start3A_46 = arith.constant 0 : i32
    %dma_start3A_47 = tpu.memref_slice %arg10[%add3A_43, %dma_start3A_46] : memref<10240x16xf32, #tpu.memory_space<vmem_shared>> -> memref<80x16xf32, #tpu.memory_space<vmem_shared>>
    tpu.enqueue_dma source(%arg9 : memref<80x16xf32, #tpu.memory_space<vmem>>) target(%dma_start3A_47 : memref<80x16xf32, #tpu.memory_space<vmem_shared>>) target_semaphore(%arg13 : memref<!tpu.dma_semaphore, #tpu.memory_space<semaphore_mem>>)
    %mul3A_48 = arith.constant 640 : i32
    %mul3A_49 = arith.muli %arg1, %mul3A_48 : i32
    %add3A_50 = arith.constant 480 : i32
    %add3A_51 = arith.addi %mul3A_49, %add3A_50 : i32
    %dma_start3A_52 = arith.constant 0 : i32
    %dma_start3A_53 = tpu.memref_slice %arg10[%add3A_51, %dma_start3A_52] : memref<10240x16xf32, #tpu.memory_space<vmem_shared>> -> memref<80x16xf32, #tpu.memory_space<vmem_shared>>
    %dma_start3A_54 = arith.constant 0 : i32
    %dma_start3A_55 = tpu.memref_slice %arg10[%add3A_51, %dma_start3A_54] : memref<10240x16xf32, #tpu.memory_space<vmem_shared>> -> memref<80x16xf32, #tpu.memory_space<vmem_shared>>
    tpu.enqueue_dma source(%arg8 : memref<80x16xf32, #tpu.memory_space<vmem>>) target(%dma_start3A_55 : memref<80x16xf32, #tpu.memory_space<vmem_shared>>) target_semaphore(%arg13 : memref<!tpu.dma_semaphore, #tpu.memory_space<semaphore_mem>>)
    %mul3A_56 = arith.constant 640 : i32
    %mul3A_57 = arith.muli %arg1, %mul3A_56 : i32
    %add3A_58 = arith.constant 560 : i32
    %add3A_59 = arith.addi %mul3A_57, %add3A_58 : i32
    %dma_start3A_60 = arith.constant 0 : i32
    %dma_start3A_61 = tpu.memref_slice %arg10[%add3A_59, %dma_start3A_60] : memref<10240x16xf32, #tpu.memory_space<vmem_shared>> -> memref<80x16xf32, #tpu.memory_space<vmem_shared>>
    %dma_start3A_62 = arith.constant 0 : i32
    %dma_start3A_63 = tpu.memref_slice %arg10[%add3A_59, %dma_start3A_62] : memref<10240x16xf32, #tpu.memory_space<vmem_shared>> -> memref<80x16xf32, #tpu.memory_space<vmem_shared>>
    tpu.enqueue_dma source(%arg9 : memref<80x16xf32, #tpu.memory_space<vmem>>) target(%dma_start3A_63 : memref<80x16xf32, #tpu.memory_space<vmem_shared>>) target_semaphore(%arg13 : memref<!tpu.dma_semaphore, #tpu.memory_space<semaphore_mem>>)
    %mul3A_64 = arith.constant 10000 : i32
    %mul3A_65 = arith.muli %add3A, %mul3A_64 : i32
    %add3A_66 = arith.constant 0 : i32
    %add3A_67 = arith.addi %mul3A_65, %add3A_66 : i32
    %multiple_of3A = tpu.assume_multiple %add3A_67, 8 : i32
    %rem3A = arith.constant 0 : i32
    %rem3A_68 = arith.constant 4 : i32
    %rem3A_69 = arith.remsi %rem3A, %rem3A_68 : i32
    %dma_start3A_70 = arith.constant 0 : i32
    %dma_start3A_71 = tpu.memref_slice %arg6[%rem3A_69, %dma_start3A_70] : memref<4x80xi32, #tpu.memory_space<vmem>> -> memref<1x80xi32, #tpu.memory_space<vmem>>
    %dma_start3A_72 = tpu.memref_squeeze %dma_start3A_71 : memref<1x80xi32, #tpu.memory_space<vmem>> -> memref<80xi32, #tpu.memory_space<vmem>>
    %dma_start3A_73 = tpu.memref_slice %arg2[%multiple_of3A] : memref<320000xi32, #tpu.memory_space<hbm>> -> memref<80xi32, #tpu.memory_space<hbm>>
    %dma_start3A_74 = arith.constant 0 : i32
    %dma_start3A_75 = tpu.memref_slice %arg6[%rem3A_69, %dma_start3A_74] : memref<4x80xi32, #tpu.memory_space<vmem>> -> memref<1x80xi32, #tpu.memory_space<vmem>>
    %dma_start3A_76 = tpu.memref_squeeze %dma_start3A_75 : memref<1x80xi32, #tpu.memory_space<vmem>> -> memref<80xi32, #tpu.memory_space<vmem>>
    %dma_start3A_77 = tpu.memref_slice %arg2[%multiple_of3A] : memref<320000xi32, #tpu.memory_space<hbm>> -> memref<80xi32, #tpu.memory_space<hbm>>
    tpu.enqueue_dma source(%dma_start3A_77 : memref<80xi32, #tpu.memory_space<hbm>>) target(%dma_start3A_76 : memref<80xi32, #tpu.memory_space<vmem>>) target_semaphore(%arg11 : memref<!tpu.dma_semaphore, #tpu.memory_space<semaphore_mem>>)
    %mul3A_78 = arith.constant 10000 : i32
    %mul3A_79 = arith.muli %add3A, %mul3A_78 : i32
    %add3A_80 = arith.constant 80 : i32
    %add3A_81 = arith.addi %mul3A_79, %add3A_80 : i32
    %multiple_of3A_82 = tpu.assume_multiple %add3A_81, 8 : i32
    %rem3A_83 = arith.constant 1 : i32
    %rem3A_84 = arith.constant 4 : i32
    %rem3A_85 = arith.remsi %rem3A_83, %rem3A_84 : i32
    %dma_start3A_86 = arith.constant 0 : i32
    %dma_start3A_87 = tpu.memref_slice %arg6[%rem3A_85, %dma_start3A_86] : memref<4x80xi32, #tpu.memory_space<vmem>> -> memref<1x80xi32, #tpu.memory_space<vmem>>
    %dma_start3A_88 = tpu.memref_squeeze %dma_start3A_87 : memref<1x80xi32, #tpu.memory_space<vmem>> -> memref<80xi32, #tpu.memory_space<vmem>>
    %dma_start3A_89 = tpu.memref_slice %arg2[%multiple_of3A_82] : memref<320000xi32, #tpu.memory_space<hbm>> -> memref<80xi32, #tpu.memory_space<hbm>>
    %dma_start3A_90 = arith.constant 0 : i32
    %dma_start3A_91 = tpu.memref_slice %arg6[%rem3A_85, %dma_start3A_90] : memref<4x80xi32, #tpu.memory_space<vmem>> -> memref<1x80xi32, #tpu.memory_space<vmem>>
    %dma_start3A_92 = tpu.memref_squeeze %dma_start3A_91 : memref<1x80xi32, #tpu.memory_space<vmem>> -> memref<80xi32, #tpu.memory_space<vmem>>
    %dma_start3A_93 = tpu.memref_slice %arg2[%multiple_of3A_82] : memref<320000xi32, #tpu.memory_space<hbm>> -> memref<80xi32, #tpu.memory_space<hbm>>
    tpu.enqueue_dma source(%dma_start3A_93 : memref<80xi32, #tpu.memory_space<hbm>>) target(%dma_start3A_92 : memref<80xi32, #tpu.memory_space<vmem>>) target_semaphore(%arg11 : memref<!tpu.dma_semaphore, #tpu.memory_space<semaphore_mem>>)
    %mul3A_94 = arith.constant 640 : i32
    %mul3A_95 = arith.muli %arg1, %mul3A_94 : i32
    %add3A_96 = arith.constant 0 : i32
    %add3A_97 = arith.addi %mul3A_95, %add3A_96 : i32
    %dma_wait3A = arith.constant 0 : i32
    %dma_wait3A_98 = tpu.memref_slice %arg10[%add3A_97, %dma_wait3A] : memref<10240x16xf32, #tpu.memory_space<vmem_shared>> -> memref<80x16xf32, #tpu.memory_space<vmem_shared>>
    %dma_wait3A_99 = arith.constant 0 : i32
    %dma_wait3A_100 = tpu.memref_slice %arg10[%add3A_97, %dma_wait3A_99] : memref<10240x16xf32, #tpu.memory_space<vmem_shared>> -> memref<80x16xf32, #tpu.memory_space<vmem_shared>>
    tpu.wait_dma2 semaphore(%arg13 : memref<!tpu.dma_semaphore, #tpu.memory_space<semaphore_mem>>) src(%arg8 : memref<80x16xf32, #tpu.memory_space<vmem>>) dst(%dma_wait3A_100 : memref<80x16xf32, #tpu.memory_space<vmem_shared>>)
    %mul3A_101 = arith.constant 640 : i32
    %mul3A_102 = arith.muli %arg1, %mul3A_101 : i32
    %add3A_103 = arith.constant 80 : i32
    %add3A_104 = arith.addi %mul3A_102, %add3A_103 : i32
    %dma_wait3A_105 = arith.constant 0 : i32
    %dma_wait3A_106 = tpu.memref_slice %arg10[%add3A_104, %dma_wait3A_105] : memref<10240x16xf32, #tpu.memory_space<vmem_shared>> -> memref<80x16xf32, #tpu.memory_space<vmem_shared>>
    %dma_wait3A_107 = arith.constant 0 : i32
    %dma_wait3A_108 = tpu.memref_slice %arg10[%add3A_104, %dma_wait3A_107] : memref<10240x16xf32, #tpu.memory_space<vmem_shared>> -> memref<80x16xf32, #tpu.memory_space<vmem_shared>>
    tpu.wait_dma2 semaphore(%arg13 : memref<!tpu.dma_semaphore, #tpu.memory_space<semaphore_mem>>) src(%arg9 : memref<80x16xf32, #tpu.memory_space<vmem>>) dst(%dma_wait3A_108 : memref<80x16xf32, #tpu.memory_space<vmem_shared>>)
    %mul3A_109 = arith.constant 640 : i32
    %mul3A_110 = arith.muli %arg1, %mul3A_109 : i32
    %add3A_111 = arith.constant 160 : i32
    %add3A_112 = arith.addi %mul3A_110, %add3A_111 : i32
    %dma_wait3A_113 = arith.constant 0 : i32
    %dma_wait3A_114 = tpu.memref_slice %arg10[%add3A_112, %dma_wait3A_113] : memref<10240x16xf32, #tpu.memory_space<vmem_shared>> -> memref<80x16xf32, #tpu.memory_space<vmem_shared>>
    %dma_wait3A_115 = arith.constant 0 : i32
    %dma_wait3A_116 = tpu.memref_slice %arg10[%add3A_112, %dma_wait3A_115] : memref<10240x16xf32, #tpu.memory_space<vmem_shared>> -> memref<80x16xf32, #tpu.memory_space<vmem_shared>>
    tpu.wait_dma2 semaphore(%arg13 : memref<!tpu.dma_semaphore, #tpu.memory_space<semaphore_mem>>) src(%arg8 : memref<80x16xf32, #tpu.memory_space<vmem>>) dst(%dma_wait3A_116 : memref<80x16xf32, #tpu.memory_space<vmem_shared>>)
    %mul3A_117 = arith.constant 640 : i32
    %mul3A_118 = arith.muli %arg1, %mul3A_117 : i32
    %add3A_119 = arith.constant 240 : i32
    %add3A_120 = arith.addi %mul3A_118, %add3A_119 : i32
    %dma_wait3A_121 = arith.constant 0 : i32
    %dma_wait3A_122 = tpu.memref_slice %arg10[%add3A_120, %dma_wait3A_121] : memref<10240x16xf32, #tpu.memory_space<vmem_shared>> -> memref<80x16xf32, #tpu.memory_space<vmem_shared>>
    %dma_wait3A_123 = arith.constant 0 : i32
    %dma_wait3A_124 = tpu.memref_slice %arg10[%add3A_120, %dma_wait3A_123] : memref<10240x16xf32, #tpu.memory_space<vmem_shared>> -> memref<80x16xf32, #tpu.memory_space<vmem_shared>>
    tpu.wait_dma2 semaphore(%arg13 : memref<!tpu.dma_semaphore, #tpu.memory_space<semaphore_mem>>) src(%arg9 : memref<80x16xf32, #tpu.memory_space<vmem>>) dst(%dma_wait3A_124 : memref<80x16xf32, #tpu.memory_space<vmem_shared>>)
    %mul3A_125 = arith.constant 640 : i32
    %mul3A_126 = arith.muli %arg1, %mul3A_125 : i32
    %add3A_127 = arith.constant 320 : i32
    %add3A_128 = arith.addi %mul3A_126, %add3A_127 : i32
    %dma_wait3A_129 = arith.constant 0 : i32
    %dma_wait3A_130 = tpu.memref_slice %arg10[%add3A_128, %dma_wait3A_129] : memref<10240x16xf32, #tpu.memory_space<vmem_shared>> -> memref<80x16xf32, #tpu.memory_space<vmem_shared>>
    %dma_wait3A_131 = arith.constant 0 : i32
    %dma_wait3A_132 = tpu.memref_slice %arg10[%add3A_128, %dma_wait3A_131] : memref<10240x16xf32, #tpu.memory_space<vmem_shared>> -> memref<80x16xf32, #tpu.memory_space<vmem_shared>>
    tpu.wait_dma2 semaphore(%arg13 : memref<!tpu.dma_semaphore, #tpu.memory_space<semaphore_mem>>) src(%arg8 : memref<80x16xf32, #tpu.memory_space<vmem>>) dst(%dma_wait3A_132 : memref<80x16xf32, #tpu.memory_space<vmem_shared>>)
    %mul3A_133 = arith.constant 640 : i32
    %mul3A_134 = arith.muli %arg1, %mul3A_133 : i32
    %add3A_135 = arith.constant 400 : i32
    %add3A_136 = arith.addi %mul3A_134, %add3A_135 : i32
    %dma_wait3A_137 = arith.constant 0 : i32
    %dma_wait3A_138 = tpu.memref_slice %arg10[%add3A_136, %dma_wait3A_137] : memref<10240x16xf32, #tpu.memory_space<vmem_shared>> -> memref<80x16xf32, #tpu.memory_space<vmem_shared>>
    %dma_wait3A_139 = arith.constant 0 : i32
    %dma_wait3A_140 = tpu.memref_slice %arg10[%add3A_136, %dma_wait3A_139] : memref<10240x16xf32, #tpu.memory_space<vmem_shared>> -> memref<80x16xf32, #tpu.memory_space<vmem_shared>>
    tpu.wait_dma2 semaphore(%arg13 : memref<!tpu.dma_semaphore, #tpu.memory_space<semaphore_mem>>) src(%arg9 : memref<80x16xf32, #tpu.memory_space<vmem>>) dst(%dma_wait3A_140 : memref<80x16xf32, #tpu.memory_space<vmem_shared>>)
    %mul3A_141 = arith.constant 640 : i32
    %mul3A_142 = arith.muli %arg1, %mul3A_141 : i32
    %add3A_143 = arith.constant 480 : i32
    %add3A_144 = arith.addi %mul3A_142, %add3A_143 : i32
    %dma_wait3A_145 = arith.constant 0 : i32
    %dma_wait3A_146 = tpu.memref_slice %arg10[%add3A_144, %dma_wait3A_145] : memref<10240x16xf32, #tpu.memory_space<vmem_shared>> -> memref<80x16xf32, #tpu.memory_space<vmem_shared>>
    %dma_wait3A_147 = arith.constant 0 : i32
    %dma_wait3A_148 = tpu.memref_slice %arg10[%add3A_144, %dma_wait3A_147] : memref<10240x16xf32, #tpu.memory_space<vmem_shared>> -> memref<80x16xf32, #tpu.memory_space<vmem_shared>>
    tpu.wait_dma2 semaphore(%arg13 : memref<!tpu.dma_semaphore, #tpu.memory_space<semaphore_mem>>) src(%arg8 : memref<80x16xf32, #tpu.memory_space<vmem>>) dst(%dma_wait3A_148 : memref<80x16xf32, #tpu.memory_space<vmem_shared>>)
    %mul3A_149 = arith.constant 640 : i32
    %mul3A_150 = arith.muli %arg1, %mul3A_149 : i32
    %add3A_151 = arith.constant 560 : i32
    %add3A_152 = arith.addi %mul3A_150, %add3A_151 : i32
    %dma_wait3A_153 = arith.constant 0 : i32
    %dma_wait3A_154 = tpu.memref_slice %arg10[%add3A_152, %dma_wait3A_153] : memref<10240x16xf32, #tpu.memory_space<vmem_shared>> -> memref<80x16xf32, #tpu.memory_space<vmem_shared>>
    %dma_wait3A_155 = arith.constant 0 : i32
    %dma_wait3A_156 = tpu.memref_slice %arg10[%add3A_152, %dma_wait3A_155] : memref<10240x16xf32, #tpu.memory_space<vmem_shared>> -> memref<80x16xf32, #tpu.memory_space<vmem_shared>>
    tpu.wait_dma2 semaphore(%arg13 : memref<!tpu.dma_semaphore, #tpu.memory_space<semaphore_mem>>) src(%arg9 : memref<80x16xf32, #tpu.memory_space<vmem>>) dst(%dma_wait3A_156 : memref<80x16xf32, #tpu.memory_space<vmem_shared>>)
    %barrier3A = arith.constant 0 : index
    tpu.barrier barrier_id(%barrier3A)
    %scan3A = arith.constant 0 : i32
    %scan3A_157 = arith.constant 0 : i32
    %scan3A_158 = arith.constant 125 : i32
    %scan3A_159 = arith.addi %scan3A_157, %scan3A_158 : i32
    %scan3A_160 = arith.constant 1 : i32
    scf.for %scan3A_383 = %scan3A_157 to %scan3A_159 step %scan3A_160  : i32 {
      %ge3A = arith.constant 2 : i32
      %ge3A_384 = arith.cmpi sge, %scan3A_383, %ge3A : i32
      %convert_element_type3A = arith.extui %ge3A_384 : i1 to i32
      %cond3A = arith.constant 0 : i32
      %cond3A_385 = arith.cmpi ne, %convert_element_type3A, %cond3A : i32
      scf.if %cond3A_385 {
        %dma_wait3A_416 = arith.constant 0 : i32
        %dma_wait3A_417 = arith.constant 0 : i32
        %dma_wait3A_418 = tpu.memref_slice %arg10[%dma_wait3A_416, %dma_wait3A_417] : memref<10240x16xf32, #tpu.memory_space<vmem_shared>> -> memref<80x16xf32, #tpu.memory_space<vmem_shared>>
        %dma_wait3A_419 = arith.constant 0 : i32
        %dma_wait3A_420 = arith.constant 0 : i32
        %dma_wait3A_421 = tpu.memref_slice %arg10[%dma_wait3A_419, %dma_wait3A_420] : memref<10240x16xf32, #tpu.memory_space<vmem_shared>> -> memref<80x16xf32, #tpu.memory_space<vmem_shared>>
        tpu.wait_dma2 semaphore(%arg12 : memref<!tpu.dma_semaphore, #tpu.memory_space<semaphore_mem>>) src(%arg7 : memref<80x16xf32, #tpu.memory_space<vmem>>) dst(%dma_wait3A_421 : memref<80x16xf32, #tpu.memory_space<vmem_shared>>)
      } else {
      }
      %add3A_386 = arith.constant 2 : i32
      %add3A_387 = arith.addi %scan3A_383, %add3A_386 : i32
      %lt3A = arith.constant 125 : i32
      %lt3A_388 = arith.cmpi slt, %add3A_387, %lt3A : i32
      %convert_element_type3A_389 = arith.extui %lt3A_388 : i1 to i32
      %cond3A_390 = arith.constant 0 : i32
      %cond3A_391 = arith.cmpi ne, %convert_element_type3A_389, %cond3A_390 : i32
      scf.if %cond3A_391 {
        %add3A_416 = arith.constant 2 : i32
        %add3A_417 = arith.addi %scan3A_383, %add3A_416 : i32
        %mul3A_418 = arith.constant 10000 : i32
        %mul3A_419 = arith.muli %add3A, %mul3A_418 : i32
        %mul3A_420 = arith.constant 80 : i32
        %mul3A_421 = arith.muli %add3A_417, %mul3A_420 : i32
        %add3A_422 = arith.addi %mul3A_419, %mul3A_421 : i32
        %multiple_of3A_423 = tpu.assume_multiple %add3A_422, 8 : i32
        %rem3A_424 = arith.constant 4 : i32
        %rem3A_425 = arith.remsi %add3A_417, %rem3A_424 : i32
        %dma_start3A_426 = arith.constant 0 : i32
        %dma_start3A_427 = tpu.memref_slice %arg6[%rem3A_425, %dma_start3A_426] : memref<4x80xi32, #tpu.memory_space<vmem>> -> memref<1x80xi32, #tpu.memory_space<vmem>>
        %dma_start3A_428 = tpu.memref_squeeze %dma_start3A_427 : memref<1x80xi32, #tpu.memory_space<vmem>> -> memref<80xi32, #tpu.memory_space<vmem>>
        %dma_start3A_429 = tpu.memref_slice %arg2[%multiple_of3A_423] : memref<320000xi32, #tpu.memory_space<hbm>> -> memref<80xi32, #tpu.memory_space<hbm>>
        %dma_start3A_430 = arith.constant 0 : i32
        %dma_start3A_431 = tpu.memref_slice %arg6[%rem3A_425, %dma_start3A_430] : memref<4x80xi32, #tpu.memory_space<vmem>> -> memref<1x80xi32, #tpu.memory_space<vmem>>
        %dma_start3A_432 = tpu.memref_squeeze %dma_start3A_431 : memref<1x80xi32, #tpu.memory_space<vmem>> -> memref<80xi32, #tpu.memory_space<vmem>>
        %dma_start3A_433 = tpu.memref_slice %arg2[%multiple_of3A_423] : memref<320000xi32, #tpu.memory_space<hbm>> -> memref<80xi32, #tpu.memory_space<hbm>>
        tpu.enqueue_dma source(%dma_start3A_433 : memref<80xi32, #tpu.memory_space<hbm>>) target(%dma_start3A_432 : memref<80xi32, #tpu.memory_space<vmem>>) target_semaphore(%arg11 : memref<!tpu.dma_semaphore, #tpu.memory_space<semaphore_mem>>)
      } else {
      }
      %mul3A_392 = arith.constant 10000 : i32
      %mul3A_393 = arith.muli %add3A, %mul3A_392 : i32
      %mul3A_394 = arith.constant 80 : i32
      %mul3A_395 = arith.muli %scan3A_383, %mul3A_394 : i32
      %add3A_396 = arith.addi %mul3A_393, %mul3A_395 : i32
      %multiple_of3A_397 = tpu.assume_multiple %add3A_396, 8 : i32
      %rem3A_398 = arith.constant 4 : i32
      %rem3A_399 = arith.remsi %scan3A_383, %rem3A_398 : i32
      %dma_wait3A_400 = arith.constant 0 : i32
      %dma_wait3A_401 = tpu.memref_slice %arg6[%rem3A_399, %dma_wait3A_400] : memref<4x80xi32, #tpu.memory_space<vmem>> -> memref<1x80xi32, #tpu.memory_space<vmem>>
      %dma_wait3A_402 = tpu.memref_squeeze %dma_wait3A_401 : memref<1x80xi32, #tpu.memory_space<vmem>> -> memref<80xi32, #tpu.memory_space<vmem>>
      %dma_wait3A_403 = tpu.memref_slice %arg2[%multiple_of3A_397] : memref<320000xi32, #tpu.memory_space<hbm>> -> memref<80xi32, #tpu.memory_space<hbm>>
      %dma_wait3A_404 = arith.constant 0 : i32
      %dma_wait3A_405 = tpu.memref_slice %arg6[%rem3A_399, %dma_wait3A_404] : memref<4x80xi32, #tpu.memory_space<vmem>> -> memref<1x80xi32, #tpu.memory_space<vmem>>
      %dma_wait3A_406 = tpu.memref_squeeze %dma_wait3A_405 : memref<1x80xi32, #tpu.memory_space<vmem>> -> memref<80xi32, #tpu.memory_space<vmem>>
      %dma_wait3A_407 = tpu.memref_slice %arg2[%multiple_of3A_397] : memref<320000xi32, #tpu.memory_space<hbm>> -> memref<80xi32, #tpu.memory_space<hbm>>
      tpu.wait_dma2 semaphore(%arg11 : memref<!tpu.dma_semaphore, #tpu.memory_space<semaphore_mem>>) src(%dma_wait3A_407 : memref<80xi32, #tpu.memory_space<hbm>>) dst(%dma_wait3A_406 : memref<80xi32, #tpu.memory_space<vmem>>)
      %rem3A_408 = arith.constant 4 : i32
      %rem3A_409 = arith.remsi %scan3A_383, %rem3A_408 : i32
      %dma_start3A_410 = arith.constant 0 : i32
      %dma_start3A_411 = tpu.memref_slice %arg6[%rem3A_409, %dma_start3A_410] : memref<4x80xi32, #tpu.memory_space<vmem>> -> memref<1x80xi32, #tpu.memory_space<vmem>>
      %dma_start3A_412 = tpu.memref_squeeze %dma_start3A_411 : memref<1x80xi32, #tpu.memory_space<vmem>> -> memref<80xi32, #tpu.memory_space<vmem>>
      %dma_start3A_413 = arith.constant 0 : i32
      %dma_start3A_414 = arith.constant 0 : i32
      %dma_start3A_415 = tpu.memref_slice %arg10[%dma_start3A_413, %dma_start3A_414] : memref<10240x16xf32, #tpu.memory_space<vmem_shared>> -> memref<10240x16xf32, #tpu.memory_space<vmem_shared>>
      tpu.enqueue_indirect_dma source(%arg7 : memref<80x16xf32, #tpu.memory_space<vmem>>) target(%dma_start3A_415 : memref<10240x16xf32, #tpu.memory_space<vmem_shared>>) offsets(%dma_start3A_412 : memref<80xi32, #tpu.memory_space<vmem>>) semaphore(%arg12 : memref<!tpu.dma_semaphore, #tpu.memory_space<semaphore_mem>>) {add = true}
    }
    %scan3A_161 = arith.constant 125 : i32
    %dma_wait3A_162 = arith.constant 0 : i32
    %dma_wait3A_163 = arith.constant 0 : i32
    %dma_wait3A_164 = tpu.memref_slice %arg10[%dma_wait3A_162, %dma_wait3A_163] : memref<10240x16xf32, #tpu.memory_space<vmem_shared>> -> memref<80x16xf32, #tpu.memory_space<vmem_shared>>
    %dma_wait3A_165 = arith.constant 0 : i32
    %dma_wait3A_166 = arith.constant 0 : i32
    %dma_wait3A_167 = tpu.memref_slice %arg10[%dma_wait3A_165, %dma_wait3A_166] : memref<10240x16xf32, #tpu.memory_space<vmem_shared>> -> memref<80x16xf32, #tpu.memory_space<vmem_shared>>
    tpu.wait_dma2 semaphore(%arg12 : memref<!tpu.dma_semaphore, #tpu.memory_space<semaphore_mem>>) src(%arg7 : memref<80x16xf32, #tpu.memory_space<vmem>>) dst(%dma_wait3A_167 : memref<80x16xf32, #tpu.memory_space<vmem_shared>>)
    %dma_wait3A_168 = arith.constant 0 : i32
    %dma_wait3A_169 = arith.constant 0 : i32
    %dma_wait3A_170 = tpu.memref_slice %arg10[%dma_wait3A_168, %dma_wait3A_169] : memref<10240x16xf32, #tpu.memory_space<vmem_shared>> -> memref<80x16xf32, #tpu.memory_space<vmem_shared>>
    %dma_wait3A_171 = arith.constant 0 : i32
    %dma_wait3A_172 = arith.constant 0 : i32
    %dma_wait3A_173 = tpu.memref_slice %arg10[%dma_wait3A_171, %dma_wait3A_172] : memref<10240x16xf32, #tpu.memory_space<vmem_shared>> -> memref<80x16xf32, #tpu.memory_space<vmem_shared>>
    tpu.wait_dma2 semaphore(%arg12 : memref<!tpu.dma_semaphore, #tpu.memory_space<semaphore_mem>>) src(%arg7 : memref<80x16xf32, #tpu.memory_space<vmem>>) dst(%dma_wait3A_173 : memref<80x16xf32, #tpu.memory_space<vmem_shared>>)
    %barrier3A_174 = arith.constant 0 : index
    tpu.barrier barrier_id(%barrier3A_174)
    %mul3A_175 = arith.constant 640 : i32
    %mul3A_176 = arith.muli %arg1, %mul3A_175 : i32
    %add3A_177 = arith.constant 0 : i32
    %add3A_178 = arith.addi %mul3A_176, %add3A_177 : i32
    "tpu.region"() ({
      %run_scoped3A = tpu.sem_alloc : memref<!tpu.dma_semaphore, #tpu.memory_space<semaphore_mem>>
      %dma_start3A_383 = arith.constant 0 : i32
      %dma_start3A_384 = tpu.memref_slice %arg10[%add3A_178, %dma_start3A_383] : memref<10240x16xf32, #tpu.memory_space<vmem_shared>> -> memref<80x16xf32, #tpu.memory_space<vmem_shared>>
      %dma_start3A_385 = arith.constant 0 : i32
      %dma_start3A_386 = tpu.memref_slice %arg10[%add3A_178, %dma_start3A_385] : memref<10240x16xf32, #tpu.memory_space<vmem_shared>> -> memref<80x16xf32, #tpu.memory_space<vmem_shared>>
      tpu.enqueue_dma source(%dma_start3A_386 : memref<80x16xf32, #tpu.memory_space<vmem_shared>>) target(%arg8 : memref<80x16xf32, #tpu.memory_space<vmem>>) target_semaphore(%run_scoped3A : memref<!tpu.dma_semaphore, #tpu.memory_space<semaphore_mem>>)
      %dma_wait3A_387 = arith.constant 0 : i32
      %dma_wait3A_388 = tpu.memref_slice %arg10[%add3A_178, %dma_wait3A_387] : memref<10240x16xf32, #tpu.memory_space<vmem_shared>> -> memref<80x16xf32, #tpu.memory_space<vmem_shared>>
      %dma_wait3A_389 = arith.constant 0 : i32
      %dma_wait3A_390 = tpu.memref_slice %arg10[%add3A_178, %dma_wait3A_389] : memref<10240x16xf32, #tpu.memory_space<vmem_shared>> -> memref<80x16xf32, #tpu.memory_space<vmem_shared>>
      tpu.wait_dma2 semaphore(%run_scoped3A : memref<!tpu.dma_semaphore, #tpu.memory_space<semaphore_mem>>) src(%dma_wait3A_390 : memref<80x16xf32, #tpu.memory_space<vmem_shared>>) dst(%arg8 : memref<80x16xf32, #tpu.memory_space<vmem>>)
      tpu.yield
    }) : () -> ()
    %mul3A_179 = arith.constant 10240 : i32
    %mul3A_180 = arith.muli %arg0, %mul3A_179 : i32
    %mul3A_181 = arith.constant 640 : i32
    %mul3A_182 = arith.muli %arg1, %mul3A_181 : i32
    %add3A_183 = arith.addi %mul3A_180, %mul3A_182 : i32
    %add3A_184 = arith.constant 0 : i32
    %add3A_185 = arith.addi %add3A_183, %add3A_184 : i32
    %dma_start3A_186 = arith.constant 0 : i32
    %dma_start3A_187 = tpu.memref_slice %arg5[%add3A_185, %dma_start3A_186] : memref<20480x16xf32, #tpu.memory_space<hbm>> -> memref<80x16xf32, #tpu.memory_space<hbm>>
    %dma_start3A_188 = arith.constant 0 : i32
    %dma_start3A_189 = tpu.memref_slice %arg5[%add3A_185, %dma_start3A_188] : memref<20480x16xf32, #tpu.memory_space<hbm>> -> memref<80x16xf32, #tpu.memory_space<hbm>>
    tpu.enqueue_dma source(%arg8 : memref<80x16xf32, #tpu.memory_space<vmem>>) target(%dma_start3A_189 : memref<80x16xf32, #tpu.memory_space<hbm>>) target_semaphore(%arg13 : memref<!tpu.dma_semaphore, #tpu.memory_space<semaphore_mem>>)
    %mul3A_190 = arith.constant 640 : i32
    %mul3A_191 = arith.muli %arg1, %mul3A_190 : i32
    %add3A_192 = arith.constant 80 : i32
    %add3A_193 = arith.addi %mul3A_191, %add3A_192 : i32
    "tpu.region"() ({
      %run_scoped3A = tpu.sem_alloc : memref<!tpu.dma_semaphore, #tpu.memory_space<semaphore_mem>>
      %dma_start3A_383 = arith.constant 0 : i32
      %dma_start3A_384 = tpu.memref_slice %arg10[%add3A_193, %dma_start3A_383] : memref<10240x16xf32, #tpu.memory_space<vmem_shared>> -> memref<80x16xf32, #tpu.memory_space<vmem_shared>>
      %dma_start3A_385 = arith.constant 0 : i32
      %dma_start3A_386 = tpu.memref_slice %arg10[%add3A_193, %dma_start3A_385] : memref<10240x16xf32, #tpu.memory_space<vmem_shared>> -> memref<80x16xf32, #tpu.memory_space<vmem_shared>>
      tpu.enqueue_dma source(%dma_start3A_386 : memref<80x16xf32, #tpu.memory_space<vmem_shared>>) target(%arg9 : memref<80x16xf32, #tpu.memory_space<vmem>>) target_semaphore(%run_scoped3A : memref<!tpu.dma_semaphore, #tpu.memory_space<semaphore_mem>>)
      %dma_wait3A_387 = arith.constant 0 : i32
      %dma_wait3A_388 = tpu.memref_slice %arg10[%add3A_193, %dma_wait3A_387] : memref<10240x16xf32, #tpu.memory_space<vmem_shared>> -> memref<80x16xf32, #tpu.memory_space<vmem_shared>>
      %dma_wait3A_389 = arith.constant 0 : i32
      %dma_wait3A_390 = tpu.memref_slice %arg10[%add3A_193, %dma_wait3A_389] : memref<10240x16xf32, #tpu.memory_space<vmem_shared>> -> memref<80x16xf32, #tpu.memory_space<vmem_shared>>
      tpu.wait_dma2 semaphore(%run_scoped3A : memref<!tpu.dma_semaphore, #tpu.memory_space<semaphore_mem>>) src(%dma_wait3A_390 : memref<80x16xf32, #tpu.memory_space<vmem_shared>>) dst(%arg9 : memref<80x16xf32, #tpu.memory_space<vmem>>)
      tpu.yield
    }) : () -> ()
    %mul3A_194 = arith.constant 10240 : i32
    %mul3A_195 = arith.muli %arg0, %mul3A_194 : i32
    %mul3A_196 = arith.constant 640 : i32
    %mul3A_197 = arith.muli %arg1, %mul3A_196 : i32
    %add3A_198 = arith.addi %mul3A_195, %mul3A_197 : i32
    %add3A_199 = arith.constant 80 : i32
    %add3A_200 = arith.addi %add3A_198, %add3A_199 : i32
    %dma_start3A_201 = arith.constant 0 : i32
    %dma_start3A_202 = tpu.memref_slice %arg5[%add3A_200, %dma_start3A_201] : memref<20480x16xf32, #tpu.memory_space<hbm>> -> memref<80x16xf32, #tpu.memory_space<hbm>>
    %dma_start3A_203 = arith.constant 0 : i32
    %dma_start3A_204 = tpu.memref_slice %arg5[%add3A_200, %dma_start3A_203] : memref<20480x16xf32, #tpu.memory_space<hbm>> -> memref<80x16xf32, #tpu.memory_space<hbm>>
    tpu.enqueue_dma source(%arg9 : memref<80x16xf32, #tpu.memory_space<vmem>>) target(%dma_start3A_204 : memref<80x16xf32, #tpu.memory_space<hbm>>) target_semaphore(%arg13 : memref<!tpu.dma_semaphore, #tpu.memory_space<semaphore_mem>>)
    %mul3A_205 = arith.constant 10240 : i32
    %mul3A_206 = arith.muli %arg0, %mul3A_205 : i32
    %mul3A_207 = arith.constant 640 : i32
    %mul3A_208 = arith.muli %arg1, %mul3A_207 : i32
    %add3A_209 = arith.addi %mul3A_206, %mul3A_208 : i32
    %add3A_210 = arith.constant 0 : i32
    %add3A_211 = arith.addi %add3A_209, %add3A_210 : i32
    %dma_wait3A_212 = arith.constant 0 : i32
    %dma_wait3A_213 = tpu.memref_slice %arg5[%add3A_211, %dma_wait3A_212] : memref<20480x16xf32, #tpu.memory_space<hbm>> -> memref<80x16xf32, #tpu.memory_space<hbm>>
    %dma_wait3A_214 = arith.constant 0 : i32
    %dma_wait3A_215 = tpu.memref_slice %arg5[%add3A_211, %dma_wait3A_214] : memref<20480x16xf32, #tpu.memory_space<hbm>> -> memref<80x16xf32, #tpu.memory_space<hbm>>
    tpu.wait_dma2 semaphore(%arg13 : memref<!tpu.dma_semaphore, #tpu.memory_space<semaphore_mem>>) src(%arg8 : memref<80x16xf32, #tpu.memory_space<vmem>>) dst(%dma_wait3A_215 : memref<80x16xf32, #tpu.memory_space<hbm>>)
    %mul3A_216 = arith.constant 640 : i32
    %mul3A_217 = arith.muli %arg1, %mul3A_216 : i32
    %add3A_218 = arith.constant 160 : i32
    %add3A_219 = arith.addi %mul3A_217, %add3A_218 : i32
    "tpu.region"() ({
      %run_scoped3A = tpu.sem_alloc : memref<!tpu.dma_semaphore, #tpu.memory_space<semaphore_mem>>
      %dma_start3A_383 = arith.constant 0 : i32
      %dma_start3A_384 = tpu.memref_slice %arg10[%add3A_219, %dma_start3A_383] : memref<10240x16xf32, #tpu.memory_space<vmem_shared>> -> memref<80x16xf32, #tpu.memory_space<vmem_shared>>
      %dma_start3A_385 = arith.constant 0 : i32
      %dma_start3A_386 = tpu.memref_slice %arg10[%add3A_219, %dma_start3A_385] : memref<10240x16xf32, #tpu.memory_space<vmem_shared>> -> memref<80x16xf32, #tpu.memory_space<vmem_shared>>
      tpu.enqueue_dma source(%dma_start3A_386 : memref<80x16xf32, #tpu.memory_space<vmem_shared>>) target(%arg8 : memref<80x16xf32, #tpu.memory_space<vmem>>) target_semaphore(%run_scoped3A : memref<!tpu.dma_semaphore, #tpu.memory_space<semaphore_mem>>)
      %dma_wait3A_387 = arith.constant 0 : i32
      %dma_wait3A_388 = tpu.memref_slice %arg10[%add3A_219, %dma_wait3A_387] : memref<10240x16xf32, #tpu.memory_space<vmem_shared>> -> memref<80x16xf32, #tpu.memory_space<vmem_shared>>
      %dma_wait3A_389 = arith.constant 0 : i32
      %dma_wait3A_390 = tpu.memref_slice %arg10[%add3A_219, %dma_wait3A_389] : memref<10240x16xf32, #tpu.memory_space<vmem_shared>> -> memref<80x16xf32, #tpu.memory_space<vmem_shared>>
      tpu.wait_dma2 semaphore(%run_scoped3A : memref<!tpu.dma_semaphore, #tpu.memory_space<semaphore_mem>>) src(%dma_wait3A_390 : memref<80x16xf32, #tpu.memory_space<vmem_shared>>) dst(%arg8 : memref<80x16xf32, #tpu.memory_space<vmem>>)
      tpu.yield
    }) : () -> ()
    %mul3A_220 = arith.constant 10240 : i32
    %mul3A_221 = arith.muli %arg0, %mul3A_220 : i32
    %mul3A_222 = arith.constant 640 : i32
    %mul3A_223 = arith.muli %arg1, %mul3A_222 : i32
    %add3A_224 = arith.addi %mul3A_221, %mul3A_223 : i32
    %add3A_225 = arith.constant 160 : i32
    %add3A_226 = arith.addi %add3A_224, %add3A_225 : i32
    %dma_start3A_227 = arith.constant 0 : i32
    %dma_start3A_228 = tpu.memref_slice %arg5[%add3A_226, %dma_start3A_227] : memref<20480x16xf32, #tpu.memory_space<hbm>> -> memref<80x16xf32, #tpu.memory_space<hbm>>
    %dma_start3A_229 = arith.constant 0 : i32
    %dma_start3A_230 = tpu.memref_slice %arg5[%add3A_226, %dma_start3A_229] : memref<20480x16xf32, #tpu.memory_space<hbm>> -> memref<80x16xf32, #tpu.memory_space<hbm>>
    tpu.enqueue_dma source(%arg8 : memref<80x16xf32, #tpu.memory_space<vmem>>) target(%dma_start3A_230 : memref<80x16xf32, #tpu.memory_space<hbm>>) target_semaphore(%arg13 : memref<!tpu.dma_semaphore, #tpu.memory_space<semaphore_mem>>)
    %mul3A_231 = arith.constant 10240 : i32
    %mul3A_232 = arith.muli %arg0, %mul3A_231 : i32
    %mul3A_233 = arith.constant 640 : i32
    %mul3A_234 = arith.muli %arg1, %mul3A_233 : i32
    %add3A_235 = arith.addi %mul3A_232, %mul3A_234 : i32
    %add3A_236 = arith.constant 80 : i32
    %add3A_237 = arith.addi %add3A_235, %add3A_236 : i32
    %dma_wait3A_238 = arith.constant 0 : i32
    %dma_wait3A_239 = tpu.memref_slice %arg5[%add3A_237, %dma_wait3A_238] : memref<20480x16xf32, #tpu.memory_space<hbm>> -> memref<80x16xf32, #tpu.memory_space<hbm>>
    %dma_wait3A_240 = arith.constant 0 : i32
    %dma_wait3A_241 = tpu.memref_slice %arg5[%add3A_237, %dma_wait3A_240] : memref<20480x16xf32, #tpu.memory_space<hbm>> -> memref<80x16xf32, #tpu.memory_space<hbm>>
    tpu.wait_dma2 semaphore(%arg13 : memref<!tpu.dma_semaphore, #tpu.memory_space<semaphore_mem>>) src(%arg9 : memref<80x16xf32, #tpu.memory_space<vmem>>) dst(%dma_wait3A_241 : memref<80x16xf32, #tpu.memory_space<hbm>>)
    %mul3A_242 = arith.constant 640 : i32
    %mul3A_243 = arith.muli %arg1, %mul3A_242 : i32
    %add3A_244 = arith.constant 240 : i32
    %add3A_245 = arith.addi %mul3A_243, %add3A_244 : i32
    "tpu.region"() ({
      %run_scoped3A = tpu.sem_alloc : memref<!tpu.dma_semaphore, #tpu.memory_space<semaphore_mem>>
      %dma_start3A_383 = arith.constant 0 : i32
      %dma_start3A_384 = tpu.memref_slice %arg10[%add3A_245, %dma_start3A_383] : memref<10240x16xf32, #tpu.memory_space<vmem_shared>> -> memref<80x16xf32, #tpu.memory_space<vmem_shared>>
      %dma_start3A_385 = arith.constant 0 : i32
      %dma_start3A_386 = tpu.memref_slice %arg10[%add3A_245, %dma_start3A_385] : memref<10240x16xf32, #tpu.memory_space<vmem_shared>> -> memref<80x16xf32, #tpu.memory_space<vmem_shared>>
      tpu.enqueue_dma source(%dma_start3A_386 : memref<80x16xf32, #tpu.memory_space<vmem_shared>>) target(%arg9 : memref<80x16xf32, #tpu.memory_space<vmem>>) target_semaphore(%run_scoped3A : memref<!tpu.dma_semaphore, #tpu.memory_space<semaphore_mem>>)
      %dma_wait3A_387 = arith.constant 0 : i32
      %dma_wait3A_388 = tpu.memref_slice %arg10[%add3A_245, %dma_wait3A_387] : memref<10240x16xf32, #tpu.memory_space<vmem_shared>> -> memref<80x16xf32, #tpu.memory_space<vmem_shared>>
      %dma_wait3A_389 = arith.constant 0 : i32
      %dma_wait3A_390 = tpu.memref_slice %arg10[%add3A_245, %dma_wait3A_389] : memref<10240x16xf32, #tpu.memory_space<vmem_shared>> -> memref<80x16xf32, #tpu.memory_space<vmem_shared>>
      tpu.wait_dma2 semaphore(%run_scoped3A : memref<!tpu.dma_semaphore, #tpu.memory_space<semaphore_mem>>) src(%dma_wait3A_390 : memref<80x16xf32, #tpu.memory_space<vmem_shared>>) dst(%arg9 : memref<80x16xf32, #tpu.memory_space<vmem>>)
      tpu.yield
    }) : () -> ()
    %mul3A_246 = arith.constant 10240 : i32
    %mul3A_247 = arith.muli %arg0, %mul3A_246 : i32
    %mul3A_248 = arith.constant 640 : i32
    %mul3A_249 = arith.muli %arg1, %mul3A_248 : i32
    %add3A_250 = arith.addi %mul3A_247, %mul3A_249 : i32
    %add3A_251 = arith.constant 240 : i32
    %add3A_252 = arith.addi %add3A_250, %add3A_251 : i32
    %dma_start3A_253 = arith.constant 0 : i32
    %dma_start3A_254 = tpu.memref_slice %arg5[%add3A_252, %dma_start3A_253] : memref<20480x16xf32, #tpu.memory_space<hbm>> -> memref<80x16xf32, #tpu.memory_space<hbm>>
    %dma_start3A_255 = arith.constant 0 : i32
    %dma_start3A_256 = tpu.memref_slice %arg5[%add3A_252, %dma_start3A_255] : memref<20480x16xf32, #tpu.memory_space<hbm>> -> memref<80x16xf32, #tpu.memory_space<hbm>>
    tpu.enqueue_dma source(%arg9 : memref<80x16xf32, #tpu.memory_space<vmem>>) target(%dma_start3A_256 : memref<80x16xf32, #tpu.memory_space<hbm>>) target_semaphore(%arg13 : memref<!tpu.dma_semaphore, #tpu.memory_space<semaphore_mem>>)
    %mul3A_257 = arith.constant 10240 : i32
    %mul3A_258 = arith.muli %arg0, %mul3A_257 : i32
    %mul3A_259 = arith.constant 640 : i32
    %mul3A_260 = arith.muli %arg1, %mul3A_259 : i32
    %add3A_261 = arith.addi %mul3A_258, %mul3A_260 : i32
    %add3A_262 = arith.constant 160 : i32
    %add3A_263 = arith.addi %add3A_261, %add3A_262 : i32
    %dma_wait3A_264 = arith.constant 0 : i32
    %dma_wait3A_265 = tpu.memref_slice %arg5[%add3A_263, %dma_wait3A_264] : memref<20480x16xf32, #tpu.memory_space<hbm>> -> memref<80x16xf32, #tpu.memory_space<hbm>>
    %dma_wait3A_266 = arith.constant 0 : i32
    %dma_wait3A_267 = tpu.memref_slice %arg5[%add3A_263, %dma_wait3A_266] : memref<20480x16xf32, #tpu.memory_space<hbm>> -> memref<80x16xf32, #tpu.memory_space<hbm>>
    tpu.wait_dma2 semaphore(%arg13 : memref<!tpu.dma_semaphore, #tpu.memory_space<semaphore_mem>>) src(%arg8 : memref<80x16xf32, #tpu.memory_space<vmem>>) dst(%dma_wait3A_267 : memref<80x16xf32, #tpu.memory_space<hbm>>)
    %mul3A_268 = arith.constant 640 : i32
    %mul3A_269 = arith.muli %arg1, %mul3A_268 : i32
    %add3A_270 = arith.constant 320 : i32
    %add3A_271 = arith.addi %mul3A_269, %add3A_270 : i32
    "tpu.region"() ({
      %run_scoped3A = tpu.sem_alloc : memref<!tpu.dma_semaphore, #tpu.memory_space<semaphore_mem>>
      %dma_start3A_383 = arith.constant 0 : i32
      %dma_start3A_384 = tpu.memref_slice %arg10[%add3A_271, %dma_start3A_383] : memref<10240x16xf32, #tpu.memory_space<vmem_shared>> -> memref<80x16xf32, #tpu.memory_space<vmem_shared>>
      %dma_start3A_385 = arith.constant 0 : i32
      %dma_start3A_386 = tpu.memref_slice %arg10[%add3A_271, %dma_start3A_385] : memref<10240x16xf32, #tpu.memory_space<vmem_shared>> -> memref<80x16xf32, #tpu.memory_space<vmem_shared>>
      tpu.enqueue_dma source(%dma_start3A_386 : memref<80x16xf32, #tpu.memory_space<vmem_shared>>) target(%arg8 : memref<80x16xf32, #tpu.memory_space<vmem>>) target_semaphore(%run_scoped3A : memref<!tpu.dma_semaphore, #tpu.memory_space<semaphore_mem>>)
      %dma_wait3A_387 = arith.constant 0 : i32
      %dma_wait3A_388 = tpu.memref_slice %arg10[%add3A_271, %dma_wait3A_387] : memref<10240x16xf32, #tpu.memory_space<vmem_shared>> -> memref<80x16xf32, #tpu.memory_space<vmem_shared>>
      %dma_wait3A_389 = arith.constant 0 : i32
      %dma_wait3A_390 = tpu.memref_slice %arg10[%add3A_271, %dma_wait3A_389] : memref<10240x16xf32, #tpu.memory_space<vmem_shared>> -> memref<80x16xf32, #tpu.memory_space<vmem_shared>>
      tpu.wait_dma2 semaphore(%run_scoped3A : memref<!tpu.dma_semaphore, #tpu.memory_space<semaphore_mem>>) src(%dma_wait3A_390 : memref<80x16xf32, #tpu.memory_space<vmem_shared>>) dst(%arg8 : memref<80x16xf32, #tpu.memory_space<vmem>>)
      tpu.yield
    }) : () -> ()
    %mul3A_272 = arith.constant 10240 : i32
    %mul3A_273 = arith.muli %arg0, %mul3A_272 : i32
    %mul3A_274 = arith.constant 640 : i32
    %mul3A_275 = arith.muli %arg1, %mul3A_274 : i32
    %add3A_276 = arith.addi %mul3A_273, %mul3A_275 : i32
    %add3A_277 = arith.constant 320 : i32
    %add3A_278 = arith.addi %add3A_276, %add3A_277 : i32
    %dma_start3A_279 = arith.constant 0 : i32
    %dma_start3A_280 = tpu.memref_slice %arg5[%add3A_278, %dma_start3A_279] : memref<20480x16xf32, #tpu.memory_space<hbm>> -> memref<80x16xf32, #tpu.memory_space<hbm>>
    %dma_start3A_281 = arith.constant 0 : i32
    %dma_start3A_282 = tpu.memref_slice %arg5[%add3A_278, %dma_start3A_281] : memref<20480x16xf32, #tpu.memory_space<hbm>> -> memref<80x16xf32, #tpu.memory_space<hbm>>
    tpu.enqueue_dma source(%arg8 : memref<80x16xf32, #tpu.memory_space<vmem>>) target(%dma_start3A_282 : memref<80x16xf32, #tpu.memory_space<hbm>>) target_semaphore(%arg13 : memref<!tpu.dma_semaphore, #tpu.memory_space<semaphore_mem>>)
    %mul3A_283 = arith.constant 10240 : i32
    %mul3A_284 = arith.muli %arg0, %mul3A_283 : i32
    %mul3A_285 = arith.constant 640 : i32
    %mul3A_286 = arith.muli %arg1, %mul3A_285 : i32
    %add3A_287 = arith.addi %mul3A_284, %mul3A_286 : i32
    %add3A_288 = arith.constant 240 : i32
    %add3A_289 = arith.addi %add3A_287, %add3A_288 : i32
    %dma_wait3A_290 = arith.constant 0 : i32
    %dma_wait3A_291 = tpu.memref_slice %arg5[%add3A_289, %dma_wait3A_290] : memref<20480x16xf32, #tpu.memory_space<hbm>> -> memref<80x16xf32, #tpu.memory_space<hbm>>
    %dma_wait3A_292 = arith.constant 0 : i32
    %dma_wait3A_293 = tpu.memref_slice %arg5[%add3A_289, %dma_wait3A_292] : memref<20480x16xf32, #tpu.memory_space<hbm>> -> memref<80x16xf32, #tpu.memory_space<hbm>>
    tpu.wait_dma2 semaphore(%arg13 : memref<!tpu.dma_semaphore, #tpu.memory_space<semaphore_mem>>) src(%arg9 : memref<80x16xf32, #tpu.memory_space<vmem>>) dst(%dma_wait3A_293 : memref<80x16xf32, #tpu.memory_space<hbm>>)
    %mul3A_294 = arith.constant 640 : i32
    %mul3A_295 = arith.muli %arg1, %mul3A_294 : i32
    %add3A_296 = arith.constant 400 : i32
    %add3A_297 = arith.addi %mul3A_295, %add3A_296 : i32
    "tpu.region"() ({
      %run_scoped3A = tpu.sem_alloc : memref<!tpu.dma_semaphore, #tpu.memory_space<semaphore_mem>>
      %dma_start3A_383 = arith.constant 0 : i32
      %dma_start3A_384 = tpu.memref_slice %arg10[%add3A_297, %dma_start3A_383] : memref<10240x16xf32, #tpu.memory_space<vmem_shared>> -> memref<80x16xf32, #tpu.memory_space<vmem_shared>>
      %dma_start3A_385 = arith.constant 0 : i32
      %dma_start3A_386 = tpu.memref_slice %arg10[%add3A_297, %dma_start3A_385] : memref<10240x16xf32, #tpu.memory_space<vmem_shared>> -> memref<80x16xf32, #tpu.memory_space<vmem_shared>>
      tpu.enqueue_dma source(%dma_start3A_386 : memref<80x16xf32, #tpu.memory_space<vmem_shared>>) target(%arg9 : memref<80x16xf32, #tpu.memory_space<vmem>>) target_semaphore(%run_scoped3A : memref<!tpu.dma_semaphore, #tpu.memory_space<semaphore_mem>>)
      %dma_wait3A_387 = arith.constant 0 : i32
      %dma_wait3A_388 = tpu.memref_slice %arg10[%add3A_297, %dma_wait3A_387] : memref<10240x16xf32, #tpu.memory_space<vmem_shared>> -> memref<80x16xf32, #tpu.memory_space<vmem_shared>>
      %dma_wait3A_389 = arith.constant 0 : i32
      %dma_wait3A_390 = tpu.memref_slice %arg10[%add3A_297, %dma_wait3A_389] : memref<10240x16xf32, #tpu.memory_space<vmem_shared>> -> memref<80x16xf32, #tpu.memory_space<vmem_shared>>
      tpu.wait_dma2 semaphore(%run_scoped3A : memref<!tpu.dma_semaphore, #tpu.memory_space<semaphore_mem>>) src(%dma_wait3A_390 : memref<80x16xf32, #tpu.memory_space<vmem_shared>>) dst(%arg9 : memref<80x16xf32, #tpu.memory_space<vmem>>)
      tpu.yield
    }) : () -> ()
    %mul3A_298 = arith.constant 10240 : i32
    %mul3A_299 = arith.muli %arg0, %mul3A_298 : i32
    %mul3A_300 = arith.constant 640 : i32
    %mul3A_301 = arith.muli %arg1, %mul3A_300 : i32
    %add3A_302 = arith.addi %mul3A_299, %mul3A_301 : i32
    %add3A_303 = arith.constant 400 : i32
    %add3A_304 = arith.addi %add3A_302, %add3A_303 : i32
    %dma_start3A_305 = arith.constant 0 : i32
    %dma_start3A_306 = tpu.memref_slice %arg5[%add3A_304, %dma_start3A_305] : memref<20480x16xf32, #tpu.memory_space<hbm>> -> memref<80x16xf32, #tpu.memory_space<hbm>>
    %dma_start3A_307 = arith.constant 0 : i32
    %dma_start3A_308 = tpu.memref_slice %arg5[%add3A_304, %dma_start3A_307] : memref<20480x16xf32, #tpu.memory_space<hbm>> -> memref<80x16xf32, #tpu.memory_space<hbm>>
    tpu.enqueue_dma source(%arg9 : memref<80x16xf32, #tpu.memory_space<vmem>>) target(%dma_start3A_308 : memref<80x16xf32, #tpu.memory_space<hbm>>) target_semaphore(%arg13 : memref<!tpu.dma_semaphore, #tpu.memory_space<semaphore_mem>>)
    %mul3A_309 = arith.constant 10240 : i32
    %mul3A_310 = arith.muli %arg0, %mul3A_309 : i32
    %mul3A_311 = arith.constant 640 : i32
    %mul3A_312 = arith.muli %arg1, %mul3A_311 : i32
    %add3A_313 = arith.addi %mul3A_310, %mul3A_312 : i32
    %add3A_314 = arith.constant 320 : i32
    %add3A_315 = arith.addi %add3A_313, %add3A_314 : i32
    %dma_wait3A_316 = arith.constant 0 : i32
    %dma_wait3A_317 = tpu.memref_slice %arg5[%add3A_315, %dma_wait3A_316] : memref<20480x16xf32, #tpu.memory_space<hbm>> -> memref<80x16xf32, #tpu.memory_space<hbm>>
    %dma_wait3A_318 = arith.constant 0 : i32
    %dma_wait3A_319 = tpu.memref_slice %arg5[%add3A_315, %dma_wait3A_318] : memref<20480x16xf32, #tpu.memory_space<hbm>> -> memref<80x16xf32, #tpu.memory_space<hbm>>
    tpu.wait_dma2 semaphore(%arg13 : memref<!tpu.dma_semaphore, #tpu.memory_space<semaphore_mem>>) src(%arg8 : memref<80x16xf32, #tpu.memory_space<vmem>>) dst(%dma_wait3A_319 : memref<80x16xf32, #tpu.memory_space<hbm>>)
    %mul3A_320 = arith.constant 640 : i32
    %mul3A_321 = arith.muli %arg1, %mul3A_320 : i32
    %add3A_322 = arith.constant 480 : i32
    %add3A_323 = arith.addi %mul3A_321, %add3A_322 : i32
    "tpu.region"() ({
      %run_scoped3A = tpu.sem_alloc : memref<!tpu.dma_semaphore, #tpu.memory_space<semaphore_mem>>
      %dma_start3A_383 = arith.constant 0 : i32
      %dma_start3A_384 = tpu.memref_slice %arg10[%add3A_323, %dma_start3A_383] : memref<10240x16xf32, #tpu.memory_space<vmem_shared>> -> memref<80x16xf32, #tpu.memory_space<vmem_shared>>
      %dma_start3A_385 = arith.constant 0 : i32
      %dma_start3A_386 = tpu.memref_slice %arg10[%add3A_323, %dma_start3A_385] : memref<10240x16xf32, #tpu.memory_space<vmem_shared>> -> memref<80x16xf32, #tpu.memory_space<vmem_shared>>
      tpu.enqueue_dma source(%dma_start3A_386 : memref<80x16xf32, #tpu.memory_space<vmem_shared>>) target(%arg8 : memref<80x16xf32, #tpu.memory_space<vmem>>) target_semaphore(%run_scoped3A : memref<!tpu.dma_semaphore, #tpu.memory_space<semaphore_mem>>)
      %dma_wait3A_387 = arith.constant 0 : i32
      %dma_wait3A_388 = tpu.memref_slice %arg10[%add3A_323, %dma_wait3A_387] : memref<10240x16xf32, #tpu.memory_space<vmem_shared>> -> memref<80x16xf32, #tpu.memory_space<vmem_shared>>
      %dma_wait3A_389 = arith.constant 0 : i32
      %dma_wait3A_390 = tpu.memref_slice %arg10[%add3A_323, %dma_wait3A_389] : memref<10240x16xf32, #tpu.memory_space<vmem_shared>> -> memref<80x16xf32, #tpu.memory_space<vmem_shared>>
      tpu.wait_dma2 semaphore(%run_scoped3A : memref<!tpu.dma_semaphore, #tpu.memory_space<semaphore_mem>>) src(%dma_wait3A_390 : memref<80x16xf32, #tpu.memory_space<vmem_shared>>) dst(%arg8 : memref<80x16xf32, #tpu.memory_space<vmem>>)
      tpu.yield
    }) : () -> ()
    %mul3A_324 = arith.constant 10240 : i32
    %mul3A_325 = arith.muli %arg0, %mul3A_324 : i32
    %mul3A_326 = arith.constant 640 : i32
    %mul3A_327 = arith.muli %arg1, %mul3A_326 : i32
    %add3A_328 = arith.addi %mul3A_325, %mul3A_327 : i32
    %add3A_329 = arith.constant 480 : i32
    %add3A_330 = arith.addi %add3A_328, %add3A_329 : i32
    %dma_start3A_331 = arith.constant 0 : i32
    %dma_start3A_332 = tpu.memref_slice %arg5[%add3A_330, %dma_start3A_331] : memref<20480x16xf32, #tpu.memory_space<hbm>> -> memref<80x16xf32, #tpu.memory_space<hbm>>
    %dma_start3A_333 = arith.constant 0 : i32
    %dma_start3A_334 = tpu.memref_slice %arg5[%add3A_330, %dma_start3A_333] : memref<20480x16xf32, #tpu.memory_space<hbm>> -> memref<80x16xf32, #tpu.memory_space<hbm>>
    tpu.enqueue_dma source(%arg8 : memref<80x16xf32, #tpu.memory_space<vmem>>) target(%dma_start3A_334 : memref<80x16xf32, #tpu.memory_space<hbm>>) target_semaphore(%arg13 : memref<!tpu.dma_semaphore, #tpu.memory_space<semaphore_mem>>)
    %mul3A_335 = arith.constant 10240 : i32
    %mul3A_336 = arith.muli %arg0, %mul3A_335 : i32
    %mul3A_337 = arith.constant 640 : i32
    %mul3A_338 = arith.muli %arg1, %mul3A_337 : i32
    %add3A_339 = arith.addi %mul3A_336, %mul3A_338 : i32
    %add3A_340 = arith.constant 400 : i32
    %add3A_341 = arith.addi %add3A_339, %add3A_340 : i32
    %dma_wait3A_342 = arith.constant 0 : i32
    %dma_wait3A_343 = tpu.memref_slice %arg5[%add3A_341, %dma_wait3A_342] : memref<20480x16xf32, #tpu.memory_space<hbm>> -> memref<80x16xf32, #tpu.memory_space<hbm>>
    %dma_wait3A_344 = arith.constant 0 : i32
    %dma_wait3A_345 = tpu.memref_slice %arg5[%add3A_341, %dma_wait3A_344] : memref<20480x16xf32, #tpu.memory_space<hbm>> -> memref<80x16xf32, #tpu.memory_space<hbm>>
    tpu.wait_dma2 semaphore(%arg13 : memref<!tpu.dma_semaphore, #tpu.memory_space<semaphore_mem>>) src(%arg9 : memref<80x16xf32, #tpu.memory_space<vmem>>) dst(%dma_wait3A_345 : memref<80x16xf32, #tpu.memory_space<hbm>>)
    %mul3A_346 = arith.constant 640 : i32
    %mul3A_347 = arith.muli %arg1, %mul3A_346 : i32
    %add3A_348 = arith.constant 560 : i32
    %add3A_349 = arith.addi %mul3A_347, %add3A_348 : i32
    "tpu.region"() ({
      %run_scoped3A = tpu.sem_alloc : memref<!tpu.dma_semaphore, #tpu.memory_space<semaphore_mem>>
      %dma_start3A_383 = arith.constant 0 : i32
      %dma_start3A_384 = tpu.memref_slice %arg10[%add3A_349, %dma_start3A_383] : memref<10240x16xf32, #tpu.memory_space<vmem_shared>> -> memref<80x16xf32, #tpu.memory_space<vmem_shared>>
      %dma_start3A_385 = arith.constant 0 : i32
      %dma_start3A_386 = tpu.memref_slice %arg10[%add3A_349, %dma_start3A_385] : memref<10240x16xf32, #tpu.memory_space<vmem_shared>> -> memref<80x16xf32, #tpu.memory_space<vmem_shared>>
      tpu.enqueue_dma source(%dma_start3A_386 : memref<80x16xf32, #tpu.memory_space<vmem_shared>>) target(%arg9 : memref<80x16xf32, #tpu.memory_space<vmem>>) target_semaphore(%run_scoped3A : memref<!tpu.dma_semaphore, #tpu.memory_space<semaphore_mem>>)
      %dma_wait3A_387 = arith.constant 0 : i32
      %dma_wait3A_388 = tpu.memref_slice %arg10[%add3A_349, %dma_wait3A_387] : memref<10240x16xf32, #tpu.memory_space<vmem_shared>> -> memref<80x16xf32, #tpu.memory_space<vmem_shared>>
      %dma_wait3A_389 = arith.constant 0 : i32
      %dma_wait3A_390 = tpu.memref_slice %arg10[%add3A_349, %dma_wait3A_389] : memref<10240x16xf32, #tpu.memory_space<vmem_shared>> -> memref<80x16xf32, #tpu.memory_space<vmem_shared>>
      tpu.wait_dma2 semaphore(%run_scoped3A : memref<!tpu.dma_semaphore, #tpu.memory_space<semaphore_mem>>) src(%dma_wait3A_390 : memref<80x16xf32, #tpu.memory_space<vmem_shared>>) dst(%arg9 : memref<80x16xf32, #tpu.memory_space<vmem>>)
      tpu.yield
    }) : () -> ()
    %mul3A_350 = arith.constant 10240 : i32
    %mul3A_351 = arith.muli %arg0, %mul3A_350 : i32
    %mul3A_352 = arith.constant 640 : i32
    %mul3A_353 = arith.muli %arg1, %mul3A_352 : i32
    %add3A_354 = arith.addi %mul3A_351, %mul3A_353 : i32
    %add3A_355 = arith.constant 560 : i32
    %add3A_356 = arith.addi %add3A_354, %add3A_355 : i32
    %dma_start3A_357 = arith.constant 0 : i32
    %dma_start3A_358 = tpu.memref_slice %arg5[%add3A_356, %dma_start3A_357] : memref<20480x16xf32, #tpu.memory_space<hbm>> -> memref<80x16xf32, #tpu.memory_space<hbm>>
    %dma_start3A_359 = arith.constant 0 : i32
    %dma_start3A_360 = tpu.memref_slice %arg5[%add3A_356, %dma_start3A_359] : memref<20480x16xf32, #tpu.memory_space<hbm>> -> memref<80x16xf32, #tpu.memory_space<hbm>>
    tpu.enqueue_dma source(%arg9 : memref<80x16xf32, #tpu.memory_space<vmem>>) target(%dma_start3A_360 : memref<80x16xf32, #tpu.memory_space<hbm>>) target_semaphore(%arg13 : memref<!tpu.dma_semaphore, #tpu.memory_space<semaphore_mem>>)
    %mul3A_361 = arith.constant 10240 : i32
    %mul3A_362 = arith.muli %arg0, %mul3A_361 : i32
    %mul3A_363 = arith.constant 640 : i32
    %mul3A_364 = arith.muli %arg1, %mul3A_363 : i32
    %add3A_365 = arith.addi %mul3A_362, %mul3A_364 : i32
    %add3A_366 = arith.constant 480 : i32
    %add3A_367 = arith.addi %add3A_365, %add3A_366 : i32
    %dma_wait3A_368 = arith.constant 0 : i32
    %dma_wait3A_369 = tpu.memref_slice %arg5[%add3A_367, %dma_wait3A_368] : memref<20480x16xf32, #tpu.memory_space<hbm>> -> memref<80x16xf32, #tpu.memory_space<hbm>>
    %dma_wait3A_370 = arith.constant 0 : i32
    %dma_wait3A_371 = tpu.memref_slice %arg5[%add3A_367, %dma_wait3A_370] : memref<20480x16xf32, #tpu.memory_space<hbm>> -> memref<80x16xf32, #tpu.memory_space<hbm>>
    tpu.wait_dma2 semaphore(%arg13 : memref<!tpu.dma_semaphore, #tpu.memory_space<semaphore_mem>>) src(%arg8 : memref<80x16xf32, #tpu.memory_space<vmem>>) dst(%dma_wait3A_371 : memref<80x16xf32, #tpu.memory_space<hbm>>)
    %mul3A_372 = arith.constant 10240 : i32
    %mul3A_373 = arith.muli %arg0, %mul3A_372 : i32
    %mul3A_374 = arith.constant 640 : i32
    %mul3A_375 = arith.muli %arg1, %mul3A_374 : i32
    %add3A_376 = arith.addi %mul3A_373, %mul3A_375 : i32
    %add3A_377 = arith.constant 560 : i32
    %add3A_378 = arith.addi %add3A_376, %add3A_377 : i32
    %dma_wait3A_379 = arith.constant 0 : i32
    %dma_wait3A_380 = tpu.memref_slice %arg5[%add3A_378, %dma_wait3A_379] : memref<20480x16xf32, #tpu.memory_space<hbm>> -> memref<80x16xf32, #tpu.memory_space<hbm>>
    %dma_wait3A_381 = arith.constant 0 : i32
    %dma_wait3A_382 = tpu.memref_slice %arg5[%add3A_378, %dma_wait3A_381] : memref<20480x16xf32, #tpu.memory_space<hbm>> -> memref<80x16xf32, #tpu.memory_space<hbm>>
    tpu.wait_dma2 semaphore(%arg13 : memref<!tpu.dma_semaphore, #tpu.memory_space<semaphore_mem>>) src(%arg9 : memref<80x16xf32, #tpu.memory_space<vmem>>) dst(%dma_wait3A_382 : memref<80x16xf32, #tpu.memory_space<hbm>>)
    return
  }
}

module attributes {stable_mosaic.version = 14 : i64} {
  func.func @body(%arg0: i32, %arg1: memref<1000x128xf32, #tpu.memory_space<vmem>>, %arg2: memref<128x128xf32, #tpu.memory_space<vmem>>, %arg3: memref<2x1000x16xf32, #tpu.memory_space<vmem>>, %arg4: memref<1000x128xf32, #tpu.memory_space<vmem>>, %arg5: memref<1000x8xf32, #tpu.memory_space<vmem>>) attributes {dimension_semantics = [#tpu.dimension_semantics<arbitrary>], iteration_bounds = array<i64: 10>, scalar_prefetch = 0 : i64, scratch_operands = 0 : i64, tpu.core_type = #tpu.core_type<tc>, window_params = [{transform_indices = @transform_0, window_bounds = array<i64: 1000, 128>}, {pipeline_mode = #tpu.pipeline_mode<synchronous>, transform_indices = @transform_1, window_bounds = array<i64: 128, 128>}, {transform_indices = @transform_2, window_bounds = array<i64: 2, 1000, 16>}, {transform_indices = @transform_3, window_bounds = array<i64: 1000, 128>}, {transform_indices = @transform_4, window_bounds = array<i64: 1000, 8>}]} {
    %get3A = arith.constant 0 : index
    %get3A_0 = arith.constant 0 : index
    %get3A_1 = arith.constant 0 : index
    %get3A_2 = vector.load %arg3[%get3A, %get3A_0, %get3A_1] : memref<2x1000x16xf32, #tpu.memory_space<vmem>>, vector<1x1000x8xf32>
    %get3A_3 = vector.shape_cast %get3A_2 : vector<1x1000x8xf32> to vector<1000x8xf32>
    %get3A_4 = arith.constant 1 : index
    %get3A_5 = arith.constant 0 : index
    %get3A_6 = arith.constant 0 : index
    %get3A_7 = vector.load %arg3[%get3A_4, %get3A_5, %get3A_6] : memref<2x1000x16xf32, #tpu.memory_space<vmem>>, vector<1x1000x8xf32>
    %get3A_8 = vector.shape_cast %get3A_7 : vector<1x1000x8xf32> to vector<1000x8xf32>
    %add3A = arith.addf %get3A_3, %get3A_8 : vector<1000x8xf32>
    %add3A_9 = arith.constant 1.000000e+00 : f32
    %add3A_10 = vector.broadcast %add3A_9 : f32 to vector<1000x8xf32>
    %add3A_11 = arith.addf %add3A, %add3A_10 : vector<1000x8xf32>
    %rsqrt3A = math.rsqrt %add3A_11 : vector<1000x8xf32>
    %swap3A = arith.constant 0 : index
    %swap3A_12 = arith.constant 0 : index
    %swap3A_13 = vector.load %arg5[%swap3A, %swap3A_12] : memref<1000x8xf32, #tpu.memory_space<vmem>>, vector<1000x8xf32>
    tpu.vector_store %arg5[%swap3A, %swap3A_12], %rsqrt3A {strides = array<i32>} : memref<1000x8xf32, #tpu.memory_space<vmem>>, vector<1000x8xf32>,
    %get3A_14 = arith.constant 0 : index
    %get3A_15 = arith.constant 0 : index
    %get3A_16 = vector.load %arg1[%get3A_14, %get3A_15] : memref<1000x128xf32, #tpu.memory_space<vmem>>, vector<1000x128xf32>
    %get3A_17 = arith.constant 0 : index
    %get3A_18 = arith.constant 0 : index
    %get3A_19 = vector.load %arg2[%get3A_17, %get3A_18] : memref<128x128xf32, #tpu.memory_space<vmem>>, vector<128x128xf32>
    %dot_general3A = arith.constant dense<0.000000e+00> : vector<1000x128xf32>
    %dot_general3A_20 = tpu.matmul %get3A_16, %get3A_19, %dot_general3A {dimension_numbers = #tpu.dot_dimension_numbers<[1], [0], [0], [1], [0, 0, 1, 1], [], []>, transpose_lhs_hint = false} : vector<1000x128xf32>, vector<128x128xf32>, vector<1000x128xf32> -> vector<1000x128xf32>
    %slice3A = vector.extract_strided_slice %rsqrt3A {offsets = [0, 0], sizes = [1000, 1], strides = [1, 1]} : vector<1000x8xf32> to vector<1000x1xf32>
    %mul3A = vector.broadcast %slice3A : vector<1000x1xf32> to vector<1000x128xf32>
    %mul3A_21 = arith.mulf %dot_general3A_20, %mul3A : vector<1000x128xf32>
    %swap3A_22 = arith.constant 0 : index
    %swap3A_23 = arith.constant 0 : index
    %swap3A_24 = vector.load %arg4[%swap3A_22, %swap3A_23] : memref<1000x128xf32, #tpu.memory_space<vmem>>, vector<1000x128xf32>
    tpu.vector_store %arg4[%swap3A_22, %swap3A_23], %mul3A_21 {strides = array<i32>} : memref<1000x128xf32, #tpu.memory_space<vmem>>, vector<1000x128xf32>,
    return
  }
  func.func @transform_0(%arg0: i32) -> (i32, i32) {
    %c0_i32 = arith.constant 0 : i32
    %c0_i32_0 = arith.constant 0 : i32
    return %arg0, %c0_i32 : i32, i32
  }
  func.func @transform_1(%arg0: i32) -> (i32, i32) {
    %c0_i32 = arith.constant 0 : i32
    %c0_i32_0 = arith.constant 0 : i32
    %c0_i32_1 = arith.constant 0 : i32
    return %c0_i32, %c0_i32_0 : i32, i32
  }
  func.func @transform_2(%arg0: i32) -> (i32, i32, i32) {
    %c0_i32 = arith.constant 0 : i32
    %c0_i32_0 = arith.constant 0 : i32
    %c0_i32_1 = arith.constant 0 : i32
    return %c0_i32, %arg0, %c0_i32_0 : i32, i32, i32
  }
  func.func @transform_3(%arg0: i32) -> (i32, i32) {
    %c0_i32 = arith.constant 0 : i32
    %c0_i32_0 = arith.constant 0 : i32
    return %arg0, %c0_i32 : i32, i32
  }
  func.func @transform_4(%arg0: i32) -> (i32, i32) {
    %c0_i32 = arith.constant 0 : i32
    %c0_i32_0 = arith.constant 0 : i32
    return %arg0, %c0_i32 : i32, i32
  }
}

module attributes {stable_mosaic.version = 14 : i64} {
  func.func @body(%arg0: i32, %arg1: memref<2x1000x128xf32, #tpu.memory_space<vmem>>, %arg2: memref<1000x128xf32, #tpu.memory_space<vmem>>, %arg3: memref<1000x8xf32, #tpu.memory_space<vmem>>, %arg4: memref<1x128xf32, #tpu.memory_space<vmem>>, %arg5: memref<128x128xf32, #tpu.memory_space<vmem>>, %arg6: memref<1000x128xf32, #tpu.memory_space<vmem>>, %arg7: memref<1000x128xf32, #tpu.memory_space<vmem>>) attributes {dimension_semantics = [#tpu.dimension_semantics<arbitrary>], iteration_bounds = array<i64: 10>, scalar_prefetch = 0 : i64, scratch_operands = 0 : i64, tpu.core_type = #tpu.core_type<tc>, window_params = [{transform_indices = @transform_0, window_bounds = array<i64: 2, 1000, 128>}, {transform_indices = @transform_1, window_bounds = array<i64: 1000, 128>}, {transform_indices = @transform_2, window_bounds = array<i64: 1000, 8>}, {pipeline_mode = #tpu.pipeline_mode<synchronous>, transform_indices = @transform_3, window_bounds = array<i64: 1, 128>}, {pipeline_mode = #tpu.pipeline_mode<synchronous>, transform_indices = @transform_4, window_bounds = array<i64: 128, 128>}, {transform_indices = @transform_5, window_bounds = array<i64: 1000, 128>}, {transform_indices = @transform_6, window_bounds = array<i64: 1000, 128>}]} {
    %get3A = arith.constant 0 : index
    %get3A_0 = arith.constant 0 : index
    %get3A_1 = vector.load %arg3[%get3A, %get3A_0] : memref<1000x8xf32, #tpu.memory_space<vmem>>, vector<1000x8xf32>
    %slice3A = vector.extract_strided_slice %get3A_1 {offsets = [0, 0], sizes = [1000, 1], strides = [1, 1]} : vector<1000x8xf32> to vector<1000x1xf32>
    %get3A_2 = arith.constant 0 : index
    %get3A_3 = arith.constant 0 : index
    %get3A_4 = arith.constant 0 : index
    %get3A_5 = vector.load %arg1[%get3A_2, %get3A_3, %get3A_4] : memref<2x1000x128xf32, #tpu.memory_space<vmem>>, vector<1x1000x128xf32>
    %get3A_6 = vector.shape_cast %get3A_5 : vector<1x1000x128xf32> to vector<1000x128xf32>
    %get3A_7 = arith.constant 1 : index
    %get3A_8 = arith.constant 0 : index
    %get3A_9 = arith.constant 0 : index
    %get3A_10 = vector.load %arg1[%get3A_7, %get3A_8, %get3A_9] : memref<2x1000x128xf32, #tpu.memory_space<vmem>>, vector<1x1000x128xf32>
    %get3A_11 = vector.shape_cast %get3A_10 : vector<1x1000x128xf32> to vector<1000x128xf32>
    %add3A = arith.addf %get3A_6, %get3A_11 : vector<1000x128xf32>
    %get3A_12 = arith.constant 0 : index
    %get3A_13 = arith.constant 0 : index
    %get3A_14 = vector.load %arg2[%get3A_12, %get3A_13] : memref<1000x128xf32, #tpu.memory_space<vmem>>, vector<1000x128xf32>
    %add3A_15 = arith.addf %add3A, %get3A_14 : vector<1000x128xf32>
    %mul3A = vector.broadcast %slice3A : vector<1000x1xf32> to vector<1000x128xf32>
    %mul3A_16 = arith.mulf %add3A_15, %mul3A : vector<1000x128xf32>
    %get3A_17 = arith.constant 0 : index
    %get3A_18 = arith.constant 0 : index
    %get3A_19 = vector.load %arg4[%get3A_17, %get3A_18] : memref<1x128xf32, #tpu.memory_space<vmem>>, vector<1x128xf32>
    %add3A_20 = vector.broadcast %get3A_19 : vector<1x128xf32> to vector<1000x128xf32>
    %add3A_21 = arith.addf %mul3A_16, %add3A_20 : vector<1000x128xf32>
    %max3A = arith.constant 0.000000e+00 : f32
    %max3A_22 = vector.broadcast %max3A : f32 to vector<1000x128xf32>
    %max3A_23 = arith.maximumf %add3A_21, %max3A_22 : vector<1000x128xf32>
    %swap3A = arith.constant 0 : index
    %swap3A_24 = arith.constant 0 : index
    %swap3A_25 = vector.load %arg6[%swap3A, %swap3A_24] : memref<1000x128xf32, #tpu.memory_space<vmem>>, vector<1000x128xf32>
    tpu.vector_store %arg6[%swap3A, %swap3A_24], %max3A_23 {strides = array<i32>} : memref<1000x128xf32, #tpu.memory_space<vmem>>, vector<1000x128xf32>,
    %get3A_26 = arith.constant 0 : index
    %get3A_27 = arith.constant 0 : index
    %get3A_28 = vector.load %arg5[%get3A_26, %get3A_27] : memref<128x128xf32, #tpu.memory_space<vmem>>, vector<128x128xf32>
    %dot_general3A = arith.constant dense<0.000000e+00> : vector<1000x128xf32>
    %dot_general3A_29 = tpu.matmul %max3A_23, %get3A_28, %dot_general3A {dimension_numbers = #tpu.dot_dimension_numbers<[1], [0], [0], [1], [0, 0, 1, 1], [], []>, transpose_lhs_hint = false} : vector<1000x128xf32>, vector<128x128xf32>, vector<1000x128xf32> -> vector<1000x128xf32>
    %mul3A_30 = vector.broadcast %slice3A : vector<1000x1xf32> to vector<1000x128xf32>
    %mul3A_31 = arith.mulf %dot_general3A_29, %mul3A_30 : vector<1000x128xf32>
    %swap3A_32 = arith.constant 0 : index
    %swap3A_33 = arith.constant 0 : index
    %swap3A_34 = vector.load %arg7[%swap3A_32, %swap3A_33] : memref<1000x128xf32, #tpu.memory_space<vmem>>, vector<1000x128xf32>
    tpu.vector_store %arg7[%swap3A_32, %swap3A_33], %mul3A_31 {strides = array<i32>} : memref<1000x128xf32, #tpu.memory_space<vmem>>, vector<1000x128xf32>,
    return
  }
  func.func @transform_0(%arg0: i32) -> (i32, i32, i32) {
    %c0_i32 = arith.constant 0 : i32
    %c0_i32_0 = arith.constant 0 : i32
    %c0_i32_1 = arith.constant 0 : i32
    return %c0_i32, %arg0, %c0_i32_0 : i32, i32, i32
  }
  func.func @transform_1(%arg0: i32) -> (i32, i32) {
    %c0_i32 = arith.constant 0 : i32
    %c0_i32_0 = arith.constant 0 : i32
    return %arg0, %c0_i32 : i32, i32
  }
  func.func @transform_2(%arg0: i32) -> (i32, i32) {
    %c0_i32 = arith.constant 0 : i32
    %c0_i32_0 = arith.constant 0 : i32
    return %arg0, %c0_i32 : i32, i32
  }
  func.func @transform_3(%arg0: i32) -> (i32, i32) {
    %c0_i32 = arith.constant 0 : i32
    %c0_i32_0 = arith.constant 0 : i32
    %c0_i32_1 = arith.constant 0 : i32
    return %c0_i32, %c0_i32_0 : i32, i32
  }
  func.func @transform_4(%arg0: i32) -> (i32, i32) {
    %c0_i32 = arith.constant 0 : i32
    %c0_i32_0 = arith.constant 0 : i32
    %c0_i32_1 = arith.constant 0 : i32
    return %c0_i32, %c0_i32_0 : i32, i32
  }
  func.func @transform_5(%arg0: i32) -> (i32, i32) {
    %c0_i32 = arith.constant 0 : i32
    %c0_i32_0 = arith.constant 0 : i32
    return %arg0, %c0_i32 : i32, i32
  }
  func.func @transform_6(%arg0: i32) -> (i32, i32) {
    %c0_i32 = arith.constant 0 : i32
    %c0_i32_0 = arith.constant 0 : i32
    return %arg0, %c0_i32 : i32, i32
  }
}

module attributes {stable_mosaic.version = 14 : i64} {
  func.func @body(%arg0: i32, %arg1: memref<2x1000x128xf32, #tpu.memory_space<vmem>>, %arg2: memref<1000x128xf32, #tpu.memory_space<vmem>>, %arg3: memref<1000x8xf32, #tpu.memory_space<vmem>>, %arg4: memref<1x128xf32, #tpu.memory_space<vmem>>, %arg5: memref<1000x128xf32, #tpu.memory_space<vmem>>) attributes {dimension_semantics = [#tpu.dimension_semantics<arbitrary>], iteration_bounds = array<i64: 10>, scalar_prefetch = 0 : i64, scratch_operands = 0 : i64, tpu.core_type = #tpu.core_type<tc>, window_params = [{transform_indices = @transform_0, window_bounds = array<i64: 2, 1000, 128>}, {transform_indices = @transform_1, window_bounds = array<i64: 1000, 128>}, {transform_indices = @transform_2, window_bounds = array<i64: 1000, 8>}, {pipeline_mode = #tpu.pipeline_mode<synchronous>, transform_indices = @transform_3, window_bounds = array<i64: 1, 128>}, {transform_indices = @transform_4, window_bounds = array<i64: 1000, 128>}]} {
    %get3A = arith.constant 0 : index
    %get3A_0 = arith.constant 0 : index
    %get3A_1 = vector.load %arg3[%get3A, %get3A_0] : memref<1000x8xf32, #tpu.memory_space<vmem>>, vector<1000x8xf32>
    %slice3A = vector.extract_strided_slice %get3A_1 {offsets = [0, 0], sizes = [1000, 1], strides = [1, 1]} : vector<1000x8xf32> to vector<1000x1xf32>
    %get3A_2 = arith.constant 0 : index
    %get3A_3 = arith.constant 0 : index
    %get3A_4 = arith.constant 0 : index
    %get3A_5 = vector.load %arg1[%get3A_2, %get3A_3, %get3A_4] : memref<2x1000x128xf32, #tpu.memory_space<vmem>>, vector<1x1000x128xf32>
    %get3A_6 = vector.shape_cast %get3A_5 : vector<1x1000x128xf32> to vector<1000x128xf32>
    %get3A_7 = arith.constant 1 : index
    %get3A_8 = arith.constant 0 : index
    %get3A_9 = arith.constant 0 : index
    %get3A_10 = vector.load %arg1[%get3A_7, %get3A_8, %get3A_9] : memref<2x1000x128xf32, #tpu.memory_space<vmem>>, vector<1x1000x128xf32>
    %get3A_11 = vector.shape_cast %get3A_10 : vector<1x1000x128xf32> to vector<1000x128xf32>
    %add3A = arith.addf %get3A_6, %get3A_11 : vector<1000x128xf32>
    %get3A_12 = arith.constant 0 : index
    %get3A_13 = arith.constant 0 : index
    %get3A_14 = vector.load %arg2[%get3A_12, %get3A_13] : memref<1000x128xf32, #tpu.memory_space<vmem>>, vector<1000x128xf32>
    %add3A_15 = arith.addf %add3A, %get3A_14 : vector<1000x128xf32>
    %mul3A = vector.broadcast %slice3A : vector<1000x1xf32> to vector<1000x128xf32>
    %mul3A_16 = arith.mulf %add3A_15, %mul3A : vector<1000x128xf32>
    %get3A_17 = arith.constant 0 : index
    %get3A_18 = arith.constant 0 : index
    %get3A_19 = vector.load %arg4[%get3A_17, %get3A_18] : memref<1x128xf32, #tpu.memory_space<vmem>>, vector<1x128xf32>
    %add3A_20 = vector.broadcast %get3A_19 : vector<1x128xf32> to vector<1000x128xf32>
    %add3A_21 = arith.addf %mul3A_16, %add3A_20 : vector<1000x128xf32>
    %swap3A = arith.constant 0 : index
    %swap3A_22 = arith.constant 0 : index
    %swap3A_23 = vector.load %arg5[%swap3A, %swap3A_22] : memref<1000x128xf32, #tpu.memory_space<vmem>>, vector<1000x128xf32>
    tpu.vector_store %arg5[%swap3A, %swap3A_22], %add3A_21 {strides = array<i32>} : memref<1000x128xf32, #tpu.memory_space<vmem>>, vector<1000x128xf32>,
    return
  }
  func.func @transform_0(%arg0: i32) -> (i32, i32, i32) {
    %c0_i32 = arith.constant 0 : i32
    %c0_i32_0 = arith.constant 0 : i32
    %c0_i32_1 = arith.constant 0 : i32
    return %c0_i32, %arg0, %c0_i32_0 : i32, i32, i32
  }
  func.func @transform_1(%arg0: i32) -> (i32, i32) {
    %c0_i32 = arith.constant 0 : i32
    %c0_i32_0 = arith.constant 0 : i32
    return %arg0, %c0_i32 : i32, i32
  }
  func.func @transform_2(%arg0: i32) -> (i32, i32) {
    %c0_i32 = arith.constant 0 : i32
    %c0_i32_0 = arith.constant 0 : i32
    return %arg0, %c0_i32 : i32, i32
  }
  func.func @transform_3(%arg0: i32) -> (i32, i32) {
    %c0_i32 = arith.constant 0 : i32
    %c0_i32_0 = arith.constant 0 : i32
    %c0_i32_1 = arith.constant 0 : i32
    return %c0_i32, %c0_i32_0 : i32, i32
  }
  func.func @transform_4(%arg0: i32) -> (i32, i32) {
    %c0_i32 = arith.constant 0 : i32
    %c0_i32_0 = arith.constant 0 : i32
    return %arg0, %c0_i32 : i32, i32
  }
}

</mosaic_0001>

<sc_bundles>
// kernel: kernel.11.cloned.1.call-start
scs
__scs_entry_jumppad:
0x0: {  	(pc) =	sbr.rel $0x88, $3  }
0x1: {  	(tag) =	ssettag $0x0;
	lr =	simm.s32 $0x1  }
0x2: {  	[smem:$0x3F9B] =	sst lr;
	_ =	strace $0xD0000000  }
0x3: {  	_ = 	snop  }
0x4: {  	_ = 	snop  }
0x5: {  	_ = 	snop  }
0x6: {  	_ = 	snop  }
0x7: {  	_ = 	snop  }
__scs_overlays_trampoline_lowered:
0x8: {  	[smem:$0x3FAA] =	sst s0  }
0x9: {  	[smem:$0x3FAB] =	sst s1  }
0xa: {  	[smem:$0x3FAC] =	sst s2  }
0xb: {  	[smem:$0x3FAD] =	sst s3  }
0xc: {  	[smem:$0x3FAE] =	sst s4  }
0xd: {  	[smem:$0x3FAF] =	sst s5  }
0xe: {  	[smem:$0x3FB0] =	sst s6  }
0xf: {  	[smem:$0x3FB1] =	sst s7  }
0x10: {  	[smem:$0x3FB2] =	sst s8  }
0x11: {  	[smem:$0x3FB3] =	sst s9;
	s0 =	simm.s32 @!p0 $0x0  }
0x12: {  	s1 =	sld [smem:$0x3F99];
	s0 =	simm.s32 @p0 $0x1  }
0x13: {  	[smem:$0x3FB4] =	sst s0;
	s0 =	simm.s32 @!p1 $0x0  }
0x14: {  	s2 =	sld [smem:$0x3F98];
	s0 =	simm.s32 @p1 $0x1  }
0x15: {  	[smem:$0x3FB5] =	sst s0;
	s0 =	simm.s32 @!p2 $0x0  }
0x16: {  	s3 =	sld [smem:$0x3FDB];
	s0 =	simm.s32 @p2 $0x1  }
0x17: {  	s4 =	simm.s32 $0x1BF5;
	[smem:$0x3FB7] =	sst s0  }
0x18: {  	s0 =	sld [smem:$0x3F9A];
	_ =	swait.ge [sflag:s4], $0x0  }
0x19: {  	s7 =	sld [smem:$0x3F9B]  }
0x1a: {  	s8 =	sadd.s32 $0xFFFFE003, lr  }
0x1b: {  	s9 =	sadd.s32 $0xFFFFFEF7, lr;
	s5 =	simm.s32 $0xFFFFFFFF;
	p2 =	slt.u32 s8, $0xFFFFF086  }
0x1c: {  	p1 =	slt.u32 s9, $0xF7A;
	s5 =	simm.s32 @!p2 $0x0  }
0x1d: {  	s5 =	simm.s32 @p1 $0x1;
	p0 =	seq.s32 s7, s2  }
0x1e: {  	s7 =	smul.u32 @!p0 $0xF7A, s2;
	p2 =	seq.s32 @!p0 s5, $0x0  }
0x1f: {  	s9 =	smul.u32 $0xF7A, s1;
	s8 =	simm.s32 @!p0 $0x1BF5;
	p2 =	por !p2, p0  }
0x20: {  	[sflag:s8] =	ssyncset.s32 @!p0 $0xFFFFF086;
	s6 =	sadd.s32 @!p0 s3, s7;
	s7 =	simm.s32 @!p0 $0x108  }
0x21: {  	s3 =	sadd.s32 s3, s9;
	s6 =	sadd.s32 @!p0 $0x88, s6;
	s7 =	simm.s32 @p2 $0x1082  }
0x22: {  	[simem:s7], [sflag:s8] =	dma.local @!p0 [hbm:s6], $0xF7A  }
0x23: {  	s9 =	sor.u32 $0xD0000000, s2;
	s6 =	simm.s32 $0x108;
	_ =	swait.ge @!p0 [sflag:s8], $0x0  }
0x24: {  	s3 =	sadd.s32 $0x88, s3;
	s6 =	simm.s32 @!p1 $0x1082;
	[sflag:s4] =	ssyncset.s32 $0xFFFFF086  }
0x25: {  	[simem:s6], [sflag:s4] =	dma.local [hbm:s3], $0xF7A  }
0x26: {  	[smem:$0x3F9B] =	sst s1;
	(tag) =	ssettag s2;
	_ =	strace s9  }
0x27: {  	s1 =	sld [smem:$0x3FAB]  }
0x28: {  	s2 =	sld [smem:$0x3FAC]  }
0x29: {  	s4 =	sld [smem:$0x3FAE]  }
0x2a: {  	p0 =	seq.s32 s5, $0x0;
	s5 =	sld [smem:$0x3FAF]  }
0x2b: {  	s6 =	sld [smem:$0x3FB0]  }
0x2c: {  	s7 =	sld [smem:$0x3FB1]  }
0x2d: {  	s3 =	simm.s32 $0x108;
	s8 =	sld [smem:$0x3FB2]  }
0x2e: {  	s3 =	simm.s32 @!p0 $0x1082;
	s9 =	sld [smem:$0x3FB3]  }
0x2f: {  	lr =	sadd.s32 s0, s3;
	s0 =	sld [smem:$0x3FAA]  }
0x30: {  	s3 =	sld [smem:$0x3FAD]  }
0x31: {  	[smem:$0x3FB6] =	sst s10  }
0x32: {  	s10 =	sld [smem:$0x3FB4];
	_ =	sdelay $0x3  }
0x33: {  	p0 =	seq.s32 s10, $0x1;
	s10 =	sld [smem:$0x3FB6];
	_ =	sdelay $0x3  }
0x34: {  	[smem:$0x3FB6] =	sst s10  }
0x35: {  	s10 =	sld [smem:$0x3FB5];
	_ =	sdelay $0x3  }
0x36: {  	p1 =	seq.s32 s10, $0x1;
	s10 =	sld [smem:$0x3FB6];
	_ =	sdelay $0x3  }
0x37: {  	[smem:$0x3FB6] =	sst s10  }
0x38: {  	s10 =	sld [smem:$0x3FB7]  }
0x39: {  	_ = 	snop;
	(pc) =	sbr.ind lr, $3  }
0x3a: {  	_ = 	snop  }
0x3b: {  	_ = 	snop  }
0x3c: {  	p2 =	seq.s32 s10, $0x1;
	s10 =	sld [smem:$0x3FB6]  }
0x3d: {  	_ =	shalt  }
0x3e: {  	_ =	shalt  }
0x3f: {  	_ =	shalt  }
0x40: {  	_ =	shalt  }
0x41: {  	_ =	shalt  }
0x42: {  	_ =	shalt  }
0x43: {  	_ =	shalt  }
0x44: {  	_ =	shalt  }
0x45: {  	_ =	shalt  }
0x46: {  	_ =	shalt  }
0x47: {  	_ =	shalt  }
0x48: {  	_ =	shalt  }
0x49: {  	_ =	shalt  }
0x4a: {  	_ =	shalt  }
0x4b: {  	_ =	shalt  }
0x4c: {  	_ =	shalt  }
0x4d: {  	_ =	shalt  }
0x4e: {  	_ =	shalt  }
0x4f: {  	_ =	shalt  }
0x50: {  	_ =	shalt  }
0x51: {  	_ =	shalt  }
0x52: {  	_ =	shalt  }
0x53: {  	_ =	shalt  }
0x54: {  	_ =	shalt  }
0x55: {  	_ =	shalt  }
0x56: {  	_ =	shalt  }
0x57: {  	_ =	shalt  }
0x58: {  	_ =	shalt  }
0x59: {  	_ =	shalt  }
0x5a: {  	_ =	shalt  }
0x5b: {  	_ =	shalt  }
0x5c: {  	_ =	shalt  }
0x5d: {  	_ =	shalt  }
0x5e: {  	_ =	shalt  }
0x5f: {  	_ =	shalt  }
0x60: {  	_ =	shalt  }
0x61: {  	_ =	shalt  }
0x62: {  	_ =	shalt  }
0x63: {  	_ =	shalt  }
0x64: {  	_ =	shalt  }
0x65: {  	_ =	shalt  }
0x66: {  	_ =	shalt  }
0x67: {  	_ =	shalt  }
0x68: {  	_ =	shalt  }
0x69: {  	_ =	shalt  }
0x6a: {  	_ =	shalt  }
0x6b: {  	_ =	shalt  }
0x6c: {  	_ =	shalt  }
0x6d: {  	_ =	shalt  }
0x6e: {  	_ =	shalt  }
0x6f: {  	_ =	shalt  }
0x70: {  	_ =	shalt  }
0x71: {  	_ =	shalt  }
0x72: {  	_ =	shalt  }
0x73: {  	_ =	shalt  }
0x74: {  	_ =	shalt  }
0x75: {  	_ =	shalt  }
0x76: {  	_ =	shalt  }
0x77: {  	_ =	shalt  }
0x78: {  	_ =	shalt  }
0x79: {  	_ =	shalt  }
0x7a: {  	_ =	shalt  }
0x7b: {  	_ =	shalt  }
0x7c: {  	_ =	shalt  }
0x7d: {  	_ =	shalt  }
0x7e: {  	_ =	shalt  }
0x7f: {  	_ =	shalt  }
0x80: {  	_ =	shalt  }
0x81: {  	_ =	shalt  }
0x82: {  	_ =	shalt  }
0x83: {  	_ =	shalt  }
0x84: {  	_ =	shalt  }
0x85: {  	_ =	shalt  }
0x86: {  	_ =	shalt  }
0x87: {  	_ =	shalt  }
.Lfunc_end0:
.L_simem_size_0:
called_computation.1_lowered:
.L_overlay_start_0:
0x88: {  	s2 =	sld [smem:$0x3FD9]  }
0x89: {  	s3 =	sld [smem:$0x3FFE];
	_ =	sdelay $0x1  }
0x8a: {  	s1 =	srdreg.scid  }
0x8b: {  	s0 =	sand.u32 $0x1, s1  }
0x8c: {  	s14 =	sshll.u32 s0, $0xA;
	s2 =	sadd.s32 s3, s2  }
0x8d: {  	s2 =	sadd.s32 s2, s14  }
0x8e: {  	[smem:$0x3FC2] =	sst s2  }
0x8f: {  	_ = 	snop  }
0x90: {  	s2 =	sld [smem:$0x3FD0];
	_ =	sdelay $0x2  }
0x91: {  	s15 =	simm.s32 $0xA;
	s4 =	simm.s32 $0x10  }
0x92: {  	[smem:s4], [sflag:s15] =	dma.local [hbm:s2], $0x1  }
0x93: {  	_ =	swait.eq [sflag:s15], $0x1  }
0x94: {  	[sflag:s15] =	ssyncset.done $0x0  }
0x95: {  	[sflag:s15] =	ssyncadd.s32 $0xFFFFFFFF  }
0x96: {  	s16 =	sld [smem:$0x11];
	(tm) =	ssettm $0x1  }
0x97: {  	s17 =	sld [smem:$0x3FFB];
	_ =	sdelay $0x3  }
0x98: {  	_ =	strace s17  }
0x99: {  	s3 =	sld [smem:$0x3FFC];
	_ =	sdelay $0x3  }
0x9a: {  	_ =	strace s3  }
0x9b: {  	s3 =	sld [smem:$0x3FFD];
	_ =	sdelay $0x3  }
0x9c: {  	_ =	strace s3  }
0x9d: {  	_ =	strace $0x8FFFFFFF  }
0x9e: {  	s18 =	sld [smem:$0x3FDB];
	_ =	sdelay $0x1  }
0x9f: {  	s19 =	simm.s32 $_scs_section_size  }
0xa0: {  	s5 =	simm.s32 $_size__tile_overlayer_lowered;
	s6 =	simm.s32 $_tile_overlayer_lowered  }
0xa1: {  	s22 =	simm.s32 $0x1BFF;
	s21 =	sshll.u32 s6, $0x1;
	s3 =	sadd.s32 s19, s18  }
0xa2: {  	s7 =	simm.s32 $0x0;
	s20 =	sshll.u32 s5, $0x1;
	s5 =	sadd.s32 s21, s3  }
0xa3: {  	[timem:s7], [sflag:s22] =	dma.local [hbm:s5], s20  }
0xa4: {  	_ =	swait.ge [sflag:s22], s20  }
0xa5: {  	s4 =	ssub.s32 $0x0, s20;
	[sflag:s22] =	ssyncset.done $0x0  }
0xa6: {  	[sflag:s22] =	ssyncadd.s32 s4;
	_ =	sdelay $0x1  }
0xa7: {  	s23 =	simm.s32 $0x1B8B  }
0xa8: {  	_ =	swait.ge [sflag:s23], $0x1  }
0xa9: {  	[sflag:s23] =	ssyncset.done $0x0  }
0xaa: {  	s25 =	simm.s32 $0x1B8E;
	s24 =	sld [smem:$0x3FFE];
	[sflag:s23] =	ssyncadd.s32 $0xFFFFFFFF  }
0xab: {  	s26 =	simm.s32 $execute0_lowered;
	[smem:$0x3FD2] =	sst s25  }
0xac: {  	s5 =	sshll.u32 s26, $0x1;
	_ =	strace $0x80000049;
	[dreg:$0x1] =	wrdreg $0xFFFFFFFF  }
0xad: {  	s28 =	simm.s32 $_size_execute0_lowered;
	s3 =	sadd.s32 s3, s5;
	[dreg:$0x0] =	wrdreg $0x0  }
0xae: {  	s5 =	sshll.u32 s28, $0x1;
	[dreg:$0x2] =	wrdreg s3  }
0xaf: {  	[dreg:$0x3] =	wrdreg s5  }
0xb0: {  	[dreg:$0x4] =	wrdreg $0xC0  }
0xb1: {  	_ =	task [dreg:s7], $0x5FFFF  }
0xb2: {  	[dreg:$0x1] =	wrdreg $0xFFFFFFFF  }
0xb3: {  	[dreg:$0x0] =	wrdreg $0x60  }
0xb4: {  	[dreg:$0x2] =	wrdreg s16  }
0xb5: {  	[dreg:$0x3] =	wrdreg s24  }
0xb6: {  	[dreg:$0x4] =	wrdreg $0xA4000  }
0xb7: {  	[dreg:$0x5] =	wrdreg $0x9  }
0xb8: {  	_ =	task.clear_ibuf [dreg:s7], $0x6FFFF;
	_ =	strace $0x90000049  }
0xb9: {  	s29 =	simm.s32 $0x9;
	_ =	strace $0x8000004B  }
0xba: {  	_ =	swait.ge [sflag:s29], $0x1  }
0xbb: {  	[sflag:s29] =	ssyncadd.s32 $0xFFFFFFFF  }
0xbc: {  	_ =	strace $0x9000004B  }
0xbd: {  	_ =	sfence  }
0xbe: {  	s30 =	sld [smem:$0x0];
	_ =	sdelay $0x2  }
0xbf: {  	s31 =	sshll.u32 s1, $0xD;
	s1 =	sshrl.u32 s1, $0x2  }
0xc0: {  	s3 =	sand.u32 $0x4000, s31;
	s1 =	sadd.s32 s1, s30  }
0xc1: {  	s0 =	sor.u32 s3, s0;
	s1 =	sshll.u32 s1, $0x11  }
0xc2: {  	s0 =	sor.u32 s1, s0  }
0xc3: {  	s0 =	sadd.s32 $0x8F2B, s0  }
0xc4: {  	[sflag:s0] =	ssyncadd.remote.s32 $0x1  }
0xc5: {  	_ =	sfence.sel $0xFFFF  }
0xc6: {  	[dreg:$0x0] =	wrdreg $0xFFFFFFFF;
	(pc) =	sbr.abs _section_cstart, $3  }
0xc7: {  	[dreg:$0x1] =	wrdreg $0xFFFFFFFF  }
0xc8: {  	_ =	task.clear_ibuf [dreg:s7], $0x2FFFF;
	_ =	strace $0x9FFFFFFF  }
0xc9: {  	(tm) =	ssettm $0x7FFFFFFF  }
tec
execute0_lowered:
.L_overlay_start_1:
0x0: {  	(tag) =	ssettag $0x1  }
0x1: {  	s1 =	rddreg [dreg:$0x0]  }
0x2: {  	s0 =	rddreg [dreg:$0x1]  }
0x3: {  	s2 =	rddreg [dreg:$0x2]  }
0x4: {  	s4 =	simm.s32 $0x0;
	s3 =	srdreg.scid;
	s17 =	stileid.u32  }
0x5: {  	s31 =	simm.s32 $0x5400;
	[smem:$0x7FF] =	sst s4;
	s7 =	smul.u32 $0x50000, s17  }
0x6: {  	s3 =	sand.u32 $0x1, s3;
	s5 =	sadd.s32 $0x2200, s0;
	s9 =	smul.u32 $0x14000, s17  }
0x7: {  	s10 =	sadd.s32 $0x16400, s0;
	_ =	strace $0x8000004A;
	s6 =	ssub.s32 $0x2, s3  }
0x8: {  	s24 =	smul.u32 $0x140000, s3;
	s3 =	sshll.u32 s3, $0x4;
	s8 =	sshrl.u32 s6, $0x1  }
0x9: {  	s11 =	sor.u32 $0x2800, s9;
	s12 =	sadd.s32 $0x5000, s9;
	s13 =	sadd.s32 $0x7800, s9  }
0xa: {  	s21 =	sadd.s32 $0xA000, s9;
	s22 =	sadd.s32 $0xC800, s9;
	s23 =	sadd.s32 $0xF000, s9  }
0xb: {  	s20 =	sor.u32 s17, s3;
	s3 =	simm.s32 $0x7C00;
	s6 =	ssub.s32 s6, s8  }
0xc: {  	s14 =	sadd.s32 s9, s24;
	s15 =	sadd.s32 s24, s11;
	s9 =	sadd.s32 $0x11800, s9  }
0xd: {  	s26 =	sadd.s32 s24, s12;
	s28 =	sadd.s32 s24, s13;
	s16 =	sadd.s32 s24, s21  }
0xe: {  	s18 =	sadd.s32 s24, s23;
	s17 =	sadd.s32 s11, s2;
	s21 =	sadd.s32 s21, s2  }
0xf: {  	s23 =	sadd.s32 s23, s2;
	s11 =	simm.s32 $0x3;
	s14 =	sshrl.u32 s14, $0x3  }
0x10: {  	s25 =	sshrl.u32 s15, $0x3;
	s15 =	sshrl.u32 s28, $0x3;
	s8 =	sadd.s32 s24, s9  }
0x11: {  	s30 =	smax.u32 s6, $0x1;
	s6 =	simm.s32 $0x1;
	s14 =	sadd.s32 s10, s14  }
0x12: {  	s29 =	sadd.s32 s10, s15;
	s15 =	sshrl.u32 s16, $0x3;
	s16 =	sadd.s32 s24, s22  }
0x13: {  	s8 =	sshrl.u32 s8, $0x3;
	s24 =	sshrl.u32 s7, $0x2;
	[dreg:$0x4] =	wrdreg s14  }
0x14: {  	s22 =	sadd.s32 s22, s2;
	s14 =	sadd.s32 s10, s25;
	[dreg:$0x7] =	wrdreg s29  }
0x15: {  	s8 =	sadd.s32 s10, s8;
	[dreg:$0x5] =	wrdreg s14;
	s14 =	sshrl.u32 s26, $0x3  }
0x16: {  	s7 =	simm.s32 $0x50;
	[dreg:$0xb] =	wrdreg s8;
	s14 =	sadd.s32 s10, s14  }
0x17: {  	s8 =	simm.s32 $0x400;
	[dreg:$0x6] =	wrdreg s14;
	s14 =	sadd.s32 s10, s15  }
0x18: {  	s15 =	sshrl.u32 s18, $0x3;
	s18 =	smul.u32 $0x2710, s20;
	s20 =	sadd.s32 s13, s2  }
0x19: {  	s13 =	simm.s32 $0x0;
	[dreg:$0x8] =	wrdreg s14;
	s14 =	sshrl.u32 s16, $0x3  }
0x1a: {  	s19 =	sadd.s32 s10, s15;
	s15 =	sadd.s32 $0x15E00, s0;
	s16 =	sadd.s32 s24, s2  }
0x1b: {  	s24 =	sadd.s32 s9, s2;
	s9 =	simm.s32 $0x4;
	s14 =	sadd.s32 s10, s14  }
0x1c: {  	[dreg:$0x9] =	wrdreg s14;
	s14 =	sadd.s32 $0xC000, s0;
	s0 =	sshrl.u32 s18, $0x3  }
.Ltmp0:
0x1d: {  	[dreg:$0xa] =	wrdreg s19;
	s25 =	sadd.s32 s5, s0;
	(pc) =	sbr.rel .LBB2_1-.Ltmp0, $4  }
0x1e: {  	s26 =	sadd.s32 $0xA, s0;
	s0 =	sadd.s32 s14, s0;
	[dreg:$0xc] =	wrdreg s25  }
0x1f: {  	s19 =	sadd.s32 s12, s2;
	[dreg:$0xd] =	wrdreg s0;
	s28 =	sadd.s32 s5, s26  }
0x20: {  	s10 =	simm.s32 $0x2;
	s29 =	sadd.s32 s14, s26;
	[dreg:$0xe] =	wrdreg s28  }
0x21: {  	s12 =	simm.s32 $0x2C00;
	s0 =	simm.s32 $0x5;
	[dreg:$0xf] =	wrdreg s29  }
.LBB2_7:
0x22: {  	_ =	swait.ge [sflag:s11], $0x2800  }
0x23: {  	[sflag:s11] =	ssyncset.done $0x0  }
0x24: {  	[sflag:s11] =	ssyncadd.s32 $0xFFFFD800  }
0x25: {  	_ =	swait.ge [sflag:s11], $0x2800  }
0x26: {  	[sflag:s11] =	ssyncset.done $0x0  }
0x27: {  	[sflag:s11] =	ssyncadd.s32 $0xFFFFD800  }
0x28: {  	[bflag:$0x0] =	sbarrier.arrive $0xFFFF  }
0x29: {  	[tilespmem:s8], [sflag:$0x5] =	stream.linear.gather [spmem:s16], $0x2800, $0x38;
	[tilespmem:$0x1E400] =	vst v63  }
0x2a: {  	_ =	swait.ge [sflag:s0], $0x2800  }
0x2b: {  	[sflag:s0] =	ssyncset.done $0x0  }
0x2c: {  	s25 =	rddreg [dreg:$0x4];
	[sflag:s0] =	ssyncadd.s32 $0xFFFFD800  }
0x2d: {  	[hbm4b:s25+s4] =	stream.linear.scatter [tilespmem:s8], [sflag:$0x4], $0x2800, $0x38;
	[tilespmem:$0x1E400] =	vst v63  }
0x2e: {  	_ = 	snop  }
0x2f: {  	[tilespmem:s12], [sflag:$0x5] =	stream.linear.gather [spmem:s17], $0x2800, $0x38;
	[tilespmem:$0x1E400] =	vst v63  }
0x30: {  	_ =	swait.ge [sflag:s0], $0x2800  }
0x31: {  	[sflag:s0] =	ssyncset.done $0x0  }
0x32: {  	s29 =	rddreg [dreg:$0x5];
	[sflag:s0] =	ssyncadd.s32 $0xFFFFD800  }
0x33: {  	[hbm4b:s29+s4] =	stream.linear.scatter [tilespmem:s12], [sflag:$0x4], $0x2800, $0x38;
	[tilespmem:$0x1E400] =	vst v63  }
0x34: {  	_ = 	snop  }
0x35: {  	[tilespmem:s31], [sflag:$0x5] =	stream.linear.gather [spmem:s19], $0x2800, $0x38;
	[tilespmem:$0x1E400] =	vst v63  }
0x36: {  	_ =	swait.ge [sflag:s0], $0x2800  }
0x37: {  	[sflag:s0] =	ssyncset.done $0x0  }
0x38: {  	s26 =	rddreg [dreg:$0x6];
	[sflag:s0] =	ssyncadd.s32 $0xFFFFD800  }
0x39: {  	[hbm4b:s26+s4] =	stream.linear.scatter [tilespmem:s31], [sflag:$0x4], $0x2800, $0x38;
	[tilespmem:$0x1E400] =	vst v63  }
0x3a: {  	_ = 	snop  }
0x3b: {  	[tilespmem:s3], [sflag:$0x5] =	stream.linear.gather [spmem:s20], $0x2800, $0x38;
	[tilespmem:$0x1E400] =	vst v63  }
0x3c: {  	_ =	swait.ge [sflag:s0], $0x2800  }
0x3d: {  	[sflag:s0] =	ssyncset.done $0x0  }
0x3e: {  	s28 =	rddreg [dreg:$0x7];
	[sflag:s0] =	ssyncadd.s32 $0xFFFFD800  }
0x3f: {  	[hbm4b:s28+s4] =	stream.linear.scatter [tilespmem:s3], [sflag:$0x4], $0x2800, $0x38;
	[tilespmem:$0x1E400] =	vst v63  }
0x40: {  	_ =	swait.ge [sflag:s9], $0x2800  }
0x41: {  	[sflag:s9] =	ssyncset.done $0x0  }
0x42: {  	[sflag:s9] =	ssyncadd.s32 $0xFFFFD800  }
0x43: {  	[tilespmem:s8], [sflag:$0x5] =	stream.linear.gather [spmem:s21], $0x2800, $0x38;
	[tilespmem:$0x1E400] =	vst v63  }
0x44: {  	_ =	swait.ge [sflag:s0], $0x2800  }
0x45: {  	[sflag:s0] =	ssyncset.done $0x0  }
0x46: {  	s29 =	rddreg [dreg:$0x8];
	[sflag:s0] =	ssyncadd.s32 $0xFFFFD800  }
0x47: {  	[hbm4b:s29+s4] =	stream.linear.scatter [tilespmem:s8], [sflag:$0x4], $0x2800, $0x38;
	[tilespmem:$0x1E400] =	vst v63  }
0x48: {  	_ =	swait.ge [sflag:s9], $0x2800  }
0x49: {  	[sflag:s9] =	ssyncset.done $0x0  }
0x4a: {  	[sflag:s9] =	ssyncadd.s32 $0xFFFFD800  }
0x4b: {  	[tilespmem:s12], [sflag:$0x5] =	stream.linear.gather [spmem:s22], $0x2800, $0x38;
	[tilespmem:$0x1E400] =	vst v63  }
0x4c: {  	_ =	swait.ge [sflag:s0], $0x2800  }
0x4d: {  	[sflag:s0] =	ssyncset.done $0x0  }
0x4e: {  	s26 =	rddreg [dreg:$0x9];
	[sflag:s0] =	ssyncadd.s32 $0xFFFFD800  }
0x4f: {  	[hbm4b:s26+s4] =	stream.linear.scatter [tilespmem:s12], [sflag:$0x4], $0x2800, $0x38;
	[tilespmem:$0x1E400] =	vst v63  }
0x50: {  	_ =	swait.ge [sflag:s9], $0x2800  }
0x51: {  	[sflag:s9] =	ssyncset.done $0x0  }
0x52: {  	[sflag:s9] =	ssyncadd.s32 $0xFFFFD800  }
0x53: {  	[tilespmem:s31], [sflag:$0x5] =	stream.linear.gather [spmem:s23], $0x2800, $0x38;
	[tilespmem:$0x1E400] =	vst v63  }
0x54: {  	_ =	swait.ge [sflag:s0], $0x2800  }
0x55: {  	[sflag:s0] =	ssyncset.done $0x0  }
0x56: {  	s28 =	rddreg [dreg:$0xa];
	[sflag:s0] =	ssyncadd.s32 $0xFFFFD800  }
0x57: {  	[hbm4b:s28+s4] =	stream.linear.scatter [tilespmem:s31], [sflag:$0x4], $0x2800, $0x38;
	[tilespmem:$0x1E400] =	vst v63  }
0x58: {  	_ =	swait.ge [sflag:s9], $0x2800  }
0x59: {  	[sflag:s9] =	ssyncset.done $0x0  }
0x5a: {  	[sflag:s9] =	ssyncadd.s32 $0xFFFFD800  }
0x5b: {  	[tilespmem:s3], [sflag:$0x5] =	stream.linear.gather [spmem:s24], $0x2800, $0x38;
	[tilespmem:$0x1E400] =	vst v63  }
0x5c: {  	_ =	swait.ge [sflag:s0], $0x2800  }
0x5d: {  	[sflag:s0] =	ssyncset.done $0x0  }
0x5e: {  	s29 =	rddreg [dreg:$0xb];
	[sflag:s0] =	ssyncadd.s32 $0xFFFFD800  }
0x5f: {  	[hbm4b:s29+s4] =	stream.linear.scatter [tilespmem:s3], [sflag:$0x4], $0x2800, $0x38;
	[tilespmem:$0x1E400] =	vst v63  }
0x60: {  	_ =	swait.ge [sflag:s9], $0x2800  }
0x61: {  	[sflag:s9] =	ssyncset.done $0x0  }
0x62: {  	[sflag:s9] =	ssyncadd.s32 $0xFFFFD800  }
0x63: {  	_ =	swait.ge [sflag:s9], $0x2800  }
0x64: {  	[sflag:s9] =	ssyncset.done $0x0  }
0x65: {  	s13 =	sadd.s32 $0x1, s13;
	[sflag:s9] =	ssyncadd.s32 $0xFFFFD800  }
0x66: {  	p0 =	sne.s32 s13, s30;
	_ =	swait.ge [sflag:s9], $0x2800  }
.Ltmp1:
0x67: {  	[sflag:s9] =	ssyncset.done $0x0;
	(pc) =	sbr.rel @!p0 .LBB2_8-.Ltmp1, $4  }
0x68: {  	[sflag:s9] =	ssyncadd.s32 $0xFFFFD800  }
0x69: {  	_ =	swait.ge [sflag:s9], $0x2800  }
0x6a: {  	[sflag:s9] =	ssyncset.done $0x0  }
0x6b: {  	[sflag:s9] =	ssyncadd.s32 $0xFFFFD800  }
.LBB2_1:
0x6c: {  	[tilespmem:s31], [sflag:$0x5] =	stream.linear.gather [hbm4b:s15+s4], $0x2800, $0x38;
	[tilespmem:$0x1E400] =	vst v63  }
0x6d: {  	_ =	swait.ge [sflag:s0], $0x2800  }
0x6e: {  	[sflag:s0] =	ssyncset.done $0x0  }
0x6f: {  	[sflag:s0] =	ssyncadd.s32 $0xFFFFD800  }
0x70: {  	[tilespmem:s3], [sflag:$0x5] =	stream.linear.gather [hbm4b:s15+s4], $0x2800, $0x38;
	[tilespmem:$0x1E400] =	vst v63  }
0x71: {  	_ =	swait.ge [sflag:s0], $0x2800  }
0x72: {  	[sflag:s0] =	ssyncset.done $0x0  }
0x73: {  	[sflag:s0] =	ssyncadd.s32 $0xFFFFD800  }
0x74: {  	[spmem:s16] =	stream.linear.scatter [tilespmem:s31], [sflag:$0x4], $0x2800, $0x38;
	[tilespmem:$0x1E400] =	vst v63  }
0x75: {  	_ = 	snop  }
0x76: {  	[spmem:s17] =	stream.linear.scatter [tilespmem:s3], [sflag:$0x4], $0x2800, $0x38;
	[tilespmem:$0x1E400] =	vst v63  }
0x77: {  	_ = 	snop  }
0x78: {  	[spmem:s19] =	stream.linear.scatter [tilespmem:s31], [sflag:$0x4], $0x2800, $0x38;
	[tilespmem:$0x1E400] =	vst v63  }
0x79: {  	_ = 	snop  }
0x7a: {  	[spmem:s20] =	stream.linear.scatter [tilespmem:s3], [sflag:$0x4], $0x2800, $0x38;
	[tilespmem:$0x1E400] =	vst v63  }
0x7b: {  	_ = 	snop  }
0x7c: {  	[spmem:s21] =	stream.linear.scatter [tilespmem:s31], [sflag:$0x4], $0x2800, $0x38;
	[tilespmem:$0x1E400] =	vst v63  }
0x7d: {  	_ = 	snop  }
0x7e: {  	[spmem:s22] =	stream.linear.scatter [tilespmem:s3], [sflag:$0x4], $0x2800, $0x38;
	[tilespmem:$0x1E400] =	vst v63  }
0x7f: {  	_ = 	snop  }
0x80: {  	[spmem:s23] =	stream.linear.scatter [tilespmem:s31], [sflag:$0x4], $0x2800, $0x38;
	[tilespmem:$0x1E400] =	vst v63  }
0x81: {  	_ = 	snop  }
0x82: {  	[spmem:s24] =	stream.linear.scatter [tilespmem:s3], [sflag:$0x4], $0x2800, $0x38;
	[tilespmem:$0x1E400] =	vst v63  }
0x83: {  	s25 =	rddreg [dreg:$0xc]  }
0x84: {  	[tilespmem:s4], [sflag:$0x1] =	stream.linear.gather [hbm4b:s25+s4], $0x50, $0x38;
	[tilespmem:$0x1E400] =	vst v63  }
0x85: {  	s26 =	simm.s32 $0x200;
	s29 =	rddreg [dreg:$0xd]  }
0x86: {  	[tilespmem:s26], [sflag:$0x1] =	stream.linear.gather [hbm4b:s29+s4], $0x50, $0x38;
	[tilespmem:$0x1E400] =	vst v63  }
0x87: {  	s28 =	rddreg [dreg:$0xe];
	s29 =	simm.s32 $0x80  }
0x88: {  	[tilespmem:s29], [sflag:$0x1] =	stream.linear.gather [hbm4b:s28+s4], $0x50, $0x38;
	[tilespmem:$0x1E400] =	vst v63  }
0x89: {  	s28 =	rddreg [dreg:$0xf];
	s29 =	simm.s32 $0x280  }
0x8a: {  	[tilespmem:s29], [sflag:$0x1] =	stream.linear.gather [hbm4b:s28+s4], $0x50, $0x38;
	[tilespmem:$0x1E400] =	vst v63  }
0x8b: {  	_ =	swait.ge [sflag:s6], $0x50  }
0x8c: {  	[sflag:s6] =	ssyncset.done $0x0  }
0x8d: {  	[sflag:s6] =	ssyncadd.s32 $0xFFFFFFB0  }
0x8e: {  	_ =	swait.ge [sflag:s6], $0x50  }
0x8f: {  	[sflag:s6] =	ssyncset.done $0x0  }
0x90: {  	[sflag:s6] =	ssyncadd.s32 $0xFFFFFFB0  }
0x91: {  	[tilespmem:s8], [sflag:$0x2] =	stream.indirect.gather [hbm4b:s1+s7], $0x80, s4, s7, $0xb8;
	[tilespmem:$0x1E400] =	vst v63  }
0x92: {  	_ =	swait.ge [sflag:s9], $0x2800  }
0x93: {  	[sflag:s9] =	ssyncset.done $0x0  }
0x94: {  	[sflag:s9] =	ssyncadd.s32 $0xFFFFD800  }
0x95: {  	_ =	swait.ge [sflag:s9], $0x2800  }
0x96: {  	[sflag:s9] =	ssyncset.done $0x0  }
0x97: {  	[sflag:s9] =	ssyncadd.s32 $0xFFFFD800  }
0x98: {  	_ =	swait.ge [sflag:s9], $0x2800  }
0x99: {  	[sflag:s9] =	ssyncset.done $0x0  }
0x9a: {  	[sflag:s9] =	ssyncadd.s32 $0xFFFFD800  }
0x9b: {  	_ =	swait.ge [sflag:s9], $0x2800  }
0x9c: {  	[sflag:s9] =	ssyncset.done $0x0  }
0x9d: {  	[sflag:s9] =	ssyncadd.s32 $0xFFFFD800  }
0x9e: {  	_ =	swait.ge [sflag:s9], $0x2800  }
0x9f: {  	[sflag:s9] =	ssyncset.done $0x0  }
0xa0: {  	[sflag:s9] =	ssyncadd.s32 $0xFFFFD800  }
0xa1: {  	_ =	swait.ge [sflag:s9], $0x2800  }
0xa2: {  	[sflag:s9] =	ssyncset.done $0x0  }
0xa3: {  	[sflag:s9] =	ssyncadd.s32 $0xFFFFD800  }
0xa4: {  	_ =	swait.ge [sflag:s9], $0x2800  }
0xa5: {  	[sflag:s9] =	ssyncset.done $0x0  }
0xa6: {  	[sflag:s9] =	ssyncadd.s32 $0xFFFFD800  }
.Ltmp2:
0xa7: {  	_ =	swait.ge [sflag:s9], $0x2800;
	(pc) =	sbr.rel .LBB2_2-.Ltmp2, $4  }
0xa8: {  	[sflag:s9] =	ssyncset.done $0x0  }
0xa9: {  	[sflag:s9] =	ssyncadd.s32 $0xFFFFD800  }
0xaa: {  	[bflag:$0x0] =	sbarrier.arrive $0xFFFF  }
0xab: {  	s25 =	simm.s32 $0x0  }
.LBB2_3:
0xac: {  	s26 =	sadd.s32 $0x2, s25  }
0xad: {  	s28 =	smul.u32 $0x50, s26;
	_ =	sdelay $0x1  }
0xae: {  	s28 =	sadd.s32 s18, s28  }
0xaf: {  	s26 =	sshll.u32 s26, $0x7;
	s28 =	sshrl.u32 s28, $0x3  }
0xb0: {  	s26 =	sand.u32 $0x180, s26;
	s29 =	sadd.s32 s5, s28  }
0xb1: {  	[tilespmem:s26], [sflag:$0x1] =	stream.linear.gather [hbm4b:s29+s4], $0x50, $0x38;
	[tilespmem:$0x1E400] =	vst v63  }
0xb2: {  	s28 =	sadd.s32 s14, s28;
	s26 =	sor.u32 $0x200, s26  }
0xb3: {  	[tilespmem:s26], [sflag:$0x1] =	stream.linear.gather [hbm4b:s28+s4], $0x50, $0x38;
	[tilespmem:$0x1E400] =	vst v63  }
.LBB2_5:
0xb4: {  	s26 =	sadd.s32 $0x1, s25;
	_ =	swait.ge [sflag:s6], $0x50  }
0xb5: {  	s28 =	sand.u32 $0x3, s26;
	[sflag:s6] =	ssyncset.done $0x0  }
0xb6: {  	[sflag:s6] =	ssyncadd.s32 $0xFFFFFFB0;
	s29 =	smul.u32 $0xA000, s28  }
0xb7: {  	_ =	swait.ge [sflag:s6], $0x50  }
0xb8: {  	[sflag:s6] =	ssyncset.done $0x0;
	s29 =	sshrl.u32 s29, $0x2  }
0xb9: {  	s28 =	sshll.u32 s28, $0x7;
	[sflag:s6] =	ssyncadd.s32 $0xFFFFFFB0;
	s29 =	sor.u32 $0x400, s29  }
0xba: {  	[tilespmem:s29], [sflag:$0x2] =	stream.indirect.gather [hbm4b:s1+s7], $0x80, s28, s7, $0xb8;
	[tilespmem:$0x1E400] =	vst v63  }
.LBB2_6:
0xbb: {  	s25 =	sand.u32 $0x3, s25  }
0xbc: {  	p0 =	slt.u32 s26, $0x7D;
	s28 =	smul.u32 $0xA000, s25  }
.Ltmp3:
0xbd: {  	_ =	swait.ge [sflag:s10], $0x2800;
	(pc) =	sbr.rel @!p0 .LBB2_7-.Ltmp3, $4  }
0xbe: {  	[sflag:s10] =	ssyncset.done $0x0;
	s25 =	sshll.u32 s25, $0x7;
	s28 =	sshrl.u32 s28, $0x2  }
0xbf: {  	[sflag:s10] =	ssyncadd.s32 $0xFFFFD800;
	s25 =	sor.u32 $0x200, s25;
	s28 =	sor.u32 $0x400, s28  }
0xc0: {  	[spmem:s2] =	stream.indirect.scatter.add.f32 [tilespmem:s28], [sflag:$0x3], $0x80, s25, s7, $0xb8;
	[tilespmem:$0x1E400] =	vst v63  }
0xc1: {  	s25 =	smov.u32 s26  }
.LBB2_2:
0xc2: {  	p0 =	slt.u32 s25, $0x2  }
0xc3: {  	p1 =	sgt.u32 @!p0 s25, $0x7A  }
0xc4: {  	p1 =	por p0, !p1  }
.Ltmp4:
0xc5: {  	_ = 	snop;
	(pc) =	sbr.rel @p1 .LBB2_3-.Ltmp4, $4  }
0xc6: {  	s26 =	simm.s32 @!p0 $0x3  }
0xc7: {  	_ =	swait.ge @!p0 [sflag:s26], $0x2800  }
0xc8: {  	[sflag:s26] =	ssyncset.done @!p0 $0x0  }
0xc9: {  	[sflag:s26] =	ssyncadd.s32 @!p0 $0xFFFFD800  }
0xca: {  	p0 =	seq.s32 s25, $0x7C  }
.Ltmp5:
0xcb: {  	_ = 	snop;
	(pc) =	sbr.rel @p0 .LBB2_6-.Ltmp5, $4  }
.Ltmp6:
0xcc: {  	_ = 	snop;
	(pc) =	sbr.rel @!p0 .LBB2_5-.Ltmp6, $4  }
0xcd: {  	_ = 	snop  }
0xce: {  	_ = 	snop  }
0xcf: {  	s26 =	simm.s32 $0x7D  }
0xd0: {  	_ = 	snop  }
.LBB2_8:
0xd1: {  	_ =	sfence.sel $0x180000  }
0xd2: {  	[bflag:$0x0] =	sbarrier.arrive $0xFFFF  }
0xd3: {  	_ =	strace $0x9000004A  }
0xd4: {  	s0 =	stileid.u32;
	[bflag:$0x2] =	sbarrier.arrive $0xFFFF  }
0xd5: {  	p0 =	sne.s32 s0, $0x0;
	s0 =	rddreg [dreg:$0x3]  }
0xd6: {  	s0 =	sadd.s32 @!p0 $0x100000, s0  }
0xd7: {  	[sflag:s0] =	ssyncadd.tile.s32 @!p0 $0x1;
	_ =	shalt  }
.Lfunc_end2:
_tile_overlayer_lowered:
.L_overlay_start_2:
0xd8: {  	(tag) =	ssettag $0x2  }
0xd9: {  	s0 =	rddreg [dreg:$0x0];
	s2 =	stileid.u32  }
0xda: {  	s1 =	rddreg [dreg:$0x1];
	p0 =	sne.s32 s2, $0x0  }
0xdb: {  	s3 =	rddreg [dreg:$0x2];
	[bflag:$0x3] =	sbarrier.arrive $0xFFFF;
	s2 =	simm.s32 @!p0 $0x1C05  }
0xdc: {  	[timem:s3], [sflag:s2] =	dma.local @!p0 [hbm:s0], s1  }
0xdd: {  	s0 =	simm.s32 @!p0 $0x5  }
0xde: {  	_ =	swait.ge @!p0 [sflag:s0], s1  }
0xdf: {  	s1 =	ssub.s32 @!p0 $0x0, s1;
	[sflag:s0] =	ssyncset.done @!p0 $0x0  }
0xe0: {  	[sflag:s0] =	ssyncadd.s32 @!p0 s1  }
0xe1: {  	[bflag:$0x3] =	sbarrier.arrive $0xFFFF  }
0xe2: {  	_ =	shalt  }

// kernel: kernel.14.cloned.1.call-start
scs
__scs_entry_jumppad:
0x0: {  	(pc) =	sbr.rel $0x88, $3  }
0x1: {  	(tag) =	ssettag $0x0;
	lr =	simm.s32 $0x1  }
0x2: {  	[smem:$0x3F9B] =	sst lr;
	_ =	strace $0xD0000000  }
0x3: {  	_ = 	snop  }
0x4: {  	_ = 	snop  }
0x5: {  	_ = 	snop  }
0x6: {  	_ = 	snop  }
0x7: {  	_ = 	snop  }
__scs_overlays_trampoline_lowered:
0x8: {  	[smem:$0x3FAA] =	sst s0  }
0x9: {  	[smem:$0x3FAB] =	sst s1  }
0xa: {  	[smem:$0x3FAC] =	sst s2  }
0xb: {  	[smem:$0x3FAD] =	sst s3  }
0xc: {  	[smem:$0x3FAE] =	sst s4  }
0xd: {  	[smem:$0x3FAF] =	sst s5  }
0xe: {  	[smem:$0x3FB0] =	sst s6  }
0xf: {  	[smem:$0x3FB1] =	sst s7  }
0x10: {  	[smem:$0x3FB2] =	sst s8  }
0x11: {  	[smem:$0x3FB3] =	sst s9;
	s0 =	simm.s32 @!p0 $0x0  }
0x12: {  	s1 =	sld [smem:$0x3F99];
	s0 =	simm.s32 @p0 $0x1  }
0x13: {  	[smem:$0x3FB4] =	sst s0;
	s0 =	simm.s32 @!p1 $0x0  }
0x14: {  	s2 =	sld [smem:$0x3F98];
	s0 =	simm.s32 @p1 $0x1  }
0x15: {  	[smem:$0x3FB5] =	sst s0;
	s0 =	simm.s32 @!p2 $0x0  }
0x16: {  	s3 =	sld [smem:$0x3FDB];
	s0 =	simm.s32 @p2 $0x1  }
0x17: {  	s4 =	simm.s32 $0x1BF5;
	[smem:$0x3FB7] =	sst s0  }
0x18: {  	s0 =	sld [smem:$0x3F9A];
	_ =	swait.ge [sflag:s4], $0x0  }
0x19: {  	s7 =	sld [smem:$0x3F9B]  }
0x1a: {  	s8 =	sadd.s32 $0xFFFFE003, lr  }
0x1b: {  	s9 =	sadd.s32 $0xFFFFFEF7, lr;
	s5 =	simm.s32 $0xFFFFFFFF;
	p2 =	slt.u32 s8, $0xFFFFF086  }
0x1c: {  	p1 =	slt.u32 s9, $0xF7A;
	s5 =	simm.s32 @!p2 $0x0  }
0x1d: {  	s5 =	simm.s32 @p1 $0x1;
	p0 =	seq.s32 s7, s2  }
0x1e: {  	s7 =	smul.u32 @!p0 $0xF7A, s2;
	p2 =	seq.s32 @!p0 s5, $0x0  }
0x1f: {  	s9 =	smul.u32 $0xF7A, s1;
	s8 =	simm.s32 @!p0 $0x1BF5;
	p2 =	por !p2, p0  }
0x20: {  	[sflag:s8] =	ssyncset.s32 @!p0 $0xFFFFF086;
	s6 =	sadd.s32 @!p0 s3, s7;
	s7 =	simm.s32 @!p0 $0x108  }
0x21: {  	s3 =	sadd.s32 s3, s9;
	s6 =	sadd.s32 @!p0 $0x88, s6;
	s7 =	simm.s32 @p2 $0x1082  }
0x22: {  	[simem:s7], [sflag:s8] =	dma.local @!p0 [hbm:s6], $0xF7A  }
0x23: {  	s9 =	sor.u32 $0xD0000000, s2;
	s6 =	simm.s32 $0x108;
	_ =	swait.ge @!p0 [sflag:s8], $0x0  }
0x24: {  	s3 =	sadd.s32 $0x88, s3;
	s6 =	simm.s32 @!p1 $0x1082;
	[sflag:s4] =	ssyncset.s32 $0xFFFFF086  }
0x25: {  	[simem:s6], [sflag:s4] =	dma.local [hbm:s3], $0xF7A  }
0x26: {  	[smem:$0x3F9B] =	sst s1;
	(tag) =	ssettag s2;
	_ =	strace s9  }
0x27: {  	s1 =	sld [smem:$0x3FAB]  }
0x28: {  	s2 =	sld [smem:$0x3FAC]  }
0x29: {  	s4 =	sld [smem:$0x3FAE]  }
0x2a: {  	p0 =	seq.s32 s5, $0x0;
	s5 =	sld [smem:$0x3FAF]  }
0x2b: {  	s6 =	sld [smem:$0x3FB0]  }
0x2c: {  	s7 =	sld [smem:$0x3FB1]  }
0x2d: {  	s3 =	simm.s32 $0x108;
	s8 =	sld [smem:$0x3FB2]  }
0x2e: {  	s3 =	simm.s32 @!p0 $0x1082;
	s9 =	sld [smem:$0x3FB3]  }
0x2f: {  	lr =	sadd.s32 s0, s3;
	s0 =	sld [smem:$0x3FAA]  }
0x30: {  	s3 =	sld [smem:$0x3FAD]  }
0x31: {  	[smem:$0x3FB6] =	sst s10  }
0x32: {  	s10 =	sld [smem:$0x3FB4];
	_ =	sdelay $0x3  }
0x33: {  	p0 =	seq.s32 s10, $0x1;
	s10 =	sld [smem:$0x3FB6];
	_ =	sdelay $0x3  }
0x34: {  	[smem:$0x3FB6] =	sst s10  }
0x35: {  	s10 =	sld [smem:$0x3FB5];
	_ =	sdelay $0x3  }
0x36: {  	p1 =	seq.s32 s10, $0x1;
	s10 =	sld [smem:$0x3FB6];
	_ =	sdelay $0x3  }
0x37: {  	[smem:$0x3FB6] =	sst s10  }
0x38: {  	s10 =	sld [smem:$0x3FB7]  }
0x39: {  	_ = 	snop;
	(pc) =	sbr.ind lr, $3  }
0x3a: {  	_ = 	snop  }
0x3b: {  	_ = 	snop  }
0x3c: {  	p2 =	seq.s32 s10, $0x1;
	s10 =	sld [smem:$0x3FB6]  }
0x3d: {  	_ =	shalt  }
0x3e: {  	_ =	shalt  }
0x3f: {  	_ =	shalt  }
0x40: {  	_ =	shalt  }
0x41: {  	_ =	shalt  }
0x42: {  	_ =	shalt  }
0x43: {  	_ =	shalt  }
0x44: {  	_ =	shalt  }
0x45: {  	_ =	shalt  }
0x46: {  	_ =	shalt  }
0x47: {  	_ =	shalt  }
0x48: {  	_ =	shalt  }
0x49: {  	_ =	shalt  }
0x4a: {  	_ =	shalt  }
0x4b: {  	_ =	shalt  }
0x4c: {  	_ =	shalt  }
0x4d: {  	_ =	shalt  }
0x4e: {  	_ =	shalt  }
0x4f: {  	_ =	shalt  }
0x50: {  	_ =	shalt  }
0x51: {  	_ =	shalt  }
0x52: {  	_ =	shalt  }
0x53: {  	_ =	shalt  }
0x54: {  	_ =	shalt  }
0x55: {  	_ =	shalt  }
0x56: {  	_ =	shalt  }
0x57: {  	_ =	shalt  }
0x58: {  	_ =	shalt  }
0x59: {  	_ =	shalt  }
0x5a: {  	_ =	shalt  }
0x5b: {  	_ =	shalt  }
0x5c: {  	_ =	shalt  }
0x5d: {  	_ =	shalt  }
0x5e: {  	_ =	shalt  }
0x5f: {  	_ =	shalt  }
0x60: {  	_ =	shalt  }
0x61: {  	_ =	shalt  }
0x62: {  	_ =	shalt  }
0x63: {  	_ =	shalt  }
0x64: {  	_ =	shalt  }
0x65: {  	_ =	shalt  }
0x66: {  	_ =	shalt  }
0x67: {  	_ =	shalt  }
0x68: {  	_ =	shalt  }
0x69: {  	_ =	shalt  }
0x6a: {  	_ =	shalt  }
0x6b: {  	_ =	shalt  }
0x6c: {  	_ =	shalt  }
0x6d: {  	_ =	shalt  }
0x6e: {  	_ =	shalt  }
0x6f: {  	_ =	shalt  }
0x70: {  	_ =	shalt  }
0x71: {  	_ =	shalt  }
0x72: {  	_ =	shalt  }
0x73: {  	_ =	shalt  }
0x74: {  	_ =	shalt  }
0x75: {  	_ =	shalt  }
0x76: {  	_ =	shalt  }
0x77: {  	_ =	shalt  }
0x78: {  	_ =	shalt  }
0x79: {  	_ =	shalt  }
0x7a: {  	_ =	shalt  }
0x7b: {  	_ =	shalt  }
0x7c: {  	_ =	shalt  }
0x7d: {  	_ =	shalt  }
0x7e: {  	_ =	shalt  }
0x7f: {  	_ =	shalt  }
0x80: {  	_ =	shalt  }
0x81: {  	_ =	shalt  }
0x82: {  	_ =	shalt  }
0x83: {  	_ =	shalt  }
0x84: {  	_ =	shalt  }
0x85: {  	_ =	shalt  }
0x86: {  	_ =	shalt  }
0x87: {  	_ =	shalt  }
.Lfunc_end0:
.L_simem_size_0:
called_computation.2_lowered:
.L_overlay_start_0:
0x88: {  	s2 =	sld [smem:$0x3FD9]  }
0x89: {  	s3 =	sld [smem:$0x3FFE];
	_ =	sdelay $0x1  }
0x8a: {  	s1 =	srdreg.scid  }
0x8b: {  	s0 =	sand.u32 $0x1, s1  }
0x8c: {  	s14 =	sshll.u32 s0, $0xA;
	s2 =	sadd.s32 s3, s2  }
0x8d: {  	s2 =	sadd.s32 s2, s14  }
0x8e: {  	[smem:$0x3FC2] =	sst s2  }
0x8f: {  	_ = 	snop  }
0x90: {  	s2 =	sld [smem:$0x3FD0];
	_ =	sdelay $0x2  }
0x91: {  	s15 =	simm.s32 $0xA;
	s4 =	simm.s32 $0x10  }
0x92: {  	[smem:s4], [sflag:s15] =	dma.local [hbm:s2], $0x1  }
0x93: {  	_ =	swait.eq [sflag:s15], $0x1  }
0x94: {  	[sflag:s15] =	ssyncset.done $0x0  }
0x95: {  	[sflag:s15] =	ssyncadd.s32 $0xFFFFFFFF  }
0x96: {  	s16 =	sld [smem:$0x11];
	(tm) =	ssettm $0x1  }
0x97: {  	s17 =	sld [smem:$0x3FFB];
	_ =	sdelay $0x3  }
0x98: {  	_ =	strace s17  }
0x99: {  	s3 =	sld [smem:$0x3FFC];
	_ =	sdelay $0x3  }
0x9a: {  	_ =	strace s3  }
0x9b: {  	s3 =	sld [smem:$0x3FFD];
	_ =	sdelay $0x3  }
0x9c: {  	_ =	strace s3  }
0x9d: {  	_ =	strace $0x8FFFFFFF  }
0x9e: {  	s18 =	sld [smem:$0x3FDB];
	_ =	sdelay $0x1  }
0x9f: {  	s19 =	simm.s32 $_scs_section_size  }
0xa0: {  	s5 =	simm.s32 $_size__tile_overlayer_lowered;
	s6 =	simm.s32 $_tile_overlayer_lowered  }
0xa1: {  	s22 =	simm.s32 $0x1BFF;
	s21 =	sshll.u32 s6, $0x1;
	s3 =	sadd.s32 s19, s18  }
0xa2: {  	s7 =	simm.s32 $0x0;
	s20 =	sshll.u32 s5, $0x1;
	s5 =	sadd.s32 s21, s3  }
0xa3: {  	[timem:s7], [sflag:s22] =	dma.local [hbm:s5], s20  }
0xa4: {  	_ =	swait.ge [sflag:s22], s20  }
0xa5: {  	s4 =	ssub.s32 $0x0, s20;
	[sflag:s22] =	ssyncset.done $0x0  }
0xa6: {  	[sflag:s22] =	ssyncadd.s32 s4;
	_ =	sdelay $0x1  }
0xa7: {  	s23 =	simm.s32 $0x1B8B  }
0xa8: {  	_ =	swait.ge [sflag:s23], $0x1  }
0xa9: {  	[sflag:s23] =	ssyncset.done $0x0  }
0xaa: {  	s25 =	simm.s32 $0x1B8E;
	s24 =	sld [smem:$0x3FFE];
	[sflag:s23] =	ssyncadd.s32 $0xFFFFFFFF  }
0xab: {  	s26 =	simm.s32 $execute0_lowered;
	[smem:$0x3FD2] =	sst s25  }
0xac: {  	s5 =	sshll.u32 s26, $0x1;
	_ =	strace $0x8000004C;
	[dreg:$0x1] =	wrdreg $0xFFFFFFFF  }
0xad: {  	s28 =	simm.s32 $_size_execute0_lowered;
	s3 =	sadd.s32 s3, s5;
	[dreg:$0x0] =	wrdreg $0x0  }
0xae: {  	s5 =	sshll.u32 s28, $0x1;
	[dreg:$0x2] =	wrdreg s3  }
0xaf: {  	[dreg:$0x3] =	wrdreg s5  }
0xb0: {  	[dreg:$0x4] =	wrdreg $0xC0  }
0xb1: {  	_ =	task [dreg:s7], $0x5FFFF  }
0xb2: {  	[dreg:$0x1] =	wrdreg $0xFFFFFFFF  }
0xb3: {  	[dreg:$0x0] =	wrdreg $0x60  }
0xb4: {  	[dreg:$0x2] =	wrdreg s16  }
0xb5: {  	[dreg:$0x3] =	wrdreg s24  }
0xb6: {  	[dreg:$0x4] =	wrdreg $0xA4000  }
0xb7: {  	[dreg:$0x5] =	wrdreg $0x9  }
0xb8: {  	_ =	task.clear_ibuf [dreg:s7], $0x6FFFF;
	_ =	strace $0x9000004C  }
0xb9: {  	s29 =	simm.s32 $0x9;
	_ =	strace $0x8000004E  }
0xba: {  	_ =	swait.ge [sflag:s29], $0x1  }
0xbb: {  	[sflag:s29] =	ssyncadd.s32 $0xFFFFFFFF  }
0xbc: {  	_ =	strace $0x9000004E  }
0xbd: {  	_ =	sfence  }
0xbe: {  	s30 =	sld [smem:$0x0];
	_ =	sdelay $0x2  }
0xbf: {  	s31 =	sshll.u32 s1, $0xD;
	s1 =	sshrl.u32 s1, $0x2  }
0xc0: {  	s3 =	sand.u32 $0x4000, s31;
	s1 =	sadd.s32 s1, s30  }
0xc1: {  	s0 =	sor.u32 s3, s0;
	s1 =	sshll.u32 s1, $0x11  }
0xc2: {  	s0 =	sor.u32 s1, s0  }
0xc3: {  	s0 =	sadd.s32 $0x8F2B, s0  }
0xc4: {  	[sflag:s0] =	ssyncadd.remote.s32 $0x1  }
0xc5: {  	_ =	sfence.sel $0xFFFF  }
0xc6: {  	[dreg:$0x0] =	wrdreg $0xFFFFFFFF;
	(pc) =	sbr.abs _section_cstart, $3  }
0xc7: {  	[dreg:$0x1] =	wrdreg $0xFFFFFFFF  }
0xc8: {  	_ =	task.clear_ibuf [dreg:s7], $0x2FFFF;
	_ =	strace $0x9FFFFFFF  }
0xc9: {  	(tm) =	ssettm $0x7FFFFFFF  }
tec
execute0_lowered:
.L_overlay_start_1:
0x0: {  	(tag) =	ssettag $0x1  }
0x1: {  	s1 =	rddreg [dreg:$0x0]  }
0x2: {  	s0 =	rddreg [dreg:$0x1]  }
0x3: {  	s2 =	rddreg [dreg:$0x2]  }
0x4: {  	s4 =	simm.s32 $0x0;
	s3 =	srdreg.scid;
	s17 =	stileid.u32  }
0x5: {  	s31 =	simm.s32 $0x5400;
	[smem:$0x7FF] =	sst s4;
	s7 =	smul.u32 $0x50000, s17  }
0x6: {  	s3 =	sand.u32 $0x1, s3;
	s5 =	sadd.s32 $0x2200, s0;
	s9 =	smul.u32 $0x14000, s17  }
0x7: {  	s10 =	sadd.s32 $0x16400, s0;
	_ =	strace $0x8000004D;
	s6 =	ssub.s32 $0x2, s3  }
0x8: {  	s24 =	smul.u32 $0x140000, s3;
	s3 =	sshll.u32 s3, $0x4;
	s8 =	sshrl.u32 s6, $0x1  }
0x9: {  	s11 =	sor.u32 $0x2800, s9;
	s12 =	sadd.s32 $0x5000, s9;
	s13 =	sadd.s32 $0x7800, s9  }
0xa: {  	s21 =	sadd.s32 $0xA000, s9;
	s22 =	sadd.s32 $0xC800, s9;
	s23 =	sadd.s32 $0xF000, s9  }
0xb: {  	s20 =	sor.u32 s17, s3;
	s3 =	simm.s32 $0x7C00;
	s6 =	ssub.s32 s6, s8  }
0xc: {  	s14 =	sadd.s32 s9, s24;
	s15 =	sadd.s32 s24, s11;
	s9 =	sadd.s32 $0x11800, s9  }
0xd: {  	s26 =	sadd.s32 s24, s12;
	s28 =	sadd.s32 s24, s13;
	s16 =	sadd.s32 s24, s21  }
0xe: {  	s18 =	sadd.s32 s24, s23;
	s17 =	sadd.s32 s11, s2;
	s21 =	sadd.s32 s21, s2  }
0xf: {  	s23 =	sadd.s32 s23, s2;
	s11 =	simm.s32 $0x3;
	s14 =	sshrl.u32 s14, $0x3  }
0x10: {  	s25 =	sshrl.u32 s15, $0x3;
	s15 =	sshrl.u32 s28, $0x3;
	s8 =	sadd.s32 s24, s9  }
0x11: {  	s30 =	smax.u32 s6, $0x1;
	s6 =	simm.s32 $0x1;
	s14 =	sadd.s32 s10, s14  }
0x12: {  	s29 =	sadd.s32 s10, s15;
	s15 =	sshrl.u32 s16, $0x3;
	s16 =	sadd.s32 s24, s22  }
0x13: {  	s8 =	sshrl.u32 s8, $0x3;
	s24 =	sshrl.u32 s7, $0x2;
	[dreg:$0x4] =	wrdreg s14  }
0x14: {  	s22 =	sadd.s32 s22, s2;
	s14 =	sadd.s32 s10, s25;
	[dreg:$0x7] =	wrdreg s29  }
0x15: {  	s8 =	sadd.s32 s10, s8;
	[dreg:$0x5] =	wrdreg s14;
	s14 =	sshrl.u32 s26, $0x3  }
0x16: {  	s7 =	simm.s32 $0x50;
	[dreg:$0xb] =	wrdreg s8;
	s14 =	sadd.s32 s10, s14  }
0x17: {  	s8 =	simm.s32 $0x400;
	[dreg:$0x6] =	wrdreg s14;
	s14 =	sadd.s32 s10, s15  }
0x18: {  	s15 =	sshrl.u32 s18, $0x3;
	s18 =	smul.u32 $0x2710, s20;
	s20 =	sadd.s32 s13, s2  }
0x19: {  	s13 =	simm.s32 $0x0;
	[dreg:$0x8] =	wrdreg s14;
	s14 =	sshrl.u32 s16, $0x3  }
0x1a: {  	s19 =	sadd.s32 s10, s15;
	s15 =	sadd.s32 $0x15E00, s0;
	s16 =	sadd.s32 s24, s2  }
0x1b: {  	s24 =	sadd.s32 s9, s2;
	s9 =	simm.s32 $0x4;
	s14 =	sadd.s32 s10, s14  }
0x1c: {  	[dreg:$0x9] =	wrdreg s14;
	s14 =	sadd.s32 $0xC000, s0;
	s0 =	sshrl.u32 s18, $0x3  }
.Ltmp0:
0x1d: {  	[dreg:$0xa] =	wrdreg s19;
	s25 =	sadd.s32 s5, s0;
	(pc) =	sbr.rel .LBB2_1-.Ltmp0, $4  }
0x1e: {  	s26 =	sadd.s32 $0xA, s0;
	s0 =	sadd.s32 s14, s0;
	[dreg:$0xc] =	wrdreg s25  }
0x1f: {  	s19 =	sadd.s32 s12, s2;
	[dreg:$0xd] =	wrdreg s0;
	s28 =	sadd.s32 s5, s26  }
0x20: {  	s10 =	simm.s32 $0x2;
	s29 =	sadd.s32 s14, s26;
	[dreg:$0xe] =	wrdreg s28  }
0x21: {  	s12 =	simm.s32 $0x2C00;
	s0 =	simm.s32 $0x5;
	[dreg:$0xf] =	wrdreg s29  }
.LBB2_7:
0x22: {  	_ =	swait.ge [sflag:s11], $0x2800  }
0x23: {  	[sflag:s11] =	ssyncset.done $0x0  }
0x24: {  	[sflag:s11] =	ssyncadd.s32 $0xFFFFD800  }
0x25: {  	_ =	swait.ge [sflag:s11], $0x2800  }
0x26: {  	[sflag:s11] =	ssyncset.done $0x0  }
0x27: {  	[sflag:s11] =	ssyncadd.s32 $0xFFFFD800  }
0x28: {  	[bflag:$0x0] =	sbarrier.arrive $0xFFFF  }
0x29: {  	[tilespmem:s8], [sflag:$0x5] =	stream.linear.gather [spmem:s16], $0x2800, $0x38;
	[tilespmem:$0x1E400] =	vst v63  }
0x2a: {  	_ =	swait.ge [sflag:s0], $0x2800  }
0x2b: {  	[sflag:s0] =	ssyncset.done $0x0  }
0x2c: {  	s25 =	rddreg [dreg:$0x4];
	[sflag:s0] =	ssyncadd.s32 $0xFFFFD800  }
0x2d: {  	[hbm4b:s25+s4] =	stream.linear.scatter [tilespmem:s8], [sflag:$0x4], $0x2800, $0x38;
	[tilespmem:$0x1E400] =	vst v63  }
0x2e: {  	_ = 	snop  }
0x2f: {  	[tilespmem:s12], [sflag:$0x5] =	stream.linear.gather [spmem:s17], $0x2800, $0x38;
	[tilespmem:$0x1E400] =	vst v63  }
0x30: {  	_ =	swait.ge [sflag:s0], $0x2800  }
0x31: {  	[sflag:s0] =	ssyncset.done $0x0  }
0x32: {  	s29 =	rddreg [dreg:$0x5];
	[sflag:s0] =	ssyncadd.s32 $0xFFFFD800  }
0x33: {  	[hbm4b:s29+s4] =	stream.linear.scatter [tilespmem:s12], [sflag:$0x4], $0x2800, $0x38;
	[tilespmem:$0x1E400] =	vst v63  }
0x34: {  	_ = 	snop  }
0x35: {  	[tilespmem:s31], [sflag:$0x5] =	stream.linear.gather [spmem:s19], $0x2800, $0x38;
	[tilespmem:$0x1E400] =	vst v63  }
0x36: {  	_ =	swait.ge [sflag:s0], $0x2800  }
0x37: {  	[sflag:s0] =	ssyncset.done $0x0  }
0x38: {  	s26 =	rddreg [dreg:$0x6];
	[sflag:s0] =	ssyncadd.s32 $0xFFFFD800  }
0x39: {  	[hbm4b:s26+s4] =	stream.linear.scatter [tilespmem:s31], [sflag:$0x4], $0x2800, $0x38;
	[tilespmem:$0x1E400] =	vst v63  }
0x3a: {  	_ = 	snop  }
0x3b: {  	[tilespmem:s3], [sflag:$0x5] =	stream.linear.gather [spmem:s20], $0x2800, $0x38;
	[tilespmem:$0x1E400] =	vst v63  }
0x3c: {  	_ =	swait.ge [sflag:s0], $0x2800  }
0x3d: {  	[sflag:s0] =	ssyncset.done $0x0  }
0x3e: {  	s28 =	rddreg [dreg:$0x7];
	[sflag:s0] =	ssyncadd.s32 $0xFFFFD800  }
0x3f: {  	[hbm4b:s28+s4] =	stream.linear.scatter [tilespmem:s3], [sflag:$0x4], $0x2800, $0x38;
	[tilespmem:$0x1E400] =	vst v63  }
0x40: {  	_ =	swait.ge [sflag:s9], $0x2800  }
0x41: {  	[sflag:s9] =	ssyncset.done $0x0  }
0x42: {  	[sflag:s9] =	ssyncadd.s32 $0xFFFFD800  }
0x43: {  	[tilespmem:s8], [sflag:$0x5] =	stream.linear.gather [spmem:s21], $0x2800, $0x38;
	[tilespmem:$0x1E400] =	vst v63  }
0x44: {  	_ =	swait.ge [sflag:s0], $0x2800  }
0x45: {  	[sflag:s0] =	ssyncset.done $0x0  }
0x46: {  	s29 =	rddreg [dreg:$0x8];
	[sflag:s0] =	ssyncadd.s32 $0xFFFFD800  }
0x47: {  	[hbm4b:s29+s4] =	stream.linear.scatter [tilespmem:s8], [sflag:$0x4], $0x2800, $0x38;
	[tilespmem:$0x1E400] =	vst v63  }
0x48: {  	_ =	swait.ge [sflag:s9], $0x2800  }
0x49: {  	[sflag:s9] =	ssyncset.done $0x0  }
0x4a: {  	[sflag:s9] =	ssyncadd.s32 $0xFFFFD800  }
0x4b: {  	[tilespmem:s12], [sflag:$0x5] =	stream.linear.gather [spmem:s22], $0x2800, $0x38;
	[tilespmem:$0x1E400] =	vst v63  }
0x4c: {  	_ =	swait.ge [sflag:s0], $0x2800  }
0x4d: {  	[sflag:s0] =	ssyncset.done $0x0  }
0x4e: {  	s26 =	rddreg [dreg:$0x9];
	[sflag:s0] =	ssyncadd.s32 $0xFFFFD800  }
0x4f: {  	[hbm4b:s26+s4] =	stream.linear.scatter [tilespmem:s12], [sflag:$0x4], $0x2800, $0x38;
	[tilespmem:$0x1E400] =	vst v63  }
0x50: {  	_ =	swait.ge [sflag:s9], $0x2800  }
0x51: {  	[sflag:s9] =	ssyncset.done $0x0  }
0x52: {  	[sflag:s9] =	ssyncadd.s32 $0xFFFFD800  }
0x53: {  	[tilespmem:s31], [sflag:$0x5] =	stream.linear.gather [spmem:s23], $0x2800, $0x38;
	[tilespmem:$0x1E400] =	vst v63  }
0x54: {  	_ =	swait.ge [sflag:s0], $0x2800  }
0x55: {  	[sflag:s0] =	ssyncset.done $0x0  }
0x56: {  	s28 =	rddreg [dreg:$0xa];
	[sflag:s0] =	ssyncadd.s32 $0xFFFFD800  }
0x57: {  	[hbm4b:s28+s4] =	stream.linear.scatter [tilespmem:s31], [sflag:$0x4], $0x2800, $0x38;
	[tilespmem:$0x1E400] =	vst v63  }
0x58: {  	_ =	swait.ge [sflag:s9], $0x2800  }
0x59: {  	[sflag:s9] =	ssyncset.done $0x0  }
0x5a: {  	[sflag:s9] =	ssyncadd.s32 $0xFFFFD800  }
0x5b: {  	[tilespmem:s3], [sflag:$0x5] =	stream.linear.gather [spmem:s24], $0x2800, $0x38;
	[tilespmem:$0x1E400] =	vst v63  }
0x5c: {  	_ =	swait.ge [sflag:s0], $0x2800  }
0x5d: {  	[sflag:s0] =	ssyncset.done $0x0  }
0x5e: {  	s29 =	rddreg [dreg:$0xb];
	[sflag:s0] =	ssyncadd.s32 $0xFFFFD800  }
0x5f: {  	[hbm4b:s29+s4] =	stream.linear.scatter [tilespmem:s3], [sflag:$0x4], $0x2800, $0x38;
	[tilespmem:$0x1E400] =	vst v63  }
0x60: {  	_ =	swait.ge [sflag:s9], $0x2800  }
0x61: {  	[sflag:s9] =	ssyncset.done $0x0  }
0x62: {  	[sflag:s9] =	ssyncadd.s32 $0xFFFFD800  }
0x63: {  	_ =	swait.ge [sflag:s9], $0x2800  }
0x64: {  	[sflag:s9] =	ssyncset.done $0x0  }
0x65: {  	s13 =	sadd.s32 $0x1, s13;
	[sflag:s9] =	ssyncadd.s32 $0xFFFFD800  }
0x66: {  	p0 =	sne.s32 s13, s30;
	_ =	swait.ge [sflag:s9], $0x2800  }
.Ltmp1:
0x67: {  	[sflag:s9] =	ssyncset.done $0x0;
	(pc) =	sbr.rel @!p0 .LBB2_8-.Ltmp1, $4  }
0x68: {  	[sflag:s9] =	ssyncadd.s32 $0xFFFFD800  }
0x69: {  	_ =	swait.ge [sflag:s9], $0x2800  }
0x6a: {  	[sflag:s9] =	ssyncset.done $0x0  }
0x6b: {  	[sflag:s9] =	ssyncadd.s32 $0xFFFFD800  }
.LBB2_1:
0x6c: {  	[tilespmem:s31], [sflag:$0x5] =	stream.linear.gather [hbm4b:s15+s4], $0x2800, $0x38;
	[tilespmem:$0x1E400] =	vst v63  }
0x6d: {  	_ =	swait.ge [sflag:s0], $0x2800  }
0x6e: {  	[sflag:s0] =	ssyncset.done $0x0  }
0x6f: {  	[sflag:s0] =	ssyncadd.s32 $0xFFFFD800  }
0x70: {  	[tilespmem:s3], [sflag:$0x5] =	stream.linear.gather [hbm4b:s15+s4], $0x2800, $0x38;
	[tilespmem:$0x1E400] =	vst v63  }
0x71: {  	_ =	swait.ge [sflag:s0], $0x2800  }
0x72: {  	[sflag:s0] =	ssyncset.done $0x0  }
0x73: {  	[sflag:s0] =	ssyncadd.s32 $0xFFFFD800  }
0x74: {  	[spmem:s16] =	stream.linear.scatter [tilespmem:s31], [sflag:$0x4], $0x2800, $0x38;
	[tilespmem:$0x1E400] =	vst v63  }
0x75: {  	_ = 	snop  }
0x76: {  	[spmem:s17] =	stream.linear.scatter [tilespmem:s3], [sflag:$0x4], $0x2800, $0x38;
	[tilespmem:$0x1E400] =	vst v63  }
0x77: {  	_ = 	snop  }
0x78: {  	[spmem:s19] =	stream.linear.scatter [tilespmem:s31], [sflag:$0x4], $0x2800, $0x38;
	[tilespmem:$0x1E400] =	vst v63  }
0x79: {  	_ = 	snop  }
0x7a: {  	[spmem:s20] =	stream.linear.scatter [tilespmem:s3], [sflag:$0x4], $0x2800, $0x38;
	[tilespmem:$0x1E400] =	vst v63  }
0x7b: {  	_ = 	snop  }
0x7c: {  	[spmem:s21] =	stream.linear.scatter [tilespmem:s31], [sflag:$0x4], $0x2800, $0x38;
	[tilespmem:$0x1E400] =	vst v63  }
0x7d: {  	_ = 	snop  }
0x7e: {  	[spmem:s22] =	stream.linear.scatter [tilespmem:s3], [sflag:$0x4], $0x2800, $0x38;
	[tilespmem:$0x1E400] =	vst v63  }
0x7f: {  	_ = 	snop  }
0x80: {  	[spmem:s23] =	stream.linear.scatter [tilespmem:s31], [sflag:$0x4], $0x2800, $0x38;
	[tilespmem:$0x1E400] =	vst v63  }
0x81: {  	_ = 	snop  }
0x82: {  	[spmem:s24] =	stream.linear.scatter [tilespmem:s3], [sflag:$0x4], $0x2800, $0x38;
	[tilespmem:$0x1E400] =	vst v63  }
0x83: {  	s25 =	rddreg [dreg:$0xc]  }
0x84: {  	[tilespmem:s4], [sflag:$0x1] =	stream.linear.gather [hbm4b:s25+s4], $0x50, $0x38;
	[tilespmem:$0x1E400] =	vst v63  }
0x85: {  	s26 =	simm.s32 $0x200;
	s29 =	rddreg [dreg:$0xd]  }
0x86: {  	[tilespmem:s26], [sflag:$0x1] =	stream.linear.gather [hbm4b:s29+s4], $0x50, $0x38;
	[tilespmem:$0x1E400] =	vst v63  }
0x87: {  	s28 =	rddreg [dreg:$0xe];
	s29 =	simm.s32 $0x80  }
0x88: {  	[tilespmem:s29], [sflag:$0x1] =	stream.linear.gather [hbm4b:s28+s4], $0x50, $0x38;
	[tilespmem:$0x1E400] =	vst v63  }
0x89: {  	s28 =	rddreg [dreg:$0xf];
	s29 =	simm.s32 $0x280  }
0x8a: {  	[tilespmem:s29], [sflag:$0x1] =	stream.linear.gather [hbm4b:s28+s4], $0x50, $0x38;
	[tilespmem:$0x1E400] =	vst v63  }
0x8b: {  	_ =	swait.ge [sflag:s6], $0x50  }
0x8c: {  	[sflag:s6] =	ssyncset.done $0x0  }
0x8d: {  	[sflag:s6] =	ssyncadd.s32 $0xFFFFFFB0  }
0x8e: {  	_ =	swait.ge [sflag:s6], $0x50  }
0x8f: {  	[sflag:s6] =	ssyncset.done $0x0  }
0x90: {  	[sflag:s6] =	ssyncadd.s32 $0xFFFFFFB0  }
0x91: {  	[tilespmem:s8], [sflag:$0x2] =	stream.indirect.gather [hbm4b:s1+s7], $0x80, s4, s7, $0xb8;
	[tilespmem:$0x1E400] =	vst v63  }
0x92: {  	_ =	swait.ge [sflag:s9], $0x2800  }
0x93: {  	[sflag:s9] =	ssyncset.done $0x0  }
0x94: {  	[sflag:s9] =	ssyncadd.s32 $0xFFFFD800  }
0x95: {  	_ =	swait.ge [sflag:s9], $0x2800  }
0x96: {  	[sflag:s9] =	ssyncset.done $0x0  }
0x97: {  	[sflag:s9] =	ssyncadd.s32 $0xFFFFD800  }
0x98: {  	_ =	swait.ge [sflag:s9], $0x2800  }
0x99: {  	[sflag:s9] =	ssyncset.done $0x0  }
0x9a: {  	[sflag:s9] =	ssyncadd.s32 $0xFFFFD800  }
0x9b: {  	_ =	swait.ge [sflag:s9], $0x2800  }
0x9c: {  	[sflag:s9] =	ssyncset.done $0x0  }
0x9d: {  	[sflag:s9] =	ssyncadd.s32 $0xFFFFD800  }
0x9e: {  	_ =	swait.ge [sflag:s9], $0x2800  }
0x9f: {  	[sflag:s9] =	ssyncset.done $0x0  }
0xa0: {  	[sflag:s9] =	ssyncadd.s32 $0xFFFFD800  }
0xa1: {  	_ =	swait.ge [sflag:s9], $0x2800  }
0xa2: {  	[sflag:s9] =	ssyncset.done $0x0  }
0xa3: {  	[sflag:s9] =	ssyncadd.s32 $0xFFFFD800  }
0xa4: {  	_ =	swait.ge [sflag:s9], $0x2800  }
0xa5: {  	[sflag:s9] =	ssyncset.done $0x0  }
0xa6: {  	[sflag:s9] =	ssyncadd.s32 $0xFFFFD800  }
.Ltmp2:
0xa7: {  	_ =	swait.ge [sflag:s9], $0x2800;
	(pc) =	sbr.rel .LBB2_2-.Ltmp2, $4  }
0xa8: {  	[sflag:s9] =	ssyncset.done $0x0  }
0xa9: {  	[sflag:s9] =	ssyncadd.s32 $0xFFFFD800  }
0xaa: {  	[bflag:$0x0] =	sbarrier.arrive $0xFFFF  }
0xab: {  	s25 =	simm.s32 $0x0  }
.LBB2_3:
0xac: {  	s26 =	sadd.s32 $0x2, s25  }
0xad: {  	s28 =	smul.u32 $0x50, s26;
	_ =	sdelay $0x1  }
0xae: {  	s28 =	sadd.s32 s18, s28  }
0xaf: {  	s26 =	sshll.u32 s26, $0x7;
	s28 =	sshrl.u32 s28, $0x3  }
0xb0: {  	s26 =	sand.u32 $0x180, s26;
	s29 =	sadd.s32 s5, s28  }
0xb1: {  	[tilespmem:s26], [sflag:$0x1] =	stream.linear.gather [hbm4b:s29+s4], $0x50, $0x38;
	[tilespmem:$0x1E400] =	vst v63  }
0xb2: {  	s28 =	sadd.s32 s14, s28;
	s26 =	sor.u32 $0x200, s26  }
0xb3: {  	[tilespmem:s26], [sflag:$0x1] =	stream.linear.gather [hbm4b:s28+s4], $0x50, $0x38;
	[tilespmem:$0x1E400] =	vst v63  }
.LBB2_5:
0xb4: {  	s26 =	sadd.s32 $0x1, s25;
	_ =	swait.ge [sflag:s6], $0x50  }
0xb5: {  	s28 =	sand.u32 $0x3, s26;
	[sflag:s6] =	ssyncset.done $0x0  }
0xb6: {  	[sflag:s6] =	ssyncadd.s32 $0xFFFFFFB0;
	s29 =	smul.u32 $0xA000, s28  }
0xb7: {  	_ =	swait.ge [sflag:s6], $0x50  }
0xb8: {  	[sflag:s6] =	ssyncset.done $0x0;
	s29 =	sshrl.u32 s29, $0x2  }
0xb9: {  	s28 =	sshll.u32 s28, $0x7;
	[sflag:s6] =	ssyncadd.s32 $0xFFFFFFB0;
	s29 =	sor.u32 $0x400, s29  }
0xba: {  	[tilespmem:s29], [sflag:$0x2] =	stream.indirect.gather [hbm4b:s1+s7], $0x80, s28, s7, $0xb8;
	[tilespmem:$0x1E400] =	vst v63  }
.LBB2_6:
0xbb: {  	s25 =	sand.u32 $0x3, s25  }
0xbc: {  	p0 =	slt.u32 s26, $0x7D;
	s28 =	smul.u32 $0xA000, s25  }
.Ltmp3:
0xbd: {  	_ =	swait.ge [sflag:s10], $0x2800;
	(pc) =	sbr.rel @!p0 .LBB2_7-.Ltmp3, $4  }
0xbe: {  	[sflag:s10] =	ssyncset.done $0x0;
	s25 =	sshll.u32 s25, $0x7;
	s28 =	sshrl.u32 s28, $0x2  }
0xbf: {  	[sflag:s10] =	ssyncadd.s32 $0xFFFFD800;
	s25 =	sor.u32 $0x200, s25;
	s28 =	sor.u32 $0x400, s28  }
0xc0: {  	[spmem:s2] =	stream.indirect.scatter.add.f32 [tilespmem:s28], [sflag:$0x3], $0x80, s25, s7, $0xb8;
	[tilespmem:$0x1E400] =	vst v63  }
0xc1: {  	s25 =	smov.u32 s26  }
.LBB2_2:
0xc2: {  	p0 =	slt.u32 s25, $0x2  }
0xc3: {  	p1 =	sgt.u32 @!p0 s25, $0x7A  }
0xc4: {  	p1 =	por p0, !p1  }
.Ltmp4:
0xc5: {  	_ = 	snop;
	(pc) =	sbr.rel @p1 .LBB2_3-.Ltmp4, $4  }
0xc6: {  	s26 =	simm.s32 @!p0 $0x3  }
0xc7: {  	_ =	swait.ge @!p0 [sflag:s26], $0x2800  }
0xc8: {  	[sflag:s26] =	ssyncset.done @!p0 $0x0  }
0xc9: {  	[sflag:s26] =	ssyncadd.s32 @!p0 $0xFFFFD800  }
0xca: {  	p0 =	seq.s32 s25, $0x7C  }
.Ltmp5:
0xcb: {  	_ = 	snop;
	(pc) =	sbr.rel @p0 .LBB2_6-.Ltmp5, $4  }
.Ltmp6:
0xcc: {  	_ = 	snop;
	(pc) =	sbr.rel @!p0 .LBB2_5-.Ltmp6, $4  }
0xcd: {  	_ = 	snop  }
0xce: {  	_ = 	snop  }
0xcf: {  	s26 =	simm.s32 $0x7D  }
0xd0: {  	_ = 	snop  }
.LBB2_8:
0xd1: {  	_ =	sfence.sel $0x180000  }
0xd2: {  	[bflag:$0x0] =	sbarrier.arrive $0xFFFF  }
0xd3: {  	_ =	strace $0x9000004D  }
0xd4: {  	s0 =	stileid.u32;
	[bflag:$0x2] =	sbarrier.arrive $0xFFFF  }
0xd5: {  	p0 =	sne.s32 s0, $0x0;
	s0 =	rddreg [dreg:$0x3]  }
0xd6: {  	s0 =	sadd.s32 @!p0 $0x100000, s0  }
0xd7: {  	[sflag:s0] =	ssyncadd.tile.s32 @!p0 $0x1;
	_ =	shalt  }
.Lfunc_end2:
_tile_overlayer_lowered:
.L_overlay_start_2:
0xd8: {  	(tag) =	ssettag $0x2  }
0xd9: {  	s0 =	rddreg [dreg:$0x0];
	s2 =	stileid.u32  }
0xda: {  	s1 =	rddreg [dreg:$0x1];
	p0 =	sne.s32 s2, $0x0  }
0xdb: {  	s3 =	rddreg [dreg:$0x2];
	[bflag:$0x3] =	sbarrier.arrive $0xFFFF;
	s2 =	simm.s32 @!p0 $0x1C05  }
0xdc: {  	[timem:s3], [sflag:s2] =	dma.local @!p0 [hbm:s0], s1  }
0xdd: {  	s0 =	simm.s32 @!p0 $0x5  }
0xde: {  	_ =	swait.ge @!p0 [sflag:s0], s1  }
0xdf: {  	s1 =	ssub.s32 @!p0 $0x0, s1;
	[sflag:s0] =	ssyncset.done @!p0 $0x0  }
0xe0: {  	[sflag:s0] =	ssyncadd.s32 @!p0 s1  }
0xe1: {  	[bflag:$0x3] =	sbarrier.arrive $0xFFFF  }
0xe2: {  	_ =	shalt  }

// kernel: kernel.8.cloned.1.call-start
scs
__scs_entry_jumppad:
0x0: {  	(pc) =	sbr.rel $0x88, $3  }
0x1: {  	(tag) =	ssettag $0x0;
	lr =	simm.s32 $0x1  }
0x2: {  	[smem:$0x3F9B] =	sst lr;
	_ =	strace $0xD0000000  }
0x3: {  	_ = 	snop  }
0x4: {  	_ = 	snop  }
0x5: {  	_ = 	snop  }
0x6: {  	_ = 	snop  }
0x7: {  	_ = 	snop  }
__scs_overlays_trampoline_lowered:
0x8: {  	[smem:$0x3FAA] =	sst s0  }
0x9: {  	[smem:$0x3FAB] =	sst s1  }
0xa: {  	[smem:$0x3FAC] =	sst s2  }
0xb: {  	[smem:$0x3FAD] =	sst s3  }
0xc: {  	[smem:$0x3FAE] =	sst s4  }
0xd: {  	[smem:$0x3FAF] =	sst s5  }
0xe: {  	[smem:$0x3FB0] =	sst s6  }
0xf: {  	[smem:$0x3FB1] =	sst s7  }
0x10: {  	[smem:$0x3FB2] =	sst s8  }
0x11: {  	[smem:$0x3FB3] =	sst s9;
	s0 =	simm.s32 @!p0 $0x0  }
0x12: {  	s1 =	sld [smem:$0x3F99];
	s0 =	simm.s32 @p0 $0x1  }
0x13: {  	[smem:$0x3FB4] =	sst s0;
	s0 =	simm.s32 @!p1 $0x0  }
0x14: {  	s2 =	sld [smem:$0x3F98];
	s0 =	simm.s32 @p1 $0x1  }
0x15: {  	[smem:$0x3FB5] =	sst s0;
	s0 =	simm.s32 @!p2 $0x0  }
0x16: {  	s3 =	sld [smem:$0x3FDB];
	s0 =	simm.s32 @p2 $0x1  }
0x17: {  	s4 =	simm.s32 $0x1BF5;
	[smem:$0x3FB7] =	sst s0  }
0x18: {  	s0 =	sld [smem:$0x3F9A];
	_ =	swait.ge [sflag:s4], $0x0  }
0x19: {  	s7 =	sld [smem:$0x3F9B]  }
0x1a: {  	s8 =	sadd.s32 $0xFFFFE003, lr  }
0x1b: {  	s9 =	sadd.s32 $0xFFFFFEF7, lr;
	s5 =	simm.s32 $0xFFFFFFFF;
	p2 =	slt.u32 s8, $0xFFFFF086  }
0x1c: {  	p1 =	slt.u32 s9, $0xF7A;
	s5 =	simm.s32 @!p2 $0x0  }
0x1d: {  	s5 =	simm.s32 @p1 $0x1;
	p0 =	seq.s32 s7, s2  }
0x1e: {  	s7 =	smul.u32 @!p0 $0xF7A, s2;
	p2 =	seq.s32 @!p0 s5, $0x0  }
0x1f: {  	s9 =	smul.u32 $0xF7A, s1;
	s8 =	simm.s32 @!p0 $0x1BF5;
	p2 =	por !p2, p0  }
0x20: {  	[sflag:s8] =	ssyncset.s32 @!p0 $0xFFFFF086;
	s6 =	sadd.s32 @!p0 s3, s7;
	s7 =	simm.s32 @!p0 $0x108  }
0x21: {  	s3 =	sadd.s32 s3, s9;
	s6 =	sadd.s32 @!p0 $0x88, s6;
	s7 =	simm.s32 @p2 $0x1082  }
0x22: {  	[simem:s7], [sflag:s8] =	dma.local @!p0 [hbm:s6], $0xF7A  }
0x23: {  	s9 =	sor.u32 $0xD0000000, s2;
	s6 =	simm.s32 $0x108;
	_ =	swait.ge @!p0 [sflag:s8], $0x0  }
0x24: {  	s3 =	sadd.s32 $0x88, s3;
	s6 =	simm.s32 @!p1 $0x1082;
	[sflag:s4] =	ssyncset.s32 $0xFFFFF086  }
0x25: {  	[simem:s6], [sflag:s4] =	dma.local [hbm:s3], $0xF7A  }
0x26: {  	[smem:$0x3F9B] =	sst s1;
	(tag) =	ssettag s2;
	_ =	strace s9  }
0x27: {  	s1 =	sld [smem:$0x3FAB]  }
0x28: {  	s2 =	sld [smem:$0x3FAC]  }
0x29: {  	s4 =	sld [smem:$0x3FAE]  }
0x2a: {  	p0 =	seq.s32 s5, $0x0;
	s5 =	sld [smem:$0x3FAF]  }
0x2b: {  	s6 =	sld [smem:$0x3FB0]  }
0x2c: {  	s7 =	sld [smem:$0x3FB1]  }
0x2d: {  	s3 =	simm.s32 $0x108;
	s8 =	sld [smem:$0x3FB2]  }
0x2e: {  	s3 =	simm.s32 @!p0 $0x1082;
	s9 =	sld [smem:$0x3FB3]  }
0x2f: {  	lr =	sadd.s32 s0, s3;
	s0 =	sld [smem:$0x3FAA]  }
0x30: {  	s3 =	sld [smem:$0x3FAD]  }
0x31: {  	[smem:$0x3FB6] =	sst s10  }
0x32: {  	s10 =	sld [smem:$0x3FB4];
	_ =	sdelay $0x3  }
0x33: {  	p0 =	seq.s32 s10, $0x1;
	s10 =	sld [smem:$0x3FB6];
	_ =	sdelay $0x3  }
0x34: {  	[smem:$0x3FB6] =	sst s10  }
0x35: {  	s10 =	sld [smem:$0x3FB5];
	_ =	sdelay $0x3  }
0x36: {  	p1 =	seq.s32 s10, $0x1;
	s10 =	sld [smem:$0x3FB6];
	_ =	sdelay $0x3  }
0x37: {  	[smem:$0x3FB6] =	sst s10  }
0x38: {  	s10 =	sld [smem:$0x3FB7]  }
0x39: {  	_ = 	snop;
	(pc) =	sbr.ind lr, $3  }
0x3a: {  	_ = 	snop  }
0x3b: {  	_ = 	snop  }
0x3c: {  	p2 =	seq.s32 s10, $0x1;
	s10 =	sld [smem:$0x3FB6]  }
0x3d: {  	_ =	shalt  }
0x3e: {  	_ =	shalt  }
0x3f: {  	_ =	shalt  }
0x40: {  	_ =	shalt  }
0x41: {  	_ =	shalt  }
0x42: {  	_ =	shalt  }
0x43: {  	_ =	shalt  }
0x44: {  	_ =	shalt  }
0x45: {  	_ =	shalt  }
0x46: {  	_ =	shalt  }
0x47: {  	_ =	shalt  }
0x48: {  	_ =	shalt  }
0x49: {  	_ =	shalt  }
0x4a: {  	_ =	shalt  }
0x4b: {  	_ =	shalt  }
0x4c: {  	_ =	shalt  }
0x4d: {  	_ =	shalt  }
0x4e: {  	_ =	shalt  }
0x4f: {  	_ =	shalt  }
0x50: {  	_ =	shalt  }
0x51: {  	_ =	shalt  }
0x52: {  	_ =	shalt  }
0x53: {  	_ =	shalt  }
0x54: {  	_ =	shalt  }
0x55: {  	_ =	shalt  }
0x56: {  	_ =	shalt  }
0x57: {  	_ =	shalt  }
0x58: {  	_ =	shalt  }
0x59: {  	_ =	shalt  }
0x5a: {  	_ =	shalt  }
0x5b: {  	_ =	shalt  }
0x5c: {  	_ =	shalt  }
0x5d: {  	_ =	shalt  }
0x5e: {  	_ =	shalt  }
0x5f: {  	_ =	shalt  }
0x60: {  	_ =	shalt  }
0x61: {  	_ =	shalt  }
0x62: {  	_ =	shalt  }
0x63: {  	_ =	shalt  }
0x64: {  	_ =	shalt  }
0x65: {  	_ =	shalt  }
0x66: {  	_ =	shalt  }
0x67: {  	_ =	shalt  }
0x68: {  	_ =	shalt  }
0x69: {  	_ =	shalt  }
0x6a: {  	_ =	shalt  }
0x6b: {  	_ =	shalt  }
0x6c: {  	_ =	shalt  }
0x6d: {  	_ =	shalt  }
0x6e: {  	_ =	shalt  }
0x6f: {  	_ =	shalt  }
0x70: {  	_ =	shalt  }
0x71: {  	_ =	shalt  }
0x72: {  	_ =	shalt  }
0x73: {  	_ =	shalt  }
0x74: {  	_ =	shalt  }
0x75: {  	_ =	shalt  }
0x76: {  	_ =	shalt  }
0x77: {  	_ =	shalt  }
0x78: {  	_ =	shalt  }
0x79: {  	_ =	shalt  }
0x7a: {  	_ =	shalt  }
0x7b: {  	_ =	shalt  }
0x7c: {  	_ =	shalt  }
0x7d: {  	_ =	shalt  }
0x7e: {  	_ =	shalt  }
0x7f: {  	_ =	shalt  }
0x80: {  	_ =	shalt  }
0x81: {  	_ =	shalt  }
0x82: {  	_ =	shalt  }
0x83: {  	_ =	shalt  }
0x84: {  	_ =	shalt  }
0x85: {  	_ =	shalt  }
0x86: {  	_ =	shalt  }
0x87: {  	_ =	shalt  }
.Lfunc_end0:
.L_simem_size_0:
called_computation_lowered:
.L_overlay_start_0:
0x88: {  	s2 =	sld [smem:$0x3FD9]  }
0x89: {  	s3 =	sld [smem:$0x3FFE];
	_ =	sdelay $0x1  }
0x8a: {  	s1 =	srdreg.scid  }
0x8b: {  	s0 =	sand.u32 $0x1, s1  }
0x8c: {  	s14 =	sshll.u32 s0, $0xA;
	s2 =	sadd.s32 s3, s2  }
0x8d: {  	s2 =	sadd.s32 s2, s14  }
0x8e: {  	[smem:$0x3FC2] =	sst s2  }
0x8f: {  	_ = 	snop  }
0x90: {  	s2 =	sld [smem:$0x3FD0];
	_ =	sdelay $0x2  }
0x91: {  	s15 =	simm.s32 $0xA;
	s4 =	simm.s32 $0x10  }
0x92: {  	[smem:s4], [sflag:s15] =	dma.local [hbm:s2], $0x1  }
0x93: {  	_ =	swait.eq [sflag:s15], $0x1  }
0x94: {  	[sflag:s15] =	ssyncset.done $0x0  }
0x95: {  	s16 =	sld [smem:$0x10];
	[sflag:s15] =	ssyncadd.s32 $0xFFFFFFFF  }
0x96: {  	s17 =	sld [smem:$0x11];
	(tm) =	ssettm $0x1  }
0x97: {  	s18 =	sld [smem:$0x3FFB];
	_ =	sdelay $0x3  }
0x98: {  	_ =	strace s18  }
0x99: {  	s4 =	sld [smem:$0x3FFC];
	_ =	sdelay $0x3  }
0x9a: {  	_ =	strace s4  }
0x9b: {  	s4 =	sld [smem:$0x3FFD];
	_ =	sdelay $0x3  }
0x9c: {  	_ =	strace s4  }
0x9d: {  	_ =	strace $0x8FFFFFFF  }
0x9e: {  	s19 =	sld [smem:$0x3FDB];
	_ =	sdelay $0x1  }
0x9f: {  	s5 =	simm.s32 $_scs_section_size  }
0xa0: {  	s6 =	simm.s32 $_size__tile_overlayer_lowered;
	s7 =	simm.s32 $_tile_overlayer_lowered  }
0xa1: {  	s22 =	simm.s32 $0x1BFF;
	s21 =	sshll.u32 s7, $0x1;
	s4 =	sadd.s32 s5, s19  }
0xa2: {  	s8 =	simm.s32 $0x0;
	s20 =	sshll.u32 s6, $0x1;
	s6 =	sadd.s32 s21, s4  }
0xa3: {  	[timem:s8], [sflag:s22] =	dma.local [hbm:s6], s20  }
0xa4: {  	_ =	swait.ge [sflag:s22], s20  }
0xa5: {  	s5 =	ssub.s32 $0x0, s20;
	[sflag:s22] =	ssyncset.done $0x0  }
0xa6: {  	[sflag:s22] =	ssyncadd.s32 s5;
	_ =	sdelay $0x1  }
0xa7: {  	s23 =	simm.s32 $0x1B8B  }
0xa8: {  	_ =	swait.ge [sflag:s23], $0x1  }
0xa9: {  	[sflag:s23] =	ssyncset.done $0x0  }
0xaa: {  	s25 =	simm.s32 $0x1B8E;
	s24 =	sld [smem:$0x3FFE];
	[sflag:s23] =	ssyncadd.s32 $0xFFFFFFFF  }
0xab: {  	s26 =	simm.s32 $execute0_lowered;
	[smem:$0x3FD2] =	sst s25  }
0xac: {  	s6 =	sshll.u32 s26, $0x1;
	_ =	strace $0x80000046;
	[dreg:$0x1] =	wrdreg $0xFFFFFFFF  }
0xad: {  	s28 =	simm.s32 $_size_execute0_lowered;
	s4 =	sadd.s32 s4, s6;
	[dreg:$0x0] =	wrdreg $0x0  }
0xae: {  	s6 =	sshll.u32 s28, $0x1;
	[dreg:$0x2] =	wrdreg s4  }
0xaf: {  	[dreg:$0x3] =	wrdreg s6  }
0xb0: {  	[dreg:$0x4] =	wrdreg $0xC0  }
0xb1: {  	_ =	task [dreg:s8], $0x5FFFF  }
0xb2: {  	[dreg:$0x1] =	wrdreg $0xFFFFFFFF  }
0xb3: {  	[dreg:$0x0] =	wrdreg $0x60  }
0xb4: {  	[dreg:$0x2] =	wrdreg s24  }
0xb5: {  	[dreg:$0x3] =	wrdreg s16  }
0xb6: {  	[dreg:$0x4] =	wrdreg s17  }
0xb7: {  	[dreg:$0x5] =	wrdreg $0x10400  }
0xb8: {  	[dreg:$0x6] =	wrdreg $0x9  }
0xb9: {  	_ =	task.clear_ibuf [dreg:s8], $0x7FFFF;
	_ =	strace $0x90000046  }
0xba: {  	s29 =	simm.s32 $0x9;
	_ =	strace $0x80000048  }
0xbb: {  	_ =	swait.ge [sflag:s29], $0x1  }
0xbc: {  	[sflag:s29] =	ssyncadd.s32 $0xFFFFFFFF  }
0xbd: {  	_ =	strace $0x90000048  }
0xbe: {  	_ =	sfence  }
0xbf: {  	s30 =	sld [smem:$0x0];
	_ =	sdelay $0x2  }
0xc0: {  	s31 =	sshll.u32 s1, $0xD;
	s1 =	sshrl.u32 s1, $0x2  }
0xc1: {  	s3 =	sand.u32 $0x4000, s31;
	s1 =	sadd.s32 s1, s30  }
0xc2: {  	s0 =	sor.u32 s3, s0;
	s1 =	sshll.u32 s1, $0x11  }
0xc3: {  	s0 =	sor.u32 s1, s0  }
0xc4: {  	s0 =	sadd.s32 $0x8F2B, s0  }
0xc5: {  	[sflag:s0] =	ssyncadd.remote.s32 $0x1  }
0xc6: {  	_ =	sfence.sel $0xFFFF  }
0xc7: {  	[dreg:$0x0] =	wrdreg $0xFFFFFFFF;
	(pc) =	sbr.abs _section_cstart, $3  }
0xc8: {  	[dreg:$0x1] =	wrdreg $0xFFFFFFFF  }
0xc9: {  	_ =	task.clear_ibuf [dreg:s8], $0x2FFFF;
	_ =	strace $0x9FFFFFFF  }
0xca: {  	(tm) =	ssettm $0x7FFFFFFF  }
0xcb: {  	_ =	shalt  }
tec
execute0_lowered:
.L_overlay_start_1:
0x0: {  	(tag) =	ssettag $0x1  }
0x1: {  	s0 =	rddreg [dreg:$0x0]  }
0x2: {  	s1 =	rddreg [dreg:$0x2]  }
0x3: {  	s2 =	rddreg [dreg:$0x3];
	s4 =	simm.s32 $0x0;
	s3 =	srdreg.scid  }
0x4: {  	s17 =	stileid.u32;
	s29 =	simm.s32 $0x140;
	s30 =	simm.s32 $0x640  }
0x5: {  	s31 =	simm.s32 $0xB40;
	s3 =	sand.u32 $0x1, s3;
	s7 =	smul.u32 $0xA000, s17  }
0x6: {  	[smem:$0x7FF] =	sst s4;
	s13 =	smul.u32 $0x280, s17;
	s16 =	sshll.u32 s3, $0x4  }
0x7: {  	s6 =	ssub.s32 $0x2, s3;
	s9 =	sor.u32 s17, s16;
	s16 =	smul.u32 $0x2800, s3  }
0x8: {  	s15 =	sadd.s32 $0xC000, s0;
	s14 =	sshrl.u32 s6, $0x1;
	s3 =	smul.u32 $0x27100, s3  }
0x9: {  	s5 =	sadd.s32 $0x15E00, s0;
	s0 =	ssub.s32 s6, s14;
	s14 =	smul.u32 $0x2710, s9  }
0xa: {  	_ =	strace $0x80000047;
	s7 =	sshrl.u32 s7, $0x2;
	s17 =	smul.u32 $0x2710, s17  }
0xb: {  	s6 =	sadd.s32 s7, s2;
	s16 =	sadd.s32 s13, s16;
	s14 =	sshrl.u32 s14, $0x3  }
0xc: {  	s0 =	smax.u32 s0, $0x1;
	s16 =	sshll.u32 s16, $0x1;
	s14 =	sadd.s32 s15, s14  }
0xd: {  	[dreg:$0xd] =	wrdreg s0;
	s16 =	sadd.s32 s1, s16;
	s18 =	sadd.s32 $0xA, s14  }
0xe: {  	s7 =	sadd.s32 $0x500, s6;
	s19 =	sadd.s32 $0xA0, s16;
	[dreg:$0x5] =	wrdreg s18  }
0xf: {  	s8 =	sadd.s32 $0xA00, s6;
	s20 =	sadd.s32 $0x140, s16;
	[dreg:$0x6] =	wrdreg s19  }
0x10: {  	s9 =	sadd.s32 $0xF00, s6;
	s21 =	sadd.s32 $0x1E0, s16;
	[dreg:$0x7] =	wrdreg s20  }
0x11: {  	s10 =	sadd.s32 $0x1400, s6;
	s22 =	sadd.s32 $0x280, s16;
	[dreg:$0x8] =	wrdreg s21  }
0x12: {  	s11 =	sadd.s32 $0x1900, s6;
	s23 =	sadd.s32 $0x320, s16;
	[dreg:$0x9] =	wrdreg s22  }
0x13: {  	s12 =	sadd.s32 $0x1E00, s6;
	s24 =	sadd.s32 $0x3C0, s16;
	[dreg:$0xa] =	wrdreg s23  }
0x14: {  	s13 =	sadd.s32 $0x2300, s6;
	s25 =	sadd.s32 $0x460, s16;
	[dreg:$0xb] =	wrdreg s24  }
0x15: {  	s0 =	simm.s32 $0x50;
	s26 =	sadd.s32 $0x14, s14;
	[dreg:$0xc] =	wrdreg s25  }
0x16: {  	s28 =	sadd.s32 $0x1E, s14;
	s18 =	sadd.s32 s17, s3;
	[dreg:$0xe] =	wrdreg s26  }
0x17: {  	[dreg:$0xf] =	wrdreg s28;
	s3 =	simm.s32 $0x3;
	s1 =	sadd.s32 $0x140, s18  }
0x18: {  	s17 =	simm.s32 $0x4;
	s18 =	simm.s32 $0x0;
	s1 =	sshrl.u32 s1, $0x3  }
0x19: {  	s23 =	sadd.s32 s1, s15;
	s1 =	simm.s32 $0x1;
	s15 =	simm.s32 $0x2  }
.LBB2_1:
0x1a: {  	s19 =	rddreg [dreg:$0x1]  }
0x1b: {  	[tilespmem:s29], [sflag:$0x4] =	stream.linear.gather [hbm4b:s19+s4], $0x500, $0x38;
	[tilespmem:$0x3840] =	vst v63  }
0x1c: {  	_ =	swait.ge [sflag:s17], $0x500  }
0x1d: {  	[sflag:s17] =	ssyncset.done $0x0  }
0x1e: {  	[sflag:s17] =	ssyncadd.s32 $0xFFFFFB00  }
0x1f: {  	[tilespmem:s30], [sflag:$0x4] =	stream.linear.gather [hbm4b:s5+s4], $0x500, $0x38;
	[tilespmem:$0x3840] =	vst v63  }
0x20: {  	_ =	swait.ge [sflag:s17], $0x500  }
0x21: {  	[sflag:s17] =	ssyncset.done $0x0  }
0x22: {  	[sflag:s17] =	ssyncadd.s32 $0xFFFFFB00  }
0x23: {  	[tilespmem:s31], [sflag:$0x4] =	stream.linear.gather [hbm4b:s5+s4], $0x500, $0x38;
	[tilespmem:$0x3840] =	vst v63  }
0x24: {  	_ =	swait.ge [sflag:s17], $0x500  }
0x25: {  	[sflag:s17] =	ssyncset.done $0x0  }
0x26: {  	[sflag:s17] =	ssyncadd.s32 $0xFFFFFB00  }
0x27: {  	[spmem:s6] =	stream.linear.scatter [tilespmem:s30], [sflag:$0x3], $0x500, $0x38;
	[tilespmem:$0x3840] =	vst v63  }
0x28: {  	_ = 	snop  }
0x29: {  	[spmem:s7] =	stream.linear.scatter [tilespmem:s31], [sflag:$0x3], $0x500, $0x38;
	[tilespmem:$0x3840] =	vst v63  }
0x2a: {  	_ = 	snop  }
0x2b: {  	[spmem:s8] =	stream.linear.scatter [tilespmem:s30], [sflag:$0x3], $0x500, $0x38;
	[tilespmem:$0x3840] =	vst v63  }
0x2c: {  	_ = 	snop  }
0x2d: {  	[spmem:s9] =	stream.linear.scatter [tilespmem:s31], [sflag:$0x3], $0x500, $0x38;
	[tilespmem:$0x3840] =	vst v63  }
0x2e: {  	_ = 	snop  }
0x2f: {  	[spmem:s10] =	stream.linear.scatter [tilespmem:s30], [sflag:$0x3], $0x500, $0x38;
	[tilespmem:$0x3840] =	vst v63  }
0x30: {  	_ = 	snop  }
0x31: {  	[spmem:s11] =	stream.linear.scatter [tilespmem:s31], [sflag:$0x3], $0x500, $0x38;
	[tilespmem:$0x3840] =	vst v63  }
0x32: {  	_ = 	snop  }
0x33: {  	[spmem:s12] =	stream.linear.scatter [tilespmem:s30], [sflag:$0x3], $0x500, $0x38;
	[tilespmem:$0x3840] =	vst v63  }
0x34: {  	_ = 	snop  }
0x35: {  	[spmem:s13] =	stream.linear.scatter [tilespmem:s31], [sflag:$0x3], $0x500, $0x38;
	[tilespmem:$0x3840] =	vst v63  }
0x36: {  	_ = 	snop  }
0x37: {  	[tilespmem:s4], [sflag:$0x1] =	stream.linear.gather [hbm4b:s14+s4], $0x50, $0x38;
	[tilespmem:$0x3840] =	vst v63  }
0x38: {  	s22 =	rddreg [dreg:$0x5]  }
0x39: {  	[tilespmem:s0], [sflag:$0x1] =	stream.linear.gather [hbm4b:s22+s4], $0x50, $0x38;
	[tilespmem:$0x3840] =	vst v63  }
0x3a: {  	_ =	swait.ge [sflag:s3], $0x500  }
0x3b: {  	[sflag:s3] =	ssyncset.done $0x0  }
0x3c: {  	[sflag:s3] =	ssyncadd.s32 $0xFFFFFB00  }
0x3d: {  	_ =	swait.ge [sflag:s3], $0x500  }
0x3e: {  	[sflag:s3] =	ssyncset.done $0x0  }
0x3f: {  	[sflag:s3] =	ssyncadd.s32 $0xFFFFFB00  }
0x40: {  	_ =	swait.ge [sflag:s3], $0x500  }
0x41: {  	[sflag:s3] =	ssyncset.done $0x0  }
0x42: {  	[sflag:s3] =	ssyncadd.s32 $0xFFFFFB00  }
0x43: {  	_ =	swait.ge [sflag:s3], $0x500  }
0x44: {  	[sflag:s3] =	ssyncset.done $0x0  }
0x45: {  	[sflag:s3] =	ssyncadd.s32 $0xFFFFFB00  }
0x46: {  	_ =	swait.ge [sflag:s3], $0x500  }
0x47: {  	[sflag:s3] =	ssyncset.done $0x0  }
0x48: {  	[sflag:s3] =	ssyncadd.s32 $0xFFFFFB00  }
0x49: {  	_ =	swait.ge [sflag:s3], $0x500  }
0x4a: {  	[sflag:s3] =	ssyncset.done $0x0  }
0x4b: {  	[sflag:s3] =	ssyncadd.s32 $0xFFFFFB00  }
0x4c: {  	_ =	swait.ge [sflag:s3], $0x500  }
0x4d: {  	[sflag:s3] =	ssyncset.done $0x0  }
0x4e: {  	[sflag:s3] =	ssyncadd.s32 $0xFFFFFB00  }
0x4f: {  	_ =	swait.ge [sflag:s3], $0x500  }
0x50: {  	[sflag:s3] =	ssyncset.done $0x0  }
0x51: {  	[sflag:s3] =	ssyncadd.s32 $0xFFFFFB00  }
0x52: {  	[bflag:$0x0] =	sbarrier.arrive $0xFFFF  }
0x53: {  	s20 =	simm.s32 $0xA0;
	s24 =	rddreg [dreg:$0xe]  }
0x54: {  	[tilespmem:s20], [sflag:$0x1] =	stream.linear.gather [hbm4b:s24+s4], $0x50, $0x38;
	[tilespmem:$0x3840] =	vst v63  }
0x55: {  	_ =	swait.ge [sflag:s1], $0x50  }
0x56: {  	[sflag:s1] =	ssyncset.done $0x0  }
0x57: {  	[sflag:s1] =	ssyncadd.s32 $0xFFFFFFB0  }
0x58: {  	[spmem:s2] =	stream.indirect.scatter.add.f32 [tilespmem:s29], [sflag:$0x2], $0x10, s4, s0, $0xb8;
	[tilespmem:$0x3840] =	vst v63  }
0x59: {  	s26 =	simm.s32 $0xF0;
	s25 =	rddreg [dreg:$0xf]  }
0x5a: {  	[tilespmem:s26], [sflag:$0x1] =	stream.linear.gather [hbm4b:s25+s4], $0x50, $0x38;
	[tilespmem:$0x3840] =	vst v63  }
0x5b: {  	p0 =	por $0x0, $0x0;
	_ =	swait.ge [sflag:s1], $0x50  }
0x5c: {  	s19 =	sand.u32 @!p0 $0x3, s17;
	[sflag:s1] =	ssyncset.done $0x0  }
0x5d: {  	s21 =	simm.s32 $0x5;
	s19 =	smul.u32 @!p0 $0x140, s19;
	[sflag:s1] =	ssyncadd.s32 $0xFFFFFFB0  }
0x5e: {  	[spmem:s2] =	stream.indirect.scatter.add.f32 [tilespmem:s29], [sflag:$0x2], $0x10, s0, s0, $0xb8;
	[tilespmem:$0x3840] =	vst v63  }
0x5f: {  	s28 =	simm.s32 $0x2;
	s19 =	sshrl.u32 @!p0 s19, $0x2;
	_ =	swait.ge [sflag:s15], $0x500  }
0x60: {  	s22 =	simm.s32 @!p0 $0x0;
	s24 =	sand.u32 $0x3, s28;
	[sflag:s15] =	ssyncset.done $0x0  }
0x61: {  	s20 =	simm.s32 $0x3;
	s24 =	smul.u32 $0x140, s24;
	[sflag:s15] =	ssyncadd.s32 $0xFFFFFB00  }
0x62: {  	[tilespmem:s19], [sflag:$0x1] =	stream.linear.gather @!p0 [hbm4b:s23+s22], $0x50, $0x38;
	[tilespmem:$0x3840] =	vst v63  }
0x63: {  	s22 =	simm.s32 $0x6;
	s19 =	sadd.s32 $0xA, s23;
	_ =	swait.ge [sflag:s1], $0x50  }
.LBB2_2:
0x64: {  	p0 =	sgt.u32 s20, $0x7A;
	[sflag:s1] =	ssyncset.done $0x0  }
0x65: {  	s25 =	smov.u32 s22;
	s22 =	sadd.s32 $0x1, s22;
	s26 =	smov.u32 s19  }
0x66: {  	s21 =	sand.u32 @!p0 $0x3, s21;
	s24 =	sshrl.u32 s24, $0x2;
	[sflag:s1] =	ssyncadd.s32 $0xFFFFFFB0  }
0x67: {  	p1 =	sne.s32 s22, $0x7F;
	s28 =	smul.u32 @!p0 $0x140, s21;
	s21 =	smov.u32 s25  }
0x68: {  	[spmem:s2] =	stream.indirect.scatter.add.f32 [tilespmem:s29], [sflag:$0x2], $0x10, s24, s0, $0xb8;
	[tilespmem:$0x3840] =	vst v63  }
.Ltmp0:
0x69: {  	_ =	swait.ge [sflag:s15], $0x500;
	s24 =	sshrl.u32 @!p0 s28, $0x2;
	(pc) =	sbr.rel @p1 .LBB2_2-.Ltmp0, $4  }
0x6a: {  	s19 =	sadd.s32 $0xA, s19;
	[sflag:s15] =	ssyncset.done $0x0  }
0x6b: {  	s25 =	simm.s32 @!p0 $0x0;
	s28 =	sand.u32 $0x3, s20;
	[sflag:s15] =	ssyncadd.s32 $0xFFFFFB00  }
0x6c: {  	[tilespmem:s24], [sflag:$0x1] =	stream.linear.gather @!p0 [hbm4b:s26+s25], $0x50, $0x38;
	[tilespmem:$0x3840] =	vst v63  }
0x6d: {  	s20 =	sadd.s32 $0xFFFFFFFE, s21;
	s24 =	smul.u32 $0x140, s28;
	_ =	swait.ge [sflag:s1], $0x50  }
0x6e: {  	p0 =	sgt.u32 s20, $0x7A;
	[sflag:s1] =	ssyncset.done $0x0  }
0x6f: {  	s21 =	sand.u32 @!p0 $0x3, s21;
	s22 =	sshrl.u32 s24, $0x2;
	[sflag:s1] =	ssyncadd.s32 $0xFFFFFFB0  }
0x70: {  	[spmem:s2] =	stream.indirect.scatter.add.f32 [tilespmem:s29], [sflag:$0x2], $0x10, s22, s0, $0xb8;
	[tilespmem:$0x3840] =	vst v63  }
0x71: {  	s21 =	smul.u32 @!p0 $0x140, s21;
	_ =	swait.ge [sflag:s15], $0x500  }
0x72: {  	s26 =	sand.u32 $0x3, s20;
	[sflag:s15] =	ssyncset.done $0x0  }
0x73: {  	s22 =	simm.s32 @!p0 $0x0;
	s21 =	sshrl.u32 @!p0 s21, $0x2;
	[sflag:s15] =	ssyncadd.s32 $0xFFFFFB00  }
0x74: {  	[tilespmem:s21], [sflag:$0x1] =	stream.linear.gather @!p0 [hbm4b:s19+s22], $0x50, $0x38;
	[tilespmem:$0x3840] =	vst v63  }
0x75: {  	s19 =	smul.u32 $0x140, s26;
	_ =	swait.ge [sflag:s1], $0x50  }
0x76: {  	[sflag:s1] =	ssyncset.done $0x0  }
0x77: {  	s19 =	sshrl.u32 s19, $0x2;
	[sflag:s1] =	ssyncadd.s32 $0xFFFFFFB0  }
0x78: {  	[spmem:s2] =	stream.indirect.scatter.add.f32 [tilespmem:s29], [sflag:$0x2], $0x10, s19, s0, $0xb8;
	[tilespmem:$0x3840] =	vst v63  }
0x79: {  	_ =	swait.ge [sflag:s15], $0x500  }
0x7a: {  	[sflag:s15] =	ssyncset.done $0x0  }
0x7b: {  	[sflag:s15] =	ssyncadd.s32 $0xFFFFFB00  }
0x7c: {  	_ =	swait.ge [sflag:s15], $0x500  }
0x7d: {  	[sflag:s15] =	ssyncset.done $0x0  }
0x7e: {  	[sflag:s15] =	ssyncadd.s32 $0xFFFFFB00  }
0x7f: {  	[bflag:$0x0] =	sbarrier.arrive $0xFFFF  }
0x80: {  	[tilespmem:s30], [sflag:$0x4] =	stream.linear.gather [spmem:s6], $0x500, $0x38;
	[tilespmem:$0x3840] =	vst v63  }
0x81: {  	_ =	swait.ge [sflag:s17], $0x500  }
0x82: {  	[sflag:s17] =	ssyncset.done $0x0  }
0x83: {  	[sflag:s17] =	ssyncadd.s32 $0xFFFFFB00  }
0x84: {  	[hbm4b:s16+s4] =	stream.linear.scatter [tilespmem:s30], [sflag:$0x3], $0x500, $0x38;
	[tilespmem:$0x3840] =	vst v63  }
0x85: {  	_ = 	snop  }
0x86: {  	[tilespmem:s31], [sflag:$0x4] =	stream.linear.gather [spmem:s7], $0x500, $0x38;
	[tilespmem:$0x3840] =	vst v63  }
0x87: {  	_ =	swait.ge [sflag:s17], $0x500  }
0x88: {  	[sflag:s17] =	ssyncset.done $0x0  }
0x89: {  	s28 =	rddreg [dreg:$0x6];
	[sflag:s17] =	ssyncadd.s32 $0xFFFFFB00  }
0x8a: {  	[hbm4b:s28+s4] =	stream.linear.scatter [tilespmem:s31], [sflag:$0x3], $0x500, $0x38;
	[tilespmem:$0x3840] =	vst v63  }
0x8b: {  	_ =	swait.ge [sflag:s3], $0x500  }
0x8c: {  	[sflag:s3] =	ssyncset.done $0x0  }
0x8d: {  	[sflag:s3] =	ssyncadd.s32 $0xFFFFFB00  }
0x8e: {  	[tilespmem:s30], [sflag:$0x4] =	stream.linear.gather [spmem:s8], $0x500, $0x38;
	[tilespmem:$0x3840] =	vst v63  }
0x8f: {  	_ =	swait.ge [sflag:s17], $0x500  }
0x90: {  	[sflag:s17] =	ssyncset.done $0x0  }
0x91: {  	s20 =	rddreg [dreg:$0x7];
	[sflag:s17] =	ssyncadd.s32 $0xFFFFFB00  }
0x92: {  	[hbm4b:s20+s4] =	stream.linear.scatter [tilespmem:s30], [sflag:$0x3], $0x500, $0x38;
	[tilespmem:$0x3840] =	vst v63  }
0x93: {  	_ =	swait.ge [sflag:s3], $0x500  }
0x94: {  	[sflag:s3] =	ssyncset.done $0x0  }
0x95: {  	[sflag:s3] =	ssyncadd.s32 $0xFFFFFB00  }
0x96: {  	[tilespmem:s31], [sflag:$0x4] =	stream.linear.gather [spmem:s9], $0x500, $0x38;
	[tilespmem:$0x3840] =	vst v63  }
0x97: {  	_ =	swait.ge [sflag:s17], $0x500  }
0x98: {  	[sflag:s17] =	ssyncset.done $0x0  }
0x99: {  	s21 =	rddreg [dreg:$0x8];
	[sflag:s17] =	ssyncadd.s32 $0xFFFFFB00  }
0x9a: {  	[hbm4b:s21+s4] =	stream.linear.scatter [tilespmem:s31], [sflag:$0x3], $0x500, $0x38;
	[tilespmem:$0x3840] =	vst v63  }
0x9b: {  	_ =	swait.ge [sflag:s3], $0x500  }
0x9c: {  	[sflag:s3] =	ssyncset.done $0x0  }
0x9d: {  	[sflag:s3] =	ssyncadd.s32 $0xFFFFFB00  }
0x9e: {  	[tilespmem:s30], [sflag:$0x4] =	stream.linear.gather [spmem:s10], $0x500, $0x38;
	[tilespmem:$0x3840] =	vst v63  }
0x9f: {  	_ =	swait.ge [sflag:s17], $0x500  }
0xa0: {  	[sflag:s17] =	ssyncset.done $0x0  }
0xa1: {  	s22 =	rddreg [dreg:$0x9];
	[sflag:s17] =	ssyncadd.s32 $0xFFFFFB00  }
0xa2: {  	[hbm4b:s22+s4] =	stream.linear.scatter [tilespmem:s30], [sflag:$0x3], $0x500, $0x38;
	[tilespmem:$0x3840] =	vst v63  }
0xa3: {  	_ =	swait.ge [sflag:s3], $0x500  }
0xa4: {  	[sflag:s3] =	ssyncset.done $0x0  }
0xa5: {  	[sflag:s3] =	ssyncadd.s32 $0xFFFFFB00  }
0xa6: {  	[tilespmem:s31], [sflag:$0x4] =	stream.linear.gather [spmem:s11], $0x500, $0x38;
	[tilespmem:$0x3840] =	vst v63  }
0xa7: {  	_ =	swait.ge [sflag:s17], $0x500  }
0xa8: {  	[sflag:s17] =	ssyncset.done $0x0  }
0xa9: {  	s24 =	rddreg [dreg:$0xa];
	[sflag:s17] =	ssyncadd.s32 $0xFFFFFB00  }
0xaa: {  	[hbm4b:s24+s4] =	stream.linear.scatter [tilespmem:s31], [sflag:$0x3], $0x500, $0x38;
	[tilespmem:$0x3840] =	vst v63  }
0xab: {  	_ =	swait.ge [sflag:s3], $0x500  }
0xac: {  	[sflag:s3] =	ssyncset.done $0x0  }
0xad: {  	[sflag:s3] =	ssyncadd.s32 $0xFFFFFB00  }
0xae: {  	[tilespmem:s30], [sflag:$0x4] =	stream.linear.gather [spmem:s12], $0x500, $0x38;
	[tilespmem:$0x3840] =	vst v63  }
0xaf: {  	_ =	swait.ge [sflag:s17], $0x500  }
0xb0: {  	[sflag:s17] =	ssyncset.done $0x0  }
0xb1: {  	s25 =	rddreg [dreg:$0xb];
	[sflag:s17] =	ssyncadd.s32 $0xFFFFFB00  }
0xb2: {  	[hbm4b:s25+s4] =	stream.linear.scatter [tilespmem:s30], [sflag:$0x3], $0x500, $0x38;
	[tilespmem:$0x3840] =	vst v63  }
0xb3: {  	_ =	swait.ge [sflag:s3], $0x500  }
0xb4: {  	[sflag:s3] =	ssyncset.done $0x0  }
0xb5: {  	[sflag:s3] =	ssyncadd.s32 $0xFFFFFB00  }
0xb6: {  	[tilespmem:s31], [sflag:$0x4] =	stream.linear.gather [spmem:s13], $0x500, $0x38;
	[tilespmem:$0x3840] =	vst v63  }
0xb7: {  	_ =	swait.ge [sflag:s17], $0x500  }
0xb8: {  	[sflag:s17] =	ssyncset.done $0x0  }
0xb9: {  	s26 =	rddreg [dreg:$0xc];
	[sflag:s17] =	ssyncadd.s32 $0xFFFFFB00  }
0xba: {  	[hbm4b:s26+s4] =	stream.linear.scatter [tilespmem:s31], [sflag:$0x3], $0x500, $0x38;
	[tilespmem:$0x3840] =	vst v63  }
0xbb: {  	_ =	swait.ge [sflag:s3], $0x500  }
0xbc: {  	[sflag:s3] =	ssyncset.done $0x0  }
0xbd: {  	[sflag:s3] =	ssyncadd.s32 $0xFFFFFB00  }
0xbe: {  	_ =	swait.ge [sflag:s3], $0x500  }
0xbf: {  	s18 =	sadd.s32 $0x1, s18;
	s28 =	rddreg [dreg:$0xd]  }
0xc0: {  	p0 =	sne.s32 s18, s28  }
.Ltmp1:
0xc1: {  	_ = 	snop;
	(pc) =	sbr.rel @p0 .LBB2_1-.Ltmp1, $3  }
0xc2: {  	_ =	sdelay $0x1  }
0xc3: {  	[sflag:s3] =	ssyncset.done $0x0  }
0xc4: {  	[sflag:s3] =	ssyncadd.s32 $0xFFFFFB00  }
0xc5: {  	_ =	sfence.sel $0x180000  }
0xc6: {  	[bflag:$0x0] =	sbarrier.arrive $0xFFFF  }
0xc7: {  	_ =	strace $0x90000047  }
0xc8: {  	s0 =	stileid.u32;
	[bflag:$0x2] =	sbarrier.arrive $0xFFFF  }
0xc9: {  	p0 =	sne.s32 s0, $0x0;
	s0 =	rddreg [dreg:$0x4]  }
0xca: {  	s0 =	sadd.s32 @!p0 $0x100000, s0  }
0xcb: {  	[sflag:s0] =	ssyncadd.tile.s32 @!p0 $0x1;
	_ =	shalt  }
.Lfunc_end2:
_tile_overlayer_lowered:
.L_overlay_start_2:
0xcc: {  	(tag) =	ssettag $0x2  }
0xcd: {  	s0 =	rddreg [dreg:$0x0];
	s2 =	stileid.u32  }
0xce: {  	s1 =	rddreg [dreg:$0x1];
	p0 =	sne.s32 s2, $0x0  }
0xcf: {  	s3 =	rddreg [dreg:$0x2];
	[bflag:$0x3] =	sbarrier.arrive $0xFFFF;
	s2 =	simm.s32 @!p0 $0x1C04  }
0xd0: {  	[timem:s3], [sflag:s2] =	dma.local @!p0 [hbm:s0], s1  }
0xd1: {  	s0 =	simm.s32 @!p0 $0x4  }
0xd2: {  	_ =	swait.ge @!p0 [sflag:s0], s1  }
0xd3: {  	s1 =	ssub.s32 @!p0 $0x0, s1;
	[sflag:s0] =	ssyncset.done @!p0 $0x0  }
0xd4: {  	[sflag:s0] =	ssyncadd.s32 @!p0 s1  }
0xd5: {  	[bflag:$0x3] =	sbarrier.arrive $0xFFFF  }
0xd6: {  	_ =	shalt  }

</sc_bundles>
